<compile_context>
chip_gen: v7x
topology: tpu7x:2x2x1
jax: 0.10.2.dev20260603
libtpu: 0.0.44.dev20260713+nightly
codegen_flags: <defaults>
</compile_context>

<pallas_src>
import functools

import jax
import jax.numpy as jnp
from jax import lax
from jax.experimental import pallas as pl
from jax.experimental.pallas import tpu as pltpu
from jax.experimental.pallas import tpu_sc as plsc

N = 10000
E = 160000
D = 256
H = 256
NC = 2
NS = 16
NPAD = 10240
STRIPE = NPAD // NS
CH = 125

_mesh = plsc.VectorSubcoreMesh(
    core_axis_name="c", subcore_axis_name="s", num_cores=NC, num_subcores=NS
)

def _deg_body(dst_hbm, ones_hbm, zeros_hbm, out_hbm, idx_v, ones_v, zer_v, acc_s):
    cid = lax.axis_index("c")
    sid = lax.axis_index("s")
    pltpu.sync_copy(dst_hbm.at[cid, sid], idx_v)
    pltpu.sync_copy(ones_hbm, ones_v)
    pltpu.sync_copy(zeros_hbm, zer_v)
    pltpu.sync_copy(zer_v, acc_s.at[pl.ds(sid * STRIPE, STRIPE)])
    plsc.subcore_barrier()

    def body(j, c):
        pltpu.sync_copy(ones_v, acc_s.at[idx_v.at[j]], add=True)
        return c

    lax.fori_loop(0, E // (NC * NS * CH), body, 0)
    plsc.subcore_barrier()
    pltpu.sync_copy(
        acc_s.at[pl.ds(sid * STRIPE, STRIPE)],
        out_hbm.at[cid, pl.ds(sid * STRIPE, STRIPE)],
    )


_deg = pl.kernel(
    _deg_body,
    out_type=jax.ShapeDtypeStruct((NC, NPAD), jnp.float32),
    mesh=_mesh,
    scratch_types=[
        pltpu.VMEM((E // (NC * NS * CH), CH), jnp.int32),
        pltpu.VMEM((CH,), jnp.float32),
        pltpu.VMEM((STRIPE,), jnp.float32),
        pltpu.VMEM_SHARED((NPAD,), jnp.float32),
    ],
)

FH = 128
NB = 4
NB1 = 5
CH1 = 40
G = 25


def _edge_ring_blk(hs_hbm, acc_s, src_hbm, dst_hbm, sid, srcv, dstv, rows,
                   sems, nch):
    gsems, ssems = sems[:NB1], sems[NB1:]

    ept = E // NS

    def blk(bi, c):
        base = sid * ept + bi * G * CH1
        pltpu.sync_copy(src_hbm.at[pl.ds(base, G * CH1)], srcv)
        pltpu.sync_copy(dst_hbm.at[pl.ds(base, G * CH1)], dstv)
        for b in range(NB1):
            pltpu.async_copy(hs_hbm.at[srcv.at[pl.ds(b * CH1, CH1)]], rows.at[b],
                             gsems[b])

        def group(g, c2):
            j0 = g * NB1
            for b in range(NB1):
                jj = j0 + b
                pltpu.make_async_copy(
                    hs_hbm.at[srcv.at[pl.ds(jj * CH1, CH1)]], rows.at[b],
                    gsems[b]).wait()
                pltpu.async_copy(rows.at[b],
                                 acc_s.at[dstv.at[pl.ds(jj * CH1, CH1)]],
                                 ssems[b], add=True)
            for b in range(NB1):
                jj = j0 + b
                pltpu.make_async_copy(
                    rows.at[b], acc_s.at[dstv.at[pl.ds(jj * CH1, CH1)]],
                    ssems[b]).wait()

                @pl.when(jj + NB1 < G)
                def _():
                    pltpu.async_copy(
                        hs_hbm.at[srcv.at[pl.ds((jj + NB1) * CH1, CH1)]],
                        rows.at[b], gsems[b])

            return c2

        lax.fori_loop(0, G // NB1, group, 0)
        return c

    lax.fori_loop(0, nch // G, blk, 0)


def _edge_ring(hs_hbm, acc_s, srcv, dstv, rows, sems, nch):
    gsems, ssems = sems[:NB], sems[NB:]
    for b in range(NB):
        pltpu.async_copy(hs_hbm.at[srcv.at[b]], rows.at[b], gsems[b])

    def group(g, c):
        j0 = g * NB
        for b in range(NB):
            jj = j0 + b
            pltpu.make_async_copy(hs_hbm.at[srcv.at[jj]], rows.at[b], gsems[b]).wait()
            pltpu.async_copy(rows.at[b], acc_s.at[dstv.at[jj]], ssems[b], add=True)
        for b in range(NB):
            jj = j0 + b
            pltpu.make_async_copy(rows.at[b], acc_s.at[dstv.at[jj]], ssems[b]).wait()

            @pl.when(jj + NB < nch)
            def _():
                pltpu.async_copy(hs_hbm.at[srcv.at[jj + NB]], rows.at[b], gsems[b])

        return c

    lax.fori_loop(0, nch // NB, group, 0)


def _agg1_body(hsA, hsB, src16, dst16, zeros_hbm, out_hbm,
               srcv, dstv, rows, zer, acc_s, *sems):
    cid = lax.axis_index("c")
    sid = lax.axis_index("s")
    nch = E // (NS * CH1)
    pltpu.sync_copy(zeros_hbm, zer)
    for kk in range(STRIPE // 8):
        pltpu.sync_copy(zer, acc_s.at[pl.ds(sid * STRIPE + kk * 8, 8)])
    plsc.subcore_barrier()

    @pl.when(cid == 0)
    def _():
        _edge_ring_blk(hsA, acc_s, src16, dst16, sid, srcv, dstv, rows, sems, nch)

    @pl.when(cid == 1)
    def _():
        _edge_ring_blk(hsB, acc_s, src16, dst16, sid, srcv, dstv, rows, sems, nch)

    plsc.subcore_barrier()
    pltpu.sync_copy(
        acc_s.at[pl.ds(sid * STRIPE, STRIPE)],
        out_hbm.at[cid, pl.ds(sid * STRIPE, STRIPE)],
    )


_agg1 = pl.kernel(
    _agg1_body,
    out_type=jax.ShapeDtypeStruct((NC, NPAD, FH), jnp.float32),
    mesh=_mesh,
    scratch_types=[
        pltpu.VMEM((G * CH1,), jnp.int32),
        pltpu.VMEM((G * CH1,), jnp.int32),
        pltpu.VMEM((NB1, CH1, FH), jnp.float32),
        pltpu.VMEM((8, FH), jnp.float32),
        pltpu.VMEM_SHARED((NPAD, FH), jnp.float32),
    ] + [pltpu.SemaphoreType.DMA] * (2 * NB1),
    compiler_params=pltpu.CompilerParams(use_tc_tiling_on_sc=False),
)

def _agg2_body(gs_hbm, src4, dst4, zeros_hbm, out_hbm, srcv, dstv, rows, zer,
               acc_s, *sems):
    cid = lax.axis_index("c")
    sid = lax.axis_index("s")
    nch = E // (NC * NS * CH)
    pltpu.sync_copy(src4.at[cid, sid], srcv)
    pltpu.sync_copy(dst4.at[cid, sid], dstv)
    pltpu.sync_copy(zeros_hbm, zer)
    pltpu.sync_copy(zer, acc_s.at[pl.ds(sid * STRIPE, STRIPE)])
    plsc.subcore_barrier()
    _edge_ring(gs_hbm, acc_s, srcv, dstv, rows, sems, nch)
    plsc.subcore_barrier()
    pltpu.sync_copy(
        acc_s.at[pl.ds(sid * STRIPE, STRIPE)],
        out_hbm.at[cid, pl.ds(sid * STRIPE, STRIPE)],
    )


_agg2 = pl.kernel(
    _agg2_body,
    out_type=jax.ShapeDtypeStruct((NC, NPAD, 16), jnp.float32),
    mesh=_mesh,
    scratch_types=[
        pltpu.VMEM((E // (NC * NS * CH), CH), jnp.int32),
        pltpu.VMEM((E // (NC * NS * CH), CH), jnp.int32),
        pltpu.VMEM((NB, CH, 16), jnp.float32),
        pltpu.VMEM((STRIPE, 16), jnp.float32),
        pltpu.VMEM_SHARED((NPAD, 16), jnp.float32),
    ] + [pltpu.SemaphoreType.DMA] * (2 * NB),
    compiler_params=pltpu.CompilerParams(use_tc_tiling_on_sc=False),
)

BM = 1024


def _k2_body(x_ref, w1_ref, degp_ref, hsl_ref, hsh_ref, dinv_ref):
    i = pl.program_id(0)
    deg = degp_ref[0, pl.ds(i * BM, BM)] + degp_ref[1, pl.ds(i * BM, BM)] + 1.0
    dinv = lax.rsqrt(deg)
    h = jnp.dot(x_ref[...], w1_ref[...], preferred_element_type=jnp.float32)
    hs = h * dinv[:, None]
    hsl_ref[...] = hs[:, :FH]
    hsh_ref[...] = hs[:, FH:]
    dinv_ref[pl.ds(i * BM, BM)] = dinv


def _k2(x, W1, degp):
    return pl.pallas_call(
        _k2_body,
        grid=(pl.cdiv(N, BM),),
        in_specs=[
            pl.BlockSpec((BM, D), lambda i: (i, 0)),
            pl.BlockSpec((D, H), lambda i: (0, 0)),
            pl.BlockSpec((NC, NPAD), lambda i: (0, 0)),
        ],
        out_specs=[
            pl.BlockSpec((BM, FH), lambda i: (i, 0)),
            pl.BlockSpec((BM, FH), lambda i: (i, 0)),
            pl.BlockSpec((NPAD,), lambda i: (0,)),
        ],
        out_shape=[
            jax.ShapeDtypeStruct((N, FH), jnp.float32),
            jax.ShapeDtypeStruct((N, FH), jnp.float32),
            jax.ShapeDtypeStruct((NPAD,), jnp.float32),
        ],
    )(x, W1, degp)


def _k4_body(t_ref, hsl_ref, hsh_ref, dinv_ref, b1_ref, w2_ref, gs_ref):
    i = pl.program_id(0)
    dinv = dinv_ref[pl.ds(i * BM, BM)]
    b1 = b1_ref[...]
    al = (t_ref[0] + hsl_ref[...]) * dinv[:, None] + b1[None, :FH]
    ah = (t_ref[1] + hsh_ref[...]) * dinv[:, None] + b1[None, FH:]
    g = (jnp.dot(jnp.maximum(al, 0.0), w2_ref[pl.ds(0, FH), :],
                 preferred_element_type=jnp.float32)
         + jnp.dot(jnp.maximum(ah, 0.0), w2_ref[pl.ds(FH, FH), :],
                   preferred_element_type=jnp.float32))
    gs_ref[...] = g * dinv[:, None]


def _k4(t, hsl, hsh, dinv, b1, W2p):
    return pl.pallas_call(
        _k4_body,
        grid=(pl.cdiv(N, BM),),
        in_specs=[
            pl.BlockSpec((NC, BM, FH), lambda i: (0, i, 0)),
            pl.BlockSpec((BM, FH), lambda i: (i, 0)),
            pl.BlockSpec((BM, FH), lambda i: (i, 0)),
            pl.BlockSpec((NPAD,), lambda i: (0,)),
            pl.BlockSpec((H,), lambda i: (0,)),
            pl.BlockSpec((H, 16), lambda i: (0, 0)),
        ],
        out_specs=pl.BlockSpec((BM, 16), lambda i: (i, 0)),
        out_shape=jax.ShapeDtypeStruct((N, 16), jnp.float32),
    )(t, hsl, hsh, dinv, b1, W2p)


def _k6_body(t2a_ref, t2b_ref, gs_ref, dinv_ref, b2_ref, out_ref):
    i = pl.program_id(0)
    dinv = dinv_ref[pl.ds(i * BM, BM)]
    z = (t2a_ref[...] + t2b_ref[...] + gs_ref[...]) * dinv[:, None]
    z2 = z[:, :2] + b2_ref[...][None, :]
    m = jnp.max(z2, axis=1, keepdims=True)
    lse = m + jnp.log(jnp.sum(jnp.exp(z2 - m), axis=1, keepdims=True))
    out_ref[...] = z2 - lse


def _k6(t2a, t2b, gs, dinv, b2):
    return pl.pallas_call(
        _k6_body,
        grid=(pl.cdiv(N, BM),),
        in_specs=[
            pl.BlockSpec((BM, 16), lambda i: (i, 0)),
            pl.BlockSpec((BM, 16), lambda i: (i, 0)),
            pl.BlockSpec((BM, 16), lambda i: (i, 0)),
            pl.BlockSpec((NPAD,), lambda i: (0,)),
            pl.BlockSpec((2,), lambda i: (0,)),
        ],
        out_specs=pl.BlockSpec((BM, 2), lambda i: (i, 0)),
        out_shape=jax.ShapeDtypeStruct((N, 2), jnp.float32),
    )(t2a, t2b, gs, dinv, b2)


def kernel(x, edge_index, W1, b1, W2, b2):
    src = edge_index[0]
    dst = edge_index[1]
    src4 = src.reshape(NC, NS, E // (NC * NS * CH), CH)
    dst4 = dst.reshape(NC, NS, E // (NC * NS * CH), CH)

    ones_ch = jnp.ones((CH,), jnp.float32)
    zer_stripe = jnp.zeros((STRIPE,), jnp.float32)
    zer_128 = jnp.zeros((8, FH), jnp.float32)
    zer_s16 = jnp.zeros((STRIPE, 16), jnp.float32)
    W2p = jnp.zeros((H, 16), jnp.float32).at[:, :2].set(W2)

    degp = _deg(dst4, ones_ch, zer_stripe)
    hsl, hsh, dinv = _k2(x, W1, degp)
    t = _agg1(hsl, hsh, src, dst, zer_128)
    gs = _k4(t, hsl, hsh, dinv, b1, W2p)
    t2 = _agg2(gs, src4, dst4, zer_s16)
    return _k6(t2[0], t2[1], gs, dinv, b2)

# --- scband reference (transcript-rebuilt; emitter-appended) ---
"""Pipeline reference for scband-gcnspam-detector-45844480917762 (READ-ONLY COPY).

The authoritative reference and input builder live on the scoring server;
editing this copy changes nothing except your own understanding.
"""

import jax, jax.numpy as jnp
import numpy as np

N_NODES = 10000
N_EDGES = 160000
D_FEAT = 256
HIDDEN = 256
N_CLASSES = 2


def setup_inputs(seed: int = 0) -> dict:
    key = jax.random.key(seed)
    ks = jax.random.split(key, 6)
    x = jax.random.normal(ks[0], (N_NODES, D_FEAT), dtype=jnp.float32)
    edge_index = jax.random.randint(ks[1], (2, N_EDGES), 0, N_NODES, dtype=jnp.int32)
    W1 = jax.random.normal(ks[2], (D_FEAT, HIDDEN), dtype=jnp.float32) * (1.0 / np.sqrt(D_FEAT))
    b1 = jnp.zeros((HIDDEN,), dtype=jnp.float32)
    W2 = jax.random.normal(ks[3], (HIDDEN, N_CLASSES), dtype=jnp.float32) * (1.0 / np.sqrt(HIDDEN))
    b2 = jnp.zeros((N_CLASSES,), dtype=jnp.float32)
    return {"x": x, "edge_index": edge_index, "W1": W1, "b1": b1, "W2": W2, "b2": b2}


def _gcn_conv(x, src, dst, norm, W, b, n_nodes):
    # GCNConv: D^{-1/2} (A + I) D^{-1/2} X W + b
    h = x @ W
    msg = h[src] * norm[:, None]
    out = jnp.zeros((n_nodes, W.shape[1]), dtype=x.dtype).at[dst].add(msg)
    return out + b


def reference(x, edge_index, W1, b1, W2, b2):
    n_nodes = x.shape[0]
    loop = jnp.arange(n_nodes, dtype=edge_index.dtype)
    src = jnp.concatenate([edge_index[0], loop])
    dst = jnp.concatenate([edge_index[1], loop])
    deg = jnp.zeros((n_nodes,), dtype=x.dtype).at[dst].add(1.0)
    dinv = jnp.where(deg > 0, jax.lax.rsqrt(deg), 0.0)
    norm = dinv[src] * dinv[dst]
    h = _gcn_conv(x, src, dst, norm, W1, b1, n_nodes)
    h = jax.nn.relu(h)
    # dropout is identity in eval mode (training=False)
    out = _gcn_conv(h, src, dst, norm, W2, b2, n_nodes)
    return jax.nn.log_softmax(out, axis=1)

if __name__ == "__main__":
    import jax
    _d = setup_inputs()
    print(jax.jit(kernel)(*tuple(_d.values())))

</pallas_src>

<mosaic_0001>
#map = affine_map<(d0, d1) -> (0, 0, 0, 0)>
#map1 = affine_map<(d0, d1) -> (0)>
#map2 = affine_map<(d0, d1) -> (0, 0)>
module attributes {stable_mosaic.version = 14 : i64} {
  func.func @_deg_body(%arg0: i32, %arg1: i32, %arg2: memref<2x16x40x125xi32, #tpu.memory_space<hbm>>, %arg3: memref<125xf32, #tpu.memory_space<hbm>>, %arg4: memref<640xf32, #tpu.memory_space<hbm>>, %arg5: memref<2x10240xf32, #tpu.memory_space<hbm>>, %arg6: memref<40x125xi32, #tpu.memory_space<vmem>>, %arg7: memref<125xf32, #tpu.memory_space<vmem>>, %arg8: memref<640xf32, #tpu.memory_space<vmem>>, %arg9: memref<10240xf32, #tpu.memory_space<vmem_shared>>) attributes {dimension_semantics = [#tpu.dimension_semantics<core_parallel>, #tpu.dimension_semantics<subcore_parallel>], iteration_bounds = array<i64: 2, 16>, scalar_prefetch = 0 : i64, scratch_operands = 4 : i64, tpu.core_type = #tpu.core_type<sc_vector_subcore>, window_params = [{transform_indices = #map}, {transform_indices = #map1}, {transform_indices = #map1}, {transform_indices = #map2}]} {
    "tpu.region"() ({
      %run_scoped3A = tpu.sem_alloc : memref<!tpu.dma_semaphore, #tpu.memory_space<semaphore_mem>>
      %dma_start3A = arith.constant 0 : i32
      %dma_start3A_11 = arith.constant 0 : i32
      %dma_start3A_12 = tpu.memref_slice %arg2[%arg0, %arg1, %dma_start3A, %dma_start3A_11] : memref<2x16x40x125xi32, #tpu.memory_space<hbm>> -> memref<1x1x40x125xi32, #tpu.memory_space<hbm>>
      %dma_start3A_13 = tpu.memref_squeeze %dma_start3A_12 : memref<1x1x40x125xi32, #tpu.memory_space<hbm>> -> memref<40x125xi32, #tpu.memory_space<hbm>>
      %dma_start3A_14 = arith.constant 0 : i32
      %dma_start3A_15 = arith.constant 0 : i32
      %dma_start3A_16 = tpu.memref_slice %arg2[%arg0, %arg1, %dma_start3A_14, %dma_start3A_15] : memref<2x16x40x125xi32, #tpu.memory_space<hbm>> -> memref<1x1x40x125xi32, #tpu.memory_space<hbm>>
      %dma_start3A_17 = tpu.memref_squeeze %dma_start3A_16 : memref<1x1x40x125xi32, #tpu.memory_space<hbm>> -> memref<40x125xi32, #tpu.memory_space<hbm>>
      tpu.enqueue_dma source(%dma_start3A_17 : memref<40x125xi32, #tpu.memory_space<hbm>>) target(%arg6 : memref<40x125xi32, #tpu.memory_space<vmem>>) target_semaphore(%run_scoped3A : memref<!tpu.dma_semaphore, #tpu.memory_space<semaphore_mem>>)
      %dma_wait3A = arith.constant 0 : i32
      %dma_wait3A_18 = arith.constant 0 : i32
      %dma_wait3A_19 = tpu.memref_slice %arg2[%arg0, %arg1, %dma_wait3A, %dma_wait3A_18] : memref<2x16x40x125xi32, #tpu.memory_space<hbm>> -> memref<1x1x40x125xi32, #tpu.memory_space<hbm>>
      %dma_wait3A_20 = tpu.memref_squeeze %dma_wait3A_19 : memref<1x1x40x125xi32, #tpu.memory_space<hbm>> -> memref<40x125xi32, #tpu.memory_space<hbm>>
      %dma_wait3A_21 = arith.constant 0 : i32
      %dma_wait3A_22 = arith.constant 0 : i32
      %dma_wait3A_23 = tpu.memref_slice %arg2[%arg0, %arg1, %dma_wait3A_21, %dma_wait3A_22] : memref<2x16x40x125xi32, #tpu.memory_space<hbm>> -> memref<1x1x40x125xi32, #tpu.memory_space<hbm>>
      %dma_wait3A_24 = tpu.memref_squeeze %dma_wait3A_23 : memref<1x1x40x125xi32, #tpu.memory_space<hbm>> -> memref<40x125xi32, #tpu.memory_space<hbm>>
      tpu.wait_dma2 semaphore(%run_scoped3A : memref<!tpu.dma_semaphore, #tpu.memory_space<semaphore_mem>>) src(%dma_wait3A_24 : memref<40x125xi32, #tpu.memory_space<hbm>>) dst(%arg6 : memref<40x125xi32, #tpu.memory_space<vmem>>)
      tpu.yield
    }) : () -> ()
    "tpu.region"() ({
      %run_scoped3A = tpu.sem_alloc : memref<!tpu.dma_semaphore, #tpu.memory_space<semaphore_mem>>
      tpu.enqueue_dma source(%arg3 : memref<125xf32, #tpu.memory_space<hbm>>) target(%arg7 : memref<125xf32, #tpu.memory_space<vmem>>) target_semaphore(%run_scoped3A : memref<!tpu.dma_semaphore, #tpu.memory_space<semaphore_mem>>)
      tpu.wait_dma2 semaphore(%run_scoped3A : memref<!tpu.dma_semaphore, #tpu.memory_space<semaphore_mem>>) src(%arg3 : memref<125xf32, #tpu.memory_space<hbm>>) dst(%arg7 : memref<125xf32, #tpu.memory_space<vmem>>)
      tpu.yield
    }) : () -> ()
    "tpu.region"() ({
      %run_scoped3A = tpu.sem_alloc : memref<!tpu.dma_semaphore, #tpu.memory_space<semaphore_mem>>
      tpu.enqueue_dma source(%arg4 : memref<640xf32, #tpu.memory_space<hbm>>) target(%arg8 : memref<640xf32, #tpu.memory_space<vmem>>) target_semaphore(%run_scoped3A : memref<!tpu.dma_semaphore, #tpu.memory_space<semaphore_mem>>)
      tpu.wait_dma2 semaphore(%run_scoped3A : memref<!tpu.dma_semaphore, #tpu.memory_space<semaphore_mem>>) src(%arg4 : memref<640xf32, #tpu.memory_space<hbm>>) dst(%arg8 : memref<640xf32, #tpu.memory_space<vmem>>)
      tpu.yield
    }) : () -> ()
    %mul3A = arith.constant 640 : i32
    %mul3A_0 = arith.muli %arg1, %mul3A : i32
    "tpu.region"() ({
      %run_scoped3A = tpu.sem_alloc : memref<!tpu.dma_semaphore, #tpu.memory_space<semaphore_mem>>
      %dma_start3A = tpu.memref_slice %arg9[%mul3A_0] : memref<10240xf32, #tpu.memory_space<vmem_shared>> -> memref<640xf32, #tpu.memory_space<vmem_shared>>
      %dma_start3A_11 = tpu.memref_slice %arg9[%mul3A_0] : memref<10240xf32, #tpu.memory_space<vmem_shared>> -> memref<640xf32, #tpu.memory_space<vmem_shared>>
      tpu.enqueue_dma source(%arg8 : memref<640xf32, #tpu.memory_space<vmem>>) target(%dma_start3A_11 : memref<640xf32, #tpu.memory_space<vmem_shared>>) target_semaphore(%run_scoped3A : memref<!tpu.dma_semaphore, #tpu.memory_space<semaphore_mem>>)
      %dma_wait3A = tpu.memref_slice %arg9[%mul3A_0] : memref<10240xf32, #tpu.memory_space<vmem_shared>> -> memref<640xf32, #tpu.memory_space<vmem_shared>>
      %dma_wait3A_12 = tpu.memref_slice %arg9[%mul3A_0] : memref<10240xf32, #tpu.memory_space<vmem_shared>> -> memref<640xf32, #tpu.memory_space<vmem_shared>>
      tpu.wait_dma2 semaphore(%run_scoped3A : memref<!tpu.dma_semaphore, #tpu.memory_space<semaphore_mem>>) src(%arg8 : memref<640xf32, #tpu.memory_space<vmem>>) dst(%dma_wait3A_12 : memref<640xf32, #tpu.memory_space<vmem_shared>>)
      tpu.yield
    }) : () -> ()
    %barrier3A = arith.constant 0 : index
    tpu.barrier barrier_id(%barrier3A)
    %scan3A = arith.constant 0 : i32
    %scan3A_1 = arith.constant 0 : i32
    %scan3A_2 = arith.constant 40 : i32
    %scan3A_3 = arith.addi %scan3A_1, %scan3A_2 : i32
    %scan3A_4 = arith.constant 1 : i32
    scf.for %scan3A_11 = %scan3A_1 to %scan3A_3 step %scan3A_4  : i32 {
      "tpu.region"() ({
        %run_scoped3A = tpu.sem_alloc : memref<!tpu.dma_semaphore, #tpu.memory_space<semaphore_mem>>
        %dma_start3A = arith.constant 0 : i32
        %dma_start3A_12 = tpu.memref_slice %arg6[%scan3A_11, %dma_start3A] : memref<40x125xi32, #tpu.memory_space<vmem>> -> memref<1x125xi32, #tpu.memory_space<vmem>>
        %dma_start3A_13 = tpu.memref_squeeze %dma_start3A_12 : memref<1x125xi32, #tpu.memory_space<vmem>> -> memref<125xi32, #tpu.memory_space<vmem>>
        %dma_start3A_14 = arith.constant 0 : i32
        %dma_start3A_15 = tpu.memref_slice %arg9[%dma_start3A_14] : memref<10240xf32, #tpu.memory_space<vmem_shared>> -> memref<10240xf32, #tpu.memory_space<vmem_shared>>
        tpu.enqueue_indirect_dma source(%arg7 : memref<125xf32, #tpu.memory_space<vmem>>) target(%dma_start3A_15 : memref<10240xf32, #tpu.memory_space<vmem_shared>>) offsets(%dma_start3A_13 : memref<125xi32, #tpu.memory_space<vmem>>) semaphore(%run_scoped3A : memref<!tpu.dma_semaphore, #tpu.memory_space<semaphore_mem>>) {add = true}
        %dma_wait3A = arith.constant 0 : i32
        %dma_wait3A_16 = tpu.memref_slice %arg6[%scan3A_11, %dma_wait3A] : memref<40x125xi32, #tpu.memory_space<vmem>> -> memref<1x125xi32, #tpu.memory_space<vmem>>
        %dma_wait3A_17 = tpu.memref_squeeze %dma_wait3A_16 : memref<1x125xi32, #tpu.memory_space<vmem>> -> memref<125xi32, #tpu.memory_space<vmem>>
        %dma_wait3A_18 = arith.constant 0 : i32
        %dma_wait3A_19 = tpu.memref_slice %arg9[%dma_wait3A_18] : memref<10240xf32, #tpu.memory_space<vmem_shared>> -> memref<10240xf32, #tpu.memory_space<vmem_shared>>
        tpu.wait_indirect_dma semaphore(%run_scoped3A : memref<!tpu.dma_semaphore, #tpu.memory_space<semaphore_mem>>) src(%arg7 : memref<125xf32, #tpu.memory_space<vmem>>) dst(%dma_wait3A_19 : memref<10240xf32, #tpu.memory_space<vmem_shared>>)
        tpu.yield
      }) : () -> ()
    }
    %scan3A_5 = arith.constant 40 : i32
    %barrier3A_6 = arith.constant 0 : index
    tpu.barrier barrier_id(%barrier3A_6)
    %mul3A_7 = arith.constant 640 : i32
    %mul3A_8 = arith.muli %arg1, %mul3A_7 : i32
    %mul3A_9 = arith.constant 640 : i32
    %mul3A_10 = arith.muli %arg1, %mul3A_9 : i32
    "tpu.region"() ({
      %run_scoped3A = tpu.sem_alloc : memref<!tpu.dma_semaphore, #tpu.memory_space<semaphore_mem>>
      %dma_start3A = tpu.memref_slice %arg5[%arg0, %mul3A_10] : memref<2x10240xf32, #tpu.memory_space<hbm>> -> memref<1x640xf32, #tpu.memory_space<hbm>>
      %dma_start3A_11 = tpu.memref_squeeze %dma_start3A : memref<1x640xf32, #tpu.memory_space<hbm>> -> memref<640xf32, #tpu.memory_space<hbm>>
      %dma_start3A_12 = tpu.memref_slice %arg9[%mul3A_8] : memref<10240xf32, #tpu.memory_space<vmem_shared>> -> memref<640xf32, #tpu.memory_space<vmem_shared>>
      tpu.enqueue_dma source(%dma_start3A_12 : memref<640xf32, #tpu.memory_space<vmem_shared>>) target(%dma_start3A_11 : memref<640xf32, #tpu.memory_space<hbm>>) target_semaphore(%run_scoped3A : memref<!tpu.dma_semaphore, #tpu.memory_space<semaphore_mem>>)
      %dma_wait3A = tpu.memref_slice %arg5[%arg0, %mul3A_10] : memref<2x10240xf32, #tpu.memory_space<hbm>> -> memref<1x640xf32, #tpu.memory_space<hbm>>
      %dma_wait3A_13 = tpu.memref_squeeze %dma_wait3A : memref<1x640xf32, #tpu.memory_space<hbm>> -> memref<640xf32, #tpu.memory_space<hbm>>
      %dma_wait3A_14 = tpu.memref_slice %arg9[%mul3A_8] : memref<10240xf32, #tpu.memory_space<vmem_shared>> -> memref<640xf32, #tpu.memory_space<vmem_shared>>
      tpu.wait_dma2 semaphore(%run_scoped3A : memref<!tpu.dma_semaphore, #tpu.memory_space<semaphore_mem>>) src(%dma_wait3A_14 : memref<640xf32, #tpu.memory_space<vmem_shared>>) dst(%dma_wait3A_13 : memref<640xf32, #tpu.memory_space<hbm>>)
      tpu.yield
    }) : () -> ()
    return
  }
}

#map = affine_map<(d0, d1) -> (0, 0)>
#map1 = affine_map<(d0, d1) -> (0)>
#map2 = affine_map<(d0, d1) -> (0, 0, 0)>
module attributes {stable_mosaic.version = 14 : i64} {
  func.func @_agg1_body(%arg0: i32, %arg1: i32, %arg2: memref<10000x128xf32, #tpu.memory_space<hbm>>, %arg3: memref<10000x128xf32, #tpu.memory_space<hbm>>, %arg4: memref<160000xi32, #tpu.memory_space<hbm>>, %arg5: memref<160000xi32, #tpu.memory_space<hbm>>, %arg6: memref<8x128xf32, #tpu.memory_space<hbm>>, %arg7: memref<2x10240x128xf32, #tpu.memory_space<hbm>>, %arg8: memref<1000xi32, #tpu.memory_space<vmem>>, %arg9: memref<1000xi32, #tpu.memory_space<vmem>>, %arg10: memref<5x40x128xf32, #tpu.memory_space<vmem>>, %arg11: memref<8x128xf32, #tpu.memory_space<vmem>>, %arg12: memref<10240x128xf32, #tpu.memory_space<vmem_shared>>, %arg13: memref<!tpu.dma_semaphore, #tpu.memory_space<semaphore_mem>>, %arg14: memref<!tpu.dma_semaphore, #tpu.memory_space<semaphore_mem>>, %arg15: memref<!tpu.dma_semaphore, #tpu.memory_space<semaphore_mem>>, %arg16: memref<!tpu.dma_semaphore, #tpu.memory_space<semaphore_mem>>, %arg17: memref<!tpu.dma_semaphore, #tpu.memory_space<semaphore_mem>>, %arg18: memref<!tpu.dma_semaphore, #tpu.memory_space<semaphore_mem>>, %arg19: memref<!tpu.dma_semaphore, #tpu.memory_space<semaphore_mem>>, %arg20: memref<!tpu.dma_semaphore, #tpu.memory_space<semaphore_mem>>, %arg21: memref<!tpu.dma_semaphore, #tpu.memory_space<semaphore_mem>>, %arg22: memref<!tpu.dma_semaphore, #tpu.memory_space<semaphore_mem>>) attributes {dimension_semantics = [#tpu.dimension_semantics<core_parallel>, #tpu.dimension_semantics<subcore_parallel>], iteration_bounds = array<i64: 2, 16>, scalar_prefetch = 0 : i64, scratch_operands = 15 : i64, tpu.core_type = #tpu.core_type<sc_vector_subcore>, window_params = [{transform_indices = #map}, {transform_indices = #map}, {transform_indices = #map1}, {transform_indices = #map1}, {transform_indices = #map}, {transform_indices = #map2}]} {
    "tpu.region"() ({
      %run_scoped3A = tpu.sem_alloc : memref<!tpu.dma_semaphore, #tpu.memory_space<semaphore_mem>>
      tpu.enqueue_dma source(%arg6 : memref<8x128xf32, #tpu.memory_space<hbm>>) target(%arg11 : memref<8x128xf32, #tpu.memory_space<vmem>>) target_semaphore(%run_scoped3A : memref<!tpu.dma_semaphore, #tpu.memory_space<semaphore_mem>>)
      tpu.wait_dma2 semaphore(%run_scoped3A : memref<!tpu.dma_semaphore, #tpu.memory_space<semaphore_mem>>) src(%arg6 : memref<8x128xf32, #tpu.memory_space<hbm>>) dst(%arg11 : memref<8x128xf32, #tpu.memory_space<vmem>>)
      tpu.yield
    }) : () -> ()
    %mul3A = arith.constant 640 : i32
    %mul3A_0 = arith.muli %arg1, %mul3A : i32
    %add3A = arith.constant 0 : i32
    %add3A_1 = arith.addi %mul3A_0, %add3A : i32
    "tpu.region"() ({
      %run_scoped3A = tpu.sem_alloc : memref<!tpu.dma_semaphore, #tpu.memory_space<semaphore_mem>>
      %dma_start3A = arith.constant 0 : i32
      %dma_start3A_330 = tpu.memref_slice %arg12[%add3A_1, %dma_start3A] : memref<10240x128xf32, #tpu.memory_space<vmem_shared>> -> memref<8x128xf32, #tpu.memory_space<vmem_shared>>
      %dma_start3A_331 = arith.constant 0 : i32
      %dma_start3A_332 = tpu.memref_slice %arg12[%add3A_1, %dma_start3A_331] : memref<10240x128xf32, #tpu.memory_space<vmem_shared>> -> memref<8x128xf32, #tpu.memory_space<vmem_shared>>
      tpu.enqueue_dma source(%arg11 : memref<8x128xf32, #tpu.memory_space<vmem>>) target(%dma_start3A_332 : memref<8x128xf32, #tpu.memory_space<vmem_shared>>) target_semaphore(%run_scoped3A : memref<!tpu.dma_semaphore, #tpu.memory_space<semaphore_mem>>)
      %dma_wait3A = arith.constant 0 : i32
      %dma_wait3A_333 = tpu.memref_slice %arg12[%add3A_1, %dma_wait3A] : memref<10240x128xf32, #tpu.memory_space<vmem_shared>> -> memref<8x128xf32, #tpu.memory_space<vmem_shared>>
      %dma_wait3A_334 = arith.constant 0 : i32
      %dma_wait3A_335 = tpu.memref_slice %arg12[%add3A_1, %dma_wait3A_334] : memref<10240x128xf32, #tpu.memory_space<vmem_shared>> -> memref<8x128xf32, #tpu.memory_space<vmem_shared>>
      tpu.wait_dma2 semaphore(%run_scoped3A : memref<!tpu.dma_semaphore, #tpu.memory_space<semaphore_mem>>) src(%arg11 : memref<8x128xf32, #tpu.memory_space<vmem>>) dst(%dma_wait3A_335 : memref<8x128xf32, #tpu.memory_space<vmem_shared>>)
      tpu.yield
    }) : () -> ()
    %mul3A_2 = arith.constant 640 : i32
    %mul3A_3 = arith.muli %arg1, %mul3A_2 : i32
    %add3A_4 = arith.constant 8 : i32
    %add3A_5 = arith.addi %mul3A_3, %add3A_4 : i32
    "tpu.region"() ({
      %run_scoped3A = tpu.sem_alloc : memref<!tpu.dma_semaphore, #tpu.memory_space<semaphore_mem>>
      %dma_start3A = arith.constant 0 : i32
      %dma_start3A_330 = tpu.memref_slice %arg12[%add3A_5, %dma_start3A] : memref<10240x128xf32, #tpu.memory_space<vmem_shared>> -> memref<8x128xf32, #tpu.memory_space<vmem_shared>>
      %dma_start3A_331 = arith.constant 0 : i32
      %dma_start3A_332 = tpu.memref_slice %arg12[%add3A_5, %dma_start3A_331] : memref<10240x128xf32, #tpu.memory_space<vmem_shared>> -> memref<8x128xf32, #tpu.memory_space<vmem_shared>>
      tpu.enqueue_dma source(%arg11 : memref<8x128xf32, #tpu.memory_space<vmem>>) target(%dma_start3A_332 : memref<8x128xf32, #tpu.memory_space<vmem_shared>>) target_semaphore(%run_scoped3A : memref<!tpu.dma_semaphore, #tpu.memory_space<semaphore_mem>>)
      %dma_wait3A = arith.constant 0 : i32
      %dma_wait3A_333 = tpu.memref_slice %arg12[%add3A_5, %dma_wait3A] : memref<10240x128xf32, #tpu.memory_space<vmem_shared>> -> memref<8x128xf32, #tpu.memory_space<vmem_shared>>
      %dma_wait3A_334 = arith.constant 0 : i32
      %dma_wait3A_335 = tpu.memref_slice %arg12[%add3A_5, %dma_wait3A_334] : memref<10240x128xf32, #tpu.memory_space<vmem_shared>> -> memref<8x128xf32, #tpu.memory_space<vmem_shared>>
      tpu.wait_dma2 semaphore(%run_scoped3A : memref<!tpu.dma_semaphore, #tpu.memory_space<semaphore_mem>>) src(%arg11 : memref<8x128xf32, #tpu.memory_space<vmem>>) dst(%dma_wait3A_335 : memref<8x128xf32, #tpu.memory_space<vmem_shared>>)
      tpu.yield
    }) : () -> ()
    %mul3A_6 = arith.constant 640 : i32
    %mul3A_7 = arith.muli %arg1, %mul3A_6 : i32
    %add3A_8 = arith.constant 16 : i32
    %add3A_9 = arith.addi %mul3A_7, %add3A_8 : i32
    "tpu.region"() ({
      %run_scoped3A = tpu.sem_alloc : memref<!tpu.dma_semaphore, #tpu.memory_space<semaphore_mem>>
      %dma_start3A = arith.constant 0 : i32
      %dma_start3A_330 = tpu.memref_slice %arg12[%add3A_9, %dma_start3A] : memref<10240x128xf32, #tpu.memory_space<vmem_shared>> -> memref<8x128xf32, #tpu.memory_space<vmem_shared>>
      %dma_start3A_331 = arith.constant 0 : i32
      %dma_start3A_332 = tpu.memref_slice %arg12[%add3A_9, %dma_start3A_331] : memref<10240x128xf32, #tpu.memory_space<vmem_shared>> -> memref<8x128xf32, #tpu.memory_space<vmem_shared>>
      tpu.enqueue_dma source(%arg11 : memref<8x128xf32, #tpu.memory_space<vmem>>) target(%dma_start3A_332 : memref<8x128xf32, #tpu.memory_space<vmem_shared>>) target_semaphore(%run_scoped3A : memref<!tpu.dma_semaphore, #tpu.memory_space<semaphore_mem>>)
      %dma_wait3A = arith.constant 0 : i32
      %dma_wait3A_333 = tpu.memref_slice %arg12[%add3A_9, %dma_wait3A] : memref<10240x128xf32, #tpu.memory_space<vmem_shared>> -> memref<8x128xf32, #tpu.memory_space<vmem_shared>>
      %dma_wait3A_334 = arith.constant 0 : i32
      %dma_wait3A_335 = tpu.memref_slice %arg12[%add3A_9, %dma_wait3A_334] : memref<10240x128xf32, #tpu.memory_space<vmem_shared>> -> memref<8x128xf32, #tpu.memory_space<vmem_shared>>
      tpu.wait_dma2 semaphore(%run_scoped3A : memref<!tpu.dma_semaphore, #tpu.memory_space<semaphore_mem>>) src(%arg11 : memref<8x128xf32, #tpu.memory_space<vmem>>) dst(%dma_wait3A_335 : memref<8x128xf32, #tpu.memory_space<vmem_shared>>)
      tpu.yield
    }) : () -> ()
    %mul3A_10 = arith.constant 640 : i32
    %mul3A_11 = arith.muli %arg1, %mul3A_10 : i32
    %add3A_12 = arith.constant 24 : i32
    %add3A_13 = arith.addi %mul3A_11, %add3A_12 : i32
    "tpu.region"() ({
      %run_scoped3A = tpu.sem_alloc : memref<!tpu.dma_semaphore, #tpu.memory_space<semaphore_mem>>
      %dma_start3A = arith.constant 0 : i32
      %dma_start3A_330 = tpu.memref_slice %arg12[%add3A_13, %dma_start3A] : memref<10240x128xf32, #tpu.memory_space<vmem_shared>> -> memref<8x128xf32, #tpu.memory_space<vmem_shared>>
      %dma_start3A_331 = arith.constant 0 : i32
      %dma_start3A_332 = tpu.memref_slice %arg12[%add3A_13, %dma_start3A_331] : memref<10240x128xf32, #tpu.memory_space<vmem_shared>> -> memref<8x128xf32, #tpu.memory_space<vmem_shared>>
      tpu.enqueue_dma source(%arg11 : memref<8x128xf32, #tpu.memory_space<vmem>>) target(%dma_start3A_332 : memref<8x128xf32, #tpu.memory_space<vmem_shared>>) target_semaphore(%run_scoped3A : memref<!tpu.dma_semaphore, #tpu.memory_space<semaphore_mem>>)
      %dma_wait3A = arith.constant 0 : i32
      %dma_wait3A_333 = tpu.memref_slice %arg12[%add3A_13, %dma_wait3A] : memref<10240x128xf32, #tpu.memory_space<vmem_shared>> -> memref<8x128xf32, #tpu.memory_space<vmem_shared>>
      %dma_wait3A_334 = arith.constant 0 : i32
      %dma_wait3A_335 = tpu.memref_slice %arg12[%add3A_13, %dma_wait3A_334] : memref<10240x128xf32, #tpu.memory_space<vmem_shared>> -> memref<8x128xf32, #tpu.memory_space<vmem_shared>>
      tpu.wait_dma2 semaphore(%run_scoped3A : memref<!tpu.dma_semaphore, #tpu.memory_space<semaphore_mem>>) src(%arg11 : memref<8x128xf32, #tpu.memory_space<vmem>>) dst(%dma_wait3A_335 : memref<8x128xf32, #tpu.memory_space<vmem_shared>>)
      tpu.yield
    }) : () -> ()
    %mul3A_14 = arith.constant 640 : i32
    %mul3A_15 = arith.muli %arg1, %mul3A_14 : i32
    %add3A_16 = arith.constant 32 : i32
    %add3A_17 = arith.addi %mul3A_15, %add3A_16 : i32
    "tpu.region"() ({
      %run_scoped3A = tpu.sem_alloc : memref<!tpu.dma_semaphore, #tpu.memory_space<semaphore_mem>>
      %dma_start3A = arith.constant 0 : i32
      %dma_start3A_330 = tpu.memref_slice %arg12[%add3A_17, %dma_start3A] : memref<10240x128xf32, #tpu.memory_space<vmem_shared>> -> memref<8x128xf32, #tpu.memory_space<vmem_shared>>
      %dma_start3A_331 = arith.constant 0 : i32
      %dma_start3A_332 = tpu.memref_slice %arg12[%add3A_17, %dma_start3A_331] : memref<10240x128xf32, #tpu.memory_space<vmem_shared>> -> memref<8x128xf32, #tpu.memory_space<vmem_shared>>
      tpu.enqueue_dma source(%arg11 : memref<8x128xf32, #tpu.memory_space<vmem>>) target(%dma_start3A_332 : memref<8x128xf32, #tpu.memory_space<vmem_shared>>) target_semaphore(%run_scoped3A : memref<!tpu.dma_semaphore, #tpu.memory_space<semaphore_mem>>)
      %dma_wait3A = arith.constant 0 : i32
      %dma_wait3A_333 = tpu.memref_slice %arg12[%add3A_17, %dma_wait3A] : memref<10240x128xf32, #tpu.memory_space<vmem_shared>> -> memref<8x128xf32, #tpu.memory_space<vmem_shared>>
      %dma_wait3A_334 = arith.constant 0 : i32
      %dma_wait3A_335 = tpu.memref_slice %arg12[%add3A_17, %dma_wait3A_334] : memref<10240x128xf32, #tpu.memory_space<vmem_shared>> -> memref<8x128xf32, #tpu.memory_space<vmem_shared>>
      tpu.wait_dma2 semaphore(%run_scoped3A : memref<!tpu.dma_semaphore, #tpu.memory_space<semaphore_mem>>) src(%arg11 : memref<8x128xf32, #tpu.memory_space<vmem>>) dst(%dma_wait3A_335 : memref<8x128xf32, #tpu.memory_space<vmem_shared>>)
      tpu.yield
    }) : () -> ()
    %mul3A_18 = arith.constant 640 : i32
    %mul3A_19 = arith.muli %arg1, %mul3A_18 : i32
    %add3A_20 = arith.constant 40 : i32
    %add3A_21 = arith.addi %mul3A_19, %add3A_20 : i32
    "tpu.region"() ({
      %run_scoped3A = tpu.sem_alloc : memref<!tpu.dma_semaphore, #tpu.memory_space<semaphore_mem>>
      %dma_start3A = arith.constant 0 : i32
      %dma_start3A_330 = tpu.memref_slice %arg12[%add3A_21, %dma_start3A] : memref<10240x128xf32, #tpu.memory_space<vmem_shared>> -> memref<8x128xf32, #tpu.memory_space<vmem_shared>>
      %dma_start3A_331 = arith.constant 0 : i32
      %dma_start3A_332 = tpu.memref_slice %arg12[%add3A_21, %dma_start3A_331] : memref<10240x128xf32, #tpu.memory_space<vmem_shared>> -> memref<8x128xf32, #tpu.memory_space<vmem_shared>>
      tpu.enqueue_dma source(%arg11 : memref<8x128xf32, #tpu.memory_space<vmem>>) target(%dma_start3A_332 : memref<8x128xf32, #tpu.memory_space<vmem_shared>>) target_semaphore(%run_scoped3A : memref<!tpu.dma_semaphore, #tpu.memory_space<semaphore_mem>>)
      %dma_wait3A = arith.constant 0 : i32
      %dma_wait3A_333 = tpu.memref_slice %arg12[%add3A_21, %dma_wait3A] : memref<10240x128xf32, #tpu.memory_space<vmem_shared>> -> memref<8x128xf32, #tpu.memory_space<vmem_shared>>
      %dma_wait3A_334 = arith.constant 0 : i32
      %dma_wait3A_335 = tpu.memref_slice %arg12[%add3A_21, %dma_wait3A_334] : memref<10240x128xf32, #tpu.memory_space<vmem_shared>> -> memref<8x128xf32, #tpu.memory_space<vmem_shared>>
      tpu.wait_dma2 semaphore(%run_scoped3A : memref<!tpu.dma_semaphore, #tpu.memory_space<semaphore_mem>>) src(%arg11 : memref<8x128xf32, #tpu.memory_space<vmem>>) dst(%dma_wait3A_335 : memref<8x128xf32, #tpu.memory_space<vmem_shared>>)
      tpu.yield
    }) : () -> ()
    %mul3A_22 = arith.constant 640 : i32
    %mul3A_23 = arith.muli %arg1, %mul3A_22 : i32
    %add3A_24 = arith.constant 48 : i32
    %add3A_25 = arith.addi %mul3A_23, %add3A_24 : i32
    "tpu.region"() ({
      %run_scoped3A = tpu.sem_alloc : memref<!tpu.dma_semaphore, #tpu.memory_space<semaphore_mem>>
      %dma_start3A = arith.constant 0 : i32
      %dma_start3A_330 = tpu.memref_slice %arg12[%add3A_25, %dma_start3A] : memref<10240x128xf32, #tpu.memory_space<vmem_shared>> -> memref<8x128xf32, #tpu.memory_space<vmem_shared>>
      %dma_start3A_331 = arith.constant 0 : i32
      %dma_start3A_332 = tpu.memref_slice %arg12[%add3A_25, %dma_start3A_331] : memref<10240x128xf32, #tpu.memory_space<vmem_shared>> -> memref<8x128xf32, #tpu.memory_space<vmem_shared>>
      tpu.enqueue_dma source(%arg11 : memref<8x128xf32, #tpu.memory_space<vmem>>) target(%dma_start3A_332 : memref<8x128xf32, #tpu.memory_space<vmem_shared>>) target_semaphore(%run_scoped3A : memref<!tpu.dma_semaphore, #tpu.memory_space<semaphore_mem>>)
      %dma_wait3A = arith.constant 0 : i32
      %dma_wait3A_333 = tpu.memref_slice %arg12[%add3A_25, %dma_wait3A] : memref<10240x128xf32, #tpu.memory_space<vmem_shared>> -> memref<8x128xf32, #tpu.memory_space<vmem_shared>>
      %dma_wait3A_334 = arith.constant 0 : i32
      %dma_wait3A_335 = tpu.memref_slice %arg12[%add3A_25, %dma_wait3A_334] : memref<10240x128xf32, #tpu.memory_space<vmem_shared>> -> memref<8x128xf32, #tpu.memory_space<vmem_shared>>
      tpu.wait_dma2 semaphore(%run_scoped3A : memref<!tpu.dma_semaphore, #tpu.memory_space<semaphore_mem>>) src(%arg11 : memref<8x128xf32, #tpu.memory_space<vmem>>) dst(%dma_wait3A_335 : memref<8x128xf32, #tpu.memory_space<vmem_shared>>)
      tpu.yield
    }) : () -> ()
    %mul3A_26 = arith.constant 640 : i32
    %mul3A_27 = arith.muli %arg1, %mul3A_26 : i32
    %add3A_28 = arith.constant 56 : i32
    %add3A_29 = arith.addi %mul3A_27, %add3A_28 : i32
    "tpu.region"() ({
      %run_scoped3A = tpu.sem_alloc : memref<!tpu.dma_semaphore, #tpu.memory_space<semaphore_mem>>
      %dma_start3A = arith.constant 0 : i32
      %dma_start3A_330 = tpu.memref_slice %arg12[%add3A_29, %dma_start3A] : memref<10240x128xf32, #tpu.memory_space<vmem_shared>> -> memref<8x128xf32, #tpu.memory_space<vmem_shared>>
      %dma_start3A_331 = arith.constant 0 : i32
      %dma_start3A_332 = tpu.memref_slice %arg12[%add3A_29, %dma_start3A_331] : memref<10240x128xf32, #tpu.memory_space<vmem_shared>> -> memref<8x128xf32, #tpu.memory_space<vmem_shared>>
      tpu.enqueue_dma source(%arg11 : memref<8x128xf32, #tpu.memory_space<vmem>>) target(%dma_start3A_332 : memref<8x128xf32, #tpu.memory_space<vmem_shared>>) target_semaphore(%run_scoped3A : memref<!tpu.dma_semaphore, #tpu.memory_space<semaphore_mem>>)
      %dma_wait3A = arith.constant 0 : i32
      %dma_wait3A_333 = tpu.memref_slice %arg12[%add3A_29, %dma_wait3A] : memref<10240x128xf32, #tpu.memory_space<vmem_shared>> -> memref<8x128xf32, #tpu.memory_space<vmem_shared>>
      %dma_wait3A_334 = arith.constant 0 : i32
      %dma_wait3A_335 = tpu.memref_slice %arg12[%add3A_29, %dma_wait3A_334] : memref<10240x128xf32, #tpu.memory_space<vmem_shared>> -> memref<8x128xf32, #tpu.memory_space<vmem_shared>>
      tpu.wait_dma2 semaphore(%run_scoped3A : memref<!tpu.dma_semaphore, #tpu.memory_space<semaphore_mem>>) src(%arg11 : memref<8x128xf32, #tpu.memory_space<vmem>>) dst(%dma_wait3A_335 : memref<8x128xf32, #tpu.memory_space<vmem_shared>>)
      tpu.yield
    }) : () -> ()
    %mul3A_30 = arith.constant 640 : i32
    %mul3A_31 = arith.muli %arg1, %mul3A_30 : i32
    %add3A_32 = arith.constant 64 : i32
    %add3A_33 = arith.addi %mul3A_31, %add3A_32 : i32
    "tpu.region"() ({
      %run_scoped3A = tpu.sem_alloc : memref<!tpu.dma_semaphore, #tpu.memory_space<semaphore_mem>>
      %dma_start3A = arith.constant 0 : i32
      %dma_start3A_330 = tpu.memref_slice %arg12[%add3A_33, %dma_start3A] : memref<10240x128xf32, #tpu.memory_space<vmem_shared>> -> memref<8x128xf32, #tpu.memory_space<vmem_shared>>
      %dma_start3A_331 = arith.constant 0 : i32
      %dma_start3A_332 = tpu.memref_slice %arg12[%add3A_33, %dma_start3A_331] : memref<10240x128xf32, #tpu.memory_space<vmem_shared>> -> memref<8x128xf32, #tpu.memory_space<vmem_shared>>
      tpu.enqueue_dma source(%arg11 : memref<8x128xf32, #tpu.memory_space<vmem>>) target(%dma_start3A_332 : memref<8x128xf32, #tpu.memory_space<vmem_shared>>) target_semaphore(%run_scoped3A : memref<!tpu.dma_semaphore, #tpu.memory_space<semaphore_mem>>)
      %dma_wait3A = arith.constant 0 : i32
      %dma_wait3A_333 = tpu.memref_slice %arg12[%add3A_33, %dma_wait3A] : memref<10240x128xf32, #tpu.memory_space<vmem_shared>> -> memref<8x128xf32, #tpu.memory_space<vmem_shared>>
      %dma_wait3A_334 = arith.constant 0 : i32
      %dma_wait3A_335 = tpu.memref_slice %arg12[%add3A_33, %dma_wait3A_334] : memref<10240x128xf32, #tpu.memory_space<vmem_shared>> -> memref<8x128xf32, #tpu.memory_space<vmem_shared>>
      tpu.wait_dma2 semaphore(%run_scoped3A : memref<!tpu.dma_semaphore, #tpu.memory_space<semaphore_mem>>) src(%arg11 : memref<8x128xf32, #tpu.memory_space<vmem>>) dst(%dma_wait3A_335 : memref<8x128xf32, #tpu.memory_space<vmem_shared>>)
      tpu.yield
    }) : () -> ()
    %mul3A_34 = arith.constant 640 : i32
    %mul3A_35 = arith.muli %arg1, %mul3A_34 : i32
    %add3A_36 = arith.constant 72 : i32
    %add3A_37 = arith.addi %mul3A_35, %add3A_36 : i32
    "tpu.region"() ({
      %run_scoped3A = tpu.sem_alloc : memref<!tpu.dma_semaphore, #tpu.memory_space<semaphore_mem>>
      %dma_start3A = arith.constant 0 : i32
      %dma_start3A_330 = tpu.memref_slice %arg12[%add3A_37, %dma_start3A] : memref<10240x128xf32, #tpu.memory_space<vmem_shared>> -> memref<8x128xf32, #tpu.memory_space<vmem_shared>>
      %dma_start3A_331 = arith.constant 0 : i32
      %dma_start3A_332 = tpu.memref_slice %arg12[%add3A_37, %dma_start3A_331] : memref<10240x128xf32, #tpu.memory_space<vmem_shared>> -> memref<8x128xf32, #tpu.memory_space<vmem_shared>>
      tpu.enqueue_dma source(%arg11 : memref<8x128xf32, #tpu.memory_space<vmem>>) target(%dma_start3A_332 : memref<8x128xf32, #tpu.memory_space<vmem_shared>>) target_semaphore(%run_scoped3A : memref<!tpu.dma_semaphore, #tpu.memory_space<semaphore_mem>>)
      %dma_wait3A = arith.constant 0 : i32
      %dma_wait3A_333 = tpu.memref_slice %arg12[%add3A_37, %dma_wait3A] : memref<10240x128xf32, #tpu.memory_space<vmem_shared>> -> memref<8x128xf32, #tpu.memory_space<vmem_shared>>
      %dma_wait3A_334 = arith.constant 0 : i32
      %dma_wait3A_335 = tpu.memref_slice %arg12[%add3A_37, %dma_wait3A_334] : memref<10240x128xf32, #tpu.memory_space<vmem_shared>> -> memref<8x128xf32, #tpu.memory_space<vmem_shared>>
      tpu.wait_dma2 semaphore(%run_scoped3A : memref<!tpu.dma_semaphore, #tpu.memory_space<semaphore_mem>>) src(%arg11 : memref<8x128xf32, #tpu.memory_space<vmem>>) dst(%dma_wait3A_335 : memref<8x128xf32, #tpu.memory_space<vmem_shared>>)
      tpu.yield
    }) : () -> ()
    %mul3A_38 = arith.constant 640 : i32
    %mul3A_39 = arith.muli %arg1, %mul3A_38 : i32
    %add3A_40 = arith.constant 80 : i32
    %add3A_41 = arith.addi %mul3A_39, %add3A_40 : i32
    "tpu.region"() ({
      %run_scoped3A = tpu.sem_alloc : memref<!tpu.dma_semaphore, #tpu.memory_space<semaphore_mem>>
      %dma_start3A = arith.constant 0 : i32
      %dma_start3A_330 = tpu.memref_slice %arg12[%add3A_41, %dma_start3A] : memref<10240x128xf32, #tpu.memory_space<vmem_shared>> -> memref<8x128xf32, #tpu.memory_space<vmem_shared>>
      %dma_start3A_331 = arith.constant 0 : i32
      %dma_start3A_332 = tpu.memref_slice %arg12[%add3A_41, %dma_start3A_331] : memref<10240x128xf32, #tpu.memory_space<vmem_shared>> -> memref<8x128xf32, #tpu.memory_space<vmem_shared>>
      tpu.enqueue_dma source(%arg11 : memref<8x128xf32, #tpu.memory_space<vmem>>) target(%dma_start3A_332 : memref<8x128xf32, #tpu.memory_space<vmem_shared>>) target_semaphore(%run_scoped3A : memref<!tpu.dma_semaphore, #tpu.memory_space<semaphore_mem>>)
      %dma_wait3A = arith.constant 0 : i32
      %dma_wait3A_333 = tpu.memref_slice %arg12[%add3A_41, %dma_wait3A] : memref<10240x128xf32, #tpu.memory_space<vmem_shared>> -> memref<8x128xf32, #tpu.memory_space<vmem_shared>>
      %dma_wait3A_334 = arith.constant 0 : i32
      %dma_wait3A_335 = tpu.memref_slice %arg12[%add3A_41, %dma_wait3A_334] : memref<10240x128xf32, #tpu.memory_space<vmem_shared>> -> memref<8x128xf32, #tpu.memory_space<vmem_shared>>
      tpu.wait_dma2 semaphore(%run_scoped3A : memref<!tpu.dma_semaphore, #tpu.memory_space<semaphore_mem>>) src(%arg11 : memref<8x128xf32, #tpu.memory_space<vmem>>) dst(%dma_wait3A_335 : memref<8x128xf32, #tpu.memory_space<vmem_shared>>)
      tpu.yield
    }) : () -> ()
    %mul3A_42 = arith.constant 640 : i32
    %mul3A_43 = arith.muli %arg1, %mul3A_42 : i32
    %add3A_44 = arith.constant 88 : i32
    %add3A_45 = arith.addi %mul3A_43, %add3A_44 : i32
    "tpu.region"() ({
      %run_scoped3A = tpu.sem_alloc : memref<!tpu.dma_semaphore, #tpu.memory_space<semaphore_mem>>
      %dma_start3A = arith.constant 0 : i32
      %dma_start3A_330 = tpu.memref_slice %arg12[%add3A_45, %dma_start3A] : memref<10240x128xf32, #tpu.memory_space<vmem_shared>> -> memref<8x128xf32, #tpu.memory_space<vmem_shared>>
      %dma_start3A_331 = arith.constant 0 : i32
      %dma_start3A_332 = tpu.memref_slice %arg12[%add3A_45, %dma_start3A_331] : memref<10240x128xf32, #tpu.memory_space<vmem_shared>> -> memref<8x128xf32, #tpu.memory_space<vmem_shared>>
      tpu.enqueue_dma source(%arg11 : memref<8x128xf32, #tpu.memory_space<vmem>>) target(%dma_start3A_332 : memref<8x128xf32, #tpu.memory_space<vmem_shared>>) target_semaphore(%run_scoped3A : memref<!tpu.dma_semaphore, #tpu.memory_space<semaphore_mem>>)
      %dma_wait3A = arith.constant 0 : i32
      %dma_wait3A_333 = tpu.memref_slice %arg12[%add3A_45, %dma_wait3A] : memref<10240x128xf32, #tpu.memory_space<vmem_shared>> -> memref<8x128xf32, #tpu.memory_space<vmem_shared>>
      %dma_wait3A_334 = arith.constant 0 : i32
      %dma_wait3A_335 = tpu.memref_slice %arg12[%add3A_45, %dma_wait3A_334] : memref<10240x128xf32, #tpu.memory_space<vmem_shared>> -> memref<8x128xf32, #tpu.memory_space<vmem_shared>>
      tpu.wait_dma2 semaphore(%run_scoped3A : memref<!tpu.dma_semaphore, #tpu.memory_space<semaphore_mem>>) src(%arg11 : memref<8x128xf32, #tpu.memory_space<vmem>>) dst(%dma_wait3A_335 : memref<8x128xf32, #tpu.memory_space<vmem_shared>>)
      tpu.yield
    }) : () -> ()
    %mul3A_46 = arith.constant 640 : i32
    %mul3A_47 = arith.muli %arg1, %mul3A_46 : i32
    %add3A_48 = arith.constant 96 : i32
    %add3A_49 = arith.addi %mul3A_47, %add3A_48 : i32
    "tpu.region"() ({
      %run_scoped3A = tpu.sem_alloc : memref<!tpu.dma_semaphore, #tpu.memory_space<semaphore_mem>>
      %dma_start3A = arith.constant 0 : i32
      %dma_start3A_330 = tpu.memref_slice %arg12[%add3A_49, %dma_start3A] : memref<10240x128xf32, #tpu.memory_space<vmem_shared>> -> memref<8x128xf32, #tpu.memory_space<vmem_shared>>
      %dma_start3A_331 = arith.constant 0 : i32
      %dma_start3A_332 = tpu.memref_slice %arg12[%add3A_49, %dma_start3A_331] : memref<10240x128xf32, #tpu.memory_space<vmem_shared>> -> memref<8x128xf32, #tpu.memory_space<vmem_shared>>
      tpu.enqueue_dma source(%arg11 : memref<8x128xf32, #tpu.memory_space<vmem>>) target(%dma_start3A_332 : memref<8x128xf32, #tpu.memory_space<vmem_shared>>) target_semaphore(%run_scoped3A : memref<!tpu.dma_semaphore, #tpu.memory_space<semaphore_mem>>)
      %dma_wait3A = arith.constant 0 : i32
      %dma_wait3A_333 = tpu.memref_slice %arg12[%add3A_49, %dma_wait3A] : memref<10240x128xf32, #tpu.memory_space<vmem_shared>> -> memref<8x128xf32, #tpu.memory_space<vmem_shared>>
      %dma_wait3A_334 = arith.constant 0 : i32
      %dma_wait3A_335 = tpu.memref_slice %arg12[%add3A_49, %dma_wait3A_334] : memref<10240x128xf32, #tpu.memory_space<vmem_shared>> -> memref<8x128xf32, #tpu.memory_space<vmem_shared>>
      tpu.wait_dma2 semaphore(%run_scoped3A : memref<!tpu.dma_semaphore, #tpu.memory_space<semaphore_mem>>) src(%arg11 : memref<8x128xf32, #tpu.memory_space<vmem>>) dst(%dma_wait3A_335 : memref<8x128xf32, #tpu.memory_space<vmem_shared>>)
      tpu.yield
    }) : () -> ()
    %mul3A_50 = arith.constant 640 : i32
    %mul3A_51 = arith.muli %arg1, %mul3A_50 : i32
    %add3A_52 = arith.constant 104 : i32
    %add3A_53 = arith.addi %mul3A_51, %add3A_52 : i32
    "tpu.region"() ({
      %run_scoped3A = tpu.sem_alloc : memref<!tpu.dma_semaphore, #tpu.memory_space<semaphore_mem>>
      %dma_start3A = arith.constant 0 : i32
      %dma_start3A_330 = tpu.memref_slice %arg12[%add3A_53, %dma_start3A] : memref<10240x128xf32, #tpu.memory_space<vmem_shared>> -> memref<8x128xf32, #tpu.memory_space<vmem_shared>>
      %dma_start3A_331 = arith.constant 0 : i32
      %dma_start3A_332 = tpu.memref_slice %arg12[%add3A_53, %dma_start3A_331] : memref<10240x128xf32, #tpu.memory_space<vmem_shared>> -> memref<8x128xf32, #tpu.memory_space<vmem_shared>>
      tpu.enqueue_dma source(%arg11 : memref<8x128xf32, #tpu.memory_space<vmem>>) target(%dma_start3A_332 : memref<8x128xf32, #tpu.memory_space<vmem_shared>>) target_semaphore(%run_scoped3A : memref<!tpu.dma_semaphore, #tpu.memory_space<semaphore_mem>>)
      %dma_wait3A = arith.constant 0 : i32
      %dma_wait3A_333 = tpu.memref_slice %arg12[%add3A_53, %dma_wait3A] : memref<10240x128xf32, #tpu.memory_space<vmem_shared>> -> memref<8x128xf32, #tpu.memory_space<vmem_shared>>
      %dma_wait3A_334 = arith.constant 0 : i32
      %dma_wait3A_335 = tpu.memref_slice %arg12[%add3A_53, %dma_wait3A_334] : memref<10240x128xf32, #tpu.memory_space<vmem_shared>> -> memref<8x128xf32, #tpu.memory_space<vmem_shared>>
      tpu.wait_dma2 semaphore(%run_scoped3A : memref<!tpu.dma_semaphore, #tpu.memory_space<semaphore_mem>>) src(%arg11 : memref<8x128xf32, #tpu.memory_space<vmem>>) dst(%dma_wait3A_335 : memref<8x128xf32, #tpu.memory_space<vmem_shared>>)
      tpu.yield
    }) : () -> ()
    %mul3A_54 = arith.constant 640 : i32
    %mul3A_55 = arith.muli %arg1, %mul3A_54 : i32
    %add3A_56 = arith.constant 112 : i32
    %add3A_57 = arith.addi %mul3A_55, %add3A_56 : i32
    "tpu.region"() ({
      %run_scoped3A = tpu.sem_alloc : memref<!tpu.dma_semaphore, #tpu.memory_space<semaphore_mem>>
      %dma_start3A = arith.constant 0 : i32
      %dma_start3A_330 = tpu.memref_slice %arg12[%add3A_57, %dma_start3A] : memref<10240x128xf32, #tpu.memory_space<vmem_shared>> -> memref<8x128xf32, #tpu.memory_space<vmem_shared>>
      %dma_start3A_331 = arith.constant 0 : i32
      %dma_start3A_332 = tpu.memref_slice %arg12[%add3A_57, %dma_start3A_331] : memref<10240x128xf32, #tpu.memory_space<vmem_shared>> -> memref<8x128xf32, #tpu.memory_space<vmem_shared>>
      tpu.enqueue_dma source(%arg11 : memref<8x128xf32, #tpu.memory_space<vmem>>) target(%dma_start3A_332 : memref<8x128xf32, #tpu.memory_space<vmem_shared>>) target_semaphore(%run_scoped3A : memref<!tpu.dma_semaphore, #tpu.memory_space<semaphore_mem>>)
      %dma_wait3A = arith.constant 0 : i32
      %dma_wait3A_333 = tpu.memref_slice %arg12[%add3A_57, %dma_wait3A] : memref<10240x128xf32, #tpu.memory_space<vmem_shared>> -> memref<8x128xf32, #tpu.memory_space<vmem_shared>>
      %dma_wait3A_334 = arith.constant 0 : i32
      %dma_wait3A_335 = tpu.memref_slice %arg12[%add3A_57, %dma_wait3A_334] : memref<10240x128xf32, #tpu.memory_space<vmem_shared>> -> memref<8x128xf32, #tpu.memory_space<vmem_shared>>
      tpu.wait_dma2 semaphore(%run_scoped3A : memref<!tpu.dma_semaphore, #tpu.memory_space<semaphore_mem>>) src(%arg11 : memref<8x128xf32, #tpu.memory_space<vmem>>) dst(%dma_wait3A_335 : memref<8x128xf32, #tpu.memory_space<vmem_shared>>)
      tpu.yield
    }) : () -> ()
    %mul3A_58 = arith.constant 640 : i32
    %mul3A_59 = arith.muli %arg1, %mul3A_58 : i32
    %add3A_60 = arith.constant 120 : i32
    %add3A_61 = arith.addi %mul3A_59, %add3A_60 : i32
    "tpu.region"() ({
      %run_scoped3A = tpu.sem_alloc : memref<!tpu.dma_semaphore, #tpu.memory_space<semaphore_mem>>
      %dma_start3A = arith.constant 0 : i32
      %dma_start3A_330 = tpu.memref_slice %arg12[%add3A_61, %dma_start3A] : memref<10240x128xf32, #tpu.memory_space<vmem_shared>> -> memref<8x128xf32, #tpu.memory_space<vmem_shared>>
      %dma_start3A_331 = arith.constant 0 : i32
      %dma_start3A_332 = tpu.memref_slice %arg12[%add3A_61, %dma_start3A_331] : memref<10240x128xf32, #tpu.memory_space<vmem_shared>> -> memref<8x128xf32, #tpu.memory_space<vmem_shared>>
      tpu.enqueue_dma source(%arg11 : memref<8x128xf32, #tpu.memory_space<vmem>>) target(%dma_start3A_332 : memref<8x128xf32, #tpu.memory_space<vmem_shared>>) target_semaphore(%run_scoped3A : memref<!tpu.dma_semaphore, #tpu.memory_space<semaphore_mem>>)
      %dma_wait3A = arith.constant 0 : i32
      %dma_wait3A_333 = tpu.memref_slice %arg12[%add3A_61, %dma_wait3A] : memref<10240x128xf32, #tpu.memory_space<vmem_shared>> -> memref<8x128xf32, #tpu.memory_space<vmem_shared>>
      %dma_wait3A_334 = arith.constant 0 : i32
      %dma_wait3A_335 = tpu.memref_slice %arg12[%add3A_61, %dma_wait3A_334] : memref<10240x128xf32, #tpu.memory_space<vmem_shared>> -> memref<8x128xf32, #tpu.memory_space<vmem_shared>>
      tpu.wait_dma2 semaphore(%run_scoped3A : memref<!tpu.dma_semaphore, #tpu.memory_space<semaphore_mem>>) src(%arg11 : memref<8x128xf32, #tpu.memory_space<vmem>>) dst(%dma_wait3A_335 : memref<8x128xf32, #tpu.memory_space<vmem_shared>>)
      tpu.yield
    }) : () -> ()
    %mul3A_62 = arith.constant 640 : i32
    %mul3A_63 = arith.muli %arg1, %mul3A_62 : i32
    %add3A_64 = arith.constant 128 : i32
    %add3A_65 = arith.addi %mul3A_63, %add3A_64 : i32
    "tpu.region"() ({
      %run_scoped3A = tpu.sem_alloc : memref<!tpu.dma_semaphore, #tpu.memory_space<semaphore_mem>>
      %dma_start3A = arith.constant 0 : i32
      %dma_start3A_330 = tpu.memref_slice %arg12[%add3A_65, %dma_start3A] : memref<10240x128xf32, #tpu.memory_space<vmem_shared>> -> memref<8x128xf32, #tpu.memory_space<vmem_shared>>
      %dma_start3A_331 = arith.constant 0 : i32
      %dma_start3A_332 = tpu.memref_slice %arg12[%add3A_65, %dma_start3A_331] : memref<10240x128xf32, #tpu.memory_space<vmem_shared>> -> memref<8x128xf32, #tpu.memory_space<vmem_shared>>
      tpu.enqueue_dma source(%arg11 : memref<8x128xf32, #tpu.memory_space<vmem>>) target(%dma_start3A_332 : memref<8x128xf32, #tpu.memory_space<vmem_shared>>) target_semaphore(%run_scoped3A : memref<!tpu.dma_semaphore, #tpu.memory_space<semaphore_mem>>)
      %dma_wait3A = arith.constant 0 : i32
      %dma_wait3A_333 = tpu.memref_slice %arg12[%add3A_65, %dma_wait3A] : memref<10240x128xf32, #tpu.memory_space<vmem_shared>> -> memref<8x128xf32, #tpu.memory_space<vmem_shared>>
      %dma_wait3A_334 = arith.constant 0 : i32
      %dma_wait3A_335 = tpu.memref_slice %arg12[%add3A_65, %dma_wait3A_334] : memref<10240x128xf32, #tpu.memory_space<vmem_shared>> -> memref<8x128xf32, #tpu.memory_space<vmem_shared>>
      tpu.wait_dma2 semaphore(%run_scoped3A : memref<!tpu.dma_semaphore, #tpu.memory_space<semaphore_mem>>) src(%arg11 : memref<8x128xf32, #tpu.memory_space<vmem>>) dst(%dma_wait3A_335 : memref<8x128xf32, #tpu.memory_space<vmem_shared>>)
      tpu.yield
    }) : () -> ()
    %mul3A_66 = arith.constant 640 : i32
    %mul3A_67 = arith.muli %arg1, %mul3A_66 : i32
    %add3A_68 = arith.constant 136 : i32
    %add3A_69 = arith.addi %mul3A_67, %add3A_68 : i32
    "tpu.region"() ({
      %run_scoped3A = tpu.sem_alloc : memref<!tpu.dma_semaphore, #tpu.memory_space<semaphore_mem>>
      %dma_start3A = arith.constant 0 : i32
      %dma_start3A_330 = tpu.memref_slice %arg12[%add3A_69, %dma_start3A] : memref<10240x128xf32, #tpu.memory_space<vmem_shared>> -> memref<8x128xf32, #tpu.memory_space<vmem_shared>>
      %dma_start3A_331 = arith.constant 0 : i32
      %dma_start3A_332 = tpu.memref_slice %arg12[%add3A_69, %dma_start3A_331] : memref<10240x128xf32, #tpu.memory_space<vmem_shared>> -> memref<8x128xf32, #tpu.memory_space<vmem_shared>>
      tpu.enqueue_dma source(%arg11 : memref<8x128xf32, #tpu.memory_space<vmem>>) target(%dma_start3A_332 : memref<8x128xf32, #tpu.memory_space<vmem_shared>>) target_semaphore(%run_scoped3A : memref<!tpu.dma_semaphore, #tpu.memory_space<semaphore_mem>>)
      %dma_wait3A = arith.constant 0 : i32
      %dma_wait3A_333 = tpu.memref_slice %arg12[%add3A_69, %dma_wait3A] : memref<10240x128xf32, #tpu.memory_space<vmem_shared>> -> memref<8x128xf32, #tpu.memory_space<vmem_shared>>
      %dma_wait3A_334 = arith.constant 0 : i32
      %dma_wait3A_335 = tpu.memref_slice %arg12[%add3A_69, %dma_wait3A_334] : memref<10240x128xf32, #tpu.memory_space<vmem_shared>> -> memref<8x128xf32, #tpu.memory_space<vmem_shared>>
      tpu.wait_dma2 semaphore(%run_scoped3A : memref<!tpu.dma_semaphore, #tpu.memory_space<semaphore_mem>>) src(%arg11 : memref<8x128xf32, #tpu.memory_space<vmem>>) dst(%dma_wait3A_335 : memref<8x128xf32, #tpu.memory_space<vmem_shared>>)
      tpu.yield
    }) : () -> ()
    %mul3A_70 = arith.constant 640 : i32
    %mul3A_71 = arith.muli %arg1, %mul3A_70 : i32
    %add3A_72 = arith.constant 144 : i32
    %add3A_73 = arith.addi %mul3A_71, %add3A_72 : i32
    "tpu.region"() ({
      %run_scoped3A = tpu.sem_alloc : memref<!tpu.dma_semaphore, #tpu.memory_space<semaphore_mem>>
      %dma_start3A = arith.constant 0 : i32
      %dma_start3A_330 = tpu.memref_slice %arg12[%add3A_73, %dma_start3A] : memref<10240x128xf32, #tpu.memory_space<vmem_shared>> -> memref<8x128xf32, #tpu.memory_space<vmem_shared>>
      %dma_start3A_331 = arith.constant 0 : i32
      %dma_start3A_332 = tpu.memref_slice %arg12[%add3A_73, %dma_start3A_331] : memref<10240x128xf32, #tpu.memory_space<vmem_shared>> -> memref<8x128xf32, #tpu.memory_space<vmem_shared>>
      tpu.enqueue_dma source(%arg11 : memref<8x128xf32, #tpu.memory_space<vmem>>) target(%dma_start3A_332 : memref<8x128xf32, #tpu.memory_space<vmem_shared>>) target_semaphore(%run_scoped3A : memref<!tpu.dma_semaphore, #tpu.memory_space<semaphore_mem>>)
      %dma_wait3A = arith.constant 0 : i32
      %dma_wait3A_333 = tpu.memref_slice %arg12[%add3A_73, %dma_wait3A] : memref<10240x128xf32, #tpu.memory_space<vmem_shared>> -> memref<8x128xf32, #tpu.memory_space<vmem_shared>>
      %dma_wait3A_334 = arith.constant 0 : i32
      %dma_wait3A_335 = tpu.memref_slice %arg12[%add3A_73, %dma_wait3A_334] : memref<10240x128xf32, #tpu.memory_space<vmem_shared>> -> memref<8x128xf32, #tpu.memory_space<vmem_shared>>
      tpu.wait_dma2 semaphore(%run_scoped3A : memref<!tpu.dma_semaphore, #tpu.memory_space<semaphore_mem>>) src(%arg11 : memref<8x128xf32, #tpu.memory_space<vmem>>) dst(%dma_wait3A_335 : memref<8x128xf32, #tpu.memory_space<vmem_shared>>)
      tpu.yield
    }) : () -> ()
    %mul3A_74 = arith.constant 640 : i32
    %mul3A_75 = arith.muli %arg1, %mul3A_74 : i32
    %add3A_76 = arith.constant 152 : i32
    %add3A_77 = arith.addi %mul3A_75, %add3A_76 : i32
    "tpu.region"() ({
      %run_scoped3A = tpu.sem_alloc : memref<!tpu.dma_semaphore, #tpu.memory_space<semaphore_mem>>
      %dma_start3A = arith.constant 0 : i32
      %dma_start3A_330 = tpu.memref_slice %arg12[%add3A_77, %dma_start3A] : memref<10240x128xf32, #tpu.memory_space<vmem_shared>> -> memref<8x128xf32, #tpu.memory_space<vmem_shared>>
      %dma_start3A_331 = arith.constant 0 : i32
      %dma_start3A_332 = tpu.memref_slice %arg12[%add3A_77, %dma_start3A_331] : memref<10240x128xf32, #tpu.memory_space<vmem_shared>> -> memref<8x128xf32, #tpu.memory_space<vmem_shared>>
      tpu.enqueue_dma source(%arg11 : memref<8x128xf32, #tpu.memory_space<vmem>>) target(%dma_start3A_332 : memref<8x128xf32, #tpu.memory_space<vmem_shared>>) target_semaphore(%run_scoped3A : memref<!tpu.dma_semaphore, #tpu.memory_space<semaphore_mem>>)
      %dma_wait3A = arith.constant 0 : i32
      %dma_wait3A_333 = tpu.memref_slice %arg12[%add3A_77, %dma_wait3A] : memref<10240x128xf32, #tpu.memory_space<vmem_shared>> -> memref<8x128xf32, #tpu.memory_space<vmem_shared>>
      %dma_wait3A_334 = arith.constant 0 : i32
      %dma_wait3A_335 = tpu.memref_slice %arg12[%add3A_77, %dma_wait3A_334] : memref<10240x128xf32, #tpu.memory_space<vmem_shared>> -> memref<8x128xf32, #tpu.memory_space<vmem_shared>>
      tpu.wait_dma2 semaphore(%run_scoped3A : memref<!tpu.dma_semaphore, #tpu.memory_space<semaphore_mem>>) src(%arg11 : memref<8x128xf32, #tpu.memory_space<vmem>>) dst(%dma_wait3A_335 : memref<8x128xf32, #tpu.memory_space<vmem_shared>>)
      tpu.yield
    }) : () -> ()
    %mul3A_78 = arith.constant 640 : i32
    %mul3A_79 = arith.muli %arg1, %mul3A_78 : i32
    %add3A_80 = arith.constant 160 : i32
    %add3A_81 = arith.addi %mul3A_79, %add3A_80 : i32
    "tpu.region"() ({
      %run_scoped3A = tpu.sem_alloc : memref<!tpu.dma_semaphore, #tpu.memory_space<semaphore_mem>>
      %dma_start3A = arith.constant 0 : i32
      %dma_start3A_330 = tpu.memref_slice %arg12[%add3A_81, %dma_start3A] : memref<10240x128xf32, #tpu.memory_space<vmem_shared>> -> memref<8x128xf32, #tpu.memory_space<vmem_shared>>
      %dma_start3A_331 = arith.constant 0 : i32
      %dma_start3A_332 = tpu.memref_slice %arg12[%add3A_81, %dma_start3A_331] : memref<10240x128xf32, #tpu.memory_space<vmem_shared>> -> memref<8x128xf32, #tpu.memory_space<vmem_shared>>
      tpu.enqueue_dma source(%arg11 : memref<8x128xf32, #tpu.memory_space<vmem>>) target(%dma_start3A_332 : memref<8x128xf32, #tpu.memory_space<vmem_shared>>) target_semaphore(%run_scoped3A : memref<!tpu.dma_semaphore, #tpu.memory_space<semaphore_mem>>)
      %dma_wait3A = arith.constant 0 : i32
      %dma_wait3A_333 = tpu.memref_slice %arg12[%add3A_81, %dma_wait3A] : memref<10240x128xf32, #tpu.memory_space<vmem_shared>> -> memref<8x128xf32, #tpu.memory_space<vmem_shared>>
      %dma_wait3A_334 = arith.constant 0 : i32
      %dma_wait3A_335 = tpu.memref_slice %arg12[%add3A_81, %dma_wait3A_334] : memref<10240x128xf32, #tpu.memory_space<vmem_shared>> -> memref<8x128xf32, #tpu.memory_space<vmem_shared>>
      tpu.wait_dma2 semaphore(%run_scoped3A : memref<!tpu.dma_semaphore, #tpu.memory_space<semaphore_mem>>) src(%arg11 : memref<8x128xf32, #tpu.memory_space<vmem>>) dst(%dma_wait3A_335 : memref<8x128xf32, #tpu.memory_space<vmem_shared>>)
      tpu.yield
    }) : () -> ()
    %mul3A_82 = arith.constant 640 : i32
    %mul3A_83 = arith.muli %arg1, %mul3A_82 : i32
    %add3A_84 = arith.constant 168 : i32
    %add3A_85 = arith.addi %mul3A_83, %add3A_84 : i32
    "tpu.region"() ({
      %run_scoped3A = tpu.sem_alloc : memref<!tpu.dma_semaphore, #tpu.memory_space<semaphore_mem>>
      %dma_start3A = arith.constant 0 : i32
      %dma_start3A_330 = tpu.memref_slice %arg12[%add3A_85, %dma_start3A] : memref<10240x128xf32, #tpu.memory_space<vmem_shared>> -> memref<8x128xf32, #tpu.memory_space<vmem_shared>>
      %dma_start3A_331 = arith.constant 0 : i32
      %dma_start3A_332 = tpu.memref_slice %arg12[%add3A_85, %dma_start3A_331] : memref<10240x128xf32, #tpu.memory_space<vmem_shared>> -> memref<8x128xf32, #tpu.memory_space<vmem_shared>>
      tpu.enqueue_dma source(%arg11 : memref<8x128xf32, #tpu.memory_space<vmem>>) target(%dma_start3A_332 : memref<8x128xf32, #tpu.memory_space<vmem_shared>>) target_semaphore(%run_scoped3A : memref<!tpu.dma_semaphore, #tpu.memory_space<semaphore_mem>>)
      %dma_wait3A = arith.constant 0 : i32
      %dma_wait3A_333 = tpu.memref_slice %arg12[%add3A_85, %dma_wait3A] : memref<10240x128xf32, #tpu.memory_space<vmem_shared>> -> memref<8x128xf32, #tpu.memory_space<vmem_shared>>
      %dma_wait3A_334 = arith.constant 0 : i32
      %dma_wait3A_335 = tpu.memref_slice %arg12[%add3A_85, %dma_wait3A_334] : memref<10240x128xf32, #tpu.memory_space<vmem_shared>> -> memref<8x128xf32, #tpu.memory_space<vmem_shared>>
      tpu.wait_dma2 semaphore(%run_scoped3A : memref<!tpu.dma_semaphore, #tpu.memory_space<semaphore_mem>>) src(%arg11 : memref<8x128xf32, #tpu.memory_space<vmem>>) dst(%dma_wait3A_335 : memref<8x128xf32, #tpu.memory_space<vmem_shared>>)
      tpu.yield
    }) : () -> ()
    %mul3A_86 = arith.constant 640 : i32
    %mul3A_87 = arith.muli %arg1, %mul3A_86 : i32
    %add3A_88 = arith.constant 176 : i32
    %add3A_89 = arith.addi %mul3A_87, %add3A_88 : i32
    "tpu.region"() ({
      %run_scoped3A = tpu.sem_alloc : memref<!tpu.dma_semaphore, #tpu.memory_space<semaphore_mem>>
      %dma_start3A = arith.constant 0 : i32
      %dma_start3A_330 = tpu.memref_slice %arg12[%add3A_89, %dma_start3A] : memref<10240x128xf32, #tpu.memory_space<vmem_shared>> -> memref<8x128xf32, #tpu.memory_space<vmem_shared>>
      %dma_start3A_331 = arith.constant 0 : i32
      %dma_start3A_332 = tpu.memref_slice %arg12[%add3A_89, %dma_start3A_331] : memref<10240x128xf32, #tpu.memory_space<vmem_shared>> -> memref<8x128xf32, #tpu.memory_space<vmem_shared>>
      tpu.enqueue_dma source(%arg11 : memref<8x128xf32, #tpu.memory_space<vmem>>) target(%dma_start3A_332 : memref<8x128xf32, #tpu.memory_space<vmem_shared>>) target_semaphore(%run_scoped3A : memref<!tpu.dma_semaphore, #tpu.memory_space<semaphore_mem>>)
      %dma_wait3A = arith.constant 0 : i32
      %dma_wait3A_333 = tpu.memref_slice %arg12[%add3A_89, %dma_wait3A] : memref<10240x128xf32, #tpu.memory_space<vmem_shared>> -> memref<8x128xf32, #tpu.memory_space<vmem_shared>>
      %dma_wait3A_334 = arith.constant 0 : i32
      %dma_wait3A_335 = tpu.memref_slice %arg12[%add3A_89, %dma_wait3A_334] : memref<10240x128xf32, #tpu.memory_space<vmem_shared>> -> memref<8x128xf32, #tpu.memory_space<vmem_shared>>
      tpu.wait_dma2 semaphore(%run_scoped3A : memref<!tpu.dma_semaphore, #tpu.memory_space<semaphore_mem>>) src(%arg11 : memref<8x128xf32, #tpu.memory_space<vmem>>) dst(%dma_wait3A_335 : memref<8x128xf32, #tpu.memory_space<vmem_shared>>)
      tpu.yield
    }) : () -> ()
    %mul3A_90 = arith.constant 640 : i32
    %mul3A_91 = arith.muli %arg1, %mul3A_90 : i32
    %add3A_92 = arith.constant 184 : i32
    %add3A_93 = arith.addi %mul3A_91, %add3A_92 : i32
    "tpu.region"() ({
      %run_scoped3A = tpu.sem_alloc : memref<!tpu.dma_semaphore, #tpu.memory_space<semaphore_mem>>
      %dma_start3A = arith.constant 0 : i32
      %dma_start3A_330 = tpu.memref_slice %arg12[%add3A_93, %dma_start3A] : memref<10240x128xf32, #tpu.memory_space<vmem_shared>> -> memref<8x128xf32, #tpu.memory_space<vmem_shared>>
      %dma_start3A_331 = arith.constant 0 : i32
      %dma_start3A_332 = tpu.memref_slice %arg12[%add3A_93, %dma_start3A_331] : memref<10240x128xf32, #tpu.memory_space<vmem_shared>> -> memref<8x128xf32, #tpu.memory_space<vmem_shared>>
      tpu.enqueue_dma source(%arg11 : memref<8x128xf32, #tpu.memory_space<vmem>>) target(%dma_start3A_332 : memref<8x128xf32, #tpu.memory_space<vmem_shared>>) target_semaphore(%run_scoped3A : memref<!tpu.dma_semaphore, #tpu.memory_space<semaphore_mem>>)
      %dma_wait3A = arith.constant 0 : i32
      %dma_wait3A_333 = tpu.memref_slice %arg12[%add3A_93, %dma_wait3A] : memref<10240x128xf32, #tpu.memory_space<vmem_shared>> -> memref<8x128xf32, #tpu.memory_space<vmem_shared>>
      %dma_wait3A_334 = arith.constant 0 : i32
      %dma_wait3A_335 = tpu.memref_slice %arg12[%add3A_93, %dma_wait3A_334] : memref<10240x128xf32, #tpu.memory_space<vmem_shared>> -> memref<8x128xf32, #tpu.memory_space<vmem_shared>>
      tpu.wait_dma2 semaphore(%run_scoped3A : memref<!tpu.dma_semaphore, #tpu.memory_space<semaphore_mem>>) src(%arg11 : memref<8x128xf32, #tpu.memory_space<vmem>>) dst(%dma_wait3A_335 : memref<8x128xf32, #tpu.memory_space<vmem_shared>>)
      tpu.yield
    }) : () -> ()
    %mul3A_94 = arith.constant 640 : i32
    %mul3A_95 = arith.muli %arg1, %mul3A_94 : i32
    %add3A_96 = arith.constant 192 : i32
    %add3A_97 = arith.addi %mul3A_95, %add3A_96 : i32
    "tpu.region"() ({
      %run_scoped3A = tpu.sem_alloc : memref<!tpu.dma_semaphore, #tpu.memory_space<semaphore_mem>>
      %dma_start3A = arith.constant 0 : i32
      %dma_start3A_330 = tpu.memref_slice %arg12[%add3A_97, %dma_start3A] : memref<10240x128xf32, #tpu.memory_space<vmem_shared>> -> memref<8x128xf32, #tpu.memory_space<vmem_shared>>
      %dma_start3A_331 = arith.constant 0 : i32
      %dma_start3A_332 = tpu.memref_slice %arg12[%add3A_97, %dma_start3A_331] : memref<10240x128xf32, #tpu.memory_space<vmem_shared>> -> memref<8x128xf32, #tpu.memory_space<vmem_shared>>
      tpu.enqueue_dma source(%arg11 : memref<8x128xf32, #tpu.memory_space<vmem>>) target(%dma_start3A_332 : memref<8x128xf32, #tpu.memory_space<vmem_shared>>) target_semaphore(%run_scoped3A : memref<!tpu.dma_semaphore, #tpu.memory_space<semaphore_mem>>)
      %dma_wait3A = arith.constant 0 : i32
      %dma_wait3A_333 = tpu.memref_slice %arg12[%add3A_97, %dma_wait3A] : memref<10240x128xf32, #tpu.memory_space<vmem_shared>> -> memref<8x128xf32, #tpu.memory_space<vmem_shared>>
      %dma_wait3A_334 = arith.constant 0 : i32
      %dma_wait3A_335 = tpu.memref_slice %arg12[%add3A_97, %dma_wait3A_334] : memref<10240x128xf32, #tpu.memory_space<vmem_shared>> -> memref<8x128xf32, #tpu.memory_space<vmem_shared>>
      tpu.wait_dma2 semaphore(%run_scoped3A : memref<!tpu.dma_semaphore, #tpu.memory_space<semaphore_mem>>) src(%arg11 : memref<8x128xf32, #tpu.memory_space<vmem>>) dst(%dma_wait3A_335 : memref<8x128xf32, #tpu.memory_space<vmem_shared>>)
      tpu.yield
    }) : () -> ()
    %mul3A_98 = arith.constant 640 : i32
    %mul3A_99 = arith.muli %arg1, %mul3A_98 : i32
    %add3A_100 = arith.constant 200 : i32
    %add3A_101 = arith.addi %mul3A_99, %add3A_100 : i32
    "tpu.region"() ({
      %run_scoped3A = tpu.sem_alloc : memref<!tpu.dma_semaphore, #tpu.memory_space<semaphore_mem>>
      %dma_start3A = arith.constant 0 : i32
      %dma_start3A_330 = tpu.memref_slice %arg12[%add3A_101, %dma_start3A] : memref<10240x128xf32, #tpu.memory_space<vmem_shared>> -> memref<8x128xf32, #tpu.memory_space<vmem_shared>>
      %dma_start3A_331 = arith.constant 0 : i32
      %dma_start3A_332 = tpu.memref_slice %arg12[%add3A_101, %dma_start3A_331] : memref<10240x128xf32, #tpu.memory_space<vmem_shared>> -> memref<8x128xf32, #tpu.memory_space<vmem_shared>>
      tpu.enqueue_dma source(%arg11 : memref<8x128xf32, #tpu.memory_space<vmem>>) target(%dma_start3A_332 : memref<8x128xf32, #tpu.memory_space<vmem_shared>>) target_semaphore(%run_scoped3A : memref<!tpu.dma_semaphore, #tpu.memory_space<semaphore_mem>>)
      %dma_wait3A = arith.constant 0 : i32
      %dma_wait3A_333 = tpu.memref_slice %arg12[%add3A_101, %dma_wait3A] : memref<10240x128xf32, #tpu.memory_space<vmem_shared>> -> memref<8x128xf32, #tpu.memory_space<vmem_shared>>
      %dma_wait3A_334 = arith.constant 0 : i32
      %dma_wait3A_335 = tpu.memref_slice %arg12[%add3A_101, %dma_wait3A_334] : memref<10240x128xf32, #tpu.memory_space<vmem_shared>> -> memref<8x128xf32, #tpu.memory_space<vmem_shared>>
      tpu.wait_dma2 semaphore(%run_scoped3A : memref<!tpu.dma_semaphore, #tpu.memory_space<semaphore_mem>>) src(%arg11 : memref<8x128xf32, #tpu.memory_space<vmem>>) dst(%dma_wait3A_335 : memref<8x128xf32, #tpu.memory_space<vmem_shared>>)
      tpu.yield
    }) : () -> ()
    %mul3A_102 = arith.constant 640 : i32
    %mul3A_103 = arith.muli %arg1, %mul3A_102 : i32
    %add3A_104 = arith.constant 208 : i32
    %add3A_105 = arith.addi %mul3A_103, %add3A_104 : i32
    "tpu.region"() ({
      %run_scoped3A = tpu.sem_alloc : memref<!tpu.dma_semaphore, #tpu.memory_space<semaphore_mem>>
      %dma_start3A = arith.constant 0 : i32
      %dma_start3A_330 = tpu.memref_slice %arg12[%add3A_105, %dma_start3A] : memref<10240x128xf32, #tpu.memory_space<vmem_shared>> -> memref<8x128xf32, #tpu.memory_space<vmem_shared>>
      %dma_start3A_331 = arith.constant 0 : i32
      %dma_start3A_332 = tpu.memref_slice %arg12[%add3A_105, %dma_start3A_331] : memref<10240x128xf32, #tpu.memory_space<vmem_shared>> -> memref<8x128xf32, #tpu.memory_space<vmem_shared>>
      tpu.enqueue_dma source(%arg11 : memref<8x128xf32, #tpu.memory_space<vmem>>) target(%dma_start3A_332 : memref<8x128xf32, #tpu.memory_space<vmem_shared>>) target_semaphore(%run_scoped3A : memref<!tpu.dma_semaphore, #tpu.memory_space<semaphore_mem>>)
      %dma_wait3A = arith.constant 0 : i32
      %dma_wait3A_333 = tpu.memref_slice %arg12[%add3A_105, %dma_wait3A] : memref<10240x128xf32, #tpu.memory_space<vmem_shared>> -> memref<8x128xf32, #tpu.memory_space<vmem_shared>>
      %dma_wait3A_334 = arith.constant 0 : i32
      %dma_wait3A_335 = tpu.memref_slice %arg12[%add3A_105, %dma_wait3A_334] : memref<10240x128xf32, #tpu.memory_space<vmem_shared>> -> memref<8x128xf32, #tpu.memory_space<vmem_shared>>
      tpu.wait_dma2 semaphore(%run_scoped3A : memref<!tpu.dma_semaphore, #tpu.memory_space<semaphore_mem>>) src(%arg11 : memref<8x128xf32, #tpu.memory_space<vmem>>) dst(%dma_wait3A_335 : memref<8x128xf32, #tpu.memory_space<vmem_shared>>)
      tpu.yield
    }) : () -> ()
    %mul3A_106 = arith.constant 640 : i32
    %mul3A_107 = arith.muli %arg1, %mul3A_106 : i32
    %add3A_108 = arith.constant 216 : i32
    %add3A_109 = arith.addi %mul3A_107, %add3A_108 : i32
    "tpu.region"() ({
      %run_scoped3A = tpu.sem_alloc : memref<!tpu.dma_semaphore, #tpu.memory_space<semaphore_mem>>
      %dma_start3A = arith.constant 0 : i32
      %dma_start3A_330 = tpu.memref_slice %arg12[%add3A_109, %dma_start3A] : memref<10240x128xf32, #tpu.memory_space<vmem_shared>> -> memref<8x128xf32, #tpu.memory_space<vmem_shared>>
      %dma_start3A_331 = arith.constant 0 : i32
      %dma_start3A_332 = tpu.memref_slice %arg12[%add3A_109, %dma_start3A_331] : memref<10240x128xf32, #tpu.memory_space<vmem_shared>> -> memref<8x128xf32, #tpu.memory_space<vmem_shared>>
      tpu.enqueue_dma source(%arg11 : memref<8x128xf32, #tpu.memory_space<vmem>>) target(%dma_start3A_332 : memref<8x128xf32, #tpu.memory_space<vmem_shared>>) target_semaphore(%run_scoped3A : memref<!tpu.dma_semaphore, #tpu.memory_space<semaphore_mem>>)
      %dma_wait3A = arith.constant 0 : i32
      %dma_wait3A_333 = tpu.memref_slice %arg12[%add3A_109, %dma_wait3A] : memref<10240x128xf32, #tpu.memory_space<vmem_shared>> -> memref<8x128xf32, #tpu.memory_space<vmem_shared>>
      %dma_wait3A_334 = arith.constant 0 : i32
      %dma_wait3A_335 = tpu.memref_slice %arg12[%add3A_109, %dma_wait3A_334] : memref<10240x128xf32, #tpu.memory_space<vmem_shared>> -> memref<8x128xf32, #tpu.memory_space<vmem_shared>>
      tpu.wait_dma2 semaphore(%run_scoped3A : memref<!tpu.dma_semaphore, #tpu.memory_space<semaphore_mem>>) src(%arg11 : memref<8x128xf32, #tpu.memory_space<vmem>>) dst(%dma_wait3A_335 : memref<8x128xf32, #tpu.memory_space<vmem_shared>>)
      tpu.yield
    }) : () -> ()
    %mul3A_110 = arith.constant 640 : i32
    %mul3A_111 = arith.muli %arg1, %mul3A_110 : i32
    %add3A_112 = arith.constant 224 : i32
    %add3A_113 = arith.addi %mul3A_111, %add3A_112 : i32
    "tpu.region"() ({
      %run_scoped3A = tpu.sem_alloc : memref<!tpu.dma_semaphore, #tpu.memory_space<semaphore_mem>>
      %dma_start3A = arith.constant 0 : i32
      %dma_start3A_330 = tpu.memref_slice %arg12[%add3A_113, %dma_start3A] : memref<10240x128xf32, #tpu.memory_space<vmem_shared>> -> memref<8x128xf32, #tpu.memory_space<vmem_shared>>
      %dma_start3A_331 = arith.constant 0 : i32
      %dma_start3A_332 = tpu.memref_slice %arg12[%add3A_113, %dma_start3A_331] : memref<10240x128xf32, #tpu.memory_space<vmem_shared>> -> memref<8x128xf32, #tpu.memory_space<vmem_shared>>
      tpu.enqueue_dma source(%arg11 : memref<8x128xf32, #tpu.memory_space<vmem>>) target(%dma_start3A_332 : memref<8x128xf32, #tpu.memory_space<vmem_shared>>) target_semaphore(%run_scoped3A : memref<!tpu.dma_semaphore, #tpu.memory_space<semaphore_mem>>)
      %dma_wait3A = arith.constant 0 : i32
      %dma_wait3A_333 = tpu.memref_slice %arg12[%add3A_113, %dma_wait3A] : memref<10240x128xf32, #tpu.memory_space<vmem_shared>> -> memref<8x128xf32, #tpu.memory_space<vmem_shared>>
      %dma_wait3A_334 = arith.constant 0 : i32
      %dma_wait3A_335 = tpu.memref_slice %arg12[%add3A_113, %dma_wait3A_334] : memref<10240x128xf32, #tpu.memory_space<vmem_shared>> -> memref<8x128xf32, #tpu.memory_space<vmem_shared>>
      tpu.wait_dma2 semaphore(%run_scoped3A : memref<!tpu.dma_semaphore, #tpu.memory_space<semaphore_mem>>) src(%arg11 : memref<8x128xf32, #tpu.memory_space<vmem>>) dst(%dma_wait3A_335 : memref<8x128xf32, #tpu.memory_space<vmem_shared>>)
      tpu.yield
    }) : () -> ()
    %mul3A_114 = arith.constant 640 : i32
    %mul3A_115 = arith.muli %arg1, %mul3A_114 : i32
    %add3A_116 = arith.constant 232 : i32
    %add3A_117 = arith.addi %mul3A_115, %add3A_116 : i32
    "tpu.region"() ({
      %run_scoped3A = tpu.sem_alloc : memref<!tpu.dma_semaphore, #tpu.memory_space<semaphore_mem>>
      %dma_start3A = arith.constant 0 : i32
      %dma_start3A_330 = tpu.memref_slice %arg12[%add3A_117, %dma_start3A] : memref<10240x128xf32, #tpu.memory_space<vmem_shared>> -> memref<8x128xf32, #tpu.memory_space<vmem_shared>>
      %dma_start3A_331 = arith.constant 0 : i32
      %dma_start3A_332 = tpu.memref_slice %arg12[%add3A_117, %dma_start3A_331] : memref<10240x128xf32, #tpu.memory_space<vmem_shared>> -> memref<8x128xf32, #tpu.memory_space<vmem_shared>>
      tpu.enqueue_dma source(%arg11 : memref<8x128xf32, #tpu.memory_space<vmem>>) target(%dma_start3A_332 : memref<8x128xf32, #tpu.memory_space<vmem_shared>>) target_semaphore(%run_scoped3A : memref<!tpu.dma_semaphore, #tpu.memory_space<semaphore_mem>>)
      %dma_wait3A = arith.constant 0 : i32
      %dma_wait3A_333 = tpu.memref_slice %arg12[%add3A_117, %dma_wait3A] : memref<10240x128xf32, #tpu.memory_space<vmem_shared>> -> memref<8x128xf32, #tpu.memory_space<vmem_shared>>
      %dma_wait3A_334 = arith.constant 0 : i32
      %dma_wait3A_335 = tpu.memref_slice %arg12[%add3A_117, %dma_wait3A_334] : memref<10240x128xf32, #tpu.memory_space<vmem_shared>> -> memref<8x128xf32, #tpu.memory_space<vmem_shared>>
      tpu.wait_dma2 semaphore(%run_scoped3A : memref<!tpu.dma_semaphore, #tpu.memory_space<semaphore_mem>>) src(%arg11 : memref<8x128xf32, #tpu.memory_space<vmem>>) dst(%dma_wait3A_335 : memref<8x128xf32, #tpu.memory_space<vmem_shared>>)
      tpu.yield
    }) : () -> ()
    %mul3A_118 = arith.constant 640 : i32
    %mul3A_119 = arith.muli %arg1, %mul3A_118 : i32
    %add3A_120 = arith.constant 240 : i32
    %add3A_121 = arith.addi %mul3A_119, %add3A_120 : i32
    "tpu.region"() ({
      %run_scoped3A = tpu.sem_alloc : memref<!tpu.dma_semaphore, #tpu.memory_space<semaphore_mem>>
      %dma_start3A = arith.constant 0 : i32
      %dma_start3A_330 = tpu.memref_slice %arg12[%add3A_121, %dma_start3A] : memref<10240x128xf32, #tpu.memory_space<vmem_shared>> -> memref<8x128xf32, #tpu.memory_space<vmem_shared>>
      %dma_start3A_331 = arith.constant 0 : i32
      %dma_start3A_332 = tpu.memref_slice %arg12[%add3A_121, %dma_start3A_331] : memref<10240x128xf32, #tpu.memory_space<vmem_shared>> -> memref<8x128xf32, #tpu.memory_space<vmem_shared>>
      tpu.enqueue_dma source(%arg11 : memref<8x128xf32, #tpu.memory_space<vmem>>) target(%dma_start3A_332 : memref<8x128xf32, #tpu.memory_space<vmem_shared>>) target_semaphore(%run_scoped3A : memref<!tpu.dma_semaphore, #tpu.memory_space<semaphore_mem>>)
      %dma_wait3A = arith.constant 0 : i32
      %dma_wait3A_333 = tpu.memref_slice %arg12[%add3A_121, %dma_wait3A] : memref<10240x128xf32, #tpu.memory_space<vmem_shared>> -> memref<8x128xf32, #tpu.memory_space<vmem_shared>>
      %dma_wait3A_334 = arith.constant 0 : i32
      %dma_wait3A_335 = tpu.memref_slice %arg12[%add3A_121, %dma_wait3A_334] : memref<10240x128xf32, #tpu.memory_space<vmem_shared>> -> memref<8x128xf32, #tpu.memory_space<vmem_shared>>
      tpu.wait_dma2 semaphore(%run_scoped3A : memref<!tpu.dma_semaphore, #tpu.memory_space<semaphore_mem>>) src(%arg11 : memref<8x128xf32, #tpu.memory_space<vmem>>) dst(%dma_wait3A_335 : memref<8x128xf32, #tpu.memory_space<vmem_shared>>)
      tpu.yield
    }) : () -> ()
    %mul3A_122 = arith.constant 640 : i32
    %mul3A_123 = arith.muli %arg1, %mul3A_122 : i32
    %add3A_124 = arith.constant 248 : i32
    %add3A_125 = arith.addi %mul3A_123, %add3A_124 : i32
    "tpu.region"() ({
      %run_scoped3A = tpu.sem_alloc : memref<!tpu.dma_semaphore, #tpu.memory_space<semaphore_mem>>
      %dma_start3A = arith.constant 0 : i32
      %dma_start3A_330 = tpu.memref_slice %arg12[%add3A_125, %dma_start3A] : memref<10240x128xf32, #tpu.memory_space<vmem_shared>> -> memref<8x128xf32, #tpu.memory_space<vmem_shared>>
      %dma_start3A_331 = arith.constant 0 : i32
      %dma_start3A_332 = tpu.memref_slice %arg12[%add3A_125, %dma_start3A_331] : memref<10240x128xf32, #tpu.memory_space<vmem_shared>> -> memref<8x128xf32, #tpu.memory_space<vmem_shared>>
      tpu.enqueue_dma source(%arg11 : memref<8x128xf32, #tpu.memory_space<vmem>>) target(%dma_start3A_332 : memref<8x128xf32, #tpu.memory_space<vmem_shared>>) target_semaphore(%run_scoped3A : memref<!tpu.dma_semaphore, #tpu.memory_space<semaphore_mem>>)
      %dma_wait3A = arith.constant 0 : i32
      %dma_wait3A_333 = tpu.memref_slice %arg12[%add3A_125, %dma_wait3A] : memref<10240x128xf32, #tpu.memory_space<vmem_shared>> -> memref<8x128xf32, #tpu.memory_space<vmem_shared>>
      %dma_wait3A_334 = arith.constant 0 : i32
      %dma_wait3A_335 = tpu.memref_slice %arg12[%add3A_125, %dma_wait3A_334] : memref<10240x128xf32, #tpu.memory_space<vmem_shared>> -> memref<8x128xf32, #tpu.memory_space<vmem_shared>>
      tpu.wait_dma2 semaphore(%run_scoped3A : memref<!tpu.dma_semaphore, #tpu.memory_space<semaphore_mem>>) src(%arg11 : memref<8x128xf32, #tpu.memory_space<vmem>>) dst(%dma_wait3A_335 : memref<8x128xf32, #tpu.memory_space<vmem_shared>>)
      tpu.yield
    }) : () -> ()
    %mul3A_126 = arith.constant 640 : i32
    %mul3A_127 = arith.muli %arg1, %mul3A_126 : i32
    %add3A_128 = arith.constant 256 : i32
    %add3A_129 = arith.addi %mul3A_127, %add3A_128 : i32
    "tpu.region"() ({
      %run_scoped3A = tpu.sem_alloc : memref<!tpu.dma_semaphore, #tpu.memory_space<semaphore_mem>>
      %dma_start3A = arith.constant 0 : i32
      %dma_start3A_330 = tpu.memref_slice %arg12[%add3A_129, %dma_start3A] : memref<10240x128xf32, #tpu.memory_space<vmem_shared>> -> memref<8x128xf32, #tpu.memory_space<vmem_shared>>
      %dma_start3A_331 = arith.constant 0 : i32
      %dma_start3A_332 = tpu.memref_slice %arg12[%add3A_129, %dma_start3A_331] : memref<10240x128xf32, #tpu.memory_space<vmem_shared>> -> memref<8x128xf32, #tpu.memory_space<vmem_shared>>
      tpu.enqueue_dma source(%arg11 : memref<8x128xf32, #tpu.memory_space<vmem>>) target(%dma_start3A_332 : memref<8x128xf32, #tpu.memory_space<vmem_shared>>) target_semaphore(%run_scoped3A : memref<!tpu.dma_semaphore, #tpu.memory_space<semaphore_mem>>)
      %dma_wait3A = arith.constant 0 : i32
      %dma_wait3A_333 = tpu.memref_slice %arg12[%add3A_129, %dma_wait3A] : memref<10240x128xf32, #tpu.memory_space<vmem_shared>> -> memref<8x128xf32, #tpu.memory_space<vmem_shared>>
      %dma_wait3A_334 = arith.constant 0 : i32
      %dma_wait3A_335 = tpu.memref_slice %arg12[%add3A_129, %dma_wait3A_334] : memref<10240x128xf32, #tpu.memory_space<vmem_shared>> -> memref<8x128xf32, #tpu.memory_space<vmem_shared>>
      tpu.wait_dma2 semaphore(%run_scoped3A : memref<!tpu.dma_semaphore, #tpu.memory_space<semaphore_mem>>) src(%arg11 : memref<8x128xf32, #tpu.memory_space<vmem>>) dst(%dma_wait3A_335 : memref<8x128xf32, #tpu.memory_space<vmem_shared>>)
      tpu.yield
    }) : () -> ()
    %mul3A_130 = arith.constant 640 : i32
    %mul3A_131 = arith.muli %arg1, %mul3A_130 : i32
    %add3A_132 = arith.constant 264 : i32
    %add3A_133 = arith.addi %mul3A_131, %add3A_132 : i32
    "tpu.region"() ({
      %run_scoped3A = tpu.sem_alloc : memref<!tpu.dma_semaphore, #tpu.memory_space<semaphore_mem>>
      %dma_start3A = arith.constant 0 : i32
      %dma_start3A_330 = tpu.memref_slice %arg12[%add3A_133, %dma_start3A] : memref<10240x128xf32, #tpu.memory_space<vmem_shared>> -> memref<8x128xf32, #tpu.memory_space<vmem_shared>>
      %dma_start3A_331 = arith.constant 0 : i32
      %dma_start3A_332 = tpu.memref_slice %arg12[%add3A_133, %dma_start3A_331] : memref<10240x128xf32, #tpu.memory_space<vmem_shared>> -> memref<8x128xf32, #tpu.memory_space<vmem_shared>>
      tpu.enqueue_dma source(%arg11 : memref<8x128xf32, #tpu.memory_space<vmem>>) target(%dma_start3A_332 : memref<8x128xf32, #tpu.memory_space<vmem_shared>>) target_semaphore(%run_scoped3A : memref<!tpu.dma_semaphore, #tpu.memory_space<semaphore_mem>>)
      %dma_wait3A = arith.constant 0 : i32
      %dma_wait3A_333 = tpu.memref_slice %arg12[%add3A_133, %dma_wait3A] : memref<10240x128xf32, #tpu.memory_space<vmem_shared>> -> memref<8x128xf32, #tpu.memory_space<vmem_shared>>
      %dma_wait3A_334 = arith.constant 0 : i32
      %dma_wait3A_335 = tpu.memref_slice %arg12[%add3A_133, %dma_wait3A_334] : memref<10240x128xf32, #tpu.memory_space<vmem_shared>> -> memref<8x128xf32, #tpu.memory_space<vmem_shared>>
      tpu.wait_dma2 semaphore(%run_scoped3A : memref<!tpu.dma_semaphore, #tpu.memory_space<semaphore_mem>>) src(%arg11 : memref<8x128xf32, #tpu.memory_space<vmem>>) dst(%dma_wait3A_335 : memref<8x128xf32, #tpu.memory_space<vmem_shared>>)
      tpu.yield
    }) : () -> ()
    %mul3A_134 = arith.constant 640 : i32
    %mul3A_135 = arith.muli %arg1, %mul3A_134 : i32
    %add3A_136 = arith.constant 272 : i32
    %add3A_137 = arith.addi %mul3A_135, %add3A_136 : i32
    "tpu.region"() ({
      %run_scoped3A = tpu.sem_alloc : memref<!tpu.dma_semaphore, #tpu.memory_space<semaphore_mem>>
      %dma_start3A = arith.constant 0 : i32
      %dma_start3A_330 = tpu.memref_slice %arg12[%add3A_137, %dma_start3A] : memref<10240x128xf32, #tpu.memory_space<vmem_shared>> -> memref<8x128xf32, #tpu.memory_space<vmem_shared>>
      %dma_start3A_331 = arith.constant 0 : i32
      %dma_start3A_332 = tpu.memref_slice %arg12[%add3A_137, %dma_start3A_331] : memref<10240x128xf32, #tpu.memory_space<vmem_shared>> -> memref<8x128xf32, #tpu.memory_space<vmem_shared>>
      tpu.enqueue_dma source(%arg11 : memref<8x128xf32, #tpu.memory_space<vmem>>) target(%dma_start3A_332 : memref<8x128xf32, #tpu.memory_space<vmem_shared>>) target_semaphore(%run_scoped3A : memref<!tpu.dma_semaphore, #tpu.memory_space<semaphore_mem>>)
      %dma_wait3A = arith.constant 0 : i32
      %dma_wait3A_333 = tpu.memref_slice %arg12[%add3A_137, %dma_wait3A] : memref<10240x128xf32, #tpu.memory_space<vmem_shared>> -> memref<8x128xf32, #tpu.memory_space<vmem_shared>>
      %dma_wait3A_334 = arith.constant 0 : i32
      %dma_wait3A_335 = tpu.memref_slice %arg12[%add3A_137, %dma_wait3A_334] : memref<10240x128xf32, #tpu.memory_space<vmem_shared>> -> memref<8x128xf32, #tpu.memory_space<vmem_shared>>
      tpu.wait_dma2 semaphore(%run_scoped3A : memref<!tpu.dma_semaphore, #tpu.memory_space<semaphore_mem>>) src(%arg11 : memref<8x128xf32, #tpu.memory_space<vmem>>) dst(%dma_wait3A_335 : memref<8x128xf32, #tpu.memory_space<vmem_shared>>)
      tpu.yield
    }) : () -> ()
    %mul3A_138 = arith.constant 640 : i32
    %mul3A_139 = arith.muli %arg1, %mul3A_138 : i32
    %add3A_140 = arith.constant 280 : i32
    %add3A_141 = arith.addi %mul3A_139, %add3A_140 : i32
    "tpu.region"() ({
      %run_scoped3A = tpu.sem_alloc : memref<!tpu.dma_semaphore, #tpu.memory_space<semaphore_mem>>
      %dma_start3A = arith.constant 0 : i32
      %dma_start3A_330 = tpu.memref_slice %arg12[%add3A_141, %dma_start3A] : memref<10240x128xf32, #tpu.memory_space<vmem_shared>> -> memref<8x128xf32, #tpu.memory_space<vmem_shared>>
      %dma_start3A_331 = arith.constant 0 : i32
      %dma_start3A_332 = tpu.memref_slice %arg12[%add3A_141, %dma_start3A_331] : memref<10240x128xf32, #tpu.memory_space<vmem_shared>> -> memref<8x128xf32, #tpu.memory_space<vmem_shared>>
      tpu.enqueue_dma source(%arg11 : memref<8x128xf32, #tpu.memory_space<vmem>>) target(%dma_start3A_332 : memref<8x128xf32, #tpu.memory_space<vmem_shared>>) target_semaphore(%run_scoped3A : memref<!tpu.dma_semaphore, #tpu.memory_space<semaphore_mem>>)
      %dma_wait3A = arith.constant 0 : i32
      %dma_wait3A_333 = tpu.memref_slice %arg12[%add3A_141, %dma_wait3A] : memref<10240x128xf32, #tpu.memory_space<vmem_shared>> -> memref<8x128xf32, #tpu.memory_space<vmem_shared>>
      %dma_wait3A_334 = arith.constant 0 : i32
      %dma_wait3A_335 = tpu.memref_slice %arg12[%add3A_141, %dma_wait3A_334] : memref<10240x128xf32, #tpu.memory_space<vmem_shared>> -> memref<8x128xf32, #tpu.memory_space<vmem_shared>>
      tpu.wait_dma2 semaphore(%run_scoped3A : memref<!tpu.dma_semaphore, #tpu.memory_space<semaphore_mem>>) src(%arg11 : memref<8x128xf32, #tpu.memory_space<vmem>>) dst(%dma_wait3A_335 : memref<8x128xf32, #tpu.memory_space<vmem_shared>>)
      tpu.yield
    }) : () -> ()
    %mul3A_142 = arith.constant 640 : i32
    %mul3A_143 = arith.muli %arg1, %mul3A_142 : i32
    %add3A_144 = arith.constant 288 : i32
    %add3A_145 = arith.addi %mul3A_143, %add3A_144 : i32
    "tpu.region"() ({
      %run_scoped3A = tpu.sem_alloc : memref<!tpu.dma_semaphore, #tpu.memory_space<semaphore_mem>>
      %dma_start3A = arith.constant 0 : i32
      %dma_start3A_330 = tpu.memref_slice %arg12[%add3A_145, %dma_start3A] : memref<10240x128xf32, #tpu.memory_space<vmem_shared>> -> memref<8x128xf32, #tpu.memory_space<vmem_shared>>
      %dma_start3A_331 = arith.constant 0 : i32
      %dma_start3A_332 = tpu.memref_slice %arg12[%add3A_145, %dma_start3A_331] : memref<10240x128xf32, #tpu.memory_space<vmem_shared>> -> memref<8x128xf32, #tpu.memory_space<vmem_shared>>
      tpu.enqueue_dma source(%arg11 : memref<8x128xf32, #tpu.memory_space<vmem>>) target(%dma_start3A_332 : memref<8x128xf32, #tpu.memory_space<vmem_shared>>) target_semaphore(%run_scoped3A : memref<!tpu.dma_semaphore, #tpu.memory_space<semaphore_mem>>)
      %dma_wait3A = arith.constant 0 : i32
      %dma_wait3A_333 = tpu.memref_slice %arg12[%add3A_145, %dma_wait3A] : memref<10240x128xf32, #tpu.memory_space<vmem_shared>> -> memref<8x128xf32, #tpu.memory_space<vmem_shared>>
      %dma_wait3A_334 = arith.constant 0 : i32
      %dma_wait3A_335 = tpu.memref_slice %arg12[%add3A_145, %dma_wait3A_334] : memref<10240x128xf32, #tpu.memory_space<vmem_shared>> -> memref<8x128xf32, #tpu.memory_space<vmem_shared>>
      tpu.wait_dma2 semaphore(%run_scoped3A : memref<!tpu.dma_semaphore, #tpu.memory_space<semaphore_mem>>) src(%arg11 : memref<8x128xf32, #tpu.memory_space<vmem>>) dst(%dma_wait3A_335 : memref<8x128xf32, #tpu.memory_space<vmem_shared>>)
      tpu.yield
    }) : () -> ()
    %mul3A_146 = arith.constant 640 : i32
    %mul3A_147 = arith.muli %arg1, %mul3A_146 : i32
    %add3A_148 = arith.constant 296 : i32
    %add3A_149 = arith.addi %mul3A_147, %add3A_148 : i32
    "tpu.region"() ({
      %run_scoped3A = tpu.sem_alloc : memref<!tpu.dma_semaphore, #tpu.memory_space<semaphore_mem>>
      %dma_start3A = arith.constant 0 : i32
      %dma_start3A_330 = tpu.memref_slice %arg12[%add3A_149, %dma_start3A] : memref<10240x128xf32, #tpu.memory_space<vmem_shared>> -> memref<8x128xf32, #tpu.memory_space<vmem_shared>>
      %dma_start3A_331 = arith.constant 0 : i32
      %dma_start3A_332 = tpu.memref_slice %arg12[%add3A_149, %dma_start3A_331] : memref<10240x128xf32, #tpu.memory_space<vmem_shared>> -> memref<8x128xf32, #tpu.memory_space<vmem_shared>>
      tpu.enqueue_dma source(%arg11 : memref<8x128xf32, #tpu.memory_space<vmem>>) target(%dma_start3A_332 : memref<8x128xf32, #tpu.memory_space<vmem_shared>>) target_semaphore(%run_scoped3A : memref<!tpu.dma_semaphore, #tpu.memory_space<semaphore_mem>>)
      %dma_wait3A = arith.constant 0 : i32
      %dma_wait3A_333 = tpu.memref_slice %arg12[%add3A_149, %dma_wait3A] : memref<10240x128xf32, #tpu.memory_space<vmem_shared>> -> memref<8x128xf32, #tpu.memory_space<vmem_shared>>
      %dma_wait3A_334 = arith.constant 0 : i32
      %dma_wait3A_335 = tpu.memref_slice %arg12[%add3A_149, %dma_wait3A_334] : memref<10240x128xf32, #tpu.memory_space<vmem_shared>> -> memref<8x128xf32, #tpu.memory_space<vmem_shared>>
      tpu.wait_dma2 semaphore(%run_scoped3A : memref<!tpu.dma_semaphore, #tpu.memory_space<semaphore_mem>>) src(%arg11 : memref<8x128xf32, #tpu.memory_space<vmem>>) dst(%dma_wait3A_335 : memref<8x128xf32, #tpu.memory_space<vmem_shared>>)
      tpu.yield
    }) : () -> ()
    %mul3A_150 = arith.constant 640 : i32
    %mul3A_151 = arith.muli %arg1, %mul3A_150 : i32
    %add3A_152 = arith.constant 304 : i32
    %add3A_153 = arith.addi %mul3A_151, %add3A_152 : i32
    "tpu.region"() ({
      %run_scoped3A = tpu.sem_alloc : memref<!tpu.dma_semaphore, #tpu.memory_space<semaphore_mem>>
      %dma_start3A = arith.constant 0 : i32
      %dma_start3A_330 = tpu.memref_slice %arg12[%add3A_153, %dma_start3A] : memref<10240x128xf32, #tpu.memory_space<vmem_shared>> -> memref<8x128xf32, #tpu.memory_space<vmem_shared>>
      %dma_start3A_331 = arith.constant 0 : i32
      %dma_start3A_332 = tpu.memref_slice %arg12[%add3A_153, %dma_start3A_331] : memref<10240x128xf32, #tpu.memory_space<vmem_shared>> -> memref<8x128xf32, #tpu.memory_space<vmem_shared>>
      tpu.enqueue_dma source(%arg11 : memref<8x128xf32, #tpu.memory_space<vmem>>) target(%dma_start3A_332 : memref<8x128xf32, #tpu.memory_space<vmem_shared>>) target_semaphore(%run_scoped3A : memref<!tpu.dma_semaphore, #tpu.memory_space<semaphore_mem>>)
      %dma_wait3A = arith.constant 0 : i32
      %dma_wait3A_333 = tpu.memref_slice %arg12[%add3A_153, %dma_wait3A] : memref<10240x128xf32, #tpu.memory_space<vmem_shared>> -> memref<8x128xf32, #tpu.memory_space<vmem_shared>>
      %dma_wait3A_334 = arith.constant 0 : i32
      %dma_wait3A_335 = tpu.memref_slice %arg12[%add3A_153, %dma_wait3A_334] : memref<10240x128xf32, #tpu.memory_space<vmem_shared>> -> memref<8x128xf32, #tpu.memory_space<vmem_shared>>
      tpu.wait_dma2 semaphore(%run_scoped3A : memref<!tpu.dma_semaphore, #tpu.memory_space<semaphore_mem>>) src(%arg11 : memref<8x128xf32, #tpu.memory_space<vmem>>) dst(%dma_wait3A_335 : memref<8x128xf32, #tpu.memory_space<vmem_shared>>)
      tpu.yield
    }) : () -> ()
    %mul3A_154 = arith.constant 640 : i32
    %mul3A_155 = arith.muli %arg1, %mul3A_154 : i32
    %add3A_156 = arith.constant 312 : i32
    %add3A_157 = arith.addi %mul3A_155, %add3A_156 : i32
    "tpu.region"() ({
      %run_scoped3A = tpu.sem_alloc : memref<!tpu.dma_semaphore, #tpu.memory_space<semaphore_mem>>
      %dma_start3A = arith.constant 0 : i32
      %dma_start3A_330 = tpu.memref_slice %arg12[%add3A_157, %dma_start3A] : memref<10240x128xf32, #tpu.memory_space<vmem_shared>> -> memref<8x128xf32, #tpu.memory_space<vmem_shared>>
      %dma_start3A_331 = arith.constant 0 : i32
      %dma_start3A_332 = tpu.memref_slice %arg12[%add3A_157, %dma_start3A_331] : memref<10240x128xf32, #tpu.memory_space<vmem_shared>> -> memref<8x128xf32, #tpu.memory_space<vmem_shared>>
      tpu.enqueue_dma source(%arg11 : memref<8x128xf32, #tpu.memory_space<vmem>>) target(%dma_start3A_332 : memref<8x128xf32, #tpu.memory_space<vmem_shared>>) target_semaphore(%run_scoped3A : memref<!tpu.dma_semaphore, #tpu.memory_space<semaphore_mem>>)
      %dma_wait3A = arith.constant 0 : i32
      %dma_wait3A_333 = tpu.memref_slice %arg12[%add3A_157, %dma_wait3A] : memref<10240x128xf32, #tpu.memory_space<vmem_shared>> -> memref<8x128xf32, #tpu.memory_space<vmem_shared>>
      %dma_wait3A_334 = arith.constant 0 : i32
      %dma_wait3A_335 = tpu.memref_slice %arg12[%add3A_157, %dma_wait3A_334] : memref<10240x128xf32, #tpu.memory_space<vmem_shared>> -> memref<8x128xf32, #tpu.memory_space<vmem_shared>>
      tpu.wait_dma2 semaphore(%run_scoped3A : memref<!tpu.dma_semaphore, #tpu.memory_space<semaphore_mem>>) src(%arg11 : memref<8x128xf32, #tpu.memory_space<vmem>>) dst(%dma_wait3A_335 : memref<8x128xf32, #tpu.memory_space<vmem_shared>>)
      tpu.yield
    }) : () -> ()
    %mul3A_158 = arith.constant 640 : i32
    %mul3A_159 = arith.muli %arg1, %mul3A_158 : i32
    %add3A_160 = arith.constant 320 : i32
    %add3A_161 = arith.addi %mul3A_159, %add3A_160 : i32
    "tpu.region"() ({
      %run_scoped3A = tpu.sem_alloc : memref<!tpu.dma_semaphore, #tpu.memory_space<semaphore_mem>>
      %dma_start3A = arith.constant 0 : i32
      %dma_start3A_330 = tpu.memref_slice %arg12[%add3A_161, %dma_start3A] : memref<10240x128xf32, #tpu.memory_space<vmem_shared>> -> memref<8x128xf32, #tpu.memory_space<vmem_shared>>
      %dma_start3A_331 = arith.constant 0 : i32
      %dma_start3A_332 = tpu.memref_slice %arg12[%add3A_161, %dma_start3A_331] : memref<10240x128xf32, #tpu.memory_space<vmem_shared>> -> memref<8x128xf32, #tpu.memory_space<vmem_shared>>
      tpu.enqueue_dma source(%arg11 : memref<8x128xf32, #tpu.memory_space<vmem>>) target(%dma_start3A_332 : memref<8x128xf32, #tpu.memory_space<vmem_shared>>) target_semaphore(%run_scoped3A : memref<!tpu.dma_semaphore, #tpu.memory_space<semaphore_mem>>)
      %dma_wait3A = arith.constant 0 : i32
      %dma_wait3A_333 = tpu.memref_slice %arg12[%add3A_161, %dma_wait3A] : memref<10240x128xf32, #tpu.memory_space<vmem_shared>> -> memref<8x128xf32, #tpu.memory_space<vmem_shared>>
      %dma_wait3A_334 = arith.constant 0 : i32
      %dma_wait3A_335 = tpu.memref_slice %arg12[%add3A_161, %dma_wait3A_334] : memref<10240x128xf32, #tpu.memory_space<vmem_shared>> -> memref<8x128xf32, #tpu.memory_space<vmem_shared>>
      tpu.wait_dma2 semaphore(%run_scoped3A : memref<!tpu.dma_semaphore, #tpu.memory_space<semaphore_mem>>) src(%arg11 : memref<8x128xf32, #tpu.memory_space<vmem>>) dst(%dma_wait3A_335 : memref<8x128xf32, #tpu.memory_space<vmem_shared>>)
      tpu.yield
    }) : () -> ()
    %mul3A_162 = arith.constant 640 : i32
    %mul3A_163 = arith.muli %arg1, %mul3A_162 : i32
    %add3A_164 = arith.constant 328 : i32
    %add3A_165 = arith.addi %mul3A_163, %add3A_164 : i32
    "tpu.region"() ({
      %run_scoped3A = tpu.sem_alloc : memref<!tpu.dma_semaphore, #tpu.memory_space<semaphore_mem>>
      %dma_start3A = arith.constant 0 : i32
      %dma_start3A_330 = tpu.memref_slice %arg12[%add3A_165, %dma_start3A] : memref<10240x128xf32, #tpu.memory_space<vmem_shared>> -> memref<8x128xf32, #tpu.memory_space<vmem_shared>>
      %dma_start3A_331 = arith.constant 0 : i32
      %dma_start3A_332 = tpu.memref_slice %arg12[%add3A_165, %dma_start3A_331] : memref<10240x128xf32, #tpu.memory_space<vmem_shared>> -> memref<8x128xf32, #tpu.memory_space<vmem_shared>>
      tpu.enqueue_dma source(%arg11 : memref<8x128xf32, #tpu.memory_space<vmem>>) target(%dma_start3A_332 : memref<8x128xf32, #tpu.memory_space<vmem_shared>>) target_semaphore(%run_scoped3A : memref<!tpu.dma_semaphore, #tpu.memory_space<semaphore_mem>>)
      %dma_wait3A = arith.constant 0 : i32
      %dma_wait3A_333 = tpu.memref_slice %arg12[%add3A_165, %dma_wait3A] : memref<10240x128xf32, #tpu.memory_space<vmem_shared>> -> memref<8x128xf32, #tpu.memory_space<vmem_shared>>
      %dma_wait3A_334 = arith.constant 0 : i32
      %dma_wait3A_335 = tpu.memref_slice %arg12[%add3A_165, %dma_wait3A_334] : memref<10240x128xf32, #tpu.memory_space<vmem_shared>> -> memref<8x128xf32, #tpu.memory_space<vmem_shared>>
      tpu.wait_dma2 semaphore(%run_scoped3A : memref<!tpu.dma_semaphore, #tpu.memory_space<semaphore_mem>>) src(%arg11 : memref<8x128xf32, #tpu.memory_space<vmem>>) dst(%dma_wait3A_335 : memref<8x128xf32, #tpu.memory_space<vmem_shared>>)
      tpu.yield
    }) : () -> ()
    %mul3A_166 = arith.constant 640 : i32
    %mul3A_167 = arith.muli %arg1, %mul3A_166 : i32
    %add3A_168 = arith.constant 336 : i32
    %add3A_169 = arith.addi %mul3A_167, %add3A_168 : i32
    "tpu.region"() ({
      %run_scoped3A = tpu.sem_alloc : memref<!tpu.dma_semaphore, #tpu.memory_space<semaphore_mem>>
      %dma_start3A = arith.constant 0 : i32
      %dma_start3A_330 = tpu.memref_slice %arg12[%add3A_169, %dma_start3A] : memref<10240x128xf32, #tpu.memory_space<vmem_shared>> -> memref<8x128xf32, #tpu.memory_space<vmem_shared>>
      %dma_start3A_331 = arith.constant 0 : i32
      %dma_start3A_332 = tpu.memref_slice %arg12[%add3A_169, %dma_start3A_331] : memref<10240x128xf32, #tpu.memory_space<vmem_shared>> -> memref<8x128xf32, #tpu.memory_space<vmem_shared>>
      tpu.enqueue_dma source(%arg11 : memref<8x128xf32, #tpu.memory_space<vmem>>) target(%dma_start3A_332 : memref<8x128xf32, #tpu.memory_space<vmem_shared>>) target_semaphore(%run_scoped3A : memref<!tpu.dma_semaphore, #tpu.memory_space<semaphore_mem>>)
      %dma_wait3A = arith.constant 0 : i32
      %dma_wait3A_333 = tpu.memref_slice %arg12[%add3A_169, %dma_wait3A] : memref<10240x128xf32, #tpu.memory_space<vmem_shared>> -> memref<8x128xf32, #tpu.memory_space<vmem_shared>>
      %dma_wait3A_334 = arith.constant 0 : i32
      %dma_wait3A_335 = tpu.memref_slice %arg12[%add3A_169, %dma_wait3A_334] : memref<10240x128xf32, #tpu.memory_space<vmem_shared>> -> memref<8x128xf32, #tpu.memory_space<vmem_shared>>
      tpu.wait_dma2 semaphore(%run_scoped3A : memref<!tpu.dma_semaphore, #tpu.memory_space<semaphore_mem>>) src(%arg11 : memref<8x128xf32, #tpu.memory_space<vmem>>) dst(%dma_wait3A_335 : memref<8x128xf32, #tpu.memory_space<vmem_shared>>)
      tpu.yield
    }) : () -> ()
    %mul3A_170 = arith.constant 640 : i32
    %mul3A_171 = arith.muli %arg1, %mul3A_170 : i32
    %add3A_172 = arith.constant 344 : i32
    %add3A_173 = arith.addi %mul3A_171, %add3A_172 : i32
    "tpu.region"() ({
      %run_scoped3A = tpu.sem_alloc : memref<!tpu.dma_semaphore, #tpu.memory_space<semaphore_mem>>
      %dma_start3A = arith.constant 0 : i32
      %dma_start3A_330 = tpu.memref_slice %arg12[%add3A_173, %dma_start3A] : memref<10240x128xf32, #tpu.memory_space<vmem_shared>> -> memref<8x128xf32, #tpu.memory_space<vmem_shared>>
      %dma_start3A_331 = arith.constant 0 : i32
      %dma_start3A_332 = tpu.memref_slice %arg12[%add3A_173, %dma_start3A_331] : memref<10240x128xf32, #tpu.memory_space<vmem_shared>> -> memref<8x128xf32, #tpu.memory_space<vmem_shared>>
      tpu.enqueue_dma source(%arg11 : memref<8x128xf32, #tpu.memory_space<vmem>>) target(%dma_start3A_332 : memref<8x128xf32, #tpu.memory_space<vmem_shared>>) target_semaphore(%run_scoped3A : memref<!tpu.dma_semaphore, #tpu.memory_space<semaphore_mem>>)
      %dma_wait3A = arith.constant 0 : i32
      %dma_wait3A_333 = tpu.memref_slice %arg12[%add3A_173, %dma_wait3A] : memref<10240x128xf32, #tpu.memory_space<vmem_shared>> -> memref<8x128xf32, #tpu.memory_space<vmem_shared>>
      %dma_wait3A_334 = arith.constant 0 : i32
      %dma_wait3A_335 = tpu.memref_slice %arg12[%add3A_173, %dma_wait3A_334] : memref<10240x128xf32, #tpu.memory_space<vmem_shared>> -> memref<8x128xf32, #tpu.memory_space<vmem_shared>>
      tpu.wait_dma2 semaphore(%run_scoped3A : memref<!tpu.dma_semaphore, #tpu.memory_space<semaphore_mem>>) src(%arg11 : memref<8x128xf32, #tpu.memory_space<vmem>>) dst(%dma_wait3A_335 : memref<8x128xf32, #tpu.memory_space<vmem_shared>>)
      tpu.yield
    }) : () -> ()
    %mul3A_174 = arith.constant 640 : i32
    %mul3A_175 = arith.muli %arg1, %mul3A_174 : i32
    %add3A_176 = arith.constant 352 : i32
    %add3A_177 = arith.addi %mul3A_175, %add3A_176 : i32
    "tpu.region"() ({
      %run_scoped3A = tpu.sem_alloc : memref<!tpu.dma_semaphore, #tpu.memory_space<semaphore_mem>>
      %dma_start3A = arith.constant 0 : i32
      %dma_start3A_330 = tpu.memref_slice %arg12[%add3A_177, %dma_start3A] : memref<10240x128xf32, #tpu.memory_space<vmem_shared>> -> memref<8x128xf32, #tpu.memory_space<vmem_shared>>
      %dma_start3A_331 = arith.constant 0 : i32
      %dma_start3A_332 = tpu.memref_slice %arg12[%add3A_177, %dma_start3A_331] : memref<10240x128xf32, #tpu.memory_space<vmem_shared>> -> memref<8x128xf32, #tpu.memory_space<vmem_shared>>
      tpu.enqueue_dma source(%arg11 : memref<8x128xf32, #tpu.memory_space<vmem>>) target(%dma_start3A_332 : memref<8x128xf32, #tpu.memory_space<vmem_shared>>) target_semaphore(%run_scoped3A : memref<!tpu.dma_semaphore, #tpu.memory_space<semaphore_mem>>)
      %dma_wait3A = arith.constant 0 : i32
      %dma_wait3A_333 = tpu.memref_slice %arg12[%add3A_177, %dma_wait3A] : memref<10240x128xf32, #tpu.memory_space<vmem_shared>> -> memref<8x128xf32, #tpu.memory_space<vmem_shared>>
      %dma_wait3A_334 = arith.constant 0 : i32
      %dma_wait3A_335 = tpu.memref_slice %arg12[%add3A_177, %dma_wait3A_334] : memref<10240x128xf32, #tpu.memory_space<vmem_shared>> -> memref<8x128xf32, #tpu.memory_space<vmem_shared>>
      tpu.wait_dma2 semaphore(%run_scoped3A : memref<!tpu.dma_semaphore, #tpu.memory_space<semaphore_mem>>) src(%arg11 : memref<8x128xf32, #tpu.memory_space<vmem>>) dst(%dma_wait3A_335 : memref<8x128xf32, #tpu.memory_space<vmem_shared>>)
      tpu.yield
    }) : () -> ()
    %mul3A_178 = arith.constant 640 : i32
    %mul3A_179 = arith.muli %arg1, %mul3A_178 : i32
    %add3A_180 = arith.constant 360 : i32
    %add3A_181 = arith.addi %mul3A_179, %add3A_180 : i32
    "tpu.region"() ({
      %run_scoped3A = tpu.sem_alloc : memref<!tpu.dma_semaphore, #tpu.memory_space<semaphore_mem>>
      %dma_start3A = arith.constant 0 : i32
      %dma_start3A_330 = tpu.memref_slice %arg12[%add3A_181, %dma_start3A] : memref<10240x128xf32, #tpu.memory_space<vmem_shared>> -> memref<8x128xf32, #tpu.memory_space<vmem_shared>>
      %dma_start3A_331 = arith.constant 0 : i32
      %dma_start3A_332 = tpu.memref_slice %arg12[%add3A_181, %dma_start3A_331] : memref<10240x128xf32, #tpu.memory_space<vmem_shared>> -> memref<8x128xf32, #tpu.memory_space<vmem_shared>>
      tpu.enqueue_dma source(%arg11 : memref<8x128xf32, #tpu.memory_space<vmem>>) target(%dma_start3A_332 : memref<8x128xf32, #tpu.memory_space<vmem_shared>>) target_semaphore(%run_scoped3A : memref<!tpu.dma_semaphore, #tpu.memory_space<semaphore_mem>>)
      %dma_wait3A = arith.constant 0 : i32
      %dma_wait3A_333 = tpu.memref_slice %arg12[%add3A_181, %dma_wait3A] : memref<10240x128xf32, #tpu.memory_space<vmem_shared>> -> memref<8x128xf32, #tpu.memory_space<vmem_shared>>
      %dma_wait3A_334 = arith.constant 0 : i32
      %dma_wait3A_335 = tpu.memref_slice %arg12[%add3A_181, %dma_wait3A_334] : memref<10240x128xf32, #tpu.memory_space<vmem_shared>> -> memref<8x128xf32, #tpu.memory_space<vmem_shared>>
      tpu.wait_dma2 semaphore(%run_scoped3A : memref<!tpu.dma_semaphore, #tpu.memory_space<semaphore_mem>>) src(%arg11 : memref<8x128xf32, #tpu.memory_space<vmem>>) dst(%dma_wait3A_335 : memref<8x128xf32, #tpu.memory_space<vmem_shared>>)
      tpu.yield
    }) : () -> ()
    %mul3A_182 = arith.constant 640 : i32
    %mul3A_183 = arith.muli %arg1, %mul3A_182 : i32
    %add3A_184 = arith.constant 368 : i32
    %add3A_185 = arith.addi %mul3A_183, %add3A_184 : i32
    "tpu.region"() ({
      %run_scoped3A = tpu.sem_alloc : memref<!tpu.dma_semaphore, #tpu.memory_space<semaphore_mem>>
      %dma_start3A = arith.constant 0 : i32
      %dma_start3A_330 = tpu.memref_slice %arg12[%add3A_185, %dma_start3A] : memref<10240x128xf32, #tpu.memory_space<vmem_shared>> -> memref<8x128xf32, #tpu.memory_space<vmem_shared>>
      %dma_start3A_331 = arith.constant 0 : i32
      %dma_start3A_332 = tpu.memref_slice %arg12[%add3A_185, %dma_start3A_331] : memref<10240x128xf32, #tpu.memory_space<vmem_shared>> -> memref<8x128xf32, #tpu.memory_space<vmem_shared>>
      tpu.enqueue_dma source(%arg11 : memref<8x128xf32, #tpu.memory_space<vmem>>) target(%dma_start3A_332 : memref<8x128xf32, #tpu.memory_space<vmem_shared>>) target_semaphore(%run_scoped3A : memref<!tpu.dma_semaphore, #tpu.memory_space<semaphore_mem>>)
      %dma_wait3A = arith.constant 0 : i32
      %dma_wait3A_333 = tpu.memref_slice %arg12[%add3A_185, %dma_wait3A] : memref<10240x128xf32, #tpu.memory_space<vmem_shared>> -> memref<8x128xf32, #tpu.memory_space<vmem_shared>>
      %dma_wait3A_334 = arith.constant 0 : i32
      %dma_wait3A_335 = tpu.memref_slice %arg12[%add3A_185, %dma_wait3A_334] : memref<10240x128xf32, #tpu.memory_space<vmem_shared>> -> memref<8x128xf32, #tpu.memory_space<vmem_shared>>
      tpu.wait_dma2 semaphore(%run_scoped3A : memref<!tpu.dma_semaphore, #tpu.memory_space<semaphore_mem>>) src(%arg11 : memref<8x128xf32, #tpu.memory_space<vmem>>) dst(%dma_wait3A_335 : memref<8x128xf32, #tpu.memory_space<vmem_shared>>)
      tpu.yield
    }) : () -> ()
    %mul3A_186 = arith.constant 640 : i32
    %mul3A_187 = arith.muli %arg1, %mul3A_186 : i32
    %add3A_188 = arith.constant 376 : i32
    %add3A_189 = arith.addi %mul3A_187, %add3A_188 : i32
    "tpu.region"() ({
      %run_scoped3A = tpu.sem_alloc : memref<!tpu.dma_semaphore, #tpu.memory_space<semaphore_mem>>
      %dma_start3A = arith.constant 0 : i32
      %dma_start3A_330 = tpu.memref_slice %arg12[%add3A_189, %dma_start3A] : memref<10240x128xf32, #tpu.memory_space<vmem_shared>> -> memref<8x128xf32, #tpu.memory_space<vmem_shared>>
      %dma_start3A_331 = arith.constant 0 : i32
      %dma_start3A_332 = tpu.memref_slice %arg12[%add3A_189, %dma_start3A_331] : memref<10240x128xf32, #tpu.memory_space<vmem_shared>> -> memref<8x128xf32, #tpu.memory_space<vmem_shared>>
      tpu.enqueue_dma source(%arg11 : memref<8x128xf32, #tpu.memory_space<vmem>>) target(%dma_start3A_332 : memref<8x128xf32, #tpu.memory_space<vmem_shared>>) target_semaphore(%run_scoped3A : memref<!tpu.dma_semaphore, #tpu.memory_space<semaphore_mem>>)
      %dma_wait3A = arith.constant 0 : i32
      %dma_wait3A_333 = tpu.memref_slice %arg12[%add3A_189, %dma_wait3A] : memref<10240x128xf32, #tpu.memory_space<vmem_shared>> -> memref<8x128xf32, #tpu.memory_space<vmem_shared>>
      %dma_wait3A_334 = arith.constant 0 : i32
      %dma_wait3A_335 = tpu.memref_slice %arg12[%add3A_189, %dma_wait3A_334] : memref<10240x128xf32, #tpu.memory_space<vmem_shared>> -> memref<8x128xf32, #tpu.memory_space<vmem_shared>>
      tpu.wait_dma2 semaphore(%run_scoped3A : memref<!tpu.dma_semaphore, #tpu.memory_space<semaphore_mem>>) src(%arg11 : memref<8x128xf32, #tpu.memory_space<vmem>>) dst(%dma_wait3A_335 : memref<8x128xf32, #tpu.memory_space<vmem_shared>>)
      tpu.yield
    }) : () -> ()
    %mul3A_190 = arith.constant 640 : i32
    %mul3A_191 = arith.muli %arg1, %mul3A_190 : i32
    %add3A_192 = arith.constant 384 : i32
    %add3A_193 = arith.addi %mul3A_191, %add3A_192 : i32
    "tpu.region"() ({
      %run_scoped3A = tpu.sem_alloc : memref<!tpu.dma_semaphore, #tpu.memory_space<semaphore_mem>>
      %dma_start3A = arith.constant 0 : i32
      %dma_start3A_330 = tpu.memref_slice %arg12[%add3A_193, %dma_start3A] : memref<10240x128xf32, #tpu.memory_space<vmem_shared>> -> memref<8x128xf32, #tpu.memory_space<vmem_shared>>
      %dma_start3A_331 = arith.constant 0 : i32
      %dma_start3A_332 = tpu.memref_slice %arg12[%add3A_193, %dma_start3A_331] : memref<10240x128xf32, #tpu.memory_space<vmem_shared>> -> memref<8x128xf32, #tpu.memory_space<vmem_shared>>
      tpu.enqueue_dma source(%arg11 : memref<8x128xf32, #tpu.memory_space<vmem>>) target(%dma_start3A_332 : memref<8x128xf32, #tpu.memory_space<vmem_shared>>) target_semaphore(%run_scoped3A : memref<!tpu.dma_semaphore, #tpu.memory_space<semaphore_mem>>)
      %dma_wait3A = arith.constant 0 : i32
      %dma_wait3A_333 = tpu.memref_slice %arg12[%add3A_193, %dma_wait3A] : memref<10240x128xf32, #tpu.memory_space<vmem_shared>> -> memref<8x128xf32, #tpu.memory_space<vmem_shared>>
      %dma_wait3A_334 = arith.constant 0 : i32
      %dma_wait3A_335 = tpu.memref_slice %arg12[%add3A_193, %dma_wait3A_334] : memref<10240x128xf32, #tpu.memory_space<vmem_shared>> -> memref<8x128xf32, #tpu.memory_space<vmem_shared>>
      tpu.wait_dma2 semaphore(%run_scoped3A : memref<!tpu.dma_semaphore, #tpu.memory_space<semaphore_mem>>) src(%arg11 : memref<8x128xf32, #tpu.memory_space<vmem>>) dst(%dma_wait3A_335 : memref<8x128xf32, #tpu.memory_space<vmem_shared>>)
      tpu.yield
    }) : () -> ()
    %mul3A_194 = arith.constant 640 : i32
    %mul3A_195 = arith.muli %arg1, %mul3A_194 : i32
    %add3A_196 = arith.constant 392 : i32
    %add3A_197 = arith.addi %mul3A_195, %add3A_196 : i32
    "tpu.region"() ({
      %run_scoped3A = tpu.sem_alloc : memref<!tpu.dma_semaphore, #tpu.memory_space<semaphore_mem>>
      %dma_start3A = arith.constant 0 : i32
      %dma_start3A_330 = tpu.memref_slice %arg12[%add3A_197, %dma_start3A] : memref<10240x128xf32, #tpu.memory_space<vmem_shared>> -> memref<8x128xf32, #tpu.memory_space<vmem_shared>>
      %dma_start3A_331 = arith.constant 0 : i32
      %dma_start3A_332 = tpu.memref_slice %arg12[%add3A_197, %dma_start3A_331] : memref<10240x128xf32, #tpu.memory_space<vmem_shared>> -> memref<8x128xf32, #tpu.memory_space<vmem_shared>>
      tpu.enqueue_dma source(%arg11 : memref<8x128xf32, #tpu.memory_space<vmem>>) target(%dma_start3A_332 : memref<8x128xf32, #tpu.memory_space<vmem_shared>>) target_semaphore(%run_scoped3A : memref<!tpu.dma_semaphore, #tpu.memory_space<semaphore_mem>>)
      %dma_wait3A = arith.constant 0 : i32
      %dma_wait3A_333 = tpu.memref_slice %arg12[%add3A_197, %dma_wait3A] : memref<10240x128xf32, #tpu.memory_space<vmem_shared>> -> memref<8x128xf32, #tpu.memory_space<vmem_shared>>
      %dma_wait3A_334 = arith.constant 0 : i32
      %dma_wait3A_335 = tpu.memref_slice %arg12[%add3A_197, %dma_wait3A_334] : memref<10240x128xf32, #tpu.memory_space<vmem_shared>> -> memref<8x128xf32, #tpu.memory_space<vmem_shared>>
      tpu.wait_dma2 semaphore(%run_scoped3A : memref<!tpu.dma_semaphore, #tpu.memory_space<semaphore_mem>>) src(%arg11 : memref<8x128xf32, #tpu.memory_space<vmem>>) dst(%dma_wait3A_335 : memref<8x128xf32, #tpu.memory_space<vmem_shared>>)
      tpu.yield
    }) : () -> ()
    %mul3A_198 = arith.constant 640 : i32
    %mul3A_199 = arith.muli %arg1, %mul3A_198 : i32
    %add3A_200 = arith.constant 400 : i32
    %add3A_201 = arith.addi %mul3A_199, %add3A_200 : i32
    "tpu.region"() ({
      %run_scoped3A = tpu.sem_alloc : memref<!tpu.dma_semaphore, #tpu.memory_space<semaphore_mem>>
      %dma_start3A = arith.constant 0 : i32
      %dma_start3A_330 = tpu.memref_slice %arg12[%add3A_201, %dma_start3A] : memref<10240x128xf32, #tpu.memory_space<vmem_shared>> -> memref<8x128xf32, #tpu.memory_space<vmem_shared>>
      %dma_start3A_331 = arith.constant 0 : i32
      %dma_start3A_332 = tpu.memref_slice %arg12[%add3A_201, %dma_start3A_331] : memref<10240x128xf32, #tpu.memory_space<vmem_shared>> -> memref<8x128xf32, #tpu.memory_space<vmem_shared>>
      tpu.enqueue_dma source(%arg11 : memref<8x128xf32, #tpu.memory_space<vmem>>) target(%dma_start3A_332 : memref<8x128xf32, #tpu.memory_space<vmem_shared>>) target_semaphore(%run_scoped3A : memref<!tpu.dma_semaphore, #tpu.memory_space<semaphore_mem>>)
      %dma_wait3A = arith.constant 0 : i32
      %dma_wait3A_333 = tpu.memref_slice %arg12[%add3A_201, %dma_wait3A] : memref<10240x128xf32, #tpu.memory_space<vmem_shared>> -> memref<8x128xf32, #tpu.memory_space<vmem_shared>>
      %dma_wait3A_334 = arith.constant 0 : i32
      %dma_wait3A_335 = tpu.memref_slice %arg12[%add3A_201, %dma_wait3A_334] : memref<10240x128xf32, #tpu.memory_space<vmem_shared>> -> memref<8x128xf32, #tpu.memory_space<vmem_shared>>
      tpu.wait_dma2 semaphore(%run_scoped3A : memref<!tpu.dma_semaphore, #tpu.memory_space<semaphore_mem>>) src(%arg11 : memref<8x128xf32, #tpu.memory_space<vmem>>) dst(%dma_wait3A_335 : memref<8x128xf32, #tpu.memory_space<vmem_shared>>)
      tpu.yield
    }) : () -> ()
    %mul3A_202 = arith.constant 640 : i32
    %mul3A_203 = arith.muli %arg1, %mul3A_202 : i32
    %add3A_204 = arith.constant 408 : i32
    %add3A_205 = arith.addi %mul3A_203, %add3A_204 : i32
    "tpu.region"() ({
      %run_scoped3A = tpu.sem_alloc : memref<!tpu.dma_semaphore, #tpu.memory_space<semaphore_mem>>
      %dma_start3A = arith.constant 0 : i32
      %dma_start3A_330 = tpu.memref_slice %arg12[%add3A_205, %dma_start3A] : memref<10240x128xf32, #tpu.memory_space<vmem_shared>> -> memref<8x128xf32, #tpu.memory_space<vmem_shared>>
      %dma_start3A_331 = arith.constant 0 : i32
      %dma_start3A_332 = tpu.memref_slice %arg12[%add3A_205, %dma_start3A_331] : memref<10240x128xf32, #tpu.memory_space<vmem_shared>> -> memref<8x128xf32, #tpu.memory_space<vmem_shared>>
      tpu.enqueue_dma source(%arg11 : memref<8x128xf32, #tpu.memory_space<vmem>>) target(%dma_start3A_332 : memref<8x128xf32, #tpu.memory_space<vmem_shared>>) target_semaphore(%run_scoped3A : memref<!tpu.dma_semaphore, #tpu.memory_space<semaphore_mem>>)
      %dma_wait3A = arith.constant 0 : i32
      %dma_wait3A_333 = tpu.memref_slice %arg12[%add3A_205, %dma_wait3A] : memref<10240x128xf32, #tpu.memory_space<vmem_shared>> -> memref<8x128xf32, #tpu.memory_space<vmem_shared>>
      %dma_wait3A_334 = arith.constant 0 : i32
      %dma_wait3A_335 = tpu.memref_slice %arg12[%add3A_205, %dma_wait3A_334] : memref<10240x128xf32, #tpu.memory_space<vmem_shared>> -> memref<8x128xf32, #tpu.memory_space<vmem_shared>>
      tpu.wait_dma2 semaphore(%run_scoped3A : memref<!tpu.dma_semaphore, #tpu.memory_space<semaphore_mem>>) src(%arg11 : memref<8x128xf32, #tpu.memory_space<vmem>>) dst(%dma_wait3A_335 : memref<8x128xf32, #tpu.memory_space<vmem_shared>>)
      tpu.yield
    }) : () -> ()
    %mul3A_206 = arith.constant 640 : i32
    %mul3A_207 = arith.muli %arg1, %mul3A_206 : i32
    %add3A_208 = arith.constant 416 : i32
    %add3A_209 = arith.addi %mul3A_207, %add3A_208 : i32
    "tpu.region"() ({
      %run_scoped3A = tpu.sem_alloc : memref<!tpu.dma_semaphore, #tpu.memory_space<semaphore_mem>>
      %dma_start3A = arith.constant 0 : i32
      %dma_start3A_330 = tpu.memref_slice %arg12[%add3A_209, %dma_start3A] : memref<10240x128xf32, #tpu.memory_space<vmem_shared>> -> memref<8x128xf32, #tpu.memory_space<vmem_shared>>
      %dma_start3A_331 = arith.constant 0 : i32
      %dma_start3A_332 = tpu.memref_slice %arg12[%add3A_209, %dma_start3A_331] : memref<10240x128xf32, #tpu.memory_space<vmem_shared>> -> memref<8x128xf32, #tpu.memory_space<vmem_shared>>
      tpu.enqueue_dma source(%arg11 : memref<8x128xf32, #tpu.memory_space<vmem>>) target(%dma_start3A_332 : memref<8x128xf32, #tpu.memory_space<vmem_shared>>) target_semaphore(%run_scoped3A : memref<!tpu.dma_semaphore, #tpu.memory_space<semaphore_mem>>)
      %dma_wait3A = arith.constant 0 : i32
      %dma_wait3A_333 = tpu.memref_slice %arg12[%add3A_209, %dma_wait3A] : memref<10240x128xf32, #tpu.memory_space<vmem_shared>> -> memref<8x128xf32, #tpu.memory_space<vmem_shared>>
      %dma_wait3A_334 = arith.constant 0 : i32
      %dma_wait3A_335 = tpu.memref_slice %arg12[%add3A_209, %dma_wait3A_334] : memref<10240x128xf32, #tpu.memory_space<vmem_shared>> -> memref<8x128xf32, #tpu.memory_space<vmem_shared>>
      tpu.wait_dma2 semaphore(%run_scoped3A : memref<!tpu.dma_semaphore, #tpu.memory_space<semaphore_mem>>) src(%arg11 : memref<8x128xf32, #tpu.memory_space<vmem>>) dst(%dma_wait3A_335 : memref<8x128xf32, #tpu.memory_space<vmem_shared>>)
      tpu.yield
    }) : () -> ()
    %mul3A_210 = arith.constant 640 : i32
    %mul3A_211 = arith.muli %arg1, %mul3A_210 : i32
    %add3A_212 = arith.constant 424 : i32
    %add3A_213 = arith.addi %mul3A_211, %add3A_212 : i32
    "tpu.region"() ({
      %run_scoped3A = tpu.sem_alloc : memref<!tpu.dma_semaphore, #tpu.memory_space<semaphore_mem>>
      %dma_start3A = arith.constant 0 : i32
      %dma_start3A_330 = tpu.memref_slice %arg12[%add3A_213, %dma_start3A] : memref<10240x128xf32, #tpu.memory_space<vmem_shared>> -> memref<8x128xf32, #tpu.memory_space<vmem_shared>>
      %dma_start3A_331 = arith.constant 0 : i32
      %dma_start3A_332 = tpu.memref_slice %arg12[%add3A_213, %dma_start3A_331] : memref<10240x128xf32, #tpu.memory_space<vmem_shared>> -> memref<8x128xf32, #tpu.memory_space<vmem_shared>>
      tpu.enqueue_dma source(%arg11 : memref<8x128xf32, #tpu.memory_space<vmem>>) target(%dma_start3A_332 : memref<8x128xf32, #tpu.memory_space<vmem_shared>>) target_semaphore(%run_scoped3A : memref<!tpu.dma_semaphore, #tpu.memory_space<semaphore_mem>>)
      %dma_wait3A = arith.constant 0 : i32
      %dma_wait3A_333 = tpu.memref_slice %arg12[%add3A_213, %dma_wait3A] : memref<10240x128xf32, #tpu.memory_space<vmem_shared>> -> memref<8x128xf32, #tpu.memory_space<vmem_shared>>
      %dma_wait3A_334 = arith.constant 0 : i32
      %dma_wait3A_335 = tpu.memref_slice %arg12[%add3A_213, %dma_wait3A_334] : memref<10240x128xf32, #tpu.memory_space<vmem_shared>> -> memref<8x128xf32, #tpu.memory_space<vmem_shared>>
      tpu.wait_dma2 semaphore(%run_scoped3A : memref<!tpu.dma_semaphore, #tpu.memory_space<semaphore_mem>>) src(%arg11 : memref<8x128xf32, #tpu.memory_space<vmem>>) dst(%dma_wait3A_335 : memref<8x128xf32, #tpu.memory_space<vmem_shared>>)
      tpu.yield
    }) : () -> ()
    %mul3A_214 = arith.constant 640 : i32
    %mul3A_215 = arith.muli %arg1, %mul3A_214 : i32
    %add3A_216 = arith.constant 432 : i32
    %add3A_217 = arith.addi %mul3A_215, %add3A_216 : i32
    "tpu.region"() ({
      %run_scoped3A = tpu.sem_alloc : memref<!tpu.dma_semaphore, #tpu.memory_space<semaphore_mem>>
      %dma_start3A = arith.constant 0 : i32
      %dma_start3A_330 = tpu.memref_slice %arg12[%add3A_217, %dma_start3A] : memref<10240x128xf32, #tpu.memory_space<vmem_shared>> -> memref<8x128xf32, #tpu.memory_space<vmem_shared>>
      %dma_start3A_331 = arith.constant 0 : i32
      %dma_start3A_332 = tpu.memref_slice %arg12[%add3A_217, %dma_start3A_331] : memref<10240x128xf32, #tpu.memory_space<vmem_shared>> -> memref<8x128xf32, #tpu.memory_space<vmem_shared>>
      tpu.enqueue_dma source(%arg11 : memref<8x128xf32, #tpu.memory_space<vmem>>) target(%dma_start3A_332 : memref<8x128xf32, #tpu.memory_space<vmem_shared>>) target_semaphore(%run_scoped3A : memref<!tpu.dma_semaphore, #tpu.memory_space<semaphore_mem>>)
      %dma_wait3A = arith.constant 0 : i32
      %dma_wait3A_333 = tpu.memref_slice %arg12[%add3A_217, %dma_wait3A] : memref<10240x128xf32, #tpu.memory_space<vmem_shared>> -> memref<8x128xf32, #tpu.memory_space<vmem_shared>>
      %dma_wait3A_334 = arith.constant 0 : i32
      %dma_wait3A_335 = tpu.memref_slice %arg12[%add3A_217, %dma_wait3A_334] : memref<10240x128xf32, #tpu.memory_space<vmem_shared>> -> memref<8x128xf32, #tpu.memory_space<vmem_shared>>
      tpu.wait_dma2 semaphore(%run_scoped3A : memref<!tpu.dma_semaphore, #tpu.memory_space<semaphore_mem>>) src(%arg11 : memref<8x128xf32, #tpu.memory_space<vmem>>) dst(%dma_wait3A_335 : memref<8x128xf32, #tpu.memory_space<vmem_shared>>)
      tpu.yield
    }) : () -> ()
    %mul3A_218 = arith.constant 640 : i32
    %mul3A_219 = arith.muli %arg1, %mul3A_218 : i32
    %add3A_220 = arith.constant 440 : i32
    %add3A_221 = arith.addi %mul3A_219, %add3A_220 : i32
    "tpu.region"() ({
      %run_scoped3A = tpu.sem_alloc : memref<!tpu.dma_semaphore, #tpu.memory_space<semaphore_mem>>
      %dma_start3A = arith.constant 0 : i32
      %dma_start3A_330 = tpu.memref_slice %arg12[%add3A_221, %dma_start3A] : memref<10240x128xf32, #tpu.memory_space<vmem_shared>> -> memref<8x128xf32, #tpu.memory_space<vmem_shared>>
      %dma_start3A_331 = arith.constant 0 : i32
      %dma_start3A_332 = tpu.memref_slice %arg12[%add3A_221, %dma_start3A_331] : memref<10240x128xf32, #tpu.memory_space<vmem_shared>> -> memref<8x128xf32, #tpu.memory_space<vmem_shared>>
      tpu.enqueue_dma source(%arg11 : memref<8x128xf32, #tpu.memory_space<vmem>>) target(%dma_start3A_332 : memref<8x128xf32, #tpu.memory_space<vmem_shared>>) target_semaphore(%run_scoped3A : memref<!tpu.dma_semaphore, #tpu.memory_space<semaphore_mem>>)
      %dma_wait3A = arith.constant 0 : i32
      %dma_wait3A_333 = tpu.memref_slice %arg12[%add3A_221, %dma_wait3A] : memref<10240x128xf32, #tpu.memory_space<vmem_shared>> -> memref<8x128xf32, #tpu.memory_space<vmem_shared>>
      %dma_wait3A_334 = arith.constant 0 : i32
      %dma_wait3A_335 = tpu.memref_slice %arg12[%add3A_221, %dma_wait3A_334] : memref<10240x128xf32, #tpu.memory_space<vmem_shared>> -> memref<8x128xf32, #tpu.memory_space<vmem_shared>>
      tpu.wait_dma2 semaphore(%run_scoped3A : memref<!tpu.dma_semaphore, #tpu.memory_space<semaphore_mem>>) src(%arg11 : memref<8x128xf32, #tpu.memory_space<vmem>>) dst(%dma_wait3A_335 : memref<8x128xf32, #tpu.memory_space<vmem_shared>>)
      tpu.yield
    }) : () -> ()
    %mul3A_222 = arith.constant 640 : i32
    %mul3A_223 = arith.muli %arg1, %mul3A_222 : i32
    %add3A_224 = arith.constant 448 : i32
    %add3A_225 = arith.addi %mul3A_223, %add3A_224 : i32
    "tpu.region"() ({
      %run_scoped3A = tpu.sem_alloc : memref<!tpu.dma_semaphore, #tpu.memory_space<semaphore_mem>>
      %dma_start3A = arith.constant 0 : i32
      %dma_start3A_330 = tpu.memref_slice %arg12[%add3A_225, %dma_start3A] : memref<10240x128xf32, #tpu.memory_space<vmem_shared>> -> memref<8x128xf32, #tpu.memory_space<vmem_shared>>
      %dma_start3A_331 = arith.constant 0 : i32
      %dma_start3A_332 = tpu.memref_slice %arg12[%add3A_225, %dma_start3A_331] : memref<10240x128xf32, #tpu.memory_space<vmem_shared>> -> memref<8x128xf32, #tpu.memory_space<vmem_shared>>
      tpu.enqueue_dma source(%arg11 : memref<8x128xf32, #tpu.memory_space<vmem>>) target(%dma_start3A_332 : memref<8x128xf32, #tpu.memory_space<vmem_shared>>) target_semaphore(%run_scoped3A : memref<!tpu.dma_semaphore, #tpu.memory_space<semaphore_mem>>)
      %dma_wait3A = arith.constant 0 : i32
      %dma_wait3A_333 = tpu.memref_slice %arg12[%add3A_225, %dma_wait3A] : memref<10240x128xf32, #tpu.memory_space<vmem_shared>> -> memref<8x128xf32, #tpu.memory_space<vmem_shared>>
      %dma_wait3A_334 = arith.constant 0 : i32
      %dma_wait3A_335 = tpu.memref_slice %arg12[%add3A_225, %dma_wait3A_334] : memref<10240x128xf32, #tpu.memory_space<vmem_shared>> -> memref<8x128xf32, #tpu.memory_space<vmem_shared>>
      tpu.wait_dma2 semaphore(%run_scoped3A : memref<!tpu.dma_semaphore, #tpu.memory_space<semaphore_mem>>) src(%arg11 : memref<8x128xf32, #tpu.memory_space<vmem>>) dst(%dma_wait3A_335 : memref<8x128xf32, #tpu.memory_space<vmem_shared>>)
      tpu.yield
    }) : () -> ()
    %mul3A_226 = arith.constant 640 : i32
    %mul3A_227 = arith.muli %arg1, %mul3A_226 : i32
    %add3A_228 = arith.constant 456 : i32
    %add3A_229 = arith.addi %mul3A_227, %add3A_228 : i32
    "tpu.region"() ({
      %run_scoped3A = tpu.sem_alloc : memref<!tpu.dma_semaphore, #tpu.memory_space<semaphore_mem>>
      %dma_start3A = arith.constant 0 : i32
      %dma_start3A_330 = tpu.memref_slice %arg12[%add3A_229, %dma_start3A] : memref<10240x128xf32, #tpu.memory_space<vmem_shared>> -> memref<8x128xf32, #tpu.memory_space<vmem_shared>>
      %dma_start3A_331 = arith.constant 0 : i32
      %dma_start3A_332 = tpu.memref_slice %arg12[%add3A_229, %dma_start3A_331] : memref<10240x128xf32, #tpu.memory_space<vmem_shared>> -> memref<8x128xf32, #tpu.memory_space<vmem_shared>>
      tpu.enqueue_dma source(%arg11 : memref<8x128xf32, #tpu.memory_space<vmem>>) target(%dma_start3A_332 : memref<8x128xf32, #tpu.memory_space<vmem_shared>>) target_semaphore(%run_scoped3A : memref<!tpu.dma_semaphore, #tpu.memory_space<semaphore_mem>>)
      %dma_wait3A = arith.constant 0 : i32
      %dma_wait3A_333 = tpu.memref_slice %arg12[%add3A_229, %dma_wait3A] : memref<10240x128xf32, #tpu.memory_space<vmem_shared>> -> memref<8x128xf32, #tpu.memory_space<vmem_shared>>
      %dma_wait3A_334 = arith.constant 0 : i32
      %dma_wait3A_335 = tpu.memref_slice %arg12[%add3A_229, %dma_wait3A_334] : memref<10240x128xf32, #tpu.memory_space<vmem_shared>> -> memref<8x128xf32, #tpu.memory_space<vmem_shared>>
      tpu.wait_dma2 semaphore(%run_scoped3A : memref<!tpu.dma_semaphore, #tpu.memory_space<semaphore_mem>>) src(%arg11 : memref<8x128xf32, #tpu.memory_space<vmem>>) dst(%dma_wait3A_335 : memref<8x128xf32, #tpu.memory_space<vmem_shared>>)
      tpu.yield
    }) : () -> ()
    %mul3A_230 = arith.constant 640 : i32
    %mul3A_231 = arith.muli %arg1, %mul3A_230 : i32
    %add3A_232 = arith.constant 464 : i32
    %add3A_233 = arith.addi %mul3A_231, %add3A_232 : i32
    "tpu.region"() ({
      %run_scoped3A = tpu.sem_alloc : memref<!tpu.dma_semaphore, #tpu.memory_space<semaphore_mem>>
      %dma_start3A = arith.constant 0 : i32
      %dma_start3A_330 = tpu.memref_slice %arg12[%add3A_233, %dma_start3A] : memref<10240x128xf32, #tpu.memory_space<vmem_shared>> -> memref<8x128xf32, #tpu.memory_space<vmem_shared>>
      %dma_start3A_331 = arith.constant 0 : i32
      %dma_start3A_332 = tpu.memref_slice %arg12[%add3A_233, %dma_start3A_331] : memref<10240x128xf32, #tpu.memory_space<vmem_shared>> -> memref<8x128xf32, #tpu.memory_space<vmem_shared>>
      tpu.enqueue_dma source(%arg11 : memref<8x128xf32, #tpu.memory_space<vmem>>) target(%dma_start3A_332 : memref<8x128xf32, #tpu.memory_space<vmem_shared>>) target_semaphore(%run_scoped3A : memref<!tpu.dma_semaphore, #tpu.memory_space<semaphore_mem>>)
      %dma_wait3A = arith.constant 0 : i32
      %dma_wait3A_333 = tpu.memref_slice %arg12[%add3A_233, %dma_wait3A] : memref<10240x128xf32, #tpu.memory_space<vmem_shared>> -> memref<8x128xf32, #tpu.memory_space<vmem_shared>>
      %dma_wait3A_334 = arith.constant 0 : i32
      %dma_wait3A_335 = tpu.memref_slice %arg12[%add3A_233, %dma_wait3A_334] : memref<10240x128xf32, #tpu.memory_space<vmem_shared>> -> memref<8x128xf32, #tpu.memory_space<vmem_shared>>
      tpu.wait_dma2 semaphore(%run_scoped3A : memref<!tpu.dma_semaphore, #tpu.memory_space<semaphore_mem>>) src(%arg11 : memref<8x128xf32, #tpu.memory_space<vmem>>) dst(%dma_wait3A_335 : memref<8x128xf32, #tpu.memory_space<vmem_shared>>)
      tpu.yield
    }) : () -> ()
    %mul3A_234 = arith.constant 640 : i32
    %mul3A_235 = arith.muli %arg1, %mul3A_234 : i32
    %add3A_236 = arith.constant 472 : i32
    %add3A_237 = arith.addi %mul3A_235, %add3A_236 : i32
    "tpu.region"() ({
      %run_scoped3A = tpu.sem_alloc : memref<!tpu.dma_semaphore, #tpu.memory_space<semaphore_mem>>
      %dma_start3A = arith.constant 0 : i32
      %dma_start3A_330 = tpu.memref_slice %arg12[%add3A_237, %dma_start3A] : memref<10240x128xf32, #tpu.memory_space<vmem_shared>> -> memref<8x128xf32, #tpu.memory_space<vmem_shared>>
      %dma_start3A_331 = arith.constant 0 : i32
      %dma_start3A_332 = tpu.memref_slice %arg12[%add3A_237, %dma_start3A_331] : memref<10240x128xf32, #tpu.memory_space<vmem_shared>> -> memref<8x128xf32, #tpu.memory_space<vmem_shared>>
      tpu.enqueue_dma source(%arg11 : memref<8x128xf32, #tpu.memory_space<vmem>>) target(%dma_start3A_332 : memref<8x128xf32, #tpu.memory_space<vmem_shared>>) target_semaphore(%run_scoped3A : memref<!tpu.dma_semaphore, #tpu.memory_space<semaphore_mem>>)
      %dma_wait3A = arith.constant 0 : i32
      %dma_wait3A_333 = tpu.memref_slice %arg12[%add3A_237, %dma_wait3A] : memref<10240x128xf32, #tpu.memory_space<vmem_shared>> -> memref<8x128xf32, #tpu.memory_space<vmem_shared>>
      %dma_wait3A_334 = arith.constant 0 : i32
      %dma_wait3A_335 = tpu.memref_slice %arg12[%add3A_237, %dma_wait3A_334] : memref<10240x128xf32, #tpu.memory_space<vmem_shared>> -> memref<8x128xf32, #tpu.memory_space<vmem_shared>>
      tpu.wait_dma2 semaphore(%run_scoped3A : memref<!tpu.dma_semaphore, #tpu.memory_space<semaphore_mem>>) src(%arg11 : memref<8x128xf32, #tpu.memory_space<vmem>>) dst(%dma_wait3A_335 : memref<8x128xf32, #tpu.memory_space<vmem_shared>>)
      tpu.yield
    }) : () -> ()
    %mul3A_238 = arith.constant 640 : i32
    %mul3A_239 = arith.muli %arg1, %mul3A_238 : i32
    %add3A_240 = arith.constant 480 : i32
    %add3A_241 = arith.addi %mul3A_239, %add3A_240 : i32
    "tpu.region"() ({
      %run_scoped3A = tpu.sem_alloc : memref<!tpu.dma_semaphore, #tpu.memory_space<semaphore_mem>>
      %dma_start3A = arith.constant 0 : i32
      %dma_start3A_330 = tpu.memref_slice %arg12[%add3A_241, %dma_start3A] : memref<10240x128xf32, #tpu.memory_space<vmem_shared>> -> memref<8x128xf32, #tpu.memory_space<vmem_shared>>
      %dma_start3A_331 = arith.constant 0 : i32
      %dma_start3A_332 = tpu.memref_slice %arg12[%add3A_241, %dma_start3A_331] : memref<10240x128xf32, #tpu.memory_space<vmem_shared>> -> memref<8x128xf32, #tpu.memory_space<vmem_shared>>
      tpu.enqueue_dma source(%arg11 : memref<8x128xf32, #tpu.memory_space<vmem>>) target(%dma_start3A_332 : memref<8x128xf32, #tpu.memory_space<vmem_shared>>) target_semaphore(%run_scoped3A : memref<!tpu.dma_semaphore, #tpu.memory_space<semaphore_mem>>)
      %dma_wait3A = arith.constant 0 : i32
      %dma_wait3A_333 = tpu.memref_slice %arg12[%add3A_241, %dma_wait3A] : memref<10240x128xf32, #tpu.memory_space<vmem_shared>> -> memref<8x128xf32, #tpu.memory_space<vmem_shared>>
      %dma_wait3A_334 = arith.constant 0 : i32
      %dma_wait3A_335 = tpu.memref_slice %arg12[%add3A_241, %dma_wait3A_334] : memref<10240x128xf32, #tpu.memory_space<vmem_shared>> -> memref<8x128xf32, #tpu.memory_space<vmem_shared>>
      tpu.wait_dma2 semaphore(%run_scoped3A : memref<!tpu.dma_semaphore, #tpu.memory_space<semaphore_mem>>) src(%arg11 : memref<8x128xf32, #tpu.memory_space<vmem>>) dst(%dma_wait3A_335 : memref<8x128xf32, #tpu.memory_space<vmem_shared>>)
      tpu.yield
    }) : () -> ()
    %mul3A_242 = arith.constant 640 : i32
    %mul3A_243 = arith.muli %arg1, %mul3A_242 : i32
    %add3A_244 = arith.constant 488 : i32
    %add3A_245 = arith.addi %mul3A_243, %add3A_244 : i32
    "tpu.region"() ({
      %run_scoped3A = tpu.sem_alloc : memref<!tpu.dma_semaphore, #tpu.memory_space<semaphore_mem>>
      %dma_start3A = arith.constant 0 : i32
      %dma_start3A_330 = tpu.memref_slice %arg12[%add3A_245, %dma_start3A] : memref<10240x128xf32, #tpu.memory_space<vmem_shared>> -> memref<8x128xf32, #tpu.memory_space<vmem_shared>>
      %dma_start3A_331 = arith.constant 0 : i32
      %dma_start3A_332 = tpu.memref_slice %arg12[%add3A_245, %dma_start3A_331] : memref<10240x128xf32, #tpu.memory_space<vmem_shared>> -> memref<8x128xf32, #tpu.memory_space<vmem_shared>>
      tpu.enqueue_dma source(%arg11 : memref<8x128xf32, #tpu.memory_space<vmem>>) target(%dma_start3A_332 : memref<8x128xf32, #tpu.memory_space<vmem_shared>>) target_semaphore(%run_scoped3A : memref<!tpu.dma_semaphore, #tpu.memory_space<semaphore_mem>>)
      %dma_wait3A = arith.constant 0 : i32
      %dma_wait3A_333 = tpu.memref_slice %arg12[%add3A_245, %dma_wait3A] : memref<10240x128xf32, #tpu.memory_space<vmem_shared>> -> memref<8x128xf32, #tpu.memory_space<vmem_shared>>
      %dma_wait3A_334 = arith.constant 0 : i32
      %dma_wait3A_335 = tpu.memref_slice %arg12[%add3A_245, %dma_wait3A_334] : memref<10240x128xf32, #tpu.memory_space<vmem_shared>> -> memref<8x128xf32, #tpu.memory_space<vmem_shared>>
      tpu.wait_dma2 semaphore(%run_scoped3A : memref<!tpu.dma_semaphore, #tpu.memory_space<semaphore_mem>>) src(%arg11 : memref<8x128xf32, #tpu.memory_space<vmem>>) dst(%dma_wait3A_335 : memref<8x128xf32, #tpu.memory_space<vmem_shared>>)
      tpu.yield
    }) : () -> ()
    %mul3A_246 = arith.constant 640 : i32
    %mul3A_247 = arith.muli %arg1, %mul3A_246 : i32
    %add3A_248 = arith.constant 496 : i32
    %add3A_249 = arith.addi %mul3A_247, %add3A_248 : i32
    "tpu.region"() ({
      %run_scoped3A = tpu.sem_alloc : memref<!tpu.dma_semaphore, #tpu.memory_space<semaphore_mem>>
      %dma_start3A = arith.constant 0 : i32
      %dma_start3A_330 = tpu.memref_slice %arg12[%add3A_249, %dma_start3A] : memref<10240x128xf32, #tpu.memory_space<vmem_shared>> -> memref<8x128xf32, #tpu.memory_space<vmem_shared>>
      %dma_start3A_331 = arith.constant 0 : i32
      %dma_start3A_332 = tpu.memref_slice %arg12[%add3A_249, %dma_start3A_331] : memref<10240x128xf32, #tpu.memory_space<vmem_shared>> -> memref<8x128xf32, #tpu.memory_space<vmem_shared>>
      tpu.enqueue_dma source(%arg11 : memref<8x128xf32, #tpu.memory_space<vmem>>) target(%dma_start3A_332 : memref<8x128xf32, #tpu.memory_space<vmem_shared>>) target_semaphore(%run_scoped3A : memref<!tpu.dma_semaphore, #tpu.memory_space<semaphore_mem>>)
      %dma_wait3A = arith.constant 0 : i32
      %dma_wait3A_333 = tpu.memref_slice %arg12[%add3A_249, %dma_wait3A] : memref<10240x128xf32, #tpu.memory_space<vmem_shared>> -> memref<8x128xf32, #tpu.memory_space<vmem_shared>>
      %dma_wait3A_334 = arith.constant 0 : i32
      %dma_wait3A_335 = tpu.memref_slice %arg12[%add3A_249, %dma_wait3A_334] : memref<10240x128xf32, #tpu.memory_space<vmem_shared>> -> memref<8x128xf32, #tpu.memory_space<vmem_shared>>
      tpu.wait_dma2 semaphore(%run_scoped3A : memref<!tpu.dma_semaphore, #tpu.memory_space<semaphore_mem>>) src(%arg11 : memref<8x128xf32, #tpu.memory_space<vmem>>) dst(%dma_wait3A_335 : memref<8x128xf32, #tpu.memory_space<vmem_shared>>)
      tpu.yield
    }) : () -> ()
    %mul3A_250 = arith.constant 640 : i32
    %mul3A_251 = arith.muli %arg1, %mul3A_250 : i32
    %add3A_252 = arith.constant 504 : i32
    %add3A_253 = arith.addi %mul3A_251, %add3A_252 : i32
    "tpu.region"() ({
      %run_scoped3A = tpu.sem_alloc : memref<!tpu.dma_semaphore, #tpu.memory_space<semaphore_mem>>
      %dma_start3A = arith.constant 0 : i32
      %dma_start3A_330 = tpu.memref_slice %arg12[%add3A_253, %dma_start3A] : memref<10240x128xf32, #tpu.memory_space<vmem_shared>> -> memref<8x128xf32, #tpu.memory_space<vmem_shared>>
      %dma_start3A_331 = arith.constant 0 : i32
      %dma_start3A_332 = tpu.memref_slice %arg12[%add3A_253, %dma_start3A_331] : memref<10240x128xf32, #tpu.memory_space<vmem_shared>> -> memref<8x128xf32, #tpu.memory_space<vmem_shared>>
      tpu.enqueue_dma source(%arg11 : memref<8x128xf32, #tpu.memory_space<vmem>>) target(%dma_start3A_332 : memref<8x128xf32, #tpu.memory_space<vmem_shared>>) target_semaphore(%run_scoped3A : memref<!tpu.dma_semaphore, #tpu.memory_space<semaphore_mem>>)
      %dma_wait3A = arith.constant 0 : i32
      %dma_wait3A_333 = tpu.memref_slice %arg12[%add3A_253, %dma_wait3A] : memref<10240x128xf32, #tpu.memory_space<vmem_shared>> -> memref<8x128xf32, #tpu.memory_space<vmem_shared>>
      %dma_wait3A_334 = arith.constant 0 : i32
      %dma_wait3A_335 = tpu.memref_slice %arg12[%add3A_253, %dma_wait3A_334] : memref<10240x128xf32, #tpu.memory_space<vmem_shared>> -> memref<8x128xf32, #tpu.memory_space<vmem_shared>>
      tpu.wait_dma2 semaphore(%run_scoped3A : memref<!tpu.dma_semaphore, #tpu.memory_space<semaphore_mem>>) src(%arg11 : memref<8x128xf32, #tpu.memory_space<vmem>>) dst(%dma_wait3A_335 : memref<8x128xf32, #tpu.memory_space<vmem_shared>>)
      tpu.yield
    }) : () -> ()
    %mul3A_254 = arith.constant 640 : i32
    %mul3A_255 = arith.muli %arg1, %mul3A_254 : i32
    %add3A_256 = arith.constant 512 : i32
    %add3A_257 = arith.addi %mul3A_255, %add3A_256 : i32
    "tpu.region"() ({
      %run_scoped3A = tpu.sem_alloc : memref<!tpu.dma_semaphore, #tpu.memory_space<semaphore_mem>>
      %dma_start3A = arith.constant 0 : i32
      %dma_start3A_330 = tpu.memref_slice %arg12[%add3A_257, %dma_start3A] : memref<10240x128xf32, #tpu.memory_space<vmem_shared>> -> memref<8x128xf32, #tpu.memory_space<vmem_shared>>
      %dma_start3A_331 = arith.constant 0 : i32
      %dma_start3A_332 = tpu.memref_slice %arg12[%add3A_257, %dma_start3A_331] : memref<10240x128xf32, #tpu.memory_space<vmem_shared>> -> memref<8x128xf32, #tpu.memory_space<vmem_shared>>
      tpu.enqueue_dma source(%arg11 : memref<8x128xf32, #tpu.memory_space<vmem>>) target(%dma_start3A_332 : memref<8x128xf32, #tpu.memory_space<vmem_shared>>) target_semaphore(%run_scoped3A : memref<!tpu.dma_semaphore, #tpu.memory_space<semaphore_mem>>)
      %dma_wait3A = arith.constant 0 : i32
      %dma_wait3A_333 = tpu.memref_slice %arg12[%add3A_257, %dma_wait3A] : memref<10240x128xf32, #tpu.memory_space<vmem_shared>> -> memref<8x128xf32, #tpu.memory_space<vmem_shared>>
      %dma_wait3A_334 = arith.constant 0 : i32
      %dma_wait3A_335 = tpu.memref_slice %arg12[%add3A_257, %dma_wait3A_334] : memref<10240x128xf32, #tpu.memory_space<vmem_shared>> -> memref<8x128xf32, #tpu.memory_space<vmem_shared>>
      tpu.wait_dma2 semaphore(%run_scoped3A : memref<!tpu.dma_semaphore, #tpu.memory_space<semaphore_mem>>) src(%arg11 : memref<8x128xf32, #tpu.memory_space<vmem>>) dst(%dma_wait3A_335 : memref<8x128xf32, #tpu.memory_space<vmem_shared>>)
      tpu.yield
    }) : () -> ()
    %mul3A_258 = arith.constant 640 : i32
    %mul3A_259 = arith.muli %arg1, %mul3A_258 : i32
    %add3A_260 = arith.constant 520 : i32
    %add3A_261 = arith.addi %mul3A_259, %add3A_260 : i32
    "tpu.region"() ({
      %run_scoped3A = tpu.sem_alloc : memref<!tpu.dma_semaphore, #tpu.memory_space<semaphore_mem>>
      %dma_start3A = arith.constant 0 : i32
      %dma_start3A_330 = tpu.memref_slice %arg12[%add3A_261, %dma_start3A] : memref<10240x128xf32, #tpu.memory_space<vmem_shared>> -> memref<8x128xf32, #tpu.memory_space<vmem_shared>>
      %dma_start3A_331 = arith.constant 0 : i32
      %dma_start3A_332 = tpu.memref_slice %arg12[%add3A_261, %dma_start3A_331] : memref<10240x128xf32, #tpu.memory_space<vmem_shared>> -> memref<8x128xf32, #tpu.memory_space<vmem_shared>>
      tpu.enqueue_dma source(%arg11 : memref<8x128xf32, #tpu.memory_space<vmem>>) target(%dma_start3A_332 : memref<8x128xf32, #tpu.memory_space<vmem_shared>>) target_semaphore(%run_scoped3A : memref<!tpu.dma_semaphore, #tpu.memory_space<semaphore_mem>>)
      %dma_wait3A = arith.constant 0 : i32
      %dma_wait3A_333 = tpu.memref_slice %arg12[%add3A_261, %dma_wait3A] : memref<10240x128xf32, #tpu.memory_space<vmem_shared>> -> memref<8x128xf32, #tpu.memory_space<vmem_shared>>
      %dma_wait3A_334 = arith.constant 0 : i32
      %dma_wait3A_335 = tpu.memref_slice %arg12[%add3A_261, %dma_wait3A_334] : memref<10240x128xf32, #tpu.memory_space<vmem_shared>> -> memref<8x128xf32, #tpu.memory_space<vmem_shared>>
      tpu.wait_dma2 semaphore(%run_scoped3A : memref<!tpu.dma_semaphore, #tpu.memory_space<semaphore_mem>>) src(%arg11 : memref<8x128xf32, #tpu.memory_space<vmem>>) dst(%dma_wait3A_335 : memref<8x128xf32, #tpu.memory_space<vmem_shared>>)
      tpu.yield
    }) : () -> ()
    %mul3A_262 = arith.constant 640 : i32
    %mul3A_263 = arith.muli %arg1, %mul3A_262 : i32
    %add3A_264 = arith.constant 528 : i32
    %add3A_265 = arith.addi %mul3A_263, %add3A_264 : i32
    "tpu.region"() ({
      %run_scoped3A = tpu.sem_alloc : memref<!tpu.dma_semaphore, #tpu.memory_space<semaphore_mem>>
      %dma_start3A = arith.constant 0 : i32
      %dma_start3A_330 = tpu.memref_slice %arg12[%add3A_265, %dma_start3A] : memref<10240x128xf32, #tpu.memory_space<vmem_shared>> -> memref<8x128xf32, #tpu.memory_space<vmem_shared>>
      %dma_start3A_331 = arith.constant 0 : i32
      %dma_start3A_332 = tpu.memref_slice %arg12[%add3A_265, %dma_start3A_331] : memref<10240x128xf32, #tpu.memory_space<vmem_shared>> -> memref<8x128xf32, #tpu.memory_space<vmem_shared>>
      tpu.enqueue_dma source(%arg11 : memref<8x128xf32, #tpu.memory_space<vmem>>) target(%dma_start3A_332 : memref<8x128xf32, #tpu.memory_space<vmem_shared>>) target_semaphore(%run_scoped3A : memref<!tpu.dma_semaphore, #tpu.memory_space<semaphore_mem>>)
      %dma_wait3A = arith.constant 0 : i32
      %dma_wait3A_333 = tpu.memref_slice %arg12[%add3A_265, %dma_wait3A] : memref<10240x128xf32, #tpu.memory_space<vmem_shared>> -> memref<8x128xf32, #tpu.memory_space<vmem_shared>>
      %dma_wait3A_334 = arith.constant 0 : i32
      %dma_wait3A_335 = tpu.memref_slice %arg12[%add3A_265, %dma_wait3A_334] : memref<10240x128xf32, #tpu.memory_space<vmem_shared>> -> memref<8x128xf32, #tpu.memory_space<vmem_shared>>
      tpu.wait_dma2 semaphore(%run_scoped3A : memref<!tpu.dma_semaphore, #tpu.memory_space<semaphore_mem>>) src(%arg11 : memref<8x128xf32, #tpu.memory_space<vmem>>) dst(%dma_wait3A_335 : memref<8x128xf32, #tpu.memory_space<vmem_shared>>)
      tpu.yield
    }) : () -> ()
    %mul3A_266 = arith.constant 640 : i32
    %mul3A_267 = arith.muli %arg1, %mul3A_266 : i32
    %add3A_268 = arith.constant 536 : i32
    %add3A_269 = arith.addi %mul3A_267, %add3A_268 : i32
    "tpu.region"() ({
      %run_scoped3A = tpu.sem_alloc : memref<!tpu.dma_semaphore, #tpu.memory_space<semaphore_mem>>
      %dma_start3A = arith.constant 0 : i32
      %dma_start3A_330 = tpu.memref_slice %arg12[%add3A_269, %dma_start3A] : memref<10240x128xf32, #tpu.memory_space<vmem_shared>> -> memref<8x128xf32, #tpu.memory_space<vmem_shared>>
      %dma_start3A_331 = arith.constant 0 : i32
      %dma_start3A_332 = tpu.memref_slice %arg12[%add3A_269, %dma_start3A_331] : memref<10240x128xf32, #tpu.memory_space<vmem_shared>> -> memref<8x128xf32, #tpu.memory_space<vmem_shared>>
      tpu.enqueue_dma source(%arg11 : memref<8x128xf32, #tpu.memory_space<vmem>>) target(%dma_start3A_332 : memref<8x128xf32, #tpu.memory_space<vmem_shared>>) target_semaphore(%run_scoped3A : memref<!tpu.dma_semaphore, #tpu.memory_space<semaphore_mem>>)
      %dma_wait3A = arith.constant 0 : i32
      %dma_wait3A_333 = tpu.memref_slice %arg12[%add3A_269, %dma_wait3A] : memref<10240x128xf32, #tpu.memory_space<vmem_shared>> -> memref<8x128xf32, #tpu.memory_space<vmem_shared>>
      %dma_wait3A_334 = arith.constant 0 : i32
      %dma_wait3A_335 = tpu.memref_slice %arg12[%add3A_269, %dma_wait3A_334] : memref<10240x128xf32, #tpu.memory_space<vmem_shared>> -> memref<8x128xf32, #tpu.memory_space<vmem_shared>>
      tpu.wait_dma2 semaphore(%run_scoped3A : memref<!tpu.dma_semaphore, #tpu.memory_space<semaphore_mem>>) src(%arg11 : memref<8x128xf32, #tpu.memory_space<vmem>>) dst(%dma_wait3A_335 : memref<8x128xf32, #tpu.memory_space<vmem_shared>>)
      tpu.yield
    }) : () -> ()
    %mul3A_270 = arith.constant 640 : i32
    %mul3A_271 = arith.muli %arg1, %mul3A_270 : i32
    %add3A_272 = arith.constant 544 : i32
    %add3A_273 = arith.addi %mul3A_271, %add3A_272 : i32
    "tpu.region"() ({
      %run_scoped3A = tpu.sem_alloc : memref<!tpu.dma_semaphore, #tpu.memory_space<semaphore_mem>>
      %dma_start3A = arith.constant 0 : i32
      %dma_start3A_330 = tpu.memref_slice %arg12[%add3A_273, %dma_start3A] : memref<10240x128xf32, #tpu.memory_space<vmem_shared>> -> memref<8x128xf32, #tpu.memory_space<vmem_shared>>
      %dma_start3A_331 = arith.constant 0 : i32
      %dma_start3A_332 = tpu.memref_slice %arg12[%add3A_273, %dma_start3A_331] : memref<10240x128xf32, #tpu.memory_space<vmem_shared>> -> memref<8x128xf32, #tpu.memory_space<vmem_shared>>
      tpu.enqueue_dma source(%arg11 : memref<8x128xf32, #tpu.memory_space<vmem>>) target(%dma_start3A_332 : memref<8x128xf32, #tpu.memory_space<vmem_shared>>) target_semaphore(%run_scoped3A : memref<!tpu.dma_semaphore, #tpu.memory_space<semaphore_mem>>)
      %dma_wait3A = arith.constant 0 : i32
      %dma_wait3A_333 = tpu.memref_slice %arg12[%add3A_273, %dma_wait3A] : memref<10240x128xf32, #tpu.memory_space<vmem_shared>> -> memref<8x128xf32, #tpu.memory_space<vmem_shared>>
      %dma_wait3A_334 = arith.constant 0 : i32
      %dma_wait3A_335 = tpu.memref_slice %arg12[%add3A_273, %dma_wait3A_334] : memref<10240x128xf32, #tpu.memory_space<vmem_shared>> -> memref<8x128xf32, #tpu.memory_space<vmem_shared>>
      tpu.wait_dma2 semaphore(%run_scoped3A : memref<!tpu.dma_semaphore, #tpu.memory_space<semaphore_mem>>) src(%arg11 : memref<8x128xf32, #tpu.memory_space<vmem>>) dst(%dma_wait3A_335 : memref<8x128xf32, #tpu.memory_space<vmem_shared>>)
      tpu.yield
    }) : () -> ()
    %mul3A_274 = arith.constant 640 : i32
    %mul3A_275 = arith.muli %arg1, %mul3A_274 : i32
    %add3A_276 = arith.constant 552 : i32
    %add3A_277 = arith.addi %mul3A_275, %add3A_276 : i32
    "tpu.region"() ({
      %run_scoped3A = tpu.sem_alloc : memref<!tpu.dma_semaphore, #tpu.memory_space<semaphore_mem>>
      %dma_start3A = arith.constant 0 : i32
      %dma_start3A_330 = tpu.memref_slice %arg12[%add3A_277, %dma_start3A] : memref<10240x128xf32, #tpu.memory_space<vmem_shared>> -> memref<8x128xf32, #tpu.memory_space<vmem_shared>>
      %dma_start3A_331 = arith.constant 0 : i32
      %dma_start3A_332 = tpu.memref_slice %arg12[%add3A_277, %dma_start3A_331] : memref<10240x128xf32, #tpu.memory_space<vmem_shared>> -> memref<8x128xf32, #tpu.memory_space<vmem_shared>>
      tpu.enqueue_dma source(%arg11 : memref<8x128xf32, #tpu.memory_space<vmem>>) target(%dma_start3A_332 : memref<8x128xf32, #tpu.memory_space<vmem_shared>>) target_semaphore(%run_scoped3A : memref<!tpu.dma_semaphore, #tpu.memory_space<semaphore_mem>>)
      %dma_wait3A = arith.constant 0 : i32
      %dma_wait3A_333 = tpu.memref_slice %arg12[%add3A_277, %dma_wait3A] : memref<10240x128xf32, #tpu.memory_space<vmem_shared>> -> memref<8x128xf32, #tpu.memory_space<vmem_shared>>
      %dma_wait3A_334 = arith.constant 0 : i32
      %dma_wait3A_335 = tpu.memref_slice %arg12[%add3A_277, %dma_wait3A_334] : memref<10240x128xf32, #tpu.memory_space<vmem_shared>> -> memref<8x128xf32, #tpu.memory_space<vmem_shared>>
      tpu.wait_dma2 semaphore(%run_scoped3A : memref<!tpu.dma_semaphore, #tpu.memory_space<semaphore_mem>>) src(%arg11 : memref<8x128xf32, #tpu.memory_space<vmem>>) dst(%dma_wait3A_335 : memref<8x128xf32, #tpu.memory_space<vmem_shared>>)
      tpu.yield
    }) : () -> ()
    %mul3A_278 = arith.constant 640 : i32
    %mul3A_279 = arith.muli %arg1, %mul3A_278 : i32
    %add3A_280 = arith.constant 560 : i32
    %add3A_281 = arith.addi %mul3A_279, %add3A_280 : i32
    "tpu.region"() ({
      %run_scoped3A = tpu.sem_alloc : memref<!tpu.dma_semaphore, #tpu.memory_space<semaphore_mem>>
      %dma_start3A = arith.constant 0 : i32
      %dma_start3A_330 = tpu.memref_slice %arg12[%add3A_281, %dma_start3A] : memref<10240x128xf32, #tpu.memory_space<vmem_shared>> -> memref<8x128xf32, #tpu.memory_space<vmem_shared>>
      %dma_start3A_331 = arith.constant 0 : i32
      %dma_start3A_332 = tpu.memref_slice %arg12[%add3A_281, %dma_start3A_331] : memref<10240x128xf32, #tpu.memory_space<vmem_shared>> -> memref<8x128xf32, #tpu.memory_space<vmem_shared>>
      tpu.enqueue_dma source(%arg11 : memref<8x128xf32, #tpu.memory_space<vmem>>) target(%dma_start3A_332 : memref<8x128xf32, #tpu.memory_space<vmem_shared>>) target_semaphore(%run_scoped3A : memref<!tpu.dma_semaphore, #tpu.memory_space<semaphore_mem>>)
      %dma_wait3A = arith.constant 0 : i32
      %dma_wait3A_333 = tpu.memref_slice %arg12[%add3A_281, %dma_wait3A] : memref<10240x128xf32, #tpu.memory_space<vmem_shared>> -> memref<8x128xf32, #tpu.memory_space<vmem_shared>>
      %dma_wait3A_334 = arith.constant 0 : i32
      %dma_wait3A_335 = tpu.memref_slice %arg12[%add3A_281, %dma_wait3A_334] : memref<10240x128xf32, #tpu.memory_space<vmem_shared>> -> memref<8x128xf32, #tpu.memory_space<vmem_shared>>
      tpu.wait_dma2 semaphore(%run_scoped3A : memref<!tpu.dma_semaphore, #tpu.memory_space<semaphore_mem>>) src(%arg11 : memref<8x128xf32, #tpu.memory_space<vmem>>) dst(%dma_wait3A_335 : memref<8x128xf32, #tpu.memory_space<vmem_shared>>)
      tpu.yield
    }) : () -> ()
    %mul3A_282 = arith.constant 640 : i32
    %mul3A_283 = arith.muli %arg1, %mul3A_282 : i32
    %add3A_284 = arith.constant 568 : i32
    %add3A_285 = arith.addi %mul3A_283, %add3A_284 : i32
    "tpu.region"() ({
      %run_scoped3A = tpu.sem_alloc : memref<!tpu.dma_semaphore, #tpu.memory_space<semaphore_mem>>
      %dma_start3A = arith.constant 0 : i32
      %dma_start3A_330 = tpu.memref_slice %arg12[%add3A_285, %dma_start3A] : memref<10240x128xf32, #tpu.memory_space<vmem_shared>> -> memref<8x128xf32, #tpu.memory_space<vmem_shared>>
      %dma_start3A_331 = arith.constant 0 : i32
      %dma_start3A_332 = tpu.memref_slice %arg12[%add3A_285, %dma_start3A_331] : memref<10240x128xf32, #tpu.memory_space<vmem_shared>> -> memref<8x128xf32, #tpu.memory_space<vmem_shared>>
      tpu.enqueue_dma source(%arg11 : memref<8x128xf32, #tpu.memory_space<vmem>>) target(%dma_start3A_332 : memref<8x128xf32, #tpu.memory_space<vmem_shared>>) target_semaphore(%run_scoped3A : memref<!tpu.dma_semaphore, #tpu.memory_space<semaphore_mem>>)
      %dma_wait3A = arith.constant 0 : i32
      %dma_wait3A_333 = tpu.memref_slice %arg12[%add3A_285, %dma_wait3A] : memref<10240x128xf32, #tpu.memory_space<vmem_shared>> -> memref<8x128xf32, #tpu.memory_space<vmem_shared>>
      %dma_wait3A_334 = arith.constant 0 : i32
      %dma_wait3A_335 = tpu.memref_slice %arg12[%add3A_285, %dma_wait3A_334] : memref<10240x128xf32, #tpu.memory_space<vmem_shared>> -> memref<8x128xf32, #tpu.memory_space<vmem_shared>>
      tpu.wait_dma2 semaphore(%run_scoped3A : memref<!tpu.dma_semaphore, #tpu.memory_space<semaphore_mem>>) src(%arg11 : memref<8x128xf32, #tpu.memory_space<vmem>>) dst(%dma_wait3A_335 : memref<8x128xf32, #tpu.memory_space<vmem_shared>>)
      tpu.yield
    }) : () -> ()
    %mul3A_286 = arith.constant 640 : i32
    %mul3A_287 = arith.muli %arg1, %mul3A_286 : i32
    %add3A_288 = arith.constant 576 : i32
    %add3A_289 = arith.addi %mul3A_287, %add3A_288 : i32
    "tpu.region"() ({
      %run_scoped3A = tpu.sem_alloc : memref<!tpu.dma_semaphore, #tpu.memory_space<semaphore_mem>>
      %dma_start3A = arith.constant 0 : i32
      %dma_start3A_330 = tpu.memref_slice %arg12[%add3A_289, %dma_start3A] : memref<10240x128xf32, #tpu.memory_space<vmem_shared>> -> memref<8x128xf32, #tpu.memory_space<vmem_shared>>
      %dma_start3A_331 = arith.constant 0 : i32
      %dma_start3A_332 = tpu.memref_slice %arg12[%add3A_289, %dma_start3A_331] : memref<10240x128xf32, #tpu.memory_space<vmem_shared>> -> memref<8x128xf32, #tpu.memory_space<vmem_shared>>
      tpu.enqueue_dma source(%arg11 : memref<8x128xf32, #tpu.memory_space<vmem>>) target(%dma_start3A_332 : memref<8x128xf32, #tpu.memory_space<vmem_shared>>) target_semaphore(%run_scoped3A : memref<!tpu.dma_semaphore, #tpu.memory_space<semaphore_mem>>)
      %dma_wait3A = arith.constant 0 : i32
      %dma_wait3A_333 = tpu.memref_slice %arg12[%add3A_289, %dma_wait3A] : memref<10240x128xf32, #tpu.memory_space<vmem_shared>> -> memref<8x128xf32, #tpu.memory_space<vmem_shared>>
      %dma_wait3A_334 = arith.constant 0 : i32
      %dma_wait3A_335 = tpu.memref_slice %arg12[%add3A_289, %dma_wait3A_334] : memref<10240x128xf32, #tpu.memory_space<vmem_shared>> -> memref<8x128xf32, #tpu.memory_space<vmem_shared>>
      tpu.wait_dma2 semaphore(%run_scoped3A : memref<!tpu.dma_semaphore, #tpu.memory_space<semaphore_mem>>) src(%arg11 : memref<8x128xf32, #tpu.memory_space<vmem>>) dst(%dma_wait3A_335 : memref<8x128xf32, #tpu.memory_space<vmem_shared>>)
      tpu.yield
    }) : () -> ()
    %mul3A_290 = arith.constant 640 : i32
    %mul3A_291 = arith.muli %arg1, %mul3A_290 : i32
    %add3A_292 = arith.constant 584 : i32
    %add3A_293 = arith.addi %mul3A_291, %add3A_292 : i32
    "tpu.region"() ({
      %run_scoped3A = tpu.sem_alloc : memref<!tpu.dma_semaphore, #tpu.memory_space<semaphore_mem>>
      %dma_start3A = arith.constant 0 : i32
      %dma_start3A_330 = tpu.memref_slice %arg12[%add3A_293, %dma_start3A] : memref<10240x128xf32, #tpu.memory_space<vmem_shared>> -> memref<8x128xf32, #tpu.memory_space<vmem_shared>>
      %dma_start3A_331 = arith.constant 0 : i32
      %dma_start3A_332 = tpu.memref_slice %arg12[%add3A_293, %dma_start3A_331] : memref<10240x128xf32, #tpu.memory_space<vmem_shared>> -> memref<8x128xf32, #tpu.memory_space<vmem_shared>>
      tpu.enqueue_dma source(%arg11 : memref<8x128xf32, #tpu.memory_space<vmem>>) target(%dma_start3A_332 : memref<8x128xf32, #tpu.memory_space<vmem_shared>>) target_semaphore(%run_scoped3A : memref<!tpu.dma_semaphore, #tpu.memory_space<semaphore_mem>>)
      %dma_wait3A = arith.constant 0 : i32
      %dma_wait3A_333 = tpu.memref_slice %arg12[%add3A_293, %dma_wait3A] : memref<10240x128xf32, #tpu.memory_space<vmem_shared>> -> memref<8x128xf32, #tpu.memory_space<vmem_shared>>
      %dma_wait3A_334 = arith.constant 0 : i32
      %dma_wait3A_335 = tpu.memref_slice %arg12[%add3A_293, %dma_wait3A_334] : memref<10240x128xf32, #tpu.memory_space<vmem_shared>> -> memref<8x128xf32, #tpu.memory_space<vmem_shared>>
      tpu.wait_dma2 semaphore(%run_scoped3A : memref<!tpu.dma_semaphore, #tpu.memory_space<semaphore_mem>>) src(%arg11 : memref<8x128xf32, #tpu.memory_space<vmem>>) dst(%dma_wait3A_335 : memref<8x128xf32, #tpu.memory_space<vmem_shared>>)
      tpu.yield
    }) : () -> ()
    %mul3A_294 = arith.constant 640 : i32
    %mul3A_295 = arith.muli %arg1, %mul3A_294 : i32
    %add3A_296 = arith.constant 592 : i32
    %add3A_297 = arith.addi %mul3A_295, %add3A_296 : i32
    "tpu.region"() ({
      %run_scoped3A = tpu.sem_alloc : memref<!tpu.dma_semaphore, #tpu.memory_space<semaphore_mem>>
      %dma_start3A = arith.constant 0 : i32
      %dma_start3A_330 = tpu.memref_slice %arg12[%add3A_297, %dma_start3A] : memref<10240x128xf32, #tpu.memory_space<vmem_shared>> -> memref<8x128xf32, #tpu.memory_space<vmem_shared>>
      %dma_start3A_331 = arith.constant 0 : i32
      %dma_start3A_332 = tpu.memref_slice %arg12[%add3A_297, %dma_start3A_331] : memref<10240x128xf32, #tpu.memory_space<vmem_shared>> -> memref<8x128xf32, #tpu.memory_space<vmem_shared>>
      tpu.enqueue_dma source(%arg11 : memref<8x128xf32, #tpu.memory_space<vmem>>) target(%dma_start3A_332 : memref<8x128xf32, #tpu.memory_space<vmem_shared>>) target_semaphore(%run_scoped3A : memref<!tpu.dma_semaphore, #tpu.memory_space<semaphore_mem>>)
      %dma_wait3A = arith.constant 0 : i32
      %dma_wait3A_333 = tpu.memref_slice %arg12[%add3A_297, %dma_wait3A] : memref<10240x128xf32, #tpu.memory_space<vmem_shared>> -> memref<8x128xf32, #tpu.memory_space<vmem_shared>>
      %dma_wait3A_334 = arith.constant 0 : i32
      %dma_wait3A_335 = tpu.memref_slice %arg12[%add3A_297, %dma_wait3A_334] : memref<10240x128xf32, #tpu.memory_space<vmem_shared>> -> memref<8x128xf32, #tpu.memory_space<vmem_shared>>
      tpu.wait_dma2 semaphore(%run_scoped3A : memref<!tpu.dma_semaphore, #tpu.memory_space<semaphore_mem>>) src(%arg11 : memref<8x128xf32, #tpu.memory_space<vmem>>) dst(%dma_wait3A_335 : memref<8x128xf32, #tpu.memory_space<vmem_shared>>)
      tpu.yield
    }) : () -> ()
    %mul3A_298 = arith.constant 640 : i32
    %mul3A_299 = arith.muli %arg1, %mul3A_298 : i32
    %add3A_300 = arith.constant 600 : i32
    %add3A_301 = arith.addi %mul3A_299, %add3A_300 : i32
    "tpu.region"() ({
      %run_scoped3A = tpu.sem_alloc : memref<!tpu.dma_semaphore, #tpu.memory_space<semaphore_mem>>
      %dma_start3A = arith.constant 0 : i32
      %dma_start3A_330 = tpu.memref_slice %arg12[%add3A_301, %dma_start3A] : memref<10240x128xf32, #tpu.memory_space<vmem_shared>> -> memref<8x128xf32, #tpu.memory_space<vmem_shared>>
      %dma_start3A_331 = arith.constant 0 : i32
      %dma_start3A_332 = tpu.memref_slice %arg12[%add3A_301, %dma_start3A_331] : memref<10240x128xf32, #tpu.memory_space<vmem_shared>> -> memref<8x128xf32, #tpu.memory_space<vmem_shared>>
      tpu.enqueue_dma source(%arg11 : memref<8x128xf32, #tpu.memory_space<vmem>>) target(%dma_start3A_332 : memref<8x128xf32, #tpu.memory_space<vmem_shared>>) target_semaphore(%run_scoped3A : memref<!tpu.dma_semaphore, #tpu.memory_space<semaphore_mem>>)
      %dma_wait3A = arith.constant 0 : i32
      %dma_wait3A_333 = tpu.memref_slice %arg12[%add3A_301, %dma_wait3A] : memref<10240x128xf32, #tpu.memory_space<vmem_shared>> -> memref<8x128xf32, #tpu.memory_space<vmem_shared>>
      %dma_wait3A_334 = arith.constant 0 : i32
      %dma_wait3A_335 = tpu.memref_slice %arg12[%add3A_301, %dma_wait3A_334] : memref<10240x128xf32, #tpu.memory_space<vmem_shared>> -> memref<8x128xf32, #tpu.memory_space<vmem_shared>>
      tpu.wait_dma2 semaphore(%run_scoped3A : memref<!tpu.dma_semaphore, #tpu.memory_space<semaphore_mem>>) src(%arg11 : memref<8x128xf32, #tpu.memory_space<vmem>>) dst(%dma_wait3A_335 : memref<8x128xf32, #tpu.memory_space<vmem_shared>>)
      tpu.yield
    }) : () -> ()
    %mul3A_302 = arith.constant 640 : i32
    %mul3A_303 = arith.muli %arg1, %mul3A_302 : i32
    %add3A_304 = arith.constant 608 : i32
    %add3A_305 = arith.addi %mul3A_303, %add3A_304 : i32
    "tpu.region"() ({
      %run_scoped3A = tpu.sem_alloc : memref<!tpu.dma_semaphore, #tpu.memory_space<semaphore_mem>>
      %dma_start3A = arith.constant 0 : i32
      %dma_start3A_330 = tpu.memref_slice %arg12[%add3A_305, %dma_start3A] : memref<10240x128xf32, #tpu.memory_space<vmem_shared>> -> memref<8x128xf32, #tpu.memory_space<vmem_shared>>
      %dma_start3A_331 = arith.constant 0 : i32
      %dma_start3A_332 = tpu.memref_slice %arg12[%add3A_305, %dma_start3A_331] : memref<10240x128xf32, #tpu.memory_space<vmem_shared>> -> memref<8x128xf32, #tpu.memory_space<vmem_shared>>
      tpu.enqueue_dma source(%arg11 : memref<8x128xf32, #tpu.memory_space<vmem>>) target(%dma_start3A_332 : memref<8x128xf32, #tpu.memory_space<vmem_shared>>) target_semaphore(%run_scoped3A : memref<!tpu.dma_semaphore, #tpu.memory_space<semaphore_mem>>)
      %dma_wait3A = arith.constant 0 : i32
      %dma_wait3A_333 = tpu.memref_slice %arg12[%add3A_305, %dma_wait3A] : memref<10240x128xf32, #tpu.memory_space<vmem_shared>> -> memref<8x128xf32, #tpu.memory_space<vmem_shared>>
      %dma_wait3A_334 = arith.constant 0 : i32
      %dma_wait3A_335 = tpu.memref_slice %arg12[%add3A_305, %dma_wait3A_334] : memref<10240x128xf32, #tpu.memory_space<vmem_shared>> -> memref<8x128xf32, #tpu.memory_space<vmem_shared>>
      tpu.wait_dma2 semaphore(%run_scoped3A : memref<!tpu.dma_semaphore, #tpu.memory_space<semaphore_mem>>) src(%arg11 : memref<8x128xf32, #tpu.memory_space<vmem>>) dst(%dma_wait3A_335 : memref<8x128xf32, #tpu.memory_space<vmem_shared>>)
      tpu.yield
    }) : () -> ()
    %mul3A_306 = arith.constant 640 : i32
    %mul3A_307 = arith.muli %arg1, %mul3A_306 : i32
    %add3A_308 = arith.constant 616 : i32
    %add3A_309 = arith.addi %mul3A_307, %add3A_308 : i32
    "tpu.region"() ({
      %run_scoped3A = tpu.sem_alloc : memref<!tpu.dma_semaphore, #tpu.memory_space<semaphore_mem>>
      %dma_start3A = arith.constant 0 : i32
      %dma_start3A_330 = tpu.memref_slice %arg12[%add3A_309, %dma_start3A] : memref<10240x128xf32, #tpu.memory_space<vmem_shared>> -> memref<8x128xf32, #tpu.memory_space<vmem_shared>>
      %dma_start3A_331 = arith.constant 0 : i32
      %dma_start3A_332 = tpu.memref_slice %arg12[%add3A_309, %dma_start3A_331] : memref<10240x128xf32, #tpu.memory_space<vmem_shared>> -> memref<8x128xf32, #tpu.memory_space<vmem_shared>>
      tpu.enqueue_dma source(%arg11 : memref<8x128xf32, #tpu.memory_space<vmem>>) target(%dma_start3A_332 : memref<8x128xf32, #tpu.memory_space<vmem_shared>>) target_semaphore(%run_scoped3A : memref<!tpu.dma_semaphore, #tpu.memory_space<semaphore_mem>>)
      %dma_wait3A = arith.constant 0 : i32
      %dma_wait3A_333 = tpu.memref_slice %arg12[%add3A_309, %dma_wait3A] : memref<10240x128xf32, #tpu.memory_space<vmem_shared>> -> memref<8x128xf32, #tpu.memory_space<vmem_shared>>
      %dma_wait3A_334 = arith.constant 0 : i32
      %dma_wait3A_335 = tpu.memref_slice %arg12[%add3A_309, %dma_wait3A_334] : memref<10240x128xf32, #tpu.memory_space<vmem_shared>> -> memref<8x128xf32, #tpu.memory_space<vmem_shared>>
      tpu.wait_dma2 semaphore(%run_scoped3A : memref<!tpu.dma_semaphore, #tpu.memory_space<semaphore_mem>>) src(%arg11 : memref<8x128xf32, #tpu.memory_space<vmem>>) dst(%dma_wait3A_335 : memref<8x128xf32, #tpu.memory_space<vmem_shared>>)
      tpu.yield
    }) : () -> ()
    %mul3A_310 = arith.constant 640 : i32
    %mul3A_311 = arith.muli %arg1, %mul3A_310 : i32
    %add3A_312 = arith.constant 624 : i32
    %add3A_313 = arith.addi %mul3A_311, %add3A_312 : i32
    "tpu.region"() ({
      %run_scoped3A = tpu.sem_alloc : memref<!tpu.dma_semaphore, #tpu.memory_space<semaphore_mem>>
      %dma_start3A = arith.constant 0 : i32
      %dma_start3A_330 = tpu.memref_slice %arg12[%add3A_313, %dma_start3A] : memref<10240x128xf32, #tpu.memory_space<vmem_shared>> -> memref<8x128xf32, #tpu.memory_space<vmem_shared>>
      %dma_start3A_331 = arith.constant 0 : i32
      %dma_start3A_332 = tpu.memref_slice %arg12[%add3A_313, %dma_start3A_331] : memref<10240x128xf32, #tpu.memory_space<vmem_shared>> -> memref<8x128xf32, #tpu.memory_space<vmem_shared>>
      tpu.enqueue_dma source(%arg11 : memref<8x128xf32, #tpu.memory_space<vmem>>) target(%dma_start3A_332 : memref<8x128xf32, #tpu.memory_space<vmem_shared>>) target_semaphore(%run_scoped3A : memref<!tpu.dma_semaphore, #tpu.memory_space<semaphore_mem>>)
      %dma_wait3A = arith.constant 0 : i32
      %dma_wait3A_333 = tpu.memref_slice %arg12[%add3A_313, %dma_wait3A] : memref<10240x128xf32, #tpu.memory_space<vmem_shared>> -> memref<8x128xf32, #tpu.memory_space<vmem_shared>>
      %dma_wait3A_334 = arith.constant 0 : i32
      %dma_wait3A_335 = tpu.memref_slice %arg12[%add3A_313, %dma_wait3A_334] : memref<10240x128xf32, #tpu.memory_space<vmem_shared>> -> memref<8x128xf32, #tpu.memory_space<vmem_shared>>
      tpu.wait_dma2 semaphore(%run_scoped3A : memref<!tpu.dma_semaphore, #tpu.memory_space<semaphore_mem>>) src(%arg11 : memref<8x128xf32, #tpu.memory_space<vmem>>) dst(%dma_wait3A_335 : memref<8x128xf32, #tpu.memory_space<vmem_shared>>)
      tpu.yield
    }) : () -> ()
    %mul3A_314 = arith.constant 640 : i32
    %mul3A_315 = arith.muli %arg1, %mul3A_314 : i32
    %add3A_316 = arith.constant 632 : i32
    %add3A_317 = arith.addi %mul3A_315, %add3A_316 : i32
    "tpu.region"() ({
      %run_scoped3A = tpu.sem_alloc : memref<!tpu.dma_semaphore, #tpu.memory_space<semaphore_mem>>
      %dma_start3A = arith.constant 0 : i32
      %dma_start3A_330 = tpu.memref_slice %arg12[%add3A_317, %dma_start3A] : memref<10240x128xf32, #tpu.memory_space<vmem_shared>> -> memref<8x128xf32, #tpu.memory_space<vmem_shared>>
      %dma_start3A_331 = arith.constant 0 : i32
      %dma_start3A_332 = tpu.memref_slice %arg12[%add3A_317, %dma_start3A_331] : memref<10240x128xf32, #tpu.memory_space<vmem_shared>> -> memref<8x128xf32, #tpu.memory_space<vmem_shared>>
      tpu.enqueue_dma source(%arg11 : memref<8x128xf32, #tpu.memory_space<vmem>>) target(%dma_start3A_332 : memref<8x128xf32, #tpu.memory_space<vmem_shared>>) target_semaphore(%run_scoped3A : memref<!tpu.dma_semaphore, #tpu.memory_space<semaphore_mem>>)
      %dma_wait3A = arith.constant 0 : i32
      %dma_wait3A_333 = tpu.memref_slice %arg12[%add3A_317, %dma_wait3A] : memref<10240x128xf32, #tpu.memory_space<vmem_shared>> -> memref<8x128xf32, #tpu.memory_space<vmem_shared>>
      %dma_wait3A_334 = arith.constant 0 : i32
      %dma_wait3A_335 = tpu.memref_slice %arg12[%add3A_317, %dma_wait3A_334] : memref<10240x128xf32, #tpu.memory_space<vmem_shared>> -> memref<8x128xf32, #tpu.memory_space<vmem_shared>>
      tpu.wait_dma2 semaphore(%run_scoped3A : memref<!tpu.dma_semaphore, #tpu.memory_space<semaphore_mem>>) src(%arg11 : memref<8x128xf32, #tpu.memory_space<vmem>>) dst(%dma_wait3A_335 : memref<8x128xf32, #tpu.memory_space<vmem_shared>>)
      tpu.yield
    }) : () -> ()
    %barrier3A = arith.constant 0 : index
    tpu.barrier barrier_id(%barrier3A)
    %eq3A = arith.constant 0 : i32
    %eq3A_318 = arith.cmpi eq, %arg0, %eq3A : i32
    %convert_element_type3A = arith.extui %eq3A_318 : i1 to i32
    %cond3A = arith.constant 0 : i32
    %cond3A_319 = arith.cmpi ne, %convert_element_type3A, %cond3A : i32
    scf.if %cond3A_319 {
      %scan3A = arith.constant 0 : i32
      %scan3A_330 = arith.constant 0 : i32
      %scan3A_331 = arith.constant 10 : i32
      %scan3A_332 = arith.addi %scan3A_330, %scan3A_331 : i32
      %scan3A_333 = arith.constant 1 : i32
      scf.for %scan3A_335 = %scan3A_330 to %scan3A_332 step %scan3A_333  : i32 {
        %mul3A_336 = arith.constant 10000 : i32
        %mul3A_337 = arith.muli %arg1, %mul3A_336 : i32
        %mul3A_338 = arith.constant 25 : i32
        %mul3A_339 = arith.muli %scan3A_335, %mul3A_338 : i32
        %mul3A_340 = arith.constant 40 : i32
        %mul3A_341 = arith.muli %mul3A_339, %mul3A_340 : i32
        %add3A_342 = arith.addi %mul3A_337, %mul3A_341 : i32
        "tpu.region"() ({
          %run_scoped3A = tpu.sem_alloc : memref<!tpu.dma_semaphore, #tpu.memory_space<semaphore_mem>>
          %dma_start3A_398 = tpu.memref_slice %arg4[%add3A_342] : memref<160000xi32, #tpu.memory_space<hbm>> -> memref<1000xi32, #tpu.memory_space<hbm>>
          %dma_start3A_399 = tpu.memref_slice %arg4[%add3A_342] : memref<160000xi32, #tpu.memory_space<hbm>> -> memref<1000xi32, #tpu.memory_space<hbm>>
          tpu.enqueue_dma source(%dma_start3A_399 : memref<1000xi32, #tpu.memory_space<hbm>>) target(%arg8 : memref<1000xi32, #tpu.memory_space<vmem>>) target_semaphore(%run_scoped3A : memref<!tpu.dma_semaphore, #tpu.memory_space<semaphore_mem>>)
          %dma_wait3A = tpu.memref_slice %arg4[%add3A_342] : memref<160000xi32, #tpu.memory_space<hbm>> -> memref<1000xi32, #tpu.memory_space<hbm>>
          %dma_wait3A_400 = tpu.memref_slice %arg4[%add3A_342] : memref<160000xi32, #tpu.memory_space<hbm>> -> memref<1000xi32, #tpu.memory_space<hbm>>
          tpu.wait_dma2 semaphore(%run_scoped3A : memref<!tpu.dma_semaphore, #tpu.memory_space<semaphore_mem>>) src(%dma_wait3A_400 : memref<1000xi32, #tpu.memory_space<hbm>>) dst(%arg8 : memref<1000xi32, #tpu.memory_space<vmem>>)
          tpu.yield
        }) : () -> ()
        "tpu.region"() ({
          %run_scoped3A = tpu.sem_alloc : memref<!tpu.dma_semaphore, #tpu.memory_space<semaphore_mem>>
          %dma_start3A_398 = tpu.memref_slice %arg5[%add3A_342] : memref<160000xi32, #tpu.memory_space<hbm>> -> memref<1000xi32, #tpu.memory_space<hbm>>
          %dma_start3A_399 = tpu.memref_slice %arg5[%add3A_342] : memref<160000xi32, #tpu.memory_space<hbm>> -> memref<1000xi32, #tpu.memory_space<hbm>>
          tpu.enqueue_dma source(%dma_start3A_399 : memref<1000xi32, #tpu.memory_space<hbm>>) target(%arg9 : memref<1000xi32, #tpu.memory_space<vmem>>) target_semaphore(%run_scoped3A : memref<!tpu.dma_semaphore, #tpu.memory_space<semaphore_mem>>)
          %dma_wait3A = tpu.memref_slice %arg5[%add3A_342] : memref<160000xi32, #tpu.memory_space<hbm>> -> memref<1000xi32, #tpu.memory_space<hbm>>
          %dma_wait3A_400 = tpu.memref_slice %arg5[%add3A_342] : memref<160000xi32, #tpu.memory_space<hbm>> -> memref<1000xi32, #tpu.memory_space<hbm>>
          tpu.wait_dma2 semaphore(%run_scoped3A : memref<!tpu.dma_semaphore, #tpu.memory_space<semaphore_mem>>) src(%dma_wait3A_400 : memref<1000xi32, #tpu.memory_space<hbm>>) dst(%arg9 : memref<1000xi32, #tpu.memory_space<vmem>>)
          tpu.yield
        }) : () -> ()
        %dma_start3A = arith.constant 0 : i32
        %dma_start3A_343 = arith.constant 0 : i32
        %dma_start3A_344 = arith.constant 0 : i32
        %dma_start3A_345 = tpu.memref_slice %arg10[%dma_start3A, %dma_start3A_343, %dma_start3A_344] : memref<5x40x128xf32, #tpu.memory_space<vmem>> -> memref<1x40x128xf32, #tpu.memory_space<vmem>>
        %dma_start3A_346 = tpu.memref_squeeze %dma_start3A_345 : memref<1x40x128xf32, #tpu.memory_space<vmem>> -> memref<40x128xf32, #tpu.memory_space<vmem>>
        %dma_start3A_347 = arith.constant 0 : i32
        %dma_start3A_348 = tpu.memref_slice %arg8[%dma_start3A_347] : memref<1000xi32, #tpu.memory_space<vmem>> -> memref<40xi32, #tpu.memory_space<vmem>>
        %dma_start3A_349 = arith.constant 0 : i32
        %dma_start3A_350 = arith.constant 0 : i32
        %dma_start3A_351 = tpu.memref_slice %arg2[%dma_start3A_349, %dma_start3A_350] : memref<10000x128xf32, #tpu.memory_space<hbm>> -> memref<10000x128xf32, #tpu.memory_space<hbm>>
        tpu.enqueue_indirect_dma source(%dma_start3A_351 : memref<10000x128xf32, #tpu.memory_space<hbm>>) target(%dma_start3A_346 : memref<40x128xf32, #tpu.memory_space<vmem>>) offsets(%dma_start3A_348 : memref<40xi32, #tpu.memory_space<vmem>>) semaphore(%arg13 : memref<!tpu.dma_semaphore, #tpu.memory_space<semaphore_mem>>)
        %dma_start3A_352 = arith.constant 1 : i32
        %dma_start3A_353 = arith.constant 0 : i32
        %dma_start3A_354 = arith.constant 0 : i32
        %dma_start3A_355 = tpu.memref_slice %arg10[%dma_start3A_352, %dma_start3A_353, %dma_start3A_354] : memref<5x40x128xf32, #tpu.memory_space<vmem>> -> memref<1x40x128xf32, #tpu.memory_space<vmem>>
        %dma_start3A_356 = tpu.memref_squeeze %dma_start3A_355 : memref<1x40x128xf32, #tpu.memory_space<vmem>> -> memref<40x128xf32, #tpu.memory_space<vmem>>
        %dma_start3A_357 = arith.constant 40 : i32
        %dma_start3A_358 = tpu.memref_slice %arg8[%dma_start3A_357] : memref<1000xi32, #tpu.memory_space<vmem>> -> memref<40xi32, #tpu.memory_space<vmem>>
        %dma_start3A_359 = arith.constant 0 : i32
        %dma_start3A_360 = arith.constant 0 : i32
        %dma_start3A_361 = tpu.memref_slice %arg2[%dma_start3A_359, %dma_start3A_360] : memref<10000x128xf32, #tpu.memory_space<hbm>> -> memref<10000x128xf32, #tpu.memory_space<hbm>>
        tpu.enqueue_indirect_dma source(%dma_start3A_361 : memref<10000x128xf32, #tpu.memory_space<hbm>>) target(%dma_start3A_356 : memref<40x128xf32, #tpu.memory_space<vmem>>) offsets(%dma_start3A_358 : memref<40xi32, #tpu.memory_space<vmem>>) semaphore(%arg14 : memref<!tpu.dma_semaphore, #tpu.memory_space<semaphore_mem>>)
        %dma_start3A_362 = arith.constant 2 : i32
        %dma_start3A_363 = arith.constant 0 : i32
        %dma_start3A_364 = arith.constant 0 : i32
        %dma_start3A_365 = tpu.memref_slice %arg10[%dma_start3A_362, %dma_start3A_363, %dma_start3A_364] : memref<5x40x128xf32, #tpu.memory_space<vmem>> -> memref<1x40x128xf32, #tpu.memory_space<vmem>>
        %dma_start3A_366 = tpu.memref_squeeze %dma_start3A_365 : memref<1x40x128xf32, #tpu.memory_space<vmem>> -> memref<40x128xf32, #tpu.memory_space<vmem>>
        %dma_start3A_367 = arith.constant 80 : i32
        %dma_start3A_368 = tpu.memref_slice %arg8[%dma_start3A_367] : memref<1000xi32, #tpu.memory_space<vmem>> -> memref<40xi32, #tpu.memory_space<vmem>>
        %dma_start3A_369 = arith.constant 0 : i32
        %dma_start3A_370 = arith.constant 0 : i32
        %dma_start3A_371 = tpu.memref_slice %arg2[%dma_start3A_369, %dma_start3A_370] : memref<10000x128xf32, #tpu.memory_space<hbm>> -> memref<10000x128xf32, #tpu.memory_space<hbm>>
        tpu.enqueue_indirect_dma source(%dma_start3A_371 : memref<10000x128xf32, #tpu.memory_space<hbm>>) target(%dma_start3A_366 : memref<40x128xf32, #tpu.memory_space<vmem>>) offsets(%dma_start3A_368 : memref<40xi32, #tpu.memory_space<vmem>>) semaphore(%arg15 : memref<!tpu.dma_semaphore, #tpu.memory_space<semaphore_mem>>)
        %dma_start3A_372 = arith.constant 3 : i32
        %dma_start3A_373 = arith.constant 0 : i32
        %dma_start3A_374 = arith.constant 0 : i32
        %dma_start3A_375 = tpu.memref_slice %arg10[%dma_start3A_372, %dma_start3A_373, %dma_start3A_374] : memref<5x40x128xf32, #tpu.memory_space<vmem>> -> memref<1x40x128xf32, #tpu.memory_space<vmem>>
        %dma_start3A_376 = tpu.memref_squeeze %dma_start3A_375 : memref<1x40x128xf32, #tpu.memory_space<vmem>> -> memref<40x128xf32, #tpu.memory_space<vmem>>
        %dma_start3A_377 = arith.constant 120 : i32
        %dma_start3A_378 = tpu.memref_slice %arg8[%dma_start3A_377] : memref<1000xi32, #tpu.memory_space<vmem>> -> memref<40xi32, #tpu.memory_space<vmem>>
        %dma_start3A_379 = arith.constant 0 : i32
        %dma_start3A_380 = arith.constant 0 : i32
        %dma_start3A_381 = tpu.memref_slice %arg2[%dma_start3A_379, %dma_start3A_380] : memref<10000x128xf32, #tpu.memory_space<hbm>> -> memref<10000x128xf32, #tpu.memory_space<hbm>>
        tpu.enqueue_indirect_dma source(%dma_start3A_381 : memref<10000x128xf32, #tpu.memory_space<hbm>>) target(%dma_start3A_376 : memref<40x128xf32, #tpu.memory_space<vmem>>) offsets(%dma_start3A_378 : memref<40xi32, #tpu.memory_space<vmem>>) semaphore(%arg16 : memref<!tpu.dma_semaphore, #tpu.memory_space<semaphore_mem>>)
        %dma_start3A_382 = arith.constant 4 : i32
        %dma_start3A_383 = arith.constant 0 : i32
        %dma_start3A_384 = arith.constant 0 : i32
        %dma_start3A_385 = tpu.memref_slice %arg10[%dma_start3A_382, %dma_start3A_383, %dma_start3A_384] : memref<5x40x128xf32, #tpu.memory_space<vmem>> -> memref<1x40x128xf32, #tpu.memory_space<vmem>>
        %dma_start3A_386 = tpu.memref_squeeze %dma_start3A_385 : memref<1x40x128xf32, #tpu.memory_space<vmem>> -> memref<40x128xf32, #tpu.memory_space<vmem>>
        %dma_start3A_387 = arith.constant 160 : i32
        %dma_start3A_388 = tpu.memref_slice %arg8[%dma_start3A_387] : memref<1000xi32, #tpu.memory_space<vmem>> -> memref<40xi32, #tpu.memory_space<vmem>>
        %dma_start3A_389 = arith.constant 0 : i32
        %dma_start3A_390 = arith.constant 0 : i32
        %dma_start3A_391 = tpu.memref_slice %arg2[%dma_start3A_389, %dma_start3A_390] : memref<10000x128xf32, #tpu.memory_space<hbm>> -> memref<10000x128xf32, #tpu.memory_space<hbm>>
        tpu.enqueue_indirect_dma source(%dma_start3A_391 : memref<10000x128xf32, #tpu.memory_space<hbm>>) target(%dma_start3A_386 : memref<40x128xf32, #tpu.memory_space<vmem>>) offsets(%dma_start3A_388 : memref<40xi32, #tpu.memory_space<vmem>>) semaphore(%arg17 : memref<!tpu.dma_semaphore, #tpu.memory_space<semaphore_mem>>)
        %scan3A_392 = arith.constant 0 : i32
        %scan3A_393 = arith.constant 0 : i32
        %scan3A_394 = arith.constant 5 : i32
        %scan3A_395 = arith.addi %scan3A_393, %scan3A_394 : i32
        %scan3A_396 = arith.constant 1 : i32
        scf.for %scan3A_398 = %scan3A_393 to %scan3A_395 step %scan3A_396  : i32 {
          %mul3A_399 = arith.constant 5 : i32
          %mul3A_400 = arith.muli %scan3A_398, %mul3A_399 : i32
          %add3A_401 = arith.constant 0 : i32
          %add3A_402 = arith.addi %mul3A_400, %add3A_401 : i32
          %mul3A_403 = arith.constant 40 : i32
          %mul3A_404 = arith.muli %add3A_402, %mul3A_403 : i32
          %dma_wait3A = arith.constant 0 : i32
          %dma_wait3A_405 = arith.constant 0 : i32
          %dma_wait3A_406 = arith.constant 0 : i32
          %dma_wait3A_407 = tpu.memref_slice %arg10[%dma_wait3A, %dma_wait3A_405, %dma_wait3A_406] : memref<5x40x128xf32, #tpu.memory_space<vmem>> -> memref<1x40x128xf32, #tpu.memory_space<vmem>>
          %dma_wait3A_408 = tpu.memref_squeeze %dma_wait3A_407 : memref<1x40x128xf32, #tpu.memory_space<vmem>> -> memref<40x128xf32, #tpu.memory_space<vmem>>
          %dma_wait3A_409 = tpu.memref_slice %arg8[%mul3A_404] : memref<1000xi32, #tpu.memory_space<vmem>> -> memref<40xi32, #tpu.memory_space<vmem>>
          %dma_wait3A_410 = arith.constant 0 : i32
          %dma_wait3A_411 = arith.constant 0 : i32
          %dma_wait3A_412 = tpu.memref_slice %arg2[%dma_wait3A_410, %dma_wait3A_411] : memref<10000x128xf32, #tpu.memory_space<hbm>> -> memref<10000x128xf32, #tpu.memory_space<hbm>>
          tpu.wait_indirect_dma semaphore(%arg13 : memref<!tpu.dma_semaphore, #tpu.memory_space<semaphore_mem>>) src(%dma_wait3A_412 : memref<10000x128xf32, #tpu.memory_space<hbm>>) dst(%dma_wait3A_408 : memref<40x128xf32, #tpu.memory_space<vmem>>)
          %mul3A_413 = arith.constant 40 : i32
          %mul3A_414 = arith.muli %add3A_402, %mul3A_413 : i32
          %dma_start3A_415 = arith.constant 0 : i32
          %dma_start3A_416 = arith.constant 0 : i32
          %dma_start3A_417 = arith.constant 0 : i32
          %dma_start3A_418 = tpu.memref_slice %arg10[%dma_start3A_415, %dma_start3A_416, %dma_start3A_417] : memref<5x40x128xf32, #tpu.memory_space<vmem>> -> memref<1x40x128xf32, #tpu.memory_space<vmem>>
          %dma_start3A_419 = tpu.memref_squeeze %dma_start3A_418 : memref<1x40x128xf32, #tpu.memory_space<vmem>> -> memref<40x128xf32, #tpu.memory_space<vmem>>
          %dma_start3A_420 = tpu.memref_slice %arg9[%mul3A_414] : memref<1000xi32, #tpu.memory_space<vmem>> -> memref<40xi32, #tpu.memory_space<vmem>>
          %dma_start3A_421 = arith.constant 0 : i32
          %dma_start3A_422 = arith.constant 0 : i32
          %dma_start3A_423 = tpu.memref_slice %arg12[%dma_start3A_421, %dma_start3A_422] : memref<10240x128xf32, #tpu.memory_space<vmem_shared>> -> memref<10240x128xf32, #tpu.memory_space<vmem_shared>>
          tpu.enqueue_indirect_dma source(%dma_start3A_419 : memref<40x128xf32, #tpu.memory_space<vmem>>) target(%dma_start3A_423 : memref<10240x128xf32, #tpu.memory_space<vmem_shared>>) offsets(%dma_start3A_420 : memref<40xi32, #tpu.memory_space<vmem>>) semaphore(%arg18 : memref<!tpu.dma_semaphore, #tpu.memory_space<semaphore_mem>>) {add = true}
          %add3A_424 = arith.constant 1 : i32
          %add3A_425 = arith.addi %mul3A_400, %add3A_424 : i32
          %mul3A_426 = arith.constant 40 : i32
          %mul3A_427 = arith.muli %add3A_425, %mul3A_426 : i32
          %dma_wait3A_428 = arith.constant 1 : i32
          %dma_wait3A_429 = arith.constant 0 : i32
          %dma_wait3A_430 = arith.constant 0 : i32
          %dma_wait3A_431 = tpu.memref_slice %arg10[%dma_wait3A_428, %dma_wait3A_429, %dma_wait3A_430] : memref<5x40x128xf32, #tpu.memory_space<vmem>> -> memref<1x40x128xf32, #tpu.memory_space<vmem>>
          %dma_wait3A_432 = tpu.memref_squeeze %dma_wait3A_431 : memref<1x40x128xf32, #tpu.memory_space<vmem>> -> memref<40x128xf32, #tpu.memory_space<vmem>>
          %dma_wait3A_433 = tpu.memref_slice %arg8[%mul3A_427] : memref<1000xi32, #tpu.memory_space<vmem>> -> memref<40xi32, #tpu.memory_space<vmem>>
          %dma_wait3A_434 = arith.constant 0 : i32
          %dma_wait3A_435 = arith.constant 0 : i32
          %dma_wait3A_436 = tpu.memref_slice %arg2[%dma_wait3A_434, %dma_wait3A_435] : memref<10000x128xf32, #tpu.memory_space<hbm>> -> memref<10000x128xf32, #tpu.memory_space<hbm>>
          tpu.wait_indirect_dma semaphore(%arg14 : memref<!tpu.dma_semaphore, #tpu.memory_space<semaphore_mem>>) src(%dma_wait3A_436 : memref<10000x128xf32, #tpu.memory_space<hbm>>) dst(%dma_wait3A_432 : memref<40x128xf32, #tpu.memory_space<vmem>>)
          %mul3A_437 = arith.constant 40 : i32
          %mul3A_438 = arith.muli %add3A_425, %mul3A_437 : i32
          %dma_start3A_439 = arith.constant 1 : i32
          %dma_start3A_440 = arith.constant 0 : i32
          %dma_start3A_441 = arith.constant 0 : i32
          %dma_start3A_442 = tpu.memref_slice %arg10[%dma_start3A_439, %dma_start3A_440, %dma_start3A_441] : memref<5x40x128xf32, #tpu.memory_space<vmem>> -> memref<1x40x128xf32, #tpu.memory_space<vmem>>
          %dma_start3A_443 = tpu.memref_squeeze %dma_start3A_442 : memref<1x40x128xf32, #tpu.memory_space<vmem>> -> memref<40x128xf32, #tpu.memory_space<vmem>>
          %dma_start3A_444 = tpu.memref_slice %arg9[%mul3A_438] : memref<1000xi32, #tpu.memory_space<vmem>> -> memref<40xi32, #tpu.memory_space<vmem>>
          %dma_start3A_445 = arith.constant 0 : i32
          %dma_start3A_446 = arith.constant 0 : i32
          %dma_start3A_447 = tpu.memref_slice %arg12[%dma_start3A_445, %dma_start3A_446] : memref<10240x128xf32, #tpu.memory_space<vmem_shared>> -> memref<10240x128xf32, #tpu.memory_space<vmem_shared>>
          tpu.enqueue_indirect_dma source(%dma_start3A_443 : memref<40x128xf32, #tpu.memory_space<vmem>>) target(%dma_start3A_447 : memref<10240x128xf32, #tpu.memory_space<vmem_shared>>) offsets(%dma_start3A_444 : memref<40xi32, #tpu.memory_space<vmem>>) semaphore(%arg19 : memref<!tpu.dma_semaphore, #tpu.memory_space<semaphore_mem>>) {add = true}
          %add3A_448 = arith.constant 2 : i32
          %add3A_449 = arith.addi %mul3A_400, %add3A_448 : i32
          %mul3A_450 = arith.constant 40 : i32
          %mul3A_451 = arith.muli %add3A_449, %mul3A_450 : i32
          %dma_wait3A_452 = arith.constant 2 : i32
          %dma_wait3A_453 = arith.constant 0 : i32
          %dma_wait3A_454 = arith.constant 0 : i32
          %dma_wait3A_455 = tpu.memref_slice %arg10[%dma_wait3A_452, %dma_wait3A_453, %dma_wait3A_454] : memref<5x40x128xf32, #tpu.memory_space<vmem>> -> memref<1x40x128xf32, #tpu.memory_space<vmem>>
          %dma_wait3A_456 = tpu.memref_squeeze %dma_wait3A_455 : memref<1x40x128xf32, #tpu.memory_space<vmem>> -> memref<40x128xf32, #tpu.memory_space<vmem>>
          %dma_wait3A_457 = tpu.memref_slice %arg8[%mul3A_451] : memref<1000xi32, #tpu.memory_space<vmem>> -> memref<40xi32, #tpu.memory_space<vmem>>
          %dma_wait3A_458 = arith.constant 0 : i32
          %dma_wait3A_459 = arith.constant 0 : i32
          %dma_wait3A_460 = tpu.memref_slice %arg2[%dma_wait3A_458, %dma_wait3A_459] : memref<10000x128xf32, #tpu.memory_space<hbm>> -> memref<10000x128xf32, #tpu.memory_space<hbm>>
          tpu.wait_indirect_dma semaphore(%arg15 : memref<!tpu.dma_semaphore, #tpu.memory_space<semaphore_mem>>) src(%dma_wait3A_460 : memref<10000x128xf32, #tpu.memory_space<hbm>>) dst(%dma_wait3A_456 : memref<40x128xf32, #tpu.memory_space<vmem>>)
          %mul3A_461 = arith.constant 40 : i32
          %mul3A_462 = arith.muli %add3A_449, %mul3A_461 : i32
          %dma_start3A_463 = arith.constant 2 : i32
          %dma_start3A_464 = arith.constant 0 : i32
          %dma_start3A_465 = arith.constant 0 : i32
          %dma_start3A_466 = tpu.memref_slice %arg10[%dma_start3A_463, %dma_start3A_464, %dma_start3A_465] : memref<5x40x128xf32, #tpu.memory_space<vmem>> -> memref<1x40x128xf32, #tpu.memory_space<vmem>>
          %dma_start3A_467 = tpu.memref_squeeze %dma_start3A_466 : memref<1x40x128xf32, #tpu.memory_space<vmem>> -> memref<40x128xf32, #tpu.memory_space<vmem>>
          %dma_start3A_468 = tpu.memref_slice %arg9[%mul3A_462] : memref<1000xi32, #tpu.memory_space<vmem>> -> memref<40xi32, #tpu.memory_space<vmem>>
          %dma_start3A_469 = arith.constant 0 : i32
          %dma_start3A_470 = arith.constant 0 : i32
          %dma_start3A_471 = tpu.memref_slice %arg12[%dma_start3A_469, %dma_start3A_470] : memref<10240x128xf32, #tpu.memory_space<vmem_shared>> -> memref<10240x128xf32, #tpu.memory_space<vmem_shared>>
          tpu.enqueue_indirect_dma source(%dma_start3A_467 : memref<40x128xf32, #tpu.memory_space<vmem>>) target(%dma_start3A_471 : memref<10240x128xf32, #tpu.memory_space<vmem_shared>>) offsets(%dma_start3A_468 : memref<40xi32, #tpu.memory_space<vmem>>) semaphore(%arg20 : memref<!tpu.dma_semaphore, #tpu.memory_space<semaphore_mem>>) {add = true}
          %add3A_472 = arith.constant 3 : i32
          %add3A_473 = arith.addi %mul3A_400, %add3A_472 : i32
          %mul3A_474 = arith.constant 40 : i32
          %mul3A_475 = arith.muli %add3A_473, %mul3A_474 : i32
          %dma_wait3A_476 = arith.constant 3 : i32
          %dma_wait3A_477 = arith.constant 0 : i32
          %dma_wait3A_478 = arith.constant 0 : i32
          %dma_wait3A_479 = tpu.memref_slice %arg10[%dma_wait3A_476, %dma_wait3A_477, %dma_wait3A_478] : memref<5x40x128xf32, #tpu.memory_space<vmem>> -> memref<1x40x128xf32, #tpu.memory_space<vmem>>
          %dma_wait3A_480 = tpu.memref_squeeze %dma_wait3A_479 : memref<1x40x128xf32, #tpu.memory_space<vmem>> -> memref<40x128xf32, #tpu.memory_space<vmem>>
          %dma_wait3A_481 = tpu.memref_slice %arg8[%mul3A_475] : memref<1000xi32, #tpu.memory_space<vmem>> -> memref<40xi32, #tpu.memory_space<vmem>>
          %dma_wait3A_482 = arith.constant 0 : i32
          %dma_wait3A_483 = arith.constant 0 : i32
          %dma_wait3A_484 = tpu.memref_slice %arg2[%dma_wait3A_482, %dma_wait3A_483] : memref<10000x128xf32, #tpu.memory_space<hbm>> -> memref<10000x128xf32, #tpu.memory_space<hbm>>
          tpu.wait_indirect_dma semaphore(%arg16 : memref<!tpu.dma_semaphore, #tpu.memory_space<semaphore_mem>>) src(%dma_wait3A_484 : memref<10000x128xf32, #tpu.memory_space<hbm>>) dst(%dma_wait3A_480 : memref<40x128xf32, #tpu.memory_space<vmem>>)
          %mul3A_485 = arith.constant 40 : i32
          %mul3A_486 = arith.muli %add3A_473, %mul3A_485 : i32
          %dma_start3A_487 = arith.constant 3 : i32
          %dma_start3A_488 = arith.constant 0 : i32
          %dma_start3A_489 = arith.constant 0 : i32
          %dma_start3A_490 = tpu.memref_slice %arg10[%dma_start3A_487, %dma_start3A_488, %dma_start3A_489] : memref<5x40x128xf32, #tpu.memory_space<vmem>> -> memref<1x40x128xf32, #tpu.memory_space<vmem>>
          %dma_start3A_491 = tpu.memref_squeeze %dma_start3A_490 : memref<1x40x128xf32, #tpu.memory_space<vmem>> -> memref<40x128xf32, #tpu.memory_space<vmem>>
          %dma_start3A_492 = tpu.memref_slice %arg9[%mul3A_486] : memref<1000xi32, #tpu.memory_space<vmem>> -> memref<40xi32, #tpu.memory_space<vmem>>
          %dma_start3A_493 = arith.constant 0 : i32
          %dma_start3A_494 = arith.constant 0 : i32
          %dma_start3A_495 = tpu.memref_slice %arg12[%dma_start3A_493, %dma_start3A_494] : memref<10240x128xf32, #tpu.memory_space<vmem_shared>> -> memref<10240x128xf32, #tpu.memory_space<vmem_shared>>
          tpu.enqueue_indirect_dma source(%dma_start3A_491 : memref<40x128xf32, #tpu.memory_space<vmem>>) target(%dma_start3A_495 : memref<10240x128xf32, #tpu.memory_space<vmem_shared>>) offsets(%dma_start3A_492 : memref<40xi32, #tpu.memory_space<vmem>>) semaphore(%arg21 : memref<!tpu.dma_semaphore, #tpu.memory_space<semaphore_mem>>) {add = true}
          %add3A_496 = arith.constant 4 : i32
          %add3A_497 = arith.addi %mul3A_400, %add3A_496 : i32
          %mul3A_498 = arith.constant 40 : i32
          %mul3A_499 = arith.muli %add3A_497, %mul3A_498 : i32
          %dma_wait3A_500 = arith.constant 4 : i32
          %dma_wait3A_501 = arith.constant 0 : i32
          %dma_wait3A_502 = arith.constant 0 : i32
          %dma_wait3A_503 = tpu.memref_slice %arg10[%dma_wait3A_500, %dma_wait3A_501, %dma_wait3A_502] : memref<5x40x128xf32, #tpu.memory_space<vmem>> -> memref<1x40x128xf32, #tpu.memory_space<vmem>>
          %dma_wait3A_504 = tpu.memref_squeeze %dma_wait3A_503 : memref<1x40x128xf32, #tpu.memory_space<vmem>> -> memref<40x128xf32, #tpu.memory_space<vmem>>
          %dma_wait3A_505 = tpu.memref_slice %arg8[%mul3A_499] : memref<1000xi32, #tpu.memory_space<vmem>> -> memref<40xi32, #tpu.memory_space<vmem>>
          %dma_wait3A_506 = arith.constant 0 : i32
          %dma_wait3A_507 = arith.constant 0 : i32
          %dma_wait3A_508 = tpu.memref_slice %arg2[%dma_wait3A_506, %dma_wait3A_507] : memref<10000x128xf32, #tpu.memory_space<hbm>> -> memref<10000x128xf32, #tpu.memory_space<hbm>>
          tpu.wait_indirect_dma semaphore(%arg17 : memref<!tpu.dma_semaphore, #tpu.memory_space<semaphore_mem>>) src(%dma_wait3A_508 : memref<10000x128xf32, #tpu.memory_space<hbm>>) dst(%dma_wait3A_504 : memref<40x128xf32, #tpu.memory_space<vmem>>)
          %mul3A_509 = arith.constant 40 : i32
          %mul3A_510 = arith.muli %add3A_497, %mul3A_509 : i32
          %dma_start3A_511 = arith.constant 4 : i32
          %dma_start3A_512 = arith.constant 0 : i32
          %dma_start3A_513 = arith.constant 0 : i32
          %dma_start3A_514 = tpu.memref_slice %arg10[%dma_start3A_511, %dma_start3A_512, %dma_start3A_513] : memref<5x40x128xf32, #tpu.memory_space<vmem>> -> memref<1x40x128xf32, #tpu.memory_space<vmem>>
          %dma_start3A_515 = tpu.memref_squeeze %dma_start3A_514 : memref<1x40x128xf32, #tpu.memory_space<vmem>> -> memref<40x128xf32, #tpu.memory_space<vmem>>
          %dma_start3A_516 = tpu.memref_slice %arg9[%mul3A_510] : memref<1000xi32, #tpu.memory_space<vmem>> -> memref<40xi32, #tpu.memory_space<vmem>>
          %dma_start3A_517 = arith.constant 0 : i32
          %dma_start3A_518 = arith.constant 0 : i32
          %dma_start3A_519 = tpu.memref_slice %arg12[%dma_start3A_517, %dma_start3A_518] : memref<10240x128xf32, #tpu.memory_space<vmem_shared>> -> memref<10240x128xf32, #tpu.memory_space<vmem_shared>>
          tpu.enqueue_indirect_dma source(%dma_start3A_515 : memref<40x128xf32, #tpu.memory_space<vmem>>) target(%dma_start3A_519 : memref<10240x128xf32, #tpu.memory_space<vmem_shared>>) offsets(%dma_start3A_516 : memref<40xi32, #tpu.memory_space<vmem>>) semaphore(%arg22 : memref<!tpu.dma_semaphore, #tpu.memory_space<semaphore_mem>>) {add = true}
          %add3A_520 = arith.constant 0 : i32
          %add3A_521 = arith.addi %mul3A_400, %add3A_520 : i32
          %mul3A_522 = arith.constant 40 : i32
          %mul3A_523 = arith.muli %add3A_521, %mul3A_522 : i32
          %dma_wait3A_524 = arith.constant 0 : i32
          %dma_wait3A_525 = arith.constant 0 : i32
          %dma_wait3A_526 = arith.constant 0 : i32
          %dma_wait3A_527 = tpu.memref_slice %arg10[%dma_wait3A_524, %dma_wait3A_525, %dma_wait3A_526] : memref<5x40x128xf32, #tpu.memory_space<vmem>> -> memref<1x40x128xf32, #tpu.memory_space<vmem>>
          %dma_wait3A_528 = tpu.memref_squeeze %dma_wait3A_527 : memref<1x40x128xf32, #tpu.memory_space<vmem>> -> memref<40x128xf32, #tpu.memory_space<vmem>>
          %dma_wait3A_529 = tpu.memref_slice %arg9[%mul3A_523] : memref<1000xi32, #tpu.memory_space<vmem>> -> memref<40xi32, #tpu.memory_space<vmem>>
          %dma_wait3A_530 = arith.constant 0 : i32
          %dma_wait3A_531 = arith.constant 0 : i32
          %dma_wait3A_532 = tpu.memref_slice %arg12[%dma_wait3A_530, %dma_wait3A_531] : memref<10240x128xf32, #tpu.memory_space<vmem_shared>> -> memref<10240x128xf32, #tpu.memory_space<vmem_shared>>
          tpu.wait_indirect_dma semaphore(%arg18 : memref<!tpu.dma_semaphore, #tpu.memory_space<semaphore_mem>>) src(%dma_wait3A_528 : memref<40x128xf32, #tpu.memory_space<vmem>>) dst(%dma_wait3A_532 : memref<10240x128xf32, #tpu.memory_space<vmem_shared>>)
          %add3A_533 = arith.constant 5 : i32
          %add3A_534 = arith.addi %add3A_521, %add3A_533 : i32
          %lt3A = arith.constant 25 : i32
          %lt3A_535 = arith.cmpi slt, %add3A_534, %lt3A : i32
          %convert_element_type3A_536 = arith.extui %lt3A_535 : i1 to i32
          %cond3A_537 = arith.constant 0 : i32
          %cond3A_538 = arith.cmpi ne, %convert_element_type3A_536, %cond3A_537 : i32
          scf.if %cond3A_538 {
            %add3A_619 = arith.constant 5 : i32
            %add3A_620 = arith.addi %add3A_521, %add3A_619 : i32
            %mul3A_621 = arith.constant 40 : i32
            %mul3A_622 = arith.muli %add3A_620, %mul3A_621 : i32
            %dma_start3A_623 = arith.constant 0 : i32
            %dma_start3A_624 = arith.constant 0 : i32
            %dma_start3A_625 = arith.constant 0 : i32
            %dma_start3A_626 = tpu.memref_slice %arg10[%dma_start3A_623, %dma_start3A_624, %dma_start3A_625] : memref<5x40x128xf32, #tpu.memory_space<vmem>> -> memref<1x40x128xf32, #tpu.memory_space<vmem>>
            %dma_start3A_627 = tpu.memref_squeeze %dma_start3A_626 : memref<1x40x128xf32, #tpu.memory_space<vmem>> -> memref<40x128xf32, #tpu.memory_space<vmem>>
            %dma_start3A_628 = tpu.memref_slice %arg8[%mul3A_622] : memref<1000xi32, #tpu.memory_space<vmem>> -> memref<40xi32, #tpu.memory_space<vmem>>
            %dma_start3A_629 = arith.constant 0 : i32
            %dma_start3A_630 = arith.constant 0 : i32
            %dma_start3A_631 = tpu.memref_slice %arg2[%dma_start3A_629, %dma_start3A_630] : memref<10000x128xf32, #tpu.memory_space<hbm>> -> memref<10000x128xf32, #tpu.memory_space<hbm>>
            tpu.enqueue_indirect_dma source(%dma_start3A_631 : memref<10000x128xf32, #tpu.memory_space<hbm>>) target(%dma_start3A_627 : memref<40x128xf32, #tpu.memory_space<vmem>>) offsets(%dma_start3A_628 : memref<40xi32, #tpu.memory_space<vmem>>) semaphore(%arg13 : memref<!tpu.dma_semaphore, #tpu.memory_space<semaphore_mem>>)
          } else {
          }
          %add3A_539 = arith.constant 1 : i32
          %add3A_540 = arith.addi %mul3A_400, %add3A_539 : i32
          %mul3A_541 = arith.constant 40 : i32
          %mul3A_542 = arith.muli %add3A_540, %mul3A_541 : i32
          %dma_wait3A_543 = arith.constant 1 : i32
          %dma_wait3A_544 = arith.constant 0 : i32
          %dma_wait3A_545 = arith.constant 0 : i32
          %dma_wait3A_546 = tpu.memref_slice %arg10[%dma_wait3A_543, %dma_wait3A_544, %dma_wait3A_545] : memref<5x40x128xf32, #tpu.memory_space<vmem>> -> memref<1x40x128xf32, #tpu.memory_space<vmem>>
          %dma_wait3A_547 = tpu.memref_squeeze %dma_wait3A_546 : memref<1x40x128xf32, #tpu.memory_space<vmem>> -> memref<40x128xf32, #tpu.memory_space<vmem>>
          %dma_wait3A_548 = tpu.memref_slice %arg9[%mul3A_542] : memref<1000xi32, #tpu.memory_space<vmem>> -> memref<40xi32, #tpu.memory_space<vmem>>
          %dma_wait3A_549 = arith.constant 0 : i32
          %dma_wait3A_550 = arith.constant 0 : i32
          %dma_wait3A_551 = tpu.memref_slice %arg12[%dma_wait3A_549, %dma_wait3A_550] : memref<10240x128xf32, #tpu.memory_space<vmem_shared>> -> memref<10240x128xf32, #tpu.memory_space<vmem_shared>>
          tpu.wait_indirect_dma semaphore(%arg19 : memref<!tpu.dma_semaphore, #tpu.memory_space<semaphore_mem>>) src(%dma_wait3A_547 : memref<40x128xf32, #tpu.memory_space<vmem>>) dst(%dma_wait3A_551 : memref<10240x128xf32, #tpu.memory_space<vmem_shared>>)
          %add3A_552 = arith.constant 5 : i32
          %add3A_553 = arith.addi %add3A_540, %add3A_552 : i32
          %lt3A_554 = arith.constant 25 : i32
          %lt3A_555 = arith.cmpi slt, %add3A_553, %lt3A_554 : i32
          %convert_element_type3A_556 = arith.extui %lt3A_555 : i1 to i32
          %cond3A_557 = arith.constant 0 : i32
          %cond3A_558 = arith.cmpi ne, %convert_element_type3A_556, %cond3A_557 : i32
          scf.if %cond3A_558 {
            %add3A_619 = arith.constant 5 : i32
            %add3A_620 = arith.addi %add3A_540, %add3A_619 : i32
            %mul3A_621 = arith.constant 40 : i32
            %mul3A_622 = arith.muli %add3A_620, %mul3A_621 : i32
            %dma_start3A_623 = arith.constant 1 : i32
            %dma_start3A_624 = arith.constant 0 : i32
            %dma_start3A_625 = arith.constant 0 : i32
            %dma_start3A_626 = tpu.memref_slice %arg10[%dma_start3A_623, %dma_start3A_624, %dma_start3A_625] : memref<5x40x128xf32, #tpu.memory_space<vmem>> -> memref<1x40x128xf32, #tpu.memory_space<vmem>>
            %dma_start3A_627 = tpu.memref_squeeze %dma_start3A_626 : memref<1x40x128xf32, #tpu.memory_space<vmem>> -> memref<40x128xf32, #tpu.memory_space<vmem>>
            %dma_start3A_628 = tpu.memref_slice %arg8[%mul3A_622] : memref<1000xi32, #tpu.memory_space<vmem>> -> memref<40xi32, #tpu.memory_space<vmem>>
            %dma_start3A_629 = arith.constant 0 : i32
            %dma_start3A_630 = arith.constant 0 : i32
            %dma_start3A_631 = tpu.memref_slice %arg2[%dma_start3A_629, %dma_start3A_630] : memref<10000x128xf32, #tpu.memory_space<hbm>> -> memref<10000x128xf32, #tpu.memory_space<hbm>>
            tpu.enqueue_indirect_dma source(%dma_start3A_631 : memref<10000x128xf32, #tpu.memory_space<hbm>>) target(%dma_start3A_627 : memref<40x128xf32, #tpu.memory_space<vmem>>) offsets(%dma_start3A_628 : memref<40xi32, #tpu.memory_space<vmem>>) semaphore(%arg14 : memref<!tpu.dma_semaphore, #tpu.memory_space<semaphore_mem>>)
          } else {
          }
          %add3A_559 = arith.constant 2 : i32
          %add3A_560 = arith.addi %mul3A_400, %add3A_559 : i32
          %mul3A_561 = arith.constant 40 : i32
          %mul3A_562 = arith.muli %add3A_560, %mul3A_561 : i32
          %dma_wait3A_563 = arith.constant 2 : i32
          %dma_wait3A_564 = arith.constant 0 : i32
          %dma_wait3A_565 = arith.constant 0 : i32
          %dma_wait3A_566 = tpu.memref_slice %arg10[%dma_wait3A_563, %dma_wait3A_564, %dma_wait3A_565] : memref<5x40x128xf32, #tpu.memory_space<vmem>> -> memref<1x40x128xf32, #tpu.memory_space<vmem>>
          %dma_wait3A_567 = tpu.memref_squeeze %dma_wait3A_566 : memref<1x40x128xf32, #tpu.memory_space<vmem>> -> memref<40x128xf32, #tpu.memory_space<vmem>>
          %dma_wait3A_568 = tpu.memref_slice %arg9[%mul3A_562] : memref<1000xi32, #tpu.memory_space<vmem>> -> memref<40xi32, #tpu.memory_space<vmem>>
          %dma_wait3A_569 = arith.constant 0 : i32
          %dma_wait3A_570 = arith.constant 0 : i32
          %dma_wait3A_571 = tpu.memref_slice %arg12[%dma_wait3A_569, %dma_wait3A_570] : memref<10240x128xf32, #tpu.memory_space<vmem_shared>> -> memref<10240x128xf32, #tpu.memory_space<vmem_shared>>
          tpu.wait_indirect_dma semaphore(%arg20 : memref<!tpu.dma_semaphore, #tpu.memory_space<semaphore_mem>>) src(%dma_wait3A_567 : memref<40x128xf32, #tpu.memory_space<vmem>>) dst(%dma_wait3A_571 : memref<10240x128xf32, #tpu.memory_space<vmem_shared>>)
          %add3A_572 = arith.constant 5 : i32
          %add3A_573 = arith.addi %add3A_560, %add3A_572 : i32
          %lt3A_574 = arith.constant 25 : i32
          %lt3A_575 = arith.cmpi slt, %add3A_573, %lt3A_574 : i32
          %convert_element_type3A_576 = arith.extui %lt3A_575 : i1 to i32
          %cond3A_577 = arith.constant 0 : i32
          %cond3A_578 = arith.cmpi ne, %convert_element_type3A_576, %cond3A_577 : i32
          scf.if %cond3A_578 {
            %add3A_619 = arith.constant 5 : i32
            %add3A_620 = arith.addi %add3A_560, %add3A_619 : i32
            %mul3A_621 = arith.constant 40 : i32
            %mul3A_622 = arith.muli %add3A_620, %mul3A_621 : i32
            %dma_start3A_623 = arith.constant 2 : i32
            %dma_start3A_624 = arith.constant 0 : i32
            %dma_start3A_625 = arith.constant 0 : i32
            %dma_start3A_626 = tpu.memref_slice %arg10[%dma_start3A_623, %dma_start3A_624, %dma_start3A_625] : memref<5x40x128xf32, #tpu.memory_space<vmem>> -> memref<1x40x128xf32, #tpu.memory_space<vmem>>
            %dma_start3A_627 = tpu.memref_squeeze %dma_start3A_626 : memref<1x40x128xf32, #tpu.memory_space<vmem>> -> memref<40x128xf32, #tpu.memory_space<vmem>>
            %dma_start3A_628 = tpu.memref_slice %arg8[%mul3A_622] : memref<1000xi32, #tpu.memory_space<vmem>> -> memref<40xi32, #tpu.memory_space<vmem>>
            %dma_start3A_629 = arith.constant 0 : i32
            %dma_start3A_630 = arith.constant 0 : i32
            %dma_start3A_631 = tpu.memref_slice %arg2[%dma_start3A_629, %dma_start3A_630] : memref<10000x128xf32, #tpu.memory_space<hbm>> -> memref<10000x128xf32, #tpu.memory_space<hbm>>
            tpu.enqueue_indirect_dma source(%dma_start3A_631 : memref<10000x128xf32, #tpu.memory_space<hbm>>) target(%dma_start3A_627 : memref<40x128xf32, #tpu.memory_space<vmem>>) offsets(%dma_start3A_628 : memref<40xi32, #tpu.memory_space<vmem>>) semaphore(%arg15 : memref<!tpu.dma_semaphore, #tpu.memory_space<semaphore_mem>>)
          } else {
          }
          %add3A_579 = arith.constant 3 : i32
          %add3A_580 = arith.addi %mul3A_400, %add3A_579 : i32
          %mul3A_581 = arith.constant 40 : i32
          %mul3A_582 = arith.muli %add3A_580, %mul3A_581 : i32
          %dma_wait3A_583 = arith.constant 3 : i32
          %dma_wait3A_584 = arith.constant 0 : i32
          %dma_wait3A_585 = arith.constant 0 : i32
          %dma_wait3A_586 = tpu.memref_slice %arg10[%dma_wait3A_583, %dma_wait3A_584, %dma_wait3A_585] : memref<5x40x128xf32, #tpu.memory_space<vmem>> -> memref<1x40x128xf32, #tpu.memory_space<vmem>>
          %dma_wait3A_587 = tpu.memref_squeeze %dma_wait3A_586 : memref<1x40x128xf32, #tpu.memory_space<vmem>> -> memref<40x128xf32, #tpu.memory_space<vmem>>
          %dma_wait3A_588 = tpu.memref_slice %arg9[%mul3A_582] : memref<1000xi32, #tpu.memory_space<vmem>> -> memref<40xi32, #tpu.memory_space<vmem>>
          %dma_wait3A_589 = arith.constant 0 : i32
          %dma_wait3A_590 = arith.constant 0 : i32
          %dma_wait3A_591 = tpu.memref_slice %arg12[%dma_wait3A_589, %dma_wait3A_590] : memref<10240x128xf32, #tpu.memory_space<vmem_shared>> -> memref<10240x128xf32, #tpu.memory_space<vmem_shared>>
          tpu.wait_indirect_dma semaphore(%arg21 : memref<!tpu.dma_semaphore, #tpu.memory_space<semaphore_mem>>) src(%dma_wait3A_587 : memref<40x128xf32, #tpu.memory_space<vmem>>) dst(%dma_wait3A_591 : memref<10240x128xf32, #tpu.memory_space<vmem_shared>>)
          %add3A_592 = arith.constant 5 : i32
          %add3A_593 = arith.addi %add3A_580, %add3A_592 : i32
          %lt3A_594 = arith.constant 25 : i32
          %lt3A_595 = arith.cmpi slt, %add3A_593, %lt3A_594 : i32
          %convert_element_type3A_596 = arith.extui %lt3A_595 : i1 to i32
          %cond3A_597 = arith.constant 0 : i32
          %cond3A_598 = arith.cmpi ne, %convert_element_type3A_596, %cond3A_597 : i32
          scf.if %cond3A_598 {
            %add3A_619 = arith.constant 5 : i32
            %add3A_620 = arith.addi %add3A_580, %add3A_619 : i32
            %mul3A_621 = arith.constant 40 : i32
            %mul3A_622 = arith.muli %add3A_620, %mul3A_621 : i32
            %dma_start3A_623 = arith.constant 3 : i32
            %dma_start3A_624 = arith.constant 0 : i32
            %dma_start3A_625 = arith.constant 0 : i32
            %dma_start3A_626 = tpu.memref_slice %arg10[%dma_start3A_623, %dma_start3A_624, %dma_start3A_625] : memref<5x40x128xf32, #tpu.memory_space<vmem>> -> memref<1x40x128xf32, #tpu.memory_space<vmem>>
            %dma_start3A_627 = tpu.memref_squeeze %dma_start3A_626 : memref<1x40x128xf32, #tpu.memory_space<vmem>> -> memref<40x128xf32, #tpu.memory_space<vmem>>
            %dma_start3A_628 = tpu.memref_slice %arg8[%mul3A_622] : memref<1000xi32, #tpu.memory_space<vmem>> -> memref<40xi32, #tpu.memory_space<vmem>>
            %dma_start3A_629 = arith.constant 0 : i32
            %dma_start3A_630 = arith.constant 0 : i32
            %dma_start3A_631 = tpu.memref_slice %arg2[%dma_start3A_629, %dma_start3A_630] : memref<10000x128xf32, #tpu.memory_space<hbm>> -> memref<10000x128xf32, #tpu.memory_space<hbm>>
            tpu.enqueue_indirect_dma source(%dma_start3A_631 : memref<10000x128xf32, #tpu.memory_space<hbm>>) target(%dma_start3A_627 : memref<40x128xf32, #tpu.memory_space<vmem>>) offsets(%dma_start3A_628 : memref<40xi32, #tpu.memory_space<vmem>>) semaphore(%arg16 : memref<!tpu.dma_semaphore, #tpu.memory_space<semaphore_mem>>)
          } else {
          }
          %add3A_599 = arith.constant 4 : i32
          %add3A_600 = arith.addi %mul3A_400, %add3A_599 : i32
          %mul3A_601 = arith.constant 40 : i32
          %mul3A_602 = arith.muli %add3A_600, %mul3A_601 : i32
          %dma_wait3A_603 = arith.constant 4 : i32
          %dma_wait3A_604 = arith.constant 0 : i32
          %dma_wait3A_605 = arith.constant 0 : i32
          %dma_wait3A_606 = tpu.memref_slice %arg10[%dma_wait3A_603, %dma_wait3A_604, %dma_wait3A_605] : memref<5x40x128xf32, #tpu.memory_space<vmem>> -> memref<1x40x128xf32, #tpu.memory_space<vmem>>
          %dma_wait3A_607 = tpu.memref_squeeze %dma_wait3A_606 : memref<1x40x128xf32, #tpu.memory_space<vmem>> -> memref<40x128xf32, #tpu.memory_space<vmem>>
          %dma_wait3A_608 = tpu.memref_slice %arg9[%mul3A_602] : memref<1000xi32, #tpu.memory_space<vmem>> -> memref<40xi32, #tpu.memory_space<vmem>>
          %dma_wait3A_609 = arith.constant 0 : i32
          %dma_wait3A_610 = arith.constant 0 : i32
          %dma_wait3A_611 = tpu.memref_slice %arg12[%dma_wait3A_609, %dma_wait3A_610] : memref<10240x128xf32, #tpu.memory_space<vmem_shared>> -> memref<10240x128xf32, #tpu.memory_space<vmem_shared>>
          tpu.wait_indirect_dma semaphore(%arg22 : memref<!tpu.dma_semaphore, #tpu.memory_space<semaphore_mem>>) src(%dma_wait3A_607 : memref<40x128xf32, #tpu.memory_space<vmem>>) dst(%dma_wait3A_611 : memref<10240x128xf32, #tpu.memory_space<vmem_shared>>)
          %add3A_612 = arith.constant 5 : i32
          %add3A_613 = arith.addi %add3A_600, %add3A_612 : i32
          %lt3A_614 = arith.constant 25 : i32
          %lt3A_615 = arith.cmpi slt, %add3A_613, %lt3A_614 : i32
          %convert_element_type3A_616 = arith.extui %lt3A_615 : i1 to i32
          %cond3A_617 = arith.constant 0 : i32
          %cond3A_618 = arith.cmpi ne, %convert_element_type3A_616, %cond3A_617 : i32
          scf.if %cond3A_618 {
            %add3A_619 = arith.constant 5 : i32
            %add3A_620 = arith.addi %add3A_600, %add3A_619 : i32
            %mul3A_621 = arith.constant 40 : i32
            %mul3A_622 = arith.muli %add3A_620, %mul3A_621 : i32
            %dma_start3A_623 = arith.constant 4 : i32
            %dma_start3A_624 = arith.constant 0 : i32
            %dma_start3A_625 = arith.constant 0 : i32
            %dma_start3A_626 = tpu.memref_slice %arg10[%dma_start3A_623, %dma_start3A_624, %dma_start3A_625] : memref<5x40x128xf32, #tpu.memory_space<vmem>> -> memref<1x40x128xf32, #tpu.memory_space<vmem>>
            %dma_start3A_627 = tpu.memref_squeeze %dma_start3A_626 : memref<1x40x128xf32, #tpu.memory_space<vmem>> -> memref<40x128xf32, #tpu.memory_space<vmem>>
            %dma_start3A_628 = tpu.memref_slice %arg8[%mul3A_622] : memref<1000xi32, #tpu.memory_space<vmem>> -> memref<40xi32, #tpu.memory_space<vmem>>
            %dma_start3A_629 = arith.constant 0 : i32
            %dma_start3A_630 = arith.constant 0 : i32
            %dma_start3A_631 = tpu.memref_slice %arg2[%dma_start3A_629, %dma_start3A_630] : memref<10000x128xf32, #tpu.memory_space<hbm>> -> memref<10000x128xf32, #tpu.memory_space<hbm>>
            tpu.enqueue_indirect_dma source(%dma_start3A_631 : memref<10000x128xf32, #tpu.memory_space<hbm>>) target(%dma_start3A_627 : memref<40x128xf32, #tpu.memory_space<vmem>>) offsets(%dma_start3A_628 : memref<40xi32, #tpu.memory_space<vmem>>) semaphore(%arg17 : memref<!tpu.dma_semaphore, #tpu.memory_space<semaphore_mem>>)
          } else {
          }
        }
        %scan3A_397 = arith.constant 5 : i32
      }
      %scan3A_334 = arith.constant 10 : i32
    } else {
    }
    %eq3A_320 = arith.constant 1 : i32
    %eq3A_321 = arith.cmpi eq, %arg0, %eq3A_320 : i32
    %convert_element_type3A_322 = arith.extui %eq3A_321 : i1 to i32
    %cond3A_323 = arith.constant 0 : i32
    %cond3A_324 = arith.cmpi ne, %convert_element_type3A_322, %cond3A_323 : i32
    scf.if %cond3A_324 {
      %scan3A = arith.constant 0 : i32
      %scan3A_330 = arith.constant 0 : i32
      %scan3A_331 = arith.constant 10 : i32
      %scan3A_332 = arith.addi %scan3A_330, %scan3A_331 : i32
      %scan3A_333 = arith.constant 1 : i32
      scf.for %scan3A_335 = %scan3A_330 to %scan3A_332 step %scan3A_333  : i32 {
        %mul3A_336 = arith.constant 10000 : i32
        %mul3A_337 = arith.muli %arg1, %mul3A_336 : i32
        %mul3A_338 = arith.constant 25 : i32
        %mul3A_339 = arith.muli %scan3A_335, %mul3A_338 : i32
        %mul3A_340 = arith.constant 40 : i32
        %mul3A_341 = arith.muli %mul3A_339, %mul3A_340 : i32
        %add3A_342 = arith.addi %mul3A_337, %mul3A_341 : i32
        "tpu.region"() ({
          %run_scoped3A = tpu.sem_alloc : memref<!tpu.dma_semaphore, #tpu.memory_space<semaphore_mem>>
          %dma_start3A_398 = tpu.memref_slice %arg4[%add3A_342] : memref<160000xi32, #tpu.memory_space<hbm>> -> memref<1000xi32, #tpu.memory_space<hbm>>
          %dma_start3A_399 = tpu.memref_slice %arg4[%add3A_342] : memref<160000xi32, #tpu.memory_space<hbm>> -> memref<1000xi32, #tpu.memory_space<hbm>>
          tpu.enqueue_dma source(%dma_start3A_399 : memref<1000xi32, #tpu.memory_space<hbm>>) target(%arg8 : memref<1000xi32, #tpu.memory_space<vmem>>) target_semaphore(%run_scoped3A : memref<!tpu.dma_semaphore, #tpu.memory_space<semaphore_mem>>)
          %dma_wait3A = tpu.memref_slice %arg4[%add3A_342] : memref<160000xi32, #tpu.memory_space<hbm>> -> memref<1000xi32, #tpu.memory_space<hbm>>
          %dma_wait3A_400 = tpu.memref_slice %arg4[%add3A_342] : memref<160000xi32, #tpu.memory_space<hbm>> -> memref<1000xi32, #tpu.memory_space<hbm>>
          tpu.wait_dma2 semaphore(%run_scoped3A : memref<!tpu.dma_semaphore, #tpu.memory_space<semaphore_mem>>) src(%dma_wait3A_400 : memref<1000xi32, #tpu.memory_space<hbm>>) dst(%arg8 : memref<1000xi32, #tpu.memory_space<vmem>>)
          tpu.yield
        }) : () -> ()
        "tpu.region"() ({
          %run_scoped3A = tpu.sem_alloc : memref<!tpu.dma_semaphore, #tpu.memory_space<semaphore_mem>>
          %dma_start3A_398 = tpu.memref_slice %arg5[%add3A_342] : memref<160000xi32, #tpu.memory_space<hbm>> -> memref<1000xi32, #tpu.memory_space<hbm>>
          %dma_start3A_399 = tpu.memref_slice %arg5[%add3A_342] : memref<160000xi32, #tpu.memory_space<hbm>> -> memref<1000xi32, #tpu.memory_space<hbm>>
          tpu.enqueue_dma source(%dma_start3A_399 : memref<1000xi32, #tpu.memory_space<hbm>>) target(%arg9 : memref<1000xi32, #tpu.memory_space<vmem>>) target_semaphore(%run_scoped3A : memref<!tpu.dma_semaphore, #tpu.memory_space<semaphore_mem>>)
          %dma_wait3A = tpu.memref_slice %arg5[%add3A_342] : memref<160000xi32, #tpu.memory_space<hbm>> -> memref<1000xi32, #tpu.memory_space<hbm>>
          %dma_wait3A_400 = tpu.memref_slice %arg5[%add3A_342] : memref<160000xi32, #tpu.memory_space<hbm>> -> memref<1000xi32, #tpu.memory_space<hbm>>
          tpu.wait_dma2 semaphore(%run_scoped3A : memref<!tpu.dma_semaphore, #tpu.memory_space<semaphore_mem>>) src(%dma_wait3A_400 : memref<1000xi32, #tpu.memory_space<hbm>>) dst(%arg9 : memref<1000xi32, #tpu.memory_space<vmem>>)
          tpu.yield
        }) : () -> ()
        %dma_start3A = arith.constant 0 : i32
        %dma_start3A_343 = arith.constant 0 : i32
        %dma_start3A_344 = arith.constant 0 : i32
        %dma_start3A_345 = tpu.memref_slice %arg10[%dma_start3A, %dma_start3A_343, %dma_start3A_344] : memref<5x40x128xf32, #tpu.memory_space<vmem>> -> memref<1x40x128xf32, #tpu.memory_space<vmem>>
        %dma_start3A_346 = tpu.memref_squeeze %dma_start3A_345 : memref<1x40x128xf32, #tpu.memory_space<vmem>> -> memref<40x128xf32, #tpu.memory_space<vmem>>
        %dma_start3A_347 = arith.constant 0 : i32
        %dma_start3A_348 = tpu.memref_slice %arg8[%dma_start3A_347] : memref<1000xi32, #tpu.memory_space<vmem>> -> memref<40xi32, #tpu.memory_space<vmem>>
        %dma_start3A_349 = arith.constant 0 : i32
        %dma_start3A_350 = arith.constant 0 : i32
        %dma_start3A_351 = tpu.memref_slice %arg3[%dma_start3A_349, %dma_start3A_350] : memref<10000x128xf32, #tpu.memory_space<hbm>> -> memref<10000x128xf32, #tpu.memory_space<hbm>>
        tpu.enqueue_indirect_dma source(%dma_start3A_351 : memref<10000x128xf32, #tpu.memory_space<hbm>>) target(%dma_start3A_346 : memref<40x128xf32, #tpu.memory_space<vmem>>) offsets(%dma_start3A_348 : memref<40xi32, #tpu.memory_space<vmem>>) semaphore(%arg13 : memref<!tpu.dma_semaphore, #tpu.memory_space<semaphore_mem>>)
        %dma_start3A_352 = arith.constant 1 : i32
        %dma_start3A_353 = arith.constant 0 : i32
        %dma_start3A_354 = arith.constant 0 : i32
        %dma_start3A_355 = tpu.memref_slice %arg10[%dma_start3A_352, %dma_start3A_353, %dma_start3A_354] : memref<5x40x128xf32, #tpu.memory_space<vmem>> -> memref<1x40x128xf32, #tpu.memory_space<vmem>>
        %dma_start3A_356 = tpu.memref_squeeze %dma_start3A_355 : memref<1x40x128xf32, #tpu.memory_space<vmem>> -> memref<40x128xf32, #tpu.memory_space<vmem>>
        %dma_start3A_357 = arith.constant 40 : i32
        %dma_start3A_358 = tpu.memref_slice %arg8[%dma_start3A_357] : memref<1000xi32, #tpu.memory_space<vmem>> -> memref<40xi32, #tpu.memory_space<vmem>>
        %dma_start3A_359 = arith.constant 0 : i32
        %dma_start3A_360 = arith.constant 0 : i32
        %dma_start3A_361 = tpu.memref_slice %arg3[%dma_start3A_359, %dma_start3A_360] : memref<10000x128xf32, #tpu.memory_space<hbm>> -> memref<10000x128xf32, #tpu.memory_space<hbm>>
        tpu.enqueue_indirect_dma source(%dma_start3A_361 : memref<10000x128xf32, #tpu.memory_space<hbm>>) target(%dma_start3A_356 : memref<40x128xf32, #tpu.memory_space<vmem>>) offsets(%dma_start3A_358 : memref<40xi32, #tpu.memory_space<vmem>>) semaphore(%arg14 : memref<!tpu.dma_semaphore, #tpu.memory_space<semaphore_mem>>)
        %dma_start3A_362 = arith.constant 2 : i32
        %dma_start3A_363 = arith.constant 0 : i32
        %dma_start3A_364 = arith.constant 0 : i32
        %dma_start3A_365 = tpu.memref_slice %arg10[%dma_start3A_362, %dma_start3A_363, %dma_start3A_364] : memref<5x40x128xf32, #tpu.memory_space<vmem>> -> memref<1x40x128xf32, #tpu.memory_space<vmem>>
        %dma_start3A_366 = tpu.memref_squeeze %dma_start3A_365 : memref<1x40x128xf32, #tpu.memory_space<vmem>> -> memref<40x128xf32, #tpu.memory_space<vmem>>
        %dma_start3A_367 = arith.constant 80 : i32
        %dma_start3A_368 = tpu.memref_slice %arg8[%dma_start3A_367] : memref<1000xi32, #tpu.memory_space<vmem>> -> memref<40xi32, #tpu.memory_space<vmem>>
        %dma_start3A_369 = arith.constant 0 : i32
        %dma_start3A_370 = arith.constant 0 : i32
        %dma_start3A_371 = tpu.memref_slice %arg3[%dma_start3A_369, %dma_start3A_370] : memref<10000x128xf32, #tpu.memory_space<hbm>> -> memref<10000x128xf32, #tpu.memory_space<hbm>>
        tpu.enqueue_indirect_dma source(%dma_start3A_371 : memref<10000x128xf32, #tpu.memory_space<hbm>>) target(%dma_start3A_366 : memref<40x128xf32, #tpu.memory_space<vmem>>) offsets(%dma_start3A_368 : memref<40xi32, #tpu.memory_space<vmem>>) semaphore(%arg15 : memref<!tpu.dma_semaphore, #tpu.memory_space<semaphore_mem>>)
        %dma_start3A_372 = arith.constant 3 : i32
        %dma_start3A_373 = arith.constant 0 : i32
        %dma_start3A_374 = arith.constant 0 : i32
        %dma_start3A_375 = tpu.memref_slice %arg10[%dma_start3A_372, %dma_start3A_373, %dma_start3A_374] : memref<5x40x128xf32, #tpu.memory_space<vmem>> -> memref<1x40x128xf32, #tpu.memory_space<vmem>>
        %dma_start3A_376 = tpu.memref_squeeze %dma_start3A_375 : memref<1x40x128xf32, #tpu.memory_space<vmem>> -> memref<40x128xf32, #tpu.memory_space<vmem>>
        %dma_start3A_377 = arith.constant 120 : i32
        %dma_start3A_378 = tpu.memref_slice %arg8[%dma_start3A_377] : memref<1000xi32, #tpu.memory_space<vmem>> -> memref<40xi32, #tpu.memory_space<vmem>>
        %dma_start3A_379 = arith.constant 0 : i32
        %dma_start3A_380 = arith.constant 0 : i32
        %dma_start3A_381 = tpu.memref_slice %arg3[%dma_start3A_379, %dma_start3A_380] : memref<10000x128xf32, #tpu.memory_space<hbm>> -> memref<10000x128xf32, #tpu.memory_space<hbm>>
        tpu.enqueue_indirect_dma source(%dma_start3A_381 : memref<10000x128xf32, #tpu.memory_space<hbm>>) target(%dma_start3A_376 : memref<40x128xf32, #tpu.memory_space<vmem>>) offsets(%dma_start3A_378 : memref<40xi32, #tpu.memory_space<vmem>>) semaphore(%arg16 : memref<!tpu.dma_semaphore, #tpu.memory_space<semaphore_mem>>)
        %dma_start3A_382 = arith.constant 4 : i32
        %dma_start3A_383 = arith.constant 0 : i32
        %dma_start3A_384 = arith.constant 0 : i32
        %dma_start3A_385 = tpu.memref_slice %arg10[%dma_start3A_382, %dma_start3A_383, %dma_start3A_384] : memref<5x40x128xf32, #tpu.memory_space<vmem>> -> memref<1x40x128xf32, #tpu.memory_space<vmem>>
        %dma_start3A_386 = tpu.memref_squeeze %dma_start3A_385 : memref<1x40x128xf32, #tpu.memory_space<vmem>> -> memref<40x128xf32, #tpu.memory_space<vmem>>
        %dma_start3A_387 = arith.constant 160 : i32
        %dma_start3A_388 = tpu.memref_slice %arg8[%dma_start3A_387] : memref<1000xi32, #tpu.memory_space<vmem>> -> memref<40xi32, #tpu.memory_space<vmem>>
        %dma_start3A_389 = arith.constant 0 : i32
        %dma_start3A_390 = arith.constant 0 : i32
        %dma_start3A_391 = tpu.memref_slice %arg3[%dma_start3A_389, %dma_start3A_390] : memref<10000x128xf32, #tpu.memory_space<hbm>> -> memref<10000x128xf32, #tpu.memory_space<hbm>>
        tpu.enqueue_indirect_dma source(%dma_start3A_391 : memref<10000x128xf32, #tpu.memory_space<hbm>>) target(%dma_start3A_386 : memref<40x128xf32, #tpu.memory_space<vmem>>) offsets(%dma_start3A_388 : memref<40xi32, #tpu.memory_space<vmem>>) semaphore(%arg17 : memref<!tpu.dma_semaphore, #tpu.memory_space<semaphore_mem>>)
        %scan3A_392 = arith.constant 0 : i32
        %scan3A_393 = arith.constant 0 : i32
        %scan3A_394 = arith.constant 5 : i32
        %scan3A_395 = arith.addi %scan3A_393, %scan3A_394 : i32
        %scan3A_396 = arith.constant 1 : i32
        scf.for %scan3A_398 = %scan3A_393 to %scan3A_395 step %scan3A_396  : i32 {
          %mul3A_399 = arith.constant 5 : i32
          %mul3A_400 = arith.muli %scan3A_398, %mul3A_399 : i32
          %add3A_401 = arith.constant 0 : i32
          %add3A_402 = arith.addi %mul3A_400, %add3A_401 : i32
          %mul3A_403 = arith.constant 40 : i32
          %mul3A_404 = arith.muli %add3A_402, %mul3A_403 : i32
          %dma_wait3A = arith.constant 0 : i32
          %dma_wait3A_405 = arith.constant 0 : i32
          %dma_wait3A_406 = arith.constant 0 : i32
          %dma_wait3A_407 = tpu.memref_slice %arg10[%dma_wait3A, %dma_wait3A_405, %dma_wait3A_406] : memref<5x40x128xf32, #tpu.memory_space<vmem>> -> memref<1x40x128xf32, #tpu.memory_space<vmem>>
          %dma_wait3A_408 = tpu.memref_squeeze %dma_wait3A_407 : memref<1x40x128xf32, #tpu.memory_space<vmem>> -> memref<40x128xf32, #tpu.memory_space<vmem>>
          %dma_wait3A_409 = tpu.memref_slice %arg8[%mul3A_404] : memref<1000xi32, #tpu.memory_space<vmem>> -> memref<40xi32, #tpu.memory_space<vmem>>
          %dma_wait3A_410 = arith.constant 0 : i32
          %dma_wait3A_411 = arith.constant 0 : i32
          %dma_wait3A_412 = tpu.memref_slice %arg3[%dma_wait3A_410, %dma_wait3A_411] : memref<10000x128xf32, #tpu.memory_space<hbm>> -> memref<10000x128xf32, #tpu.memory_space<hbm>>
          tpu.wait_indirect_dma semaphore(%arg13 : memref<!tpu.dma_semaphore, #tpu.memory_space<semaphore_mem>>) src(%dma_wait3A_412 : memref<10000x128xf32, #tpu.memory_space<hbm>>) dst(%dma_wait3A_408 : memref<40x128xf32, #tpu.memory_space<vmem>>)
          %mul3A_413 = arith.constant 40 : i32
          %mul3A_414 = arith.muli %add3A_402, %mul3A_413 : i32
          %dma_start3A_415 = arith.constant 0 : i32
          %dma_start3A_416 = arith.constant 0 : i32
          %dma_start3A_417 = arith.constant 0 : i32
          %dma_start3A_418 = tpu.memref_slice %arg10[%dma_start3A_415, %dma_start3A_416, %dma_start3A_417] : memref<5x40x128xf32, #tpu.memory_space<vmem>> -> memref<1x40x128xf32, #tpu.memory_space<vmem>>
          %dma_start3A_419 = tpu.memref_squeeze %dma_start3A_418 : memref<1x40x128xf32, #tpu.memory_space<vmem>> -> memref<40x128xf32, #tpu.memory_space<vmem>>
          %dma_start3A_420 = tpu.memref_slice %arg9[%mul3A_414] : memref<1000xi32, #tpu.memory_space<vmem>> -> memref<40xi32, #tpu.memory_space<vmem>>
          %dma_start3A_421 = arith.constant 0 : i32
          %dma_start3A_422 = arith.constant 0 : i32
          %dma_start3A_423 = tpu.memref_slice %arg12[%dma_start3A_421, %dma_start3A_422] : memref<10240x128xf32, #tpu.memory_space<vmem_shared>> -> memref<10240x128xf32, #tpu.memory_space<vmem_shared>>
          tpu.enqueue_indirect_dma source(%dma_start3A_419 : memref<40x128xf32, #tpu.memory_space<vmem>>) target(%dma_start3A_423 : memref<10240x128xf32, #tpu.memory_space<vmem_shared>>) offsets(%dma_start3A_420 : memref<40xi32, #tpu.memory_space<vmem>>) semaphore(%arg18 : memref<!tpu.dma_semaphore, #tpu.memory_space<semaphore_mem>>) {add = true}
          %add3A_424 = arith.constant 1 : i32
          %add3A_425 = arith.addi %mul3A_400, %add3A_424 : i32
          %mul3A_426 = arith.constant 40 : i32
          %mul3A_427 = arith.muli %add3A_425, %mul3A_426 : i32
          %dma_wait3A_428 = arith.constant 1 : i32
          %dma_wait3A_429 = arith.constant 0 : i32
          %dma_wait3A_430 = arith.constant 0 : i32
          %dma_wait3A_431 = tpu.memref_slice %arg10[%dma_wait3A_428, %dma_wait3A_429, %dma_wait3A_430] : memref<5x40x128xf32, #tpu.memory_space<vmem>> -> memref<1x40x128xf32, #tpu.memory_space<vmem>>
          %dma_wait3A_432 = tpu.memref_squeeze %dma_wait3A_431 : memref<1x40x128xf32, #tpu.memory_space<vmem>> -> memref<40x128xf32, #tpu.memory_space<vmem>>
          %dma_wait3A_433 = tpu.memref_slice %arg8[%mul3A_427] : memref<1000xi32, #tpu.memory_space<vmem>> -> memref<40xi32, #tpu.memory_space<vmem>>
          %dma_wait3A_434 = arith.constant 0 : i32
          %dma_wait3A_435 = arith.constant 0 : i32
          %dma_wait3A_436 = tpu.memref_slice %arg3[%dma_wait3A_434, %dma_wait3A_435] : memref<10000x128xf32, #tpu.memory_space<hbm>> -> memref<10000x128xf32, #tpu.memory_space<hbm>>
          tpu.wait_indirect_dma semaphore(%arg14 : memref<!tpu.dma_semaphore, #tpu.memory_space<semaphore_mem>>) src(%dma_wait3A_436 : memref<10000x128xf32, #tpu.memory_space<hbm>>) dst(%dma_wait3A_432 : memref<40x128xf32, #tpu.memory_space<vmem>>)
          %mul3A_437 = arith.constant 40 : i32
          %mul3A_438 = arith.muli %add3A_425, %mul3A_437 : i32
          %dma_start3A_439 = arith.constant 1 : i32
          %dma_start3A_440 = arith.constant 0 : i32
          %dma_start3A_441 = arith.constant 0 : i32
          %dma_start3A_442 = tpu.memref_slice %arg10[%dma_start3A_439, %dma_start3A_440, %dma_start3A_441] : memref<5x40x128xf32, #tpu.memory_space<vmem>> -> memref<1x40x128xf32, #tpu.memory_space<vmem>>
          %dma_start3A_443 = tpu.memref_squeeze %dma_start3A_442 : memref<1x40x128xf32, #tpu.memory_space<vmem>> -> memref<40x128xf32, #tpu.memory_space<vmem>>
          %dma_start3A_444 = tpu.memref_slice %arg9[%mul3A_438] : memref<1000xi32, #tpu.memory_space<vmem>> -> memref<40xi32, #tpu.memory_space<vmem>>
          %dma_start3A_445 = arith.constant 0 : i32
          %dma_start3A_446 = arith.constant 0 : i32
          %dma_start3A_447 = tpu.memref_slice %arg12[%dma_start3A_445, %dma_start3A_446] : memref<10240x128xf32, #tpu.memory_space<vmem_shared>> -> memref<10240x128xf32, #tpu.memory_space<vmem_shared>>
          tpu.enqueue_indirect_dma source(%dma_start3A_443 : memref<40x128xf32, #tpu.memory_space<vmem>>) target(%dma_start3A_447 : memref<10240x128xf32, #tpu.memory_space<vmem_shared>>) offsets(%dma_start3A_444 : memref<40xi32, #tpu.memory_space<vmem>>) semaphore(%arg19 : memref<!tpu.dma_semaphore, #tpu.memory_space<semaphore_mem>>) {add = true}
          %add3A_448 = arith.constant 2 : i32
          %add3A_449 = arith.addi %mul3A_400, %add3A_448 : i32
          %mul3A_450 = arith.constant 40 : i32
          %mul3A_451 = arith.muli %add3A_449, %mul3A_450 : i32
          %dma_wait3A_452 = arith.constant 2 : i32
          %dma_wait3A_453 = arith.constant 0 : i32
          %dma_wait3A_454 = arith.constant 0 : i32
          %dma_wait3A_455 = tpu.memref_slice %arg10[%dma_wait3A_452, %dma_wait3A_453, %dma_wait3A_454] : memref<5x40x128xf32, #tpu.memory_space<vmem>> -> memref<1x40x128xf32, #tpu.memory_space<vmem>>
          %dma_wait3A_456 = tpu.memref_squeeze %dma_wait3A_455 : memref<1x40x128xf32, #tpu.memory_space<vmem>> -> memref<40x128xf32, #tpu.memory_space<vmem>>
          %dma_wait3A_457 = tpu.memref_slice %arg8[%mul3A_451] : memref<1000xi32, #tpu.memory_space<vmem>> -> memref<40xi32, #tpu.memory_space<vmem>>
          %dma_wait3A_458 = arith.constant 0 : i32
          %dma_wait3A_459 = arith.constant 0 : i32
          %dma_wait3A_460 = tpu.memref_slice %arg3[%dma_wait3A_458, %dma_wait3A_459] : memref<10000x128xf32, #tpu.memory_space<hbm>> -> memref<10000x128xf32, #tpu.memory_space<hbm>>
          tpu.wait_indirect_dma semaphore(%arg15 : memref<!tpu.dma_semaphore, #tpu.memory_space<semaphore_mem>>) src(%dma_wait3A_460 : memref<10000x128xf32, #tpu.memory_space<hbm>>) dst(%dma_wait3A_456 : memref<40x128xf32, #tpu.memory_space<vmem>>)
          %mul3A_461 = arith.constant 40 : i32
          %mul3A_462 = arith.muli %add3A_449, %mul3A_461 : i32
          %dma_start3A_463 = arith.constant 2 : i32
          %dma_start3A_464 = arith.constant 0 : i32
          %dma_start3A_465 = arith.constant 0 : i32
          %dma_start3A_466 = tpu.memref_slice %arg10[%dma_start3A_463, %dma_start3A_464, %dma_start3A_465] : memref<5x40x128xf32, #tpu.memory_space<vmem>> -> memref<1x40x128xf32, #tpu.memory_space<vmem>>
          %dma_start3A_467 = tpu.memref_squeeze %dma_start3A_466 : memref<1x40x128xf32, #tpu.memory_space<vmem>> -> memref<40x128xf32, #tpu.memory_space<vmem>>
          %dma_start3A_468 = tpu.memref_slice %arg9[%mul3A_462] : memref<1000xi32, #tpu.memory_space<vmem>> -> memref<40xi32, #tpu.memory_space<vmem>>
          %dma_start3A_469 = arith.constant 0 : i32
          %dma_start3A_470 = arith.constant 0 : i32
          %dma_start3A_471 = tpu.memref_slice %arg12[%dma_start3A_469, %dma_start3A_470] : memref<10240x128xf32, #tpu.memory_space<vmem_shared>> -> memref<10240x128xf32, #tpu.memory_space<vmem_shared>>
          tpu.enqueue_indirect_dma source(%dma_start3A_467 : memref<40x128xf32, #tpu.memory_space<vmem>>) target(%dma_start3A_471 : memref<10240x128xf32, #tpu.memory_space<vmem_shared>>) offsets(%dma_start3A_468 : memref<40xi32, #tpu.memory_space<vmem>>) semaphore(%arg20 : memref<!tpu.dma_semaphore, #tpu.memory_space<semaphore_mem>>) {add = true}
          %add3A_472 = arith.constant 3 : i32
          %add3A_473 = arith.addi %mul3A_400, %add3A_472 : i32
          %mul3A_474 = arith.constant 40 : i32
          %mul3A_475 = arith.muli %add3A_473, %mul3A_474 : i32
          %dma_wait3A_476 = arith.constant 3 : i32
          %dma_wait3A_477 = arith.constant 0 : i32
          %dma_wait3A_478 = arith.constant 0 : i32
          %dma_wait3A_479 = tpu.memref_slice %arg10[%dma_wait3A_476, %dma_wait3A_477, %dma_wait3A_478] : memref<5x40x128xf32, #tpu.memory_space<vmem>> -> memref<1x40x128xf32, #tpu.memory_space<vmem>>
          %dma_wait3A_480 = tpu.memref_squeeze %dma_wait3A_479 : memref<1x40x128xf32, #tpu.memory_space<vmem>> -> memref<40x128xf32, #tpu.memory_space<vmem>>
          %dma_wait3A_481 = tpu.memref_slice %arg8[%mul3A_475] : memref<1000xi32, #tpu.memory_space<vmem>> -> memref<40xi32, #tpu.memory_space<vmem>>
          %dma_wait3A_482 = arith.constant 0 : i32
          %dma_wait3A_483 = arith.constant 0 : i32
          %dma_wait3A_484 = tpu.memref_slice %arg3[%dma_wait3A_482, %dma_wait3A_483] : memref<10000x128xf32, #tpu.memory_space<hbm>> -> memref<10000x128xf32, #tpu.memory_space<hbm>>
          tpu.wait_indirect_dma semaphore(%arg16 : memref<!tpu.dma_semaphore, #tpu.memory_space<semaphore_mem>>) src(%dma_wait3A_484 : memref<10000x128xf32, #tpu.memory_space<hbm>>) dst(%dma_wait3A_480 : memref<40x128xf32, #tpu.memory_space<vmem>>)
          %mul3A_485 = arith.constant 40 : i32
          %mul3A_486 = arith.muli %add3A_473, %mul3A_485 : i32
          %dma_start3A_487 = arith.constant 3 : i32
          %dma_start3A_488 = arith.constant 0 : i32
          %dma_start3A_489 = arith.constant 0 : i32
          %dma_start3A_490 = tpu.memref_slice %arg10[%dma_start3A_487, %dma_start3A_488, %dma_start3A_489] : memref<5x40x128xf32, #tpu.memory_space<vmem>> -> memref<1x40x128xf32, #tpu.memory_space<vmem>>
          %dma_start3A_491 = tpu.memref_squeeze %dma_start3A_490 : memref<1x40x128xf32, #tpu.memory_space<vmem>> -> memref<40x128xf32, #tpu.memory_space<vmem>>
          %dma_start3A_492 = tpu.memref_slice %arg9[%mul3A_486] : memref<1000xi32, #tpu.memory_space<vmem>> -> memref<40xi32, #tpu.memory_space<vmem>>
          %dma_start3A_493 = arith.constant 0 : i32
          %dma_start3A_494 = arith.constant 0 : i32
          %dma_start3A_495 = tpu.memref_slice %arg12[%dma_start3A_493, %dma_start3A_494] : memref<10240x128xf32, #tpu.memory_space<vmem_shared>> -> memref<10240x128xf32, #tpu.memory_space<vmem_shared>>
          tpu.enqueue_indirect_dma source(%dma_start3A_491 : memref<40x128xf32, #tpu.memory_space<vmem>>) target(%dma_start3A_495 : memref<10240x128xf32, #tpu.memory_space<vmem_shared>>) offsets(%dma_start3A_492 : memref<40xi32, #tpu.memory_space<vmem>>) semaphore(%arg21 : memref<!tpu.dma_semaphore, #tpu.memory_space<semaphore_mem>>) {add = true}
          %add3A_496 = arith.constant 4 : i32
          %add3A_497 = arith.addi %mul3A_400, %add3A_496 : i32
          %mul3A_498 = arith.constant 40 : i32
          %mul3A_499 = arith.muli %add3A_497, %mul3A_498 : i32
          %dma_wait3A_500 = arith.constant 4 : i32
          %dma_wait3A_501 = arith.constant 0 : i32
          %dma_wait3A_502 = arith.constant 0 : i32
          %dma_wait3A_503 = tpu.memref_slice %arg10[%dma_wait3A_500, %dma_wait3A_501, %dma_wait3A_502] : memref<5x40x128xf32, #tpu.memory_space<vmem>> -> memref<1x40x128xf32, #tpu.memory_space<vmem>>
          %dma_wait3A_504 = tpu.memref_squeeze %dma_wait3A_503 : memref<1x40x128xf32, #tpu.memory_space<vmem>> -> memref<40x128xf32, #tpu.memory_space<vmem>>
          %dma_wait3A_505 = tpu.memref_slice %arg8[%mul3A_499] : memref<1000xi32, #tpu.memory_space<vmem>> -> memref<40xi32, #tpu.memory_space<vmem>>
          %dma_wait3A_506 = arith.constant 0 : i32
          %dma_wait3A_507 = arith.constant 0 : i32
          %dma_wait3A_508 = tpu.memref_slice %arg3[%dma_wait3A_506, %dma_wait3A_507] : memref<10000x128xf32, #tpu.memory_space<hbm>> -> memref<10000x128xf32, #tpu.memory_space<hbm>>
          tpu.wait_indirect_dma semaphore(%arg17 : memref<!tpu.dma_semaphore, #tpu.memory_space<semaphore_mem>>) src(%dma_wait3A_508 : memref<10000x128xf32, #tpu.memory_space<hbm>>) dst(%dma_wait3A_504 : memref<40x128xf32, #tpu.memory_space<vmem>>)
          %mul3A_509 = arith.constant 40 : i32
          %mul3A_510 = arith.muli %add3A_497, %mul3A_509 : i32
          %dma_start3A_511 = arith.constant 4 : i32
          %dma_start3A_512 = arith.constant 0 : i32
          %dma_start3A_513 = arith.constant 0 : i32
          %dma_start3A_514 = tpu.memref_slice %arg10[%dma_start3A_511, %dma_start3A_512, %dma_start3A_513] : memref<5x40x128xf32, #tpu.memory_space<vmem>> -> memref<1x40x128xf32, #tpu.memory_space<vmem>>
          %dma_start3A_515 = tpu.memref_squeeze %dma_start3A_514 : memref<1x40x128xf32, #tpu.memory_space<vmem>> -> memref<40x128xf32, #tpu.memory_space<vmem>>
          %dma_start3A_516 = tpu.memref_slice %arg9[%mul3A_510] : memref<1000xi32, #tpu.memory_space<vmem>> -> memref<40xi32, #tpu.memory_space<vmem>>
          %dma_start3A_517 = arith.constant 0 : i32
          %dma_start3A_518 = arith.constant 0 : i32
          %dma_start3A_519 = tpu.memref_slice %arg12[%dma_start3A_517, %dma_start3A_518] : memref<10240x128xf32, #tpu.memory_space<vmem_shared>> -> memref<10240x128xf32, #tpu.memory_space<vmem_shared>>
          tpu.enqueue_indirect_dma source(%dma_start3A_515 : memref<40x128xf32, #tpu.memory_space<vmem>>) target(%dma_start3A_519 : memref<10240x128xf32, #tpu.memory_space<vmem_shared>>) offsets(%dma_start3A_516 : memref<40xi32, #tpu.memory_space<vmem>>) semaphore(%arg22 : memref<!tpu.dma_semaphore, #tpu.memory_space<semaphore_mem>>) {add = true}
          %add3A_520 = arith.constant 0 : i32
          %add3A_521 = arith.addi %mul3A_400, %add3A_520 : i32
          %mul3A_522 = arith.constant 40 : i32
          %mul3A_523 = arith.muli %add3A_521, %mul3A_522 : i32
          %dma_wait3A_524 = arith.constant 0 : i32
          %dma_wait3A_525 = arith.constant 0 : i32
          %dma_wait3A_526 = arith.constant 0 : i32
          %dma_wait3A_527 = tpu.memref_slice %arg10[%dma_wait3A_524, %dma_wait3A_525, %dma_wait3A_526] : memref<5x40x128xf32, #tpu.memory_space<vmem>> -> memref<1x40x128xf32, #tpu.memory_space<vmem>>
          %dma_wait3A_528 = tpu.memref_squeeze %dma_wait3A_527 : memref<1x40x128xf32, #tpu.memory_space<vmem>> -> memref<40x128xf32, #tpu.memory_space<vmem>>
          %dma_wait3A_529 = tpu.memref_slice %arg9[%mul3A_523] : memref<1000xi32, #tpu.memory_space<vmem>> -> memref<40xi32, #tpu.memory_space<vmem>>
          %dma_wait3A_530 = arith.constant 0 : i32
          %dma_wait3A_531 = arith.constant 0 : i32
          %dma_wait3A_532 = tpu.memref_slice %arg12[%dma_wait3A_530, %dma_wait3A_531] : memref<10240x128xf32, #tpu.memory_space<vmem_shared>> -> memref<10240x128xf32, #tpu.memory_space<vmem_shared>>
          tpu.wait_indirect_dma semaphore(%arg18 : memref<!tpu.dma_semaphore, #tpu.memory_space<semaphore_mem>>) src(%dma_wait3A_528 : memref<40x128xf32, #tpu.memory_space<vmem>>) dst(%dma_wait3A_532 : memref<10240x128xf32, #tpu.memory_space<vmem_shared>>)
          %add3A_533 = arith.constant 5 : i32
          %add3A_534 = arith.addi %add3A_521, %add3A_533 : i32
          %lt3A = arith.constant 25 : i32
          %lt3A_535 = arith.cmpi slt, %add3A_534, %lt3A : i32
          %convert_element_type3A_536 = arith.extui %lt3A_535 : i1 to i32
          %cond3A_537 = arith.constant 0 : i32
          %cond3A_538 = arith.cmpi ne, %convert_element_type3A_536, %cond3A_537 : i32
          scf.if %cond3A_538 {
            %add3A_619 = arith.constant 5 : i32
            %add3A_620 = arith.addi %add3A_521, %add3A_619 : i32
            %mul3A_621 = arith.constant 40 : i32
            %mul3A_622 = arith.muli %add3A_620, %mul3A_621 : i32
            %dma_start3A_623 = arith.constant 0 : i32
            %dma_start3A_624 = arith.constant 0 : i32
            %dma_start3A_625 = arith.constant 0 : i32
            %dma_start3A_626 = tpu.memref_slice %arg10[%dma_start3A_623, %dma_start3A_624, %dma_start3A_625] : memref<5x40x128xf32, #tpu.memory_space<vmem>> -> memref<1x40x128xf32, #tpu.memory_space<vmem>>
            %dma_start3A_627 = tpu.memref_squeeze %dma_start3A_626 : memref<1x40x128xf32, #tpu.memory_space<vmem>> -> memref<40x128xf32, #tpu.memory_space<vmem>>
            %dma_start3A_628 = tpu.memref_slice %arg8[%mul3A_622] : memref<1000xi32, #tpu.memory_space<vmem>> -> memref<40xi32, #tpu.memory_space<vmem>>
            %dma_start3A_629 = arith.constant 0 : i32
            %dma_start3A_630 = arith.constant 0 : i32
            %dma_start3A_631 = tpu.memref_slice %arg3[%dma_start3A_629, %dma_start3A_630] : memref<10000x128xf32, #tpu.memory_space<hbm>> -> memref<10000x128xf32, #tpu.memory_space<hbm>>
            tpu.enqueue_indirect_dma source(%dma_start3A_631 : memref<10000x128xf32, #tpu.memory_space<hbm>>) target(%dma_start3A_627 : memref<40x128xf32, #tpu.memory_space<vmem>>) offsets(%dma_start3A_628 : memref<40xi32, #tpu.memory_space<vmem>>) semaphore(%arg13 : memref<!tpu.dma_semaphore, #tpu.memory_space<semaphore_mem>>)
          } else {
          }
          %add3A_539 = arith.constant 1 : i32
          %add3A_540 = arith.addi %mul3A_400, %add3A_539 : i32
          %mul3A_541 = arith.constant 40 : i32
          %mul3A_542 = arith.muli %add3A_540, %mul3A_541 : i32
          %dma_wait3A_543 = arith.constant 1 : i32
          %dma_wait3A_544 = arith.constant 0 : i32
          %dma_wait3A_545 = arith.constant 0 : i32
          %dma_wait3A_546 = tpu.memref_slice %arg10[%dma_wait3A_543, %dma_wait3A_544, %dma_wait3A_545] : memref<5x40x128xf32, #tpu.memory_space<vmem>> -> memref<1x40x128xf32, #tpu.memory_space<vmem>>
          %dma_wait3A_547 = tpu.memref_squeeze %dma_wait3A_546 : memref<1x40x128xf32, #tpu.memory_space<vmem>> -> memref<40x128xf32, #tpu.memory_space<vmem>>
          %dma_wait3A_548 = tpu.memref_slice %arg9[%mul3A_542] : memref<1000xi32, #tpu.memory_space<vmem>> -> memref<40xi32, #tpu.memory_space<vmem>>
          %dma_wait3A_549 = arith.constant 0 : i32
          %dma_wait3A_550 = arith.constant 0 : i32
          %dma_wait3A_551 = tpu.memref_slice %arg12[%dma_wait3A_549, %dma_wait3A_550] : memref<10240x128xf32, #tpu.memory_space<vmem_shared>> -> memref<10240x128xf32, #tpu.memory_space<vmem_shared>>
          tpu.wait_indirect_dma semaphore(%arg19 : memref<!tpu.dma_semaphore, #tpu.memory_space<semaphore_mem>>) src(%dma_wait3A_547 : memref<40x128xf32, #tpu.memory_space<vmem>>) dst(%dma_wait3A_551 : memref<10240x128xf32, #tpu.memory_space<vmem_shared>>)
          %add3A_552 = arith.constant 5 : i32
          %add3A_553 = arith.addi %add3A_540, %add3A_552 : i32
          %lt3A_554 = arith.constant 25 : i32
          %lt3A_555 = arith.cmpi slt, %add3A_553, %lt3A_554 : i32
          %convert_element_type3A_556 = arith.extui %lt3A_555 : i1 to i32
          %cond3A_557 = arith.constant 0 : i32
          %cond3A_558 = arith.cmpi ne, %convert_element_type3A_556, %cond3A_557 : i32
          scf.if %cond3A_558 {
            %add3A_619 = arith.constant 5 : i32
            %add3A_620 = arith.addi %add3A_540, %add3A_619 : i32
            %mul3A_621 = arith.constant 40 : i32
            %mul3A_622 = arith.muli %add3A_620, %mul3A_621 : i32
            %dma_start3A_623 = arith.constant 1 : i32
            %dma_start3A_624 = arith.constant 0 : i32
            %dma_start3A_625 = arith.constant 0 : i32
            %dma_start3A_626 = tpu.memref_slice %arg10[%dma_start3A_623, %dma_start3A_624, %dma_start3A_625] : memref<5x40x128xf32, #tpu.memory_space<vmem>> -> memref<1x40x128xf32, #tpu.memory_space<vmem>>
            %dma_start3A_627 = tpu.memref_squeeze %dma_start3A_626 : memref<1x40x128xf32, #tpu.memory_space<vmem>> -> memref<40x128xf32, #tpu.memory_space<vmem>>
            %dma_start3A_628 = tpu.memref_slice %arg8[%mul3A_622] : memref<1000xi32, #tpu.memory_space<vmem>> -> memref<40xi32, #tpu.memory_space<vmem>>
            %dma_start3A_629 = arith.constant 0 : i32
            %dma_start3A_630 = arith.constant 0 : i32
            %dma_start3A_631 = tpu.memref_slice %arg3[%dma_start3A_629, %dma_start3A_630] : memref<10000x128xf32, #tpu.memory_space<hbm>> -> memref<10000x128xf32, #tpu.memory_space<hbm>>
            tpu.enqueue_indirect_dma source(%dma_start3A_631 : memref<10000x128xf32, #tpu.memory_space<hbm>>) target(%dma_start3A_627 : memref<40x128xf32, #tpu.memory_space<vmem>>) offsets(%dma_start3A_628 : memref<40xi32, #tpu.memory_space<vmem>>) semaphore(%arg14 : memref<!tpu.dma_semaphore, #tpu.memory_space<semaphore_mem>>)
          } else {
          }
          %add3A_559 = arith.constant 2 : i32
          %add3A_560 = arith.addi %mul3A_400, %add3A_559 : i32
          %mul3A_561 = arith.constant 40 : i32
          %mul3A_562 = arith.muli %add3A_560, %mul3A_561 : i32
          %dma_wait3A_563 = arith.constant 2 : i32
          %dma_wait3A_564 = arith.constant 0 : i32
          %dma_wait3A_565 = arith.constant 0 : i32
          %dma_wait3A_566 = tpu.memref_slice %arg10[%dma_wait3A_563, %dma_wait3A_564, %dma_wait3A_565] : memref<5x40x128xf32, #tpu.memory_space<vmem>> -> memref<1x40x128xf32, #tpu.memory_space<vmem>>
          %dma_wait3A_567 = tpu.memref_squeeze %dma_wait3A_566 : memref<1x40x128xf32, #tpu.memory_space<vmem>> -> memref<40x128xf32, #tpu.memory_space<vmem>>
          %dma_wait3A_568 = tpu.memref_slice %arg9[%mul3A_562] : memref<1000xi32, #tpu.memory_space<vmem>> -> memref<40xi32, #tpu.memory_space<vmem>>
          %dma_wait3A_569 = arith.constant 0 : i32
          %dma_wait3A_570 = arith.constant 0 : i32
          %dma_wait3A_571 = tpu.memref_slice %arg12[%dma_wait3A_569, %dma_wait3A_570] : memref<10240x128xf32, #tpu.memory_space<vmem_shared>> -> memref<10240x128xf32, #tpu.memory_space<vmem_shared>>
          tpu.wait_indirect_dma semaphore(%arg20 : memref<!tpu.dma_semaphore, #tpu.memory_space<semaphore_mem>>) src(%dma_wait3A_567 : memref<40x128xf32, #tpu.memory_space<vmem>>) dst(%dma_wait3A_571 : memref<10240x128xf32, #tpu.memory_space<vmem_shared>>)
          %add3A_572 = arith.constant 5 : i32
          %add3A_573 = arith.addi %add3A_560, %add3A_572 : i32
          %lt3A_574 = arith.constant 25 : i32
          %lt3A_575 = arith.cmpi slt, %add3A_573, %lt3A_574 : i32
          %convert_element_type3A_576 = arith.extui %lt3A_575 : i1 to i32
          %cond3A_577 = arith.constant 0 : i32
          %cond3A_578 = arith.cmpi ne, %convert_element_type3A_576, %cond3A_577 : i32
          scf.if %cond3A_578 {
            %add3A_619 = arith.constant 5 : i32
            %add3A_620 = arith.addi %add3A_560, %add3A_619 : i32
            %mul3A_621 = arith.constant 40 : i32
            %mul3A_622 = arith.muli %add3A_620, %mul3A_621 : i32
            %dma_start3A_623 = arith.constant 2 : i32
            %dma_start3A_624 = arith.constant 0 : i32
            %dma_start3A_625 = arith.constant 0 : i32
            %dma_start3A_626 = tpu.memref_slice %arg10[%dma_start3A_623, %dma_start3A_624, %dma_start3A_625] : memref<5x40x128xf32, #tpu.memory_space<vmem>> -> memref<1x40x128xf32, #tpu.memory_space<vmem>>
            %dma_start3A_627 = tpu.memref_squeeze %dma_start3A_626 : memref<1x40x128xf32, #tpu.memory_space<vmem>> -> memref<40x128xf32, #tpu.memory_space<vmem>>
            %dma_start3A_628 = tpu.memref_slice %arg8[%mul3A_622] : memref<1000xi32, #tpu.memory_space<vmem>> -> memref<40xi32, #tpu.memory_space<vmem>>
            %dma_start3A_629 = arith.constant 0 : i32
            %dma_start3A_630 = arith.constant 0 : i32
            %dma_start3A_631 = tpu.memref_slice %arg3[%dma_start3A_629, %dma_start3A_630] : memref<10000x128xf32, #tpu.memory_space<hbm>> -> memref<10000x128xf32, #tpu.memory_space<hbm>>
            tpu.enqueue_indirect_dma source(%dma_start3A_631 : memref<10000x128xf32, #tpu.memory_space<hbm>>) target(%dma_start3A_627 : memref<40x128xf32, #tpu.memory_space<vmem>>) offsets(%dma_start3A_628 : memref<40xi32, #tpu.memory_space<vmem>>) semaphore(%arg15 : memref<!tpu.dma_semaphore, #tpu.memory_space<semaphore_mem>>)
          } else {
          }
          %add3A_579 = arith.constant 3 : i32
          %add3A_580 = arith.addi %mul3A_400, %add3A_579 : i32
          %mul3A_581 = arith.constant 40 : i32
          %mul3A_582 = arith.muli %add3A_580, %mul3A_581 : i32
          %dma_wait3A_583 = arith.constant 3 : i32
          %dma_wait3A_584 = arith.constant 0 : i32
          %dma_wait3A_585 = arith.constant 0 : i32
          %dma_wait3A_586 = tpu.memref_slice %arg10[%dma_wait3A_583, %dma_wait3A_584, %dma_wait3A_585] : memref<5x40x128xf32, #tpu.memory_space<vmem>> -> memref<1x40x128xf32, #tpu.memory_space<vmem>>
          %dma_wait3A_587 = tpu.memref_squeeze %dma_wait3A_586 : memref<1x40x128xf32, #tpu.memory_space<vmem>> -> memref<40x128xf32, #tpu.memory_space<vmem>>
          %dma_wait3A_588 = tpu.memref_slice %arg9[%mul3A_582] : memref<1000xi32, #tpu.memory_space<vmem>> -> memref<40xi32, #tpu.memory_space<vmem>>
          %dma_wait3A_589 = arith.constant 0 : i32
          %dma_wait3A_590 = arith.constant 0 : i32
          %dma_wait3A_591 = tpu.memref_slice %arg12[%dma_wait3A_589, %dma_wait3A_590] : memref<10240x128xf32, #tpu.memory_space<vmem_shared>> -> memref<10240x128xf32, #tpu.memory_space<vmem_shared>>
          tpu.wait_indirect_dma semaphore(%arg21 : memref<!tpu.dma_semaphore, #tpu.memory_space<semaphore_mem>>) src(%dma_wait3A_587 : memref<40x128xf32, #tpu.memory_space<vmem>>) dst(%dma_wait3A_591 : memref<10240x128xf32, #tpu.memory_space<vmem_shared>>)
          %add3A_592 = arith.constant 5 : i32
          %add3A_593 = arith.addi %add3A_580, %add3A_592 : i32
          %lt3A_594 = arith.constant 25 : i32
          %lt3A_595 = arith.cmpi slt, %add3A_593, %lt3A_594 : i32
          %convert_element_type3A_596 = arith.extui %lt3A_595 : i1 to i32
          %cond3A_597 = arith.constant 0 : i32
          %cond3A_598 = arith.cmpi ne, %convert_element_type3A_596, %cond3A_597 : i32
          scf.if %cond3A_598 {
            %add3A_619 = arith.constant 5 : i32
            %add3A_620 = arith.addi %add3A_580, %add3A_619 : i32
            %mul3A_621 = arith.constant 40 : i32
            %mul3A_622 = arith.muli %add3A_620, %mul3A_621 : i32
            %dma_start3A_623 = arith.constant 3 : i32
            %dma_start3A_624 = arith.constant 0 : i32
            %dma_start3A_625 = arith.constant 0 : i32
            %dma_start3A_626 = tpu.memref_slice %arg10[%dma_start3A_623, %dma_start3A_624, %dma_start3A_625] : memref<5x40x128xf32, #tpu.memory_space<vmem>> -> memref<1x40x128xf32, #tpu.memory_space<vmem>>
            %dma_start3A_627 = tpu.memref_squeeze %dma_start3A_626 : memref<1x40x128xf32, #tpu.memory_space<vmem>> -> memref<40x128xf32, #tpu.memory_space<vmem>>
            %dma_start3A_628 = tpu.memref_slice %arg8[%mul3A_622] : memref<1000xi32, #tpu.memory_space<vmem>> -> memref<40xi32, #tpu.memory_space<vmem>>
            %dma_start3A_629 = arith.constant 0 : i32
            %dma_start3A_630 = arith.constant 0 : i32
            %dma_start3A_631 = tpu.memref_slice %arg3[%dma_start3A_629, %dma_start3A_630] : memref<10000x128xf32, #tpu.memory_space<hbm>> -> memref<10000x128xf32, #tpu.memory_space<hbm>>
            tpu.enqueue_indirect_dma source(%dma_start3A_631 : memref<10000x128xf32, #tpu.memory_space<hbm>>) target(%dma_start3A_627 : memref<40x128xf32, #tpu.memory_space<vmem>>) offsets(%dma_start3A_628 : memref<40xi32, #tpu.memory_space<vmem>>) semaphore(%arg16 : memref<!tpu.dma_semaphore, #tpu.memory_space<semaphore_mem>>)
          } else {
          }
          %add3A_599 = arith.constant 4 : i32
          %add3A_600 = arith.addi %mul3A_400, %add3A_599 : i32
          %mul3A_601 = arith.constant 40 : i32
          %mul3A_602 = arith.muli %add3A_600, %mul3A_601 : i32
          %dma_wait3A_603 = arith.constant 4 : i32
          %dma_wait3A_604 = arith.constant 0 : i32
          %dma_wait3A_605 = arith.constant 0 : i32
          %dma_wait3A_606 = tpu.memref_slice %arg10[%dma_wait3A_603, %dma_wait3A_604, %dma_wait3A_605] : memref<5x40x128xf32, #tpu.memory_space<vmem>> -> memref<1x40x128xf32, #tpu.memory_space<vmem>>
          %dma_wait3A_607 = tpu.memref_squeeze %dma_wait3A_606 : memref<1x40x128xf32, #tpu.memory_space<vmem>> -> memref<40x128xf32, #tpu.memory_space<vmem>>
          %dma_wait3A_608 = tpu.memref_slice %arg9[%mul3A_602] : memref<1000xi32, #tpu.memory_space<vmem>> -> memref<40xi32, #tpu.memory_space<vmem>>
          %dma_wait3A_609 = arith.constant 0 : i32
          %dma_wait3A_610 = arith.constant 0 : i32
          %dma_wait3A_611 = tpu.memref_slice %arg12[%dma_wait3A_609, %dma_wait3A_610] : memref<10240x128xf32, #tpu.memory_space<vmem_shared>> -> memref<10240x128xf32, #tpu.memory_space<vmem_shared>>
          tpu.wait_indirect_dma semaphore(%arg22 : memref<!tpu.dma_semaphore, #tpu.memory_space<semaphore_mem>>) src(%dma_wait3A_607 : memref<40x128xf32, #tpu.memory_space<vmem>>) dst(%dma_wait3A_611 : memref<10240x128xf32, #tpu.memory_space<vmem_shared>>)
          %add3A_612 = arith.constant 5 : i32
          %add3A_613 = arith.addi %add3A_600, %add3A_612 : i32
          %lt3A_614 = arith.constant 25 : i32
          %lt3A_615 = arith.cmpi slt, %add3A_613, %lt3A_614 : i32
          %convert_element_type3A_616 = arith.extui %lt3A_615 : i1 to i32
          %cond3A_617 = arith.constant 0 : i32
          %cond3A_618 = arith.cmpi ne, %convert_element_type3A_616, %cond3A_617 : i32
          scf.if %cond3A_618 {
            %add3A_619 = arith.constant 5 : i32
            %add3A_620 = arith.addi %add3A_600, %add3A_619 : i32
            %mul3A_621 = arith.constant 40 : i32
            %mul3A_622 = arith.muli %add3A_620, %mul3A_621 : i32
            %dma_start3A_623 = arith.constant 4 : i32
            %dma_start3A_624 = arith.constant 0 : i32
            %dma_start3A_625 = arith.constant 0 : i32
            %dma_start3A_626 = tpu.memref_slice %arg10[%dma_start3A_623, %dma_start3A_624, %dma_start3A_625] : memref<5x40x128xf32, #tpu.memory_space<vmem>> -> memref<1x40x128xf32, #tpu.memory_space<vmem>>
            %dma_start3A_627 = tpu.memref_squeeze %dma_start3A_626 : memref<1x40x128xf32, #tpu.memory_space<vmem>> -> memref<40x128xf32, #tpu.memory_space<vmem>>
            %dma_start3A_628 = tpu.memref_slice %arg8[%mul3A_622] : memref<1000xi32, #tpu.memory_space<vmem>> -> memref<40xi32, #tpu.memory_space<vmem>>
            %dma_start3A_629 = arith.constant 0 : i32
            %dma_start3A_630 = arith.constant 0 : i32
            %dma_start3A_631 = tpu.memref_slice %arg3[%dma_start3A_629, %dma_start3A_630] : memref<10000x128xf32, #tpu.memory_space<hbm>> -> memref<10000x128xf32, #tpu.memory_space<hbm>>
            tpu.enqueue_indirect_dma source(%dma_start3A_631 : memref<10000x128xf32, #tpu.memory_space<hbm>>) target(%dma_start3A_627 : memref<40x128xf32, #tpu.memory_space<vmem>>) offsets(%dma_start3A_628 : memref<40xi32, #tpu.memory_space<vmem>>) semaphore(%arg17 : memref<!tpu.dma_semaphore, #tpu.memory_space<semaphore_mem>>)
          } else {
          }
        }
        %scan3A_397 = arith.constant 5 : i32
      }
      %scan3A_334 = arith.constant 10 : i32
    } else {
    }
    %barrier3A_325 = arith.constant 0 : index
    tpu.barrier barrier_id(%barrier3A_325)
    %mul3A_326 = arith.constant 640 : i32
    %mul3A_327 = arith.muli %arg1, %mul3A_326 : i32
    %mul3A_328 = arith.constant 640 : i32
    %mul3A_329 = arith.muli %arg1, %mul3A_328 : i32
    "tpu.region"() ({
      %run_scoped3A = tpu.sem_alloc : memref<!tpu.dma_semaphore, #tpu.memory_space<semaphore_mem>>
      %dma_start3A = arith.constant 0 : i32
      %dma_start3A_330 = tpu.memref_slice %arg7[%arg0, %mul3A_329, %dma_start3A] : memref<2x10240x128xf32, #tpu.memory_space<hbm>> -> memref<1x640x128xf32, #tpu.memory_space<hbm>>
      %dma_start3A_331 = tpu.memref_squeeze %dma_start3A_330 : memref<1x640x128xf32, #tpu.memory_space<hbm>> -> memref<640x128xf32, #tpu.memory_space<hbm>>
      %dma_start3A_332 = arith.constant 0 : i32
      %dma_start3A_333 = tpu.memref_slice %arg12[%mul3A_327, %dma_start3A_332] : memref<10240x128xf32, #tpu.memory_space<vmem_shared>> -> memref<640x128xf32, #tpu.memory_space<vmem_shared>>
      tpu.enqueue_dma source(%dma_start3A_333 : memref<640x128xf32, #tpu.memory_space<vmem_shared>>) target(%dma_start3A_331 : memref<640x128xf32, #tpu.memory_space<hbm>>) target_semaphore(%run_scoped3A : memref<!tpu.dma_semaphore, #tpu.memory_space<semaphore_mem>>)
      %dma_wait3A = arith.constant 0 : i32
      %dma_wait3A_334 = tpu.memref_slice %arg7[%arg0, %mul3A_329, %dma_wait3A] : memref<2x10240x128xf32, #tpu.memory_space<hbm>> -> memref<1x640x128xf32, #tpu.memory_space<hbm>>
      %dma_wait3A_335 = tpu.memref_squeeze %dma_wait3A_334 : memref<1x640x128xf32, #tpu.memory_space<hbm>> -> memref<640x128xf32, #tpu.memory_space<hbm>>
      %dma_wait3A_336 = arith.constant 0 : i32
      %dma_wait3A_337 = tpu.memref_slice %arg12[%mul3A_327, %dma_wait3A_336] : memref<10240x128xf32, #tpu.memory_space<vmem_shared>> -> memref<640x128xf32, #tpu.memory_space<vmem_shared>>
      tpu.wait_dma2 semaphore(%run_scoped3A : memref<!tpu.dma_semaphore, #tpu.memory_space<semaphore_mem>>) src(%dma_wait3A_337 : memref<640x128xf32, #tpu.memory_space<vmem_shared>>) dst(%dma_wait3A_335 : memref<640x128xf32, #tpu.memory_space<hbm>>)
      tpu.yield
    }) : () -> ()
    return
  }
}

#map = affine_map<(d0, d1) -> (0, 0)>
#map1 = affine_map<(d0, d1) -> (0, 0, 0, 0)>
#map2 = affine_map<(d0, d1) -> (0, 0, 0)>
module attributes {stable_mosaic.version = 14 : i64} {
  func.func @_agg2_body(%arg0: i32, %arg1: i32, %arg2: memref<10000x16xf32, #tpu.memory_space<hbm>>, %arg3: memref<2x16x40x125xi32, #tpu.memory_space<hbm>>, %arg4: memref<2x16x40x125xi32, #tpu.memory_space<hbm>>, %arg5: memref<640x16xf32, #tpu.memory_space<hbm>>, %arg6: memref<2x10240x16xf32, #tpu.memory_space<hbm>>, %arg7: memref<40x125xi32, #tpu.memory_space<vmem>>, %arg8: memref<40x125xi32, #tpu.memory_space<vmem>>, %arg9: memref<4x125x16xf32, #tpu.memory_space<vmem>>, %arg10: memref<640x16xf32, #tpu.memory_space<vmem>>, %arg11: memref<10240x16xf32, #tpu.memory_space<vmem_shared>>, %arg12: memref<!tpu.dma_semaphore, #tpu.memory_space<semaphore_mem>>, %arg13: memref<!tpu.dma_semaphore, #tpu.memory_space<semaphore_mem>>, %arg14: memref<!tpu.dma_semaphore, #tpu.memory_space<semaphore_mem>>, %arg15: memref<!tpu.dma_semaphore, #tpu.memory_space<semaphore_mem>>, %arg16: memref<!tpu.dma_semaphore, #tpu.memory_space<semaphore_mem>>, %arg17: memref<!tpu.dma_semaphore, #tpu.memory_space<semaphore_mem>>, %arg18: memref<!tpu.dma_semaphore, #tpu.memory_space<semaphore_mem>>, %arg19: memref<!tpu.dma_semaphore, #tpu.memory_space<semaphore_mem>>) attributes {dimension_semantics = [#tpu.dimension_semantics<core_parallel>, #tpu.dimension_semantics<subcore_parallel>], iteration_bounds = array<i64: 2, 16>, scalar_prefetch = 0 : i64, scratch_operands = 13 : i64, tpu.core_type = #tpu.core_type<sc_vector_subcore>, window_params = [{transform_indices = #map}, {transform_indices = #map1}, {transform_indices = #map1}, {transform_indices = #map}, {transform_indices = #map2}]} {
    "tpu.region"() ({
      %run_scoped3A = tpu.sem_alloc : memref<!tpu.dma_semaphore, #tpu.memory_space<semaphore_mem>>
      %dma_start3A_58 = arith.constant 0 : i32
      %dma_start3A_59 = arith.constant 0 : i32
      %dma_start3A_60 = tpu.memref_slice %arg3[%arg0, %arg1, %dma_start3A_58, %dma_start3A_59] : memref<2x16x40x125xi32, #tpu.memory_space<hbm>> -> memref<1x1x40x125xi32, #tpu.memory_space<hbm>>
      %dma_start3A_61 = tpu.memref_squeeze %dma_start3A_60 : memref<1x1x40x125xi32, #tpu.memory_space<hbm>> -> memref<40x125xi32, #tpu.memory_space<hbm>>
      %dma_start3A_62 = arith.constant 0 : i32
      %dma_start3A_63 = arith.constant 0 : i32
      %dma_start3A_64 = tpu.memref_slice %arg3[%arg0, %arg1, %dma_start3A_62, %dma_start3A_63] : memref<2x16x40x125xi32, #tpu.memory_space<hbm>> -> memref<1x1x40x125xi32, #tpu.memory_space<hbm>>
      %dma_start3A_65 = tpu.memref_squeeze %dma_start3A_64 : memref<1x1x40x125xi32, #tpu.memory_space<hbm>> -> memref<40x125xi32, #tpu.memory_space<hbm>>
      tpu.enqueue_dma source(%dma_start3A_65 : memref<40x125xi32, #tpu.memory_space<hbm>>) target(%arg7 : memref<40x125xi32, #tpu.memory_space<vmem>>) target_semaphore(%run_scoped3A : memref<!tpu.dma_semaphore, #tpu.memory_space<semaphore_mem>>)
      %dma_wait3A = arith.constant 0 : i32
      %dma_wait3A_66 = arith.constant 0 : i32
      %dma_wait3A_67 = tpu.memref_slice %arg3[%arg0, %arg1, %dma_wait3A, %dma_wait3A_66] : memref<2x16x40x125xi32, #tpu.memory_space<hbm>> -> memref<1x1x40x125xi32, #tpu.memory_space<hbm>>
      %dma_wait3A_68 = tpu.memref_squeeze %dma_wait3A_67 : memref<1x1x40x125xi32, #tpu.memory_space<hbm>> -> memref<40x125xi32, #tpu.memory_space<hbm>>
      %dma_wait3A_69 = arith.constant 0 : i32
      %dma_wait3A_70 = arith.constant 0 : i32
      %dma_wait3A_71 = tpu.memref_slice %arg3[%arg0, %arg1, %dma_wait3A_69, %dma_wait3A_70] : memref<2x16x40x125xi32, #tpu.memory_space<hbm>> -> memref<1x1x40x125xi32, #tpu.memory_space<hbm>>
      %dma_wait3A_72 = tpu.memref_squeeze %dma_wait3A_71 : memref<1x1x40x125xi32, #tpu.memory_space<hbm>> -> memref<40x125xi32, #tpu.memory_space<hbm>>
      tpu.wait_dma2 semaphore(%run_scoped3A : memref<!tpu.dma_semaphore, #tpu.memory_space<semaphore_mem>>) src(%dma_wait3A_72 : memref<40x125xi32, #tpu.memory_space<hbm>>) dst(%arg7 : memref<40x125xi32, #tpu.memory_space<vmem>>)
      tpu.yield
    }) : () -> ()
    "tpu.region"() ({
      %run_scoped3A = tpu.sem_alloc : memref<!tpu.dma_semaphore, #tpu.memory_space<semaphore_mem>>
      %dma_start3A_58 = arith.constant 0 : i32
      %dma_start3A_59 = arith.constant 0 : i32
      %dma_start3A_60 = tpu.memref_slice %arg4[%arg0, %arg1, %dma_start3A_58, %dma_start3A_59] : memref<2x16x40x125xi32, #tpu.memory_space<hbm>> -> memref<1x1x40x125xi32, #tpu.memory_space<hbm>>
      %dma_start3A_61 = tpu.memref_squeeze %dma_start3A_60 : memref<1x1x40x125xi32, #tpu.memory_space<hbm>> -> memref<40x125xi32, #tpu.memory_space<hbm>>
      %dma_start3A_62 = arith.constant 0 : i32
      %dma_start3A_63 = arith.constant 0 : i32
      %dma_start3A_64 = tpu.memref_slice %arg4[%arg0, %arg1, %dma_start3A_62, %dma_start3A_63] : memref<2x16x40x125xi32, #tpu.memory_space<hbm>> -> memref<1x1x40x125xi32, #tpu.memory_space<hbm>>
      %dma_start3A_65 = tpu.memref_squeeze %dma_start3A_64 : memref<1x1x40x125xi32, #tpu.memory_space<hbm>> -> memref<40x125xi32, #tpu.memory_space<hbm>>
      tpu.enqueue_dma source(%dma_start3A_65 : memref<40x125xi32, #tpu.memory_space<hbm>>) target(%arg8 : memref<40x125xi32, #tpu.memory_space<vmem>>) target_semaphore(%run_scoped3A : memref<!tpu.dma_semaphore, #tpu.memory_space<semaphore_mem>>)
      %dma_wait3A = arith.constant 0 : i32
      %dma_wait3A_66 = arith.constant 0 : i32
      %dma_wait3A_67 = tpu.memref_slice %arg4[%arg0, %arg1, %dma_wait3A, %dma_wait3A_66] : memref<2x16x40x125xi32, #tpu.memory_space<hbm>> -> memref<1x1x40x125xi32, #tpu.memory_space<hbm>>
      %dma_wait3A_68 = tpu.memref_squeeze %dma_wait3A_67 : memref<1x1x40x125xi32, #tpu.memory_space<hbm>> -> memref<40x125xi32, #tpu.memory_space<hbm>>
      %dma_wait3A_69 = arith.constant 0 : i32
      %dma_wait3A_70 = arith.constant 0 : i32
      %dma_wait3A_71 = tpu.memref_slice %arg4[%arg0, %arg1, %dma_wait3A_69, %dma_wait3A_70] : memref<2x16x40x125xi32, #tpu.memory_space<hbm>> -> memref<1x1x40x125xi32, #tpu.memory_space<hbm>>
      %dma_wait3A_72 = tpu.memref_squeeze %dma_wait3A_71 : memref<1x1x40x125xi32, #tpu.memory_space<hbm>> -> memref<40x125xi32, #tpu.memory_space<hbm>>
      tpu.wait_dma2 semaphore(%run_scoped3A : memref<!tpu.dma_semaphore, #tpu.memory_space<semaphore_mem>>) src(%dma_wait3A_72 : memref<40x125xi32, #tpu.memory_space<hbm>>) dst(%arg8 : memref<40x125xi32, #tpu.memory_space<vmem>>)
      tpu.yield
    }) : () -> ()
    "tpu.region"() ({
      %run_scoped3A = tpu.sem_alloc : memref<!tpu.dma_semaphore, #tpu.memory_space<semaphore_mem>>
      tpu.enqueue_dma source(%arg5 : memref<640x16xf32, #tpu.memory_space<hbm>>) target(%arg10 : memref<640x16xf32, #tpu.memory_space<vmem>>) target_semaphore(%run_scoped3A : memref<!tpu.dma_semaphore, #tpu.memory_space<semaphore_mem>>)
      tpu.wait_dma2 semaphore(%run_scoped3A : memref<!tpu.dma_semaphore, #tpu.memory_space<semaphore_mem>>) src(%arg5 : memref<640x16xf32, #tpu.memory_space<hbm>>) dst(%arg10 : memref<640x16xf32, #tpu.memory_space<vmem>>)
      tpu.yield
    }) : () -> ()
    %mul3A = arith.constant 640 : i32
    %mul3A_0 = arith.muli %arg1, %mul3A : i32
    "tpu.region"() ({
      %run_scoped3A = tpu.sem_alloc : memref<!tpu.dma_semaphore, #tpu.memory_space<semaphore_mem>>
      %dma_start3A_58 = arith.constant 0 : i32
      %dma_start3A_59 = tpu.memref_slice %arg11[%mul3A_0, %dma_start3A_58] : memref<10240x16xf32, #tpu.memory_space<vmem_shared>> -> memref<640x16xf32, #tpu.memory_space<vmem_shared>>
      %dma_start3A_60 = arith.constant 0 : i32
      %dma_start3A_61 = tpu.memref_slice %arg11[%mul3A_0, %dma_start3A_60] : memref<10240x16xf32, #tpu.memory_space<vmem_shared>> -> memref<640x16xf32, #tpu.memory_space<vmem_shared>>
      tpu.enqueue_dma source(%arg10 : memref<640x16xf32, #tpu.memory_space<vmem>>) target(%dma_start3A_61 : memref<640x16xf32, #tpu.memory_space<vmem_shared>>) target_semaphore(%run_scoped3A : memref<!tpu.dma_semaphore, #tpu.memory_space<semaphore_mem>>)
      %dma_wait3A = arith.constant 0 : i32
      %dma_wait3A_62 = tpu.memref_slice %arg11[%mul3A_0, %dma_wait3A] : memref<10240x16xf32, #tpu.memory_space<vmem_shared>> -> memref<640x16xf32, #tpu.memory_space<vmem_shared>>
      %dma_wait3A_63 = arith.constant 0 : i32
      %dma_wait3A_64 = tpu.memref_slice %arg11[%mul3A_0, %dma_wait3A_63] : memref<10240x16xf32, #tpu.memory_space<vmem_shared>> -> memref<640x16xf32, #tpu.memory_space<vmem_shared>>
      tpu.wait_dma2 semaphore(%run_scoped3A : memref<!tpu.dma_semaphore, #tpu.memory_space<semaphore_mem>>) src(%arg10 : memref<640x16xf32, #tpu.memory_space<vmem>>) dst(%dma_wait3A_64 : memref<640x16xf32, #tpu.memory_space<vmem_shared>>)
      tpu.yield
    }) : () -> ()
    %barrier3A = arith.constant 0 : index
    tpu.barrier barrier_id(%barrier3A)
    %dma_start3A = arith.constant 0 : i32
    %dma_start3A_1 = arith.constant 0 : i32
    %dma_start3A_2 = arith.constant 0 : i32
    %dma_start3A_3 = arith.constant 0 : i32
    %dma_start3A_4 = tpu.memref_slice %arg9[%dma_start3A_1, %dma_start3A_2, %dma_start3A_3] : memref<4x125x16xf32, #tpu.memory_space<vmem>> -> memref<1x125x16xf32, #tpu.memory_space<vmem>>
    %dma_start3A_5 = tpu.memref_squeeze %dma_start3A_4 : memref<1x125x16xf32, #tpu.memory_space<vmem>> -> memref<125x16xf32, #tpu.memory_space<vmem>>
    %dma_start3A_6 = arith.constant 0 : i32
    %dma_start3A_7 = tpu.memref_slice %arg7[%dma_start3A, %dma_start3A_6] : memref<40x125xi32, #tpu.memory_space<vmem>> -> memref<1x125xi32, #tpu.memory_space<vmem>>
    %dma_start3A_8 = tpu.memref_squeeze %dma_start3A_7 : memref<1x125xi32, #tpu.memory_space<vmem>> -> memref<125xi32, #tpu.memory_space<vmem>>
    %dma_start3A_9 = arith.constant 0 : i32
    %dma_start3A_10 = arith.constant 0 : i32
    %dma_start3A_11 = tpu.memref_slice %arg2[%dma_start3A_9, %dma_start3A_10] : memref<10000x16xf32, #tpu.memory_space<hbm>> -> memref<10000x16xf32, #tpu.memory_space<hbm>>
    tpu.enqueue_indirect_dma source(%dma_start3A_11 : memref<10000x16xf32, #tpu.memory_space<hbm>>) target(%dma_start3A_5 : memref<125x16xf32, #tpu.memory_space<vmem>>) offsets(%dma_start3A_8 : memref<125xi32, #tpu.memory_space<vmem>>) semaphore(%arg12 : memref<!tpu.dma_semaphore, #tpu.memory_space<semaphore_mem>>)
    %dma_start3A_12 = arith.constant 1 : i32
    %dma_start3A_13 = arith.constant 1 : i32
    %dma_start3A_14 = arith.constant 0 : i32
    %dma_start3A_15 = arith.constant 0 : i32
    %dma_start3A_16 = tpu.memref_slice %arg9[%dma_start3A_13, %dma_start3A_14, %dma_start3A_15] : memref<4x125x16xf32, #tpu.memory_space<vmem>> -> memref<1x125x16xf32, #tpu.memory_space<vmem>>
    %dma_start3A_17 = tpu.memref_squeeze %dma_start3A_16 : memref<1x125x16xf32, #tpu.memory_space<vmem>> -> memref<125x16xf32, #tpu.memory_space<vmem>>
    %dma_start3A_18 = arith.constant 0 : i32
    %dma_start3A_19 = tpu.memref_slice %arg7[%dma_start3A_12, %dma_start3A_18] : memref<40x125xi32, #tpu.memory_space<vmem>> -> memref<1x125xi32, #tpu.memory_space<vmem>>
    %dma_start3A_20 = tpu.memref_squeeze %dma_start3A_19 : memref<1x125xi32, #tpu.memory_space<vmem>> -> memref<125xi32, #tpu.memory_space<vmem>>
    %dma_start3A_21 = arith.constant 0 : i32
    %dma_start3A_22 = arith.constant 0 : i32
    %dma_start3A_23 = tpu.memref_slice %arg2[%dma_start3A_21, %dma_start3A_22] : memref<10000x16xf32, #tpu.memory_space<hbm>> -> memref<10000x16xf32, #tpu.memory_space<hbm>>
    tpu.enqueue_indirect_dma source(%dma_start3A_23 : memref<10000x16xf32, #tpu.memory_space<hbm>>) target(%dma_start3A_17 : memref<125x16xf32, #tpu.memory_space<vmem>>) offsets(%dma_start3A_20 : memref<125xi32, #tpu.memory_space<vmem>>) semaphore(%arg13 : memref<!tpu.dma_semaphore, #tpu.memory_space<semaphore_mem>>)
    %dma_start3A_24 = arith.constant 2 : i32
    %dma_start3A_25 = arith.constant 2 : i32
    %dma_start3A_26 = arith.constant 0 : i32
    %dma_start3A_27 = arith.constant 0 : i32
    %dma_start3A_28 = tpu.memref_slice %arg9[%dma_start3A_25, %dma_start3A_26, %dma_start3A_27] : memref<4x125x16xf32, #tpu.memory_space<vmem>> -> memref<1x125x16xf32, #tpu.memory_space<vmem>>
    %dma_start3A_29 = tpu.memref_squeeze %dma_start3A_28 : memref<1x125x16xf32, #tpu.memory_space<vmem>> -> memref<125x16xf32, #tpu.memory_space<vmem>>
    %dma_start3A_30 = arith.constant 0 : i32
    %dma_start3A_31 = tpu.memref_slice %arg7[%dma_start3A_24, %dma_start3A_30] : memref<40x125xi32, #tpu.memory_space<vmem>> -> memref<1x125xi32, #tpu.memory_space<vmem>>
    %dma_start3A_32 = tpu.memref_squeeze %dma_start3A_31 : memref<1x125xi32, #tpu.memory_space<vmem>> -> memref<125xi32, #tpu.memory_space<vmem>>
    %dma_start3A_33 = arith.constant 0 : i32
    %dma_start3A_34 = arith.constant 0 : i32
    %dma_start3A_35 = tpu.memref_slice %arg2[%dma_start3A_33, %dma_start3A_34] : memref<10000x16xf32, #tpu.memory_space<hbm>> -> memref<10000x16xf32, #tpu.memory_space<hbm>>
    tpu.enqueue_indirect_dma source(%dma_start3A_35 : memref<10000x16xf32, #tpu.memory_space<hbm>>) target(%dma_start3A_29 : memref<125x16xf32, #tpu.memory_space<vmem>>) offsets(%dma_start3A_32 : memref<125xi32, #tpu.memory_space<vmem>>) semaphore(%arg14 : memref<!tpu.dma_semaphore, #tpu.memory_space<semaphore_mem>>)
    %dma_start3A_36 = arith.constant 3 : i32
    %dma_start3A_37 = arith.constant 3 : i32
    %dma_start3A_38 = arith.constant 0 : i32
    %dma_start3A_39 = arith.constant 0 : i32
    %dma_start3A_40 = tpu.memref_slice %arg9[%dma_start3A_37, %dma_start3A_38, %dma_start3A_39] : memref<4x125x16xf32, #tpu.memory_space<vmem>> -> memref<1x125x16xf32, #tpu.memory_space<vmem>>
    %dma_start3A_41 = tpu.memref_squeeze %dma_start3A_40 : memref<1x125x16xf32, #tpu.memory_space<vmem>> -> memref<125x16xf32, #tpu.memory_space<vmem>>
    %dma_start3A_42 = arith.constant 0 : i32
    %dma_start3A_43 = tpu.memref_slice %arg7[%dma_start3A_36, %dma_start3A_42] : memref<40x125xi32, #tpu.memory_space<vmem>> -> memref<1x125xi32, #tpu.memory_space<vmem>>
    %dma_start3A_44 = tpu.memref_squeeze %dma_start3A_43 : memref<1x125xi32, #tpu.memory_space<vmem>> -> memref<125xi32, #tpu.memory_space<vmem>>
    %dma_start3A_45 = arith.constant 0 : i32
    %dma_start3A_46 = arith.constant 0 : i32
    %dma_start3A_47 = tpu.memref_slice %arg2[%dma_start3A_45, %dma_start3A_46] : memref<10000x16xf32, #tpu.memory_space<hbm>> -> memref<10000x16xf32, #tpu.memory_space<hbm>>
    tpu.enqueue_indirect_dma source(%dma_start3A_47 : memref<10000x16xf32, #tpu.memory_space<hbm>>) target(%dma_start3A_41 : memref<125x16xf32, #tpu.memory_space<vmem>>) offsets(%dma_start3A_44 : memref<125xi32, #tpu.memory_space<vmem>>) semaphore(%arg15 : memref<!tpu.dma_semaphore, #tpu.memory_space<semaphore_mem>>)
    %scan3A = arith.constant 0 : i32
    %scan3A_48 = arith.constant 0 : i32
    %scan3A_49 = arith.constant 10 : i32
    %scan3A_50 = arith.addi %scan3A_48, %scan3A_49 : i32
    %scan3A_51 = arith.constant 1 : i32
    scf.for %scan3A_58 = %scan3A_48 to %scan3A_50 step %scan3A_51  : i32 {
      %mul3A_59 = arith.constant 4 : i32
      %mul3A_60 = arith.muli %scan3A_58, %mul3A_59 : i32
      %add3A = arith.constant 0 : i32
      %add3A_61 = arith.addi %mul3A_60, %add3A : i32
      %dma_wait3A = arith.constant 0 : i32
      %dma_wait3A_62 = arith.constant 0 : i32
      %dma_wait3A_63 = arith.constant 0 : i32
      %dma_wait3A_64 = tpu.memref_slice %arg9[%dma_wait3A, %dma_wait3A_62, %dma_wait3A_63] : memref<4x125x16xf32, #tpu.memory_space<vmem>> -> memref<1x125x16xf32, #tpu.memory_space<vmem>>
      %dma_wait3A_65 = tpu.memref_squeeze %dma_wait3A_64 : memref<1x125x16xf32, #tpu.memory_space<vmem>> -> memref<125x16xf32, #tpu.memory_space<vmem>>
      %dma_wait3A_66 = arith.constant 0 : i32
      %dma_wait3A_67 = tpu.memref_slice %arg7[%add3A_61, %dma_wait3A_66] : memref<40x125xi32, #tpu.memory_space<vmem>> -> memref<1x125xi32, #tpu.memory_space<vmem>>
      %dma_wait3A_68 = tpu.memref_squeeze %dma_wait3A_67 : memref<1x125xi32, #tpu.memory_space<vmem>> -> memref<125xi32, #tpu.memory_space<vmem>>
      %dma_wait3A_69 = arith.constant 0 : i32
      %dma_wait3A_70 = arith.constant 0 : i32
      %dma_wait3A_71 = tpu.memref_slice %arg2[%dma_wait3A_69, %dma_wait3A_70] : memref<10000x16xf32, #tpu.memory_space<hbm>> -> memref<10000x16xf32, #tpu.memory_space<hbm>>
      tpu.wait_indirect_dma semaphore(%arg12 : memref<!tpu.dma_semaphore, #tpu.memory_space<semaphore_mem>>) src(%dma_wait3A_71 : memref<10000x16xf32, #tpu.memory_space<hbm>>) dst(%dma_wait3A_65 : memref<125x16xf32, #tpu.memory_space<vmem>>)
      %dma_start3A_72 = arith.constant 0 : i32
      %dma_start3A_73 = arith.constant 0 : i32
      %dma_start3A_74 = arith.constant 0 : i32
      %dma_start3A_75 = tpu.memref_slice %arg9[%dma_start3A_72, %dma_start3A_73, %dma_start3A_74] : memref<4x125x16xf32, #tpu.memory_space<vmem>> -> memref<1x125x16xf32, #tpu.memory_space<vmem>>
      %dma_start3A_76 = tpu.memref_squeeze %dma_start3A_75 : memref<1x125x16xf32, #tpu.memory_space<vmem>> -> memref<125x16xf32, #tpu.memory_space<vmem>>
      %dma_start3A_77 = arith.constant 0 : i32
      %dma_start3A_78 = tpu.memref_slice %arg8[%add3A_61, %dma_start3A_77] : memref<40x125xi32, #tpu.memory_space<vmem>> -> memref<1x125xi32, #tpu.memory_space<vmem>>
      %dma_start3A_79 = tpu.memref_squeeze %dma_start3A_78 : memref<1x125xi32, #tpu.memory_space<vmem>> -> memref<125xi32, #tpu.memory_space<vmem>>
      %dma_start3A_80 = arith.constant 0 : i32
      %dma_start3A_81 = arith.constant 0 : i32
      %dma_start3A_82 = tpu.memref_slice %arg11[%dma_start3A_80, %dma_start3A_81] : memref<10240x16xf32, #tpu.memory_space<vmem_shared>> -> memref<10240x16xf32, #tpu.memory_space<vmem_shared>>
      tpu.enqueue_indirect_dma source(%dma_start3A_76 : memref<125x16xf32, #tpu.memory_space<vmem>>) target(%dma_start3A_82 : memref<10240x16xf32, #tpu.memory_space<vmem_shared>>) offsets(%dma_start3A_79 : memref<125xi32, #tpu.memory_space<vmem>>) semaphore(%arg16 : memref<!tpu.dma_semaphore, #tpu.memory_space<semaphore_mem>>) {add = true}
      %add3A_83 = arith.constant 1 : i32
      %add3A_84 = arith.addi %mul3A_60, %add3A_83 : i32
      %dma_wait3A_85 = arith.constant 1 : i32
      %dma_wait3A_86 = arith.constant 0 : i32
      %dma_wait3A_87 = arith.constant 0 : i32
      %dma_wait3A_88 = tpu.memref_slice %arg9[%dma_wait3A_85, %dma_wait3A_86, %dma_wait3A_87] : memref<4x125x16xf32, #tpu.memory_space<vmem>> -> memref<1x125x16xf32, #tpu.memory_space<vmem>>
      %dma_wait3A_89 = tpu.memref_squeeze %dma_wait3A_88 : memref<1x125x16xf32, #tpu.memory_space<vmem>> -> memref<125x16xf32, #tpu.memory_space<vmem>>
      %dma_wait3A_90 = arith.constant 0 : i32
      %dma_wait3A_91 = tpu.memref_slice %arg7[%add3A_84, %dma_wait3A_90] : memref<40x125xi32, #tpu.memory_space<vmem>> -> memref<1x125xi32, #tpu.memory_space<vmem>>
      %dma_wait3A_92 = tpu.memref_squeeze %dma_wait3A_91 : memref<1x125xi32, #tpu.memory_space<vmem>> -> memref<125xi32, #tpu.memory_space<vmem>>
      %dma_wait3A_93 = arith.constant 0 : i32
      %dma_wait3A_94 = arith.constant 0 : i32
      %dma_wait3A_95 = tpu.memref_slice %arg2[%dma_wait3A_93, %dma_wait3A_94] : memref<10000x16xf32, #tpu.memory_space<hbm>> -> memref<10000x16xf32, #tpu.memory_space<hbm>>
      tpu.wait_indirect_dma semaphore(%arg13 : memref<!tpu.dma_semaphore, #tpu.memory_space<semaphore_mem>>) src(%dma_wait3A_95 : memref<10000x16xf32, #tpu.memory_space<hbm>>) dst(%dma_wait3A_89 : memref<125x16xf32, #tpu.memory_space<vmem>>)
      %dma_start3A_96 = arith.constant 1 : i32
      %dma_start3A_97 = arith.constant 0 : i32
      %dma_start3A_98 = arith.constant 0 : i32
      %dma_start3A_99 = tpu.memref_slice %arg9[%dma_start3A_96, %dma_start3A_97, %dma_start3A_98] : memref<4x125x16xf32, #tpu.memory_space<vmem>> -> memref<1x125x16xf32, #tpu.memory_space<vmem>>
      %dma_start3A_100 = tpu.memref_squeeze %dma_start3A_99 : memref<1x125x16xf32, #tpu.memory_space<vmem>> -> memref<125x16xf32, #tpu.memory_space<vmem>>
      %dma_start3A_101 = arith.constant 0 : i32
      %dma_start3A_102 = tpu.memref_slice %arg8[%add3A_84, %dma_start3A_101] : memref<40x125xi32, #tpu.memory_space<vmem>> -> memref<1x125xi32, #tpu.memory_space<vmem>>
      %dma_start3A_103 = tpu.memref_squeeze %dma_start3A_102 : memref<1x125xi32, #tpu.memory_space<vmem>> -> memref<125xi32, #tpu.memory_space<vmem>>
      %dma_start3A_104 = arith.constant 0 : i32
      %dma_start3A_105 = arith.constant 0 : i32
      %dma_start3A_106 = tpu.memref_slice %arg11[%dma_start3A_104, %dma_start3A_105] : memref<10240x16xf32, #tpu.memory_space<vmem_shared>> -> memref<10240x16xf32, #tpu.memory_space<vmem_shared>>
      tpu.enqueue_indirect_dma source(%dma_start3A_100 : memref<125x16xf32, #tpu.memory_space<vmem>>) target(%dma_start3A_106 : memref<10240x16xf32, #tpu.memory_space<vmem_shared>>) offsets(%dma_start3A_103 : memref<125xi32, #tpu.memory_space<vmem>>) semaphore(%arg17 : memref<!tpu.dma_semaphore, #tpu.memory_space<semaphore_mem>>) {add = true}
      %add3A_107 = arith.constant 2 : i32
      %add3A_108 = arith.addi %mul3A_60, %add3A_107 : i32
      %dma_wait3A_109 = arith.constant 2 : i32
      %dma_wait3A_110 = arith.constant 0 : i32
      %dma_wait3A_111 = arith.constant 0 : i32
      %dma_wait3A_112 = tpu.memref_slice %arg9[%dma_wait3A_109, %dma_wait3A_110, %dma_wait3A_111] : memref<4x125x16xf32, #tpu.memory_space<vmem>> -> memref<1x125x16xf32, #tpu.memory_space<vmem>>
      %dma_wait3A_113 = tpu.memref_squeeze %dma_wait3A_112 : memref<1x125x16xf32, #tpu.memory_space<vmem>> -> memref<125x16xf32, #tpu.memory_space<vmem>>
      %dma_wait3A_114 = arith.constant 0 : i32
      %dma_wait3A_115 = tpu.memref_slice %arg7[%add3A_108, %dma_wait3A_114] : memref<40x125xi32, #tpu.memory_space<vmem>> -> memref<1x125xi32, #tpu.memory_space<vmem>>
      %dma_wait3A_116 = tpu.memref_squeeze %dma_wait3A_115 : memref<1x125xi32, #tpu.memory_space<vmem>> -> memref<125xi32, #tpu.memory_space<vmem>>
      %dma_wait3A_117 = arith.constant 0 : i32
      %dma_wait3A_118 = arith.constant 0 : i32
      %dma_wait3A_119 = tpu.memref_slice %arg2[%dma_wait3A_117, %dma_wait3A_118] : memref<10000x16xf32, #tpu.memory_space<hbm>> -> memref<10000x16xf32, #tpu.memory_space<hbm>>
      tpu.wait_indirect_dma semaphore(%arg14 : memref<!tpu.dma_semaphore, #tpu.memory_space<semaphore_mem>>) src(%dma_wait3A_119 : memref<10000x16xf32, #tpu.memory_space<hbm>>) dst(%dma_wait3A_113 : memref<125x16xf32, #tpu.memory_space<vmem>>)
      %dma_start3A_120 = arith.constant 2 : i32
      %dma_start3A_121 = arith.constant 0 : i32
      %dma_start3A_122 = arith.constant 0 : i32
      %dma_start3A_123 = tpu.memref_slice %arg9[%dma_start3A_120, %dma_start3A_121, %dma_start3A_122] : memref<4x125x16xf32, #tpu.memory_space<vmem>> -> memref<1x125x16xf32, #tpu.memory_space<vmem>>
      %dma_start3A_124 = tpu.memref_squeeze %dma_start3A_123 : memref<1x125x16xf32, #tpu.memory_space<vmem>> -> memref<125x16xf32, #tpu.memory_space<vmem>>
      %dma_start3A_125 = arith.constant 0 : i32
      %dma_start3A_126 = tpu.memref_slice %arg8[%add3A_108, %dma_start3A_125] : memref<40x125xi32, #tpu.memory_space<vmem>> -> memref<1x125xi32, #tpu.memory_space<vmem>>
      %dma_start3A_127 = tpu.memref_squeeze %dma_start3A_126 : memref<1x125xi32, #tpu.memory_space<vmem>> -> memref<125xi32, #tpu.memory_space<vmem>>
      %dma_start3A_128 = arith.constant 0 : i32
      %dma_start3A_129 = arith.constant 0 : i32
      %dma_start3A_130 = tpu.memref_slice %arg11[%dma_start3A_128, %dma_start3A_129] : memref<10240x16xf32, #tpu.memory_space<vmem_shared>> -> memref<10240x16xf32, #tpu.memory_space<vmem_shared>>
      tpu.enqueue_indirect_dma source(%dma_start3A_124 : memref<125x16xf32, #tpu.memory_space<vmem>>) target(%dma_start3A_130 : memref<10240x16xf32, #tpu.memory_space<vmem_shared>>) offsets(%dma_start3A_127 : memref<125xi32, #tpu.memory_space<vmem>>) semaphore(%arg18 : memref<!tpu.dma_semaphore, #tpu.memory_space<semaphore_mem>>) {add = true}
      %add3A_131 = arith.constant 3 : i32
      %add3A_132 = arith.addi %mul3A_60, %add3A_131 : i32
      %dma_wait3A_133 = arith.constant 3 : i32
      %dma_wait3A_134 = arith.constant 0 : i32
      %dma_wait3A_135 = arith.constant 0 : i32
      %dma_wait3A_136 = tpu.memref_slice %arg9[%dma_wait3A_133, %dma_wait3A_134, %dma_wait3A_135] : memref<4x125x16xf32, #tpu.memory_space<vmem>> -> memref<1x125x16xf32, #tpu.memory_space<vmem>>
      %dma_wait3A_137 = tpu.memref_squeeze %dma_wait3A_136 : memref<1x125x16xf32, #tpu.memory_space<vmem>> -> memref<125x16xf32, #tpu.memory_space<vmem>>
      %dma_wait3A_138 = arith.constant 0 : i32
      %dma_wait3A_139 = tpu.memref_slice %arg7[%add3A_132, %dma_wait3A_138] : memref<40x125xi32, #tpu.memory_space<vmem>> -> memref<1x125xi32, #tpu.memory_space<vmem>>
      %dma_wait3A_140 = tpu.memref_squeeze %dma_wait3A_139 : memref<1x125xi32, #tpu.memory_space<vmem>> -> memref<125xi32, #tpu.memory_space<vmem>>
      %dma_wait3A_141 = arith.constant 0 : i32
      %dma_wait3A_142 = arith.constant 0 : i32
      %dma_wait3A_143 = tpu.memref_slice %arg2[%dma_wait3A_141, %dma_wait3A_142] : memref<10000x16xf32, #tpu.memory_space<hbm>> -> memref<10000x16xf32, #tpu.memory_space<hbm>>
      tpu.wait_indirect_dma semaphore(%arg15 : memref<!tpu.dma_semaphore, #tpu.memory_space<semaphore_mem>>) src(%dma_wait3A_143 : memref<10000x16xf32, #tpu.memory_space<hbm>>) dst(%dma_wait3A_137 : memref<125x16xf32, #tpu.memory_space<vmem>>)
      %dma_start3A_144 = arith.constant 3 : i32
      %dma_start3A_145 = arith.constant 0 : i32
      %dma_start3A_146 = arith.constant 0 : i32
      %dma_start3A_147 = tpu.memref_slice %arg9[%dma_start3A_144, %dma_start3A_145, %dma_start3A_146] : memref<4x125x16xf32, #tpu.memory_space<vmem>> -> memref<1x125x16xf32, #tpu.memory_space<vmem>>
      %dma_start3A_148 = tpu.memref_squeeze %dma_start3A_147 : memref<1x125x16xf32, #tpu.memory_space<vmem>> -> memref<125x16xf32, #tpu.memory_space<vmem>>
      %dma_start3A_149 = arith.constant 0 : i32
      %dma_start3A_150 = tpu.memref_slice %arg8[%add3A_132, %dma_start3A_149] : memref<40x125xi32, #tpu.memory_space<vmem>> -> memref<1x125xi32, #tpu.memory_space<vmem>>
      %dma_start3A_151 = tpu.memref_squeeze %dma_start3A_150 : memref<1x125xi32, #tpu.memory_space<vmem>> -> memref<125xi32, #tpu.memory_space<vmem>>
      %dma_start3A_152 = arith.constant 0 : i32
      %dma_start3A_153 = arith.constant 0 : i32
      %dma_start3A_154 = tpu.memref_slice %arg11[%dma_start3A_152, %dma_start3A_153] : memref<10240x16xf32, #tpu.memory_space<vmem_shared>> -> memref<10240x16xf32, #tpu.memory_space<vmem_shared>>
      tpu.enqueue_indirect_dma source(%dma_start3A_148 : memref<125x16xf32, #tpu.memory_space<vmem>>) target(%dma_start3A_154 : memref<10240x16xf32, #tpu.memory_space<vmem_shared>>) offsets(%dma_start3A_151 : memref<125xi32, #tpu.memory_space<vmem>>) semaphore(%arg19 : memref<!tpu.dma_semaphore, #tpu.memory_space<semaphore_mem>>) {add = true}
      %add3A_155 = arith.constant 0 : i32
      %add3A_156 = arith.addi %mul3A_60, %add3A_155 : i32
      %dma_wait3A_157 = arith.constant 0 : i32
      %dma_wait3A_158 = arith.constant 0 : i32
      %dma_wait3A_159 = arith.constant 0 : i32
      %dma_wait3A_160 = tpu.memref_slice %arg9[%dma_wait3A_157, %dma_wait3A_158, %dma_wait3A_159] : memref<4x125x16xf32, #tpu.memory_space<vmem>> -> memref<1x125x16xf32, #tpu.memory_space<vmem>>
      %dma_wait3A_161 = tpu.memref_squeeze %dma_wait3A_160 : memref<1x125x16xf32, #tpu.memory_space<vmem>> -> memref<125x16xf32, #tpu.memory_space<vmem>>
      %dma_wait3A_162 = arith.constant 0 : i32
      %dma_wait3A_163 = tpu.memref_slice %arg8[%add3A_156, %dma_wait3A_162] : memref<40x125xi32, #tpu.memory_space<vmem>> -> memref<1x125xi32, #tpu.memory_space<vmem>>
      %dma_wait3A_164 = tpu.memref_squeeze %dma_wait3A_163 : memref<1x125xi32, #tpu.memory_space<vmem>> -> memref<125xi32, #tpu.memory_space<vmem>>
      %dma_wait3A_165 = arith.constant 0 : i32
      %dma_wait3A_166 = arith.constant 0 : i32
      %dma_wait3A_167 = tpu.memref_slice %arg11[%dma_wait3A_165, %dma_wait3A_166] : memref<10240x16xf32, #tpu.memory_space<vmem_shared>> -> memref<10240x16xf32, #tpu.memory_space<vmem_shared>>
      tpu.wait_indirect_dma semaphore(%arg16 : memref<!tpu.dma_semaphore, #tpu.memory_space<semaphore_mem>>) src(%dma_wait3A_161 : memref<125x16xf32, #tpu.memory_space<vmem>>) dst(%dma_wait3A_167 : memref<10240x16xf32, #tpu.memory_space<vmem_shared>>)
      %add3A_168 = arith.constant 4 : i32
      %add3A_169 = arith.addi %add3A_156, %add3A_168 : i32
      %lt3A = arith.constant 40 : i32
      %lt3A_170 = arith.cmpi slt, %add3A_169, %lt3A : i32
      %convert_element_type3A = arith.extui %lt3A_170 : i1 to i32
      %cond3A = arith.constant 0 : i32
      %cond3A_171 = arith.cmpi ne, %convert_element_type3A, %cond3A : i32
      scf.if %cond3A_171 {
        %add3A_232 = arith.constant 4 : i32
        %add3A_233 = arith.addi %add3A_156, %add3A_232 : i32
        %dma_start3A_234 = arith.constant 0 : i32
        %dma_start3A_235 = arith.constant 0 : i32
        %dma_start3A_236 = arith.constant 0 : i32
        %dma_start3A_237 = tpu.memref_slice %arg9[%dma_start3A_234, %dma_start3A_235, %dma_start3A_236] : memref<4x125x16xf32, #tpu.memory_space<vmem>> -> memref<1x125x16xf32, #tpu.memory_space<vmem>>
        %dma_start3A_238 = tpu.memref_squeeze %dma_start3A_237 : memref<1x125x16xf32, #tpu.memory_space<vmem>> -> memref<125x16xf32, #tpu.memory_space<vmem>>
        %dma_start3A_239 = arith.constant 0 : i32
        %dma_start3A_240 = tpu.memref_slice %arg7[%add3A_233, %dma_start3A_239] : memref<40x125xi32, #tpu.memory_space<vmem>> -> memref<1x125xi32, #tpu.memory_space<vmem>>
        %dma_start3A_241 = tpu.memref_squeeze %dma_start3A_240 : memref<1x125xi32, #tpu.memory_space<vmem>> -> memref<125xi32, #tpu.memory_space<vmem>>
        %dma_start3A_242 = arith.constant 0 : i32
        %dma_start3A_243 = arith.constant 0 : i32
        %dma_start3A_244 = tpu.memref_slice %arg2[%dma_start3A_242, %dma_start3A_243] : memref<10000x16xf32, #tpu.memory_space<hbm>> -> memref<10000x16xf32, #tpu.memory_space<hbm>>
        tpu.enqueue_indirect_dma source(%dma_start3A_244 : memref<10000x16xf32, #tpu.memory_space<hbm>>) target(%dma_start3A_238 : memref<125x16xf32, #tpu.memory_space<vmem>>) offsets(%dma_start3A_241 : memref<125xi32, #tpu.memory_space<vmem>>) semaphore(%arg12 : memref<!tpu.dma_semaphore, #tpu.memory_space<semaphore_mem>>)
      } else {
      }
      %add3A_172 = arith.constant 1 : i32
      %add3A_173 = arith.addi %mul3A_60, %add3A_172 : i32
      %dma_wait3A_174 = arith.constant 1 : i32
      %dma_wait3A_175 = arith.constant 0 : i32
      %dma_wait3A_176 = arith.constant 0 : i32
      %dma_wait3A_177 = tpu.memref_slice %arg9[%dma_wait3A_174, %dma_wait3A_175, %dma_wait3A_176] : memref<4x125x16xf32, #tpu.memory_space<vmem>> -> memref<1x125x16xf32, #tpu.memory_space<vmem>>
      %dma_wait3A_178 = tpu.memref_squeeze %dma_wait3A_177 : memref<1x125x16xf32, #tpu.memory_space<vmem>> -> memref<125x16xf32, #tpu.memory_space<vmem>>
      %dma_wait3A_179 = arith.constant 0 : i32
      %dma_wait3A_180 = tpu.memref_slice %arg8[%add3A_173, %dma_wait3A_179] : memref<40x125xi32, #tpu.memory_space<vmem>> -> memref<1x125xi32, #tpu.memory_space<vmem>>
      %dma_wait3A_181 = tpu.memref_squeeze %dma_wait3A_180 : memref<1x125xi32, #tpu.memory_space<vmem>> -> memref<125xi32, #tpu.memory_space<vmem>>
      %dma_wait3A_182 = arith.constant 0 : i32
      %dma_wait3A_183 = arith.constant 0 : i32
      %dma_wait3A_184 = tpu.memref_slice %arg11[%dma_wait3A_182, %dma_wait3A_183] : memref<10240x16xf32, #tpu.memory_space<vmem_shared>> -> memref<10240x16xf32, #tpu.memory_space<vmem_shared>>
      tpu.wait_indirect_dma semaphore(%arg17 : memref<!tpu.dma_semaphore, #tpu.memory_space<semaphore_mem>>) src(%dma_wait3A_178 : memref<125x16xf32, #tpu.memory_space<vmem>>) dst(%dma_wait3A_184 : memref<10240x16xf32, #tpu.memory_space<vmem_shared>>)
      %add3A_185 = arith.constant 4 : i32
      %add3A_186 = arith.addi %add3A_173, %add3A_185 : i32
      %lt3A_187 = arith.constant 40 : i32
      %lt3A_188 = arith.cmpi slt, %add3A_186, %lt3A_187 : i32
      %convert_element_type3A_189 = arith.extui %lt3A_188 : i1 to i32
      %cond3A_190 = arith.constant 0 : i32
      %cond3A_191 = arith.cmpi ne, %convert_element_type3A_189, %cond3A_190 : i32
      scf.if %cond3A_191 {
        %add3A_232 = arith.constant 4 : i32
        %add3A_233 = arith.addi %add3A_173, %add3A_232 : i32
        %dma_start3A_234 = arith.constant 1 : i32
        %dma_start3A_235 = arith.constant 0 : i32
        %dma_start3A_236 = arith.constant 0 : i32
        %dma_start3A_237 = tpu.memref_slice %arg9[%dma_start3A_234, %dma_start3A_235, %dma_start3A_236] : memref<4x125x16xf32, #tpu.memory_space<vmem>> -> memref<1x125x16xf32, #tpu.memory_space<vmem>>
        %dma_start3A_238 = tpu.memref_squeeze %dma_start3A_237 : memref<1x125x16xf32, #tpu.memory_space<vmem>> -> memref<125x16xf32, #tpu.memory_space<vmem>>
        %dma_start3A_239 = arith.constant 0 : i32
        %dma_start3A_240 = tpu.memref_slice %arg7[%add3A_233, %dma_start3A_239] : memref<40x125xi32, #tpu.memory_space<vmem>> -> memref<1x125xi32, #tpu.memory_space<vmem>>
        %dma_start3A_241 = tpu.memref_squeeze %dma_start3A_240 : memref<1x125xi32, #tpu.memory_space<vmem>> -> memref<125xi32, #tpu.memory_space<vmem>>
        %dma_start3A_242 = arith.constant 0 : i32
        %dma_start3A_243 = arith.constant 0 : i32
        %dma_start3A_244 = tpu.memref_slice %arg2[%dma_start3A_242, %dma_start3A_243] : memref<10000x16xf32, #tpu.memory_space<hbm>> -> memref<10000x16xf32, #tpu.memory_space<hbm>>
        tpu.enqueue_indirect_dma source(%dma_start3A_244 : memref<10000x16xf32, #tpu.memory_space<hbm>>) target(%dma_start3A_238 : memref<125x16xf32, #tpu.memory_space<vmem>>) offsets(%dma_start3A_241 : memref<125xi32, #tpu.memory_space<vmem>>) semaphore(%arg13 : memref<!tpu.dma_semaphore, #tpu.memory_space<semaphore_mem>>)
      } else {
      }
      %add3A_192 = arith.constant 2 : i32
      %add3A_193 = arith.addi %mul3A_60, %add3A_192 : i32
      %dma_wait3A_194 = arith.constant 2 : i32
      %dma_wait3A_195 = arith.constant 0 : i32
      %dma_wait3A_196 = arith.constant 0 : i32
      %dma_wait3A_197 = tpu.memref_slice %arg9[%dma_wait3A_194, %dma_wait3A_195, %dma_wait3A_196] : memref<4x125x16xf32, #tpu.memory_space<vmem>> -> memref<1x125x16xf32, #tpu.memory_space<vmem>>
      %dma_wait3A_198 = tpu.memref_squeeze %dma_wait3A_197 : memref<1x125x16xf32, #tpu.memory_space<vmem>> -> memref<125x16xf32, #tpu.memory_space<vmem>>
      %dma_wait3A_199 = arith.constant 0 : i32
      %dma_wait3A_200 = tpu.memref_slice %arg8[%add3A_193, %dma_wait3A_199] : memref<40x125xi32, #tpu.memory_space<vmem>> -> memref<1x125xi32, #tpu.memory_space<vmem>>
      %dma_wait3A_201 = tpu.memref_squeeze %dma_wait3A_200 : memref<1x125xi32, #tpu.memory_space<vmem>> -> memref<125xi32, #tpu.memory_space<vmem>>
      %dma_wait3A_202 = arith.constant 0 : i32
      %dma_wait3A_203 = arith.constant 0 : i32
      %dma_wait3A_204 = tpu.memref_slice %arg11[%dma_wait3A_202, %dma_wait3A_203] : memref<10240x16xf32, #tpu.memory_space<vmem_shared>> -> memref<10240x16xf32, #tpu.memory_space<vmem_shared>>
      tpu.wait_indirect_dma semaphore(%arg18 : memref<!tpu.dma_semaphore, #tpu.memory_space<semaphore_mem>>) src(%dma_wait3A_198 : memref<125x16xf32, #tpu.memory_space<vmem>>) dst(%dma_wait3A_204 : memref<10240x16xf32, #tpu.memory_space<vmem_shared>>)
      %add3A_205 = arith.constant 4 : i32
      %add3A_206 = arith.addi %add3A_193, %add3A_205 : i32
      %lt3A_207 = arith.constant 40 : i32
      %lt3A_208 = arith.cmpi slt, %add3A_206, %lt3A_207 : i32
      %convert_element_type3A_209 = arith.extui %lt3A_208 : i1 to i32
      %cond3A_210 = arith.constant 0 : i32
      %cond3A_211 = arith.cmpi ne, %convert_element_type3A_209, %cond3A_210 : i32
      scf.if %cond3A_211 {
        %add3A_232 = arith.constant 4 : i32
        %add3A_233 = arith.addi %add3A_193, %add3A_232 : i32
        %dma_start3A_234 = arith.constant 2 : i32
        %dma_start3A_235 = arith.constant 0 : i32
        %dma_start3A_236 = arith.constant 0 : i32
        %dma_start3A_237 = tpu.memref_slice %arg9[%dma_start3A_234, %dma_start3A_235, %dma_start3A_236] : memref<4x125x16xf32, #tpu.memory_space<vmem>> -> memref<1x125x16xf32, #tpu.memory_space<vmem>>
        %dma_start3A_238 = tpu.memref_squeeze %dma_start3A_237 : memref<1x125x16xf32, #tpu.memory_space<vmem>> -> memref<125x16xf32, #tpu.memory_space<vmem>>
        %dma_start3A_239 = arith.constant 0 : i32
        %dma_start3A_240 = tpu.memref_slice %arg7[%add3A_233, %dma_start3A_239] : memref<40x125xi32, #tpu.memory_space<vmem>> -> memref<1x125xi32, #tpu.memory_space<vmem>>
        %dma_start3A_241 = tpu.memref_squeeze %dma_start3A_240 : memref<1x125xi32, #tpu.memory_space<vmem>> -> memref<125xi32, #tpu.memory_space<vmem>>
        %dma_start3A_242 = arith.constant 0 : i32
        %dma_start3A_243 = arith.constant 0 : i32
        %dma_start3A_244 = tpu.memref_slice %arg2[%dma_start3A_242, %dma_start3A_243] : memref<10000x16xf32, #tpu.memory_space<hbm>> -> memref<10000x16xf32, #tpu.memory_space<hbm>>
        tpu.enqueue_indirect_dma source(%dma_start3A_244 : memref<10000x16xf32, #tpu.memory_space<hbm>>) target(%dma_start3A_238 : memref<125x16xf32, #tpu.memory_space<vmem>>) offsets(%dma_start3A_241 : memref<125xi32, #tpu.memory_space<vmem>>) semaphore(%arg14 : memref<!tpu.dma_semaphore, #tpu.memory_space<semaphore_mem>>)
      } else {
      }
      %add3A_212 = arith.constant 3 : i32
      %add3A_213 = arith.addi %mul3A_60, %add3A_212 : i32
      %dma_wait3A_214 = arith.constant 3 : i32
      %dma_wait3A_215 = arith.constant 0 : i32
      %dma_wait3A_216 = arith.constant 0 : i32
      %dma_wait3A_217 = tpu.memref_slice %arg9[%dma_wait3A_214, %dma_wait3A_215, %dma_wait3A_216] : memref<4x125x16xf32, #tpu.memory_space<vmem>> -> memref<1x125x16xf32, #tpu.memory_space<vmem>>
      %dma_wait3A_218 = tpu.memref_squeeze %dma_wait3A_217 : memref<1x125x16xf32, #tpu.memory_space<vmem>> -> memref<125x16xf32, #tpu.memory_space<vmem>>
      %dma_wait3A_219 = arith.constant 0 : i32
      %dma_wait3A_220 = tpu.memref_slice %arg8[%add3A_213, %dma_wait3A_219] : memref<40x125xi32, #tpu.memory_space<vmem>> -> memref<1x125xi32, #tpu.memory_space<vmem>>
      %dma_wait3A_221 = tpu.memref_squeeze %dma_wait3A_220 : memref<1x125xi32, #tpu.memory_space<vmem>> -> memref<125xi32, #tpu.memory_space<vmem>>
      %dma_wait3A_222 = arith.constant 0 : i32
      %dma_wait3A_223 = arith.constant 0 : i32
      %dma_wait3A_224 = tpu.memref_slice %arg11[%dma_wait3A_222, %dma_wait3A_223] : memref<10240x16xf32, #tpu.memory_space<vmem_shared>> -> memref<10240x16xf32, #tpu.memory_space<vmem_shared>>
      tpu.wait_indirect_dma semaphore(%arg19 : memref<!tpu.dma_semaphore, #tpu.memory_space<semaphore_mem>>) src(%dma_wait3A_218 : memref<125x16xf32, #tpu.memory_space<vmem>>) dst(%dma_wait3A_224 : memref<10240x16xf32, #tpu.memory_space<vmem_shared>>)
      %add3A_225 = arith.constant 4 : i32
      %add3A_226 = arith.addi %add3A_213, %add3A_225 : i32
      %lt3A_227 = arith.constant 40 : i32
      %lt3A_228 = arith.cmpi slt, %add3A_226, %lt3A_227 : i32
      %convert_element_type3A_229 = arith.extui %lt3A_228 : i1 to i32
      %cond3A_230 = arith.constant 0 : i32
      %cond3A_231 = arith.cmpi ne, %convert_element_type3A_229, %cond3A_230 : i32
      scf.if %cond3A_231 {
        %add3A_232 = arith.constant 4 : i32
        %add3A_233 = arith.addi %add3A_213, %add3A_232 : i32
        %dma_start3A_234 = arith.constant 3 : i32
        %dma_start3A_235 = arith.constant 0 : i32
        %dma_start3A_236 = arith.constant 0 : i32
        %dma_start3A_237 = tpu.memref_slice %arg9[%dma_start3A_234, %dma_start3A_235, %dma_start3A_236] : memref<4x125x16xf32, #tpu.memory_space<vmem>> -> memref<1x125x16xf32, #tpu.memory_space<vmem>>
        %dma_start3A_238 = tpu.memref_squeeze %dma_start3A_237 : memref<1x125x16xf32, #tpu.memory_space<vmem>> -> memref<125x16xf32, #tpu.memory_space<vmem>>
        %dma_start3A_239 = arith.constant 0 : i32
        %dma_start3A_240 = tpu.memref_slice %arg7[%add3A_233, %dma_start3A_239] : memref<40x125xi32, #tpu.memory_space<vmem>> -> memref<1x125xi32, #tpu.memory_space<vmem>>
        %dma_start3A_241 = tpu.memref_squeeze %dma_start3A_240 : memref<1x125xi32, #tpu.memory_space<vmem>> -> memref<125xi32, #tpu.memory_space<vmem>>
        %dma_start3A_242 = arith.constant 0 : i32
        %dma_start3A_243 = arith.constant 0 : i32
        %dma_start3A_244 = tpu.memref_slice %arg2[%dma_start3A_242, %dma_start3A_243] : memref<10000x16xf32, #tpu.memory_space<hbm>> -> memref<10000x16xf32, #tpu.memory_space<hbm>>
        tpu.enqueue_indirect_dma source(%dma_start3A_244 : memref<10000x16xf32, #tpu.memory_space<hbm>>) target(%dma_start3A_238 : memref<125x16xf32, #tpu.memory_space<vmem>>) offsets(%dma_start3A_241 : memref<125xi32, #tpu.memory_space<vmem>>) semaphore(%arg15 : memref<!tpu.dma_semaphore, #tpu.memory_space<semaphore_mem>>)
      } else {
      }
    }
    %scan3A_52 = arith.constant 10 : i32
    %barrier3A_53 = arith.constant 0 : index
    tpu.barrier barrier_id(%barrier3A_53)
    %mul3A_54 = arith.constant 640 : i32
    %mul3A_55 = arith.muli %arg1, %mul3A_54 : i32
    %mul3A_56 = arith.constant 640 : i32
    %mul3A_57 = arith.muli %arg1, %mul3A_56 : i32
    "tpu.region"() ({
      %run_scoped3A = tpu.sem_alloc : memref<!tpu.dma_semaphore, #tpu.memory_space<semaphore_mem>>
      %dma_start3A_58 = arith.constant 0 : i32
      %dma_start3A_59 = tpu.memref_slice %arg6[%arg0, %mul3A_57, %dma_start3A_58] : memref<2x10240x16xf32, #tpu.memory_space<hbm>> -> memref<1x640x16xf32, #tpu.memory_space<hbm>>
      %dma_start3A_60 = tpu.memref_squeeze %dma_start3A_59 : memref<1x640x16xf32, #tpu.memory_space<hbm>> -> memref<640x16xf32, #tpu.memory_space<hbm>>
      %dma_start3A_61 = arith.constant 0 : i32
      %dma_start3A_62 = tpu.memref_slice %arg11[%mul3A_55, %dma_start3A_61] : memref<10240x16xf32, #tpu.memory_space<vmem_shared>> -> memref<640x16xf32, #tpu.memory_space<vmem_shared>>
      tpu.enqueue_dma source(%dma_start3A_62 : memref<640x16xf32, #tpu.memory_space<vmem_shared>>) target(%dma_start3A_60 : memref<640x16xf32, #tpu.memory_space<hbm>>) target_semaphore(%run_scoped3A : memref<!tpu.dma_semaphore, #tpu.memory_space<semaphore_mem>>)
      %dma_wait3A = arith.constant 0 : i32
      %dma_wait3A_63 = tpu.memref_slice %arg6[%arg0, %mul3A_57, %dma_wait3A] : memref<2x10240x16xf32, #tpu.memory_space<hbm>> -> memref<1x640x16xf32, #tpu.memory_space<hbm>>
      %dma_wait3A_64 = tpu.memref_squeeze %dma_wait3A_63 : memref<1x640x16xf32, #tpu.memory_space<hbm>> -> memref<640x16xf32, #tpu.memory_space<hbm>>
      %dma_wait3A_65 = arith.constant 0 : i32
      %dma_wait3A_66 = tpu.memref_slice %arg11[%mul3A_55, %dma_wait3A_65] : memref<10240x16xf32, #tpu.memory_space<vmem_shared>> -> memref<640x16xf32, #tpu.memory_space<vmem_shared>>
      tpu.wait_dma2 semaphore(%run_scoped3A : memref<!tpu.dma_semaphore, #tpu.memory_space<semaphore_mem>>) src(%dma_wait3A_66 : memref<640x16xf32, #tpu.memory_space<vmem_shared>>) dst(%dma_wait3A_64 : memref<640x16xf32, #tpu.memory_space<hbm>>)
      tpu.yield
    }) : () -> ()
    return
  }
}

module attributes {stable_mosaic.version = 14 : i64} {
  func.func @_k2_body(%arg0: i32, %arg1: memref<1024x256xf32, #tpu.memory_space<vmem>>, %arg2: memref<256x256xf32, #tpu.memory_space<vmem>>, %arg3: memref<2x10240xf32, #tpu.memory_space<vmem>>, %arg4: memref<1024x128xf32, #tpu.memory_space<vmem>>, %arg5: memref<1024x128xf32, #tpu.memory_space<vmem>>, %arg6: memref<10240xf32, #tpu.memory_space<vmem>>) attributes {dimension_semantics = [#tpu.dimension_semantics<arbitrary>], iteration_bounds = array<i64: 10>, scalar_prefetch = 0 : i64, scratch_operands = 0 : i64, tpu.core_type = #tpu.core_type<tc>, window_params = [{transform_indices = @transform_0, window_bounds = array<i64: 1024, 256>}, {pipeline_mode = #tpu.pipeline_mode<synchronous>, transform_indices = @transform_1, window_bounds = array<i64: 256, 256>}, {pipeline_mode = #tpu.pipeline_mode<synchronous>, transform_indices = @transform_2, window_bounds = array<i64: 2, 10240>}, {transform_indices = @transform_3, window_bounds = array<i64: 1024, 128>}, {transform_indices = @transform_4, window_bounds = array<i64: 1024, 128>}, {pipeline_mode = #tpu.pipeline_mode<synchronous>, transform_indices = @transform_5, window_bounds = array<i64: 10240>}]} {
    %mul3A = arith.constant 1024 : i32
    %mul3A_0 = arith.muli %arg0, %mul3A : i32
    %get3A = arith.constant 0 : index
    %get3A_1 = arith.index_cast %mul3A_0 : i32 to index
    %get3A_2 = vector.load %arg3[%get3A, %get3A_1] : memref<2x10240xf32, #tpu.memory_space<vmem>>, vector<1x1024xf32>
    %get3A_3 = vector.shape_cast %get3A_2 : vector<1x1024xf32> to vector<1024xf32>
    %mul3A_4 = arith.constant 1024 : i32
    %mul3A_5 = arith.muli %arg0, %mul3A_4 : i32
    %get3A_6 = arith.constant 1 : index
    %get3A_7 = arith.index_cast %mul3A_5 : i32 to index
    %get3A_8 = vector.load %arg3[%get3A_6, %get3A_7] : memref<2x10240xf32, #tpu.memory_space<vmem>>, vector<1x1024xf32>
    %get3A_9 = vector.shape_cast %get3A_8 : vector<1x1024xf32> to vector<1024xf32>
    %add3A = arith.addf %get3A_3, %get3A_9 : vector<1024xf32>
    %add3A_10 = arith.constant 1.000000e+00 : f32
    %add3A_11 = vector.broadcast %add3A_10 : f32 to vector<1024xf32>
    %add3A_12 = arith.addf %add3A, %add3A_11 : vector<1024xf32>
    %rsqrt3A = math.rsqrt %add3A_12 : vector<1024xf32>
    %get3A_13 = arith.constant 0 : index
    %get3A_14 = arith.constant 0 : index
    %get3A_15 = vector.load %arg1[%get3A_13, %get3A_14] : memref<1024x256xf32, #tpu.memory_space<vmem>>, vector<1024x256xf32>
    %get3A_16 = arith.constant 0 : index
    %get3A_17 = arith.constant 0 : index
    %get3A_18 = vector.load %arg2[%get3A_16, %get3A_17] : memref<256x256xf32, #tpu.memory_space<vmem>>, vector<256x256xf32>
    %dot_general3A = arith.constant dense<0.000000e+00> : vector<1024x256xf32>
    %dot_general3A_19 = tpu.matmul %get3A_15, %get3A_18, %dot_general3A {dimension_numbers = #tpu.dot_dimension_numbers<[1], [0], [0], [1], [0, 0, 1, 1], [], []>, transpose_lhs_hint = false} : vector<1024x256xf32>, vector<256x256xf32>, vector<1024x256xf32> -> vector<1024x256xf32>
    %broadcast_in_dim3A = vector.shape_cast %rsqrt3A : vector<1024xf32> to vector<1024x1xf32>
    %mul3A_20 = vector.broadcast %broadcast_in_dim3A : vector<1024x1xf32> to vector<1024x256xf32>
    %mul3A_21 = arith.mulf %dot_general3A_19, %mul3A_20 : vector<1024x256xf32>
    %slice3A = vector.extract_strided_slice %mul3A_21 {offsets = [0, 0], sizes = [1024, 128], strides = [1, 1]} : vector<1024x256xf32> to vector<1024x128xf32>
    %swap3A = arith.constant 0 : index
    %swap3A_22 = arith.constant 0 : index
    %swap3A_23 = vector.load %arg4[%swap3A, %swap3A_22] : memref<1024x128xf32, #tpu.memory_space<vmem>>, vector<1024x128xf32>
    tpu.vector_store %arg4[%swap3A, %swap3A_22], %slice3A {strides = array<i32>} : memref<1024x128xf32, #tpu.memory_space<vmem>>, vector<1024x128xf32>,
    %slice3A_24 = vector.extract_strided_slice %mul3A_21 {offsets = [0, 128], sizes = [1024, 128], strides = [1, 1]} : vector<1024x256xf32> to vector<1024x128xf32>
    %swap3A_25 = arith.constant 0 : index
    %swap3A_26 = arith.constant 0 : index
    %swap3A_27 = vector.load %arg5[%swap3A_25, %swap3A_26] : memref<1024x128xf32, #tpu.memory_space<vmem>>, vector<1024x128xf32>
    tpu.vector_store %arg5[%swap3A_25, %swap3A_26], %slice3A_24 {strides = array<i32>} : memref<1024x128xf32, #tpu.memory_space<vmem>>, vector<1024x128xf32>,
    %mul3A_28 = arith.constant 1024 : i32
    %mul3A_29 = arith.muli %arg0, %mul3A_28 : i32
    %swap3A_30 = arith.index_cast %mul3A_29 : i32 to index
    %swap3A_31 = vector.load %arg6[%swap3A_30] : memref<10240xf32, #tpu.memory_space<vmem>>, vector<1024xf32>
    tpu.vector_store %arg6[%swap3A_30], %rsqrt3A {strides = array<i32>} : memref<10240xf32, #tpu.memory_space<vmem>>, vector<1024xf32>,
    return
  }
  func.func @transform_0(%arg0: i32) -> (i32, i32) {
    %c0_i32 = arith.constant 0 : i32
    %c0_i32_0 = arith.constant 0 : i32
    return %arg0, %c0_i32 : i32, i32
  }
  func.func @transform_1(%arg0: i32) -> (i32, i32) {
    %c0_i32 = arith.constant 0 : i32
    %c0_i32_0 = arith.constant 0 : i32
    %c0_i32_1 = arith.constant 0 : i32
    return %c0_i32, %c0_i32_0 : i32, i32
  }
  func.func @transform_2(%arg0: i32) -> (i32, i32) {
    %c0_i32 = arith.constant 0 : i32
    %c0_i32_0 = arith.constant 0 : i32
    %c0_i32_1 = arith.constant 0 : i32
    return %c0_i32, %c0_i32_0 : i32, i32
  }
  func.func @transform_3(%arg0: i32) -> (i32, i32) {
    %c0_i32 = arith.constant 0 : i32
    %c0_i32_0 = arith.constant 0 : i32
    return %arg0, %c0_i32 : i32, i32
  }
  func.func @transform_4(%arg0: i32) -> (i32, i32) {
    %c0_i32 = arith.constant 0 : i32
    %c0_i32_0 = arith.constant 0 : i32
    return %arg0, %c0_i32 : i32, i32
  }
  func.func @transform_5(%arg0: i32) -> i32 {
    %c0_i32 = arith.constant 0 : i32
    %c0_i32_0 = arith.constant 0 : i32
    return %c0_i32 : i32
  }
}

module attributes {stable_mosaic.version = 14 : i64} {
  func.func @_k4_body(%arg0: i32, %arg1: memref<2x1024x128xf32, #tpu.memory_space<vmem>>, %arg2: memref<1024x128xf32, #tpu.memory_space<vmem>>, %arg3: memref<1024x128xf32, #tpu.memory_space<vmem>>, %arg4: memref<10240xf32, #tpu.memory_space<vmem>>, %arg5: memref<256xf32, #tpu.memory_space<vmem>>, %arg6: memref<256x16xf32, #tpu.memory_space<vmem>>, %arg7: memref<1024x16xf32, #tpu.memory_space<vmem>>) attributes {dimension_semantics = [#tpu.dimension_semantics<arbitrary>], iteration_bounds = array<i64: 10>, scalar_prefetch = 0 : i64, scratch_operands = 0 : i64, tpu.core_type = #tpu.core_type<tc>, window_params = [{transform_indices = @transform_0, window_bounds = array<i64: 2, 1024, 128>}, {transform_indices = @transform_1, window_bounds = array<i64: 1024, 128>}, {transform_indices = @transform_2, window_bounds = array<i64: 1024, 128>}, {pipeline_mode = #tpu.pipeline_mode<synchronous>, transform_indices = @transform_3, window_bounds = array<i64: 10240>}, {pipeline_mode = #tpu.pipeline_mode<synchronous>, transform_indices = @transform_4, window_bounds = array<i64: 256>}, {pipeline_mode = #tpu.pipeline_mode<synchronous>, transform_indices = @transform_5, window_bounds = array<i64: 256, 16>}, {transform_indices = @transform_6, window_bounds = array<i64: 1024, 16>}]} {
    %mul3A = arith.constant 1024 : i32
    %mul3A_0 = arith.muli %arg0, %mul3A : i32
    %get3A = arith.index_cast %mul3A_0 : i32 to index
    %get3A_1 = vector.load %arg4[%get3A] : memref<10240xf32, #tpu.memory_space<vmem>>, vector<1024xf32>
    %get3A_2 = arith.constant 0 : index
    %get3A_3 = vector.load %arg5[%get3A_2] : memref<256xf32, #tpu.memory_space<vmem>>, vector<256xf32>
    %get3A_4 = arith.constant 0 : index
    %get3A_5 = arith.constant 0 : index
    %get3A_6 = arith.constant 0 : index
    %get3A_7 = vector.load %arg1[%get3A_4, %get3A_5, %get3A_6] : memref<2x1024x128xf32, #tpu.memory_space<vmem>>, vector<1x1024x128xf32>
    %get3A_8 = vector.shape_cast %get3A_7 : vector<1x1024x128xf32> to vector<1024x128xf32>
    %get3A_9 = arith.constant 0 : index
    %get3A_10 = arith.constant 0 : index
    %get3A_11 = vector.load %arg2[%get3A_9, %get3A_10] : memref<1024x128xf32, #tpu.memory_space<vmem>>, vector<1024x128xf32>
    %add3A = arith.addf %get3A_8, %get3A_11 : vector<1024x128xf32>
    %broadcast_in_dim3A = vector.shape_cast %get3A_1 : vector<1024xf32> to vector<1024x1xf32>
    %mul3A_12 = vector.broadcast %broadcast_in_dim3A : vector<1024x1xf32> to vector<1024x128xf32>
    %mul3A_13 = arith.mulf %add3A, %mul3A_12 : vector<1024x128xf32>
    %slice3A = vector.extract_strided_slice %get3A_3 {offsets = [0], sizes = [128], strides = [1]} : vector<256xf32> to vector<128xf32>
    %broadcast_in_dim3A_14 = vector.shape_cast %slice3A : vector<128xf32> to vector<1x128xf32>
    %add3A_15 = vector.broadcast %broadcast_in_dim3A_14 : vector<1x128xf32> to vector<1024x128xf32>
    %add3A_16 = arith.addf %mul3A_13, %add3A_15 : vector<1024x128xf32>
    %get3A_17 = arith.constant 1 : index
    %get3A_18 = arith.constant 0 : index
    %get3A_19 = arith.constant 0 : index
    %get3A_20 = vector.load %arg1[%get3A_17, %get3A_18, %get3A_19] : memref<2x1024x128xf32, #tpu.memory_space<vmem>>, vector<1x1024x128xf32>
    %get3A_21 = vector.shape_cast %get3A_20 : vector<1x1024x128xf32> to vector<1024x128xf32>
    %get3A_22 = arith.constant 0 : index
    %get3A_23 = arith.constant 0 : index
    %get3A_24 = vector.load %arg3[%get3A_22, %get3A_23] : memref<1024x128xf32, #tpu.memory_space<vmem>>, vector<1024x128xf32>
    %add3A_25 = arith.addf %get3A_21, %get3A_24 : vector<1024x128xf32>
    %broadcast_in_dim3A_26 = vector.shape_cast %get3A_1 : vector<1024xf32> to vector<1024x1xf32>
    %mul3A_27 = vector.broadcast %broadcast_in_dim3A_26 : vector<1024x1xf32> to vector<1024x128xf32>
    %mul3A_28 = arith.mulf %add3A_25, %mul3A_27 : vector<1024x128xf32>
    %slice3A_29 = vector.extract_strided_slice %get3A_3 {offsets = [128], sizes = [128], strides = [1]} : vector<256xf32> to vector<128xf32>
    %broadcast_in_dim3A_30 = vector.shape_cast %slice3A_29 : vector<128xf32> to vector<1x128xf32>
    %add3A_31 = vector.broadcast %broadcast_in_dim3A_30 : vector<1x128xf32> to vector<1024x128xf32>
    %add3A_32 = arith.addf %mul3A_28, %add3A_31 : vector<1024x128xf32>
    %max3A = arith.constant 0.000000e+00 : f32
    %max3A_33 = vector.broadcast %max3A : f32 to vector<1024x128xf32>
    %max3A_34 = arith.maximumf %add3A_16, %max3A_33 : vector<1024x128xf32>
    %get3A_35 = arith.constant 0 : index
    %get3A_36 = arith.constant 0 : index
    %get3A_37 = vector.load %arg6[%get3A_35, %get3A_36] : memref<256x16xf32, #tpu.memory_space<vmem>>, vector<128x16xf32>
    %dot_general3A = arith.constant dense<0.000000e+00> : vector<1024x16xf32>
    %dot_general3A_38 = tpu.matmul %max3A_34, %get3A_37, %dot_general3A {dimension_numbers = #tpu.dot_dimension_numbers<[1], [0], [0], [1], [0, 0, 1, 1], [], []>, transpose_lhs_hint = false} : vector<1024x128xf32>, vector<128x16xf32>, vector<1024x16xf32> -> vector<1024x16xf32>
    %max3A_39 = arith.constant 0.000000e+00 : f32
    %max3A_40 = vector.broadcast %max3A_39 : f32 to vector<1024x128xf32>
    %max3A_41 = arith.maximumf %add3A_32, %max3A_40 : vector<1024x128xf32>
    %get3A_42 = arith.constant 128 : index
    %get3A_43 = arith.constant 0 : index
    %get3A_44 = vector.load %arg6[%get3A_42, %get3A_43] : memref<256x16xf32, #tpu.memory_space<vmem>>, vector<128x16xf32>
    %dot_general3A_45 = arith.constant dense<0.000000e+00> : vector<1024x16xf32>
    %dot_general3A_46 = tpu.matmul %max3A_41, %get3A_44, %dot_general3A_45 {dimension_numbers = #tpu.dot_dimension_numbers<[1], [0], [0], [1], [0, 0, 1, 1], [], []>, transpose_lhs_hint = false} : vector<1024x128xf32>, vector<128x16xf32>, vector<1024x16xf32> -> vector<1024x16xf32>
    %add3A_47 = arith.addf %dot_general3A_38, %dot_general3A_46 : vector<1024x16xf32>
    %broadcast_in_dim3A_48 = vector.shape_cast %get3A_1 : vector<1024xf32> to vector<1024x1xf32>
    %mul3A_49 = vector.broadcast %broadcast_in_dim3A_48 : vector<1024x1xf32> to vector<1024x16xf32>
    %mul3A_50 = arith.mulf %add3A_47, %mul3A_49 : vector<1024x16xf32>
    %swap3A = arith.constant 0 : index
    %swap3A_51 = arith.constant 0 : index
    %swap3A_52 = vector.load %arg7[%swap3A, %swap3A_51] : memref<1024x16xf32, #tpu.memory_space<vmem>>, vector<1024x16xf32>
    tpu.vector_store %arg7[%swap3A, %swap3A_51], %mul3A_50 {strides = array<i32>} : memref<1024x16xf32, #tpu.memory_space<vmem>>, vector<1024x16xf32>,
    return
  }
  func.func @transform_0(%arg0: i32) -> (i32, i32, i32) {
    %c0_i32 = arith.constant 0 : i32
    %c0_i32_0 = arith.constant 0 : i32
    %c0_i32_1 = arith.constant 0 : i32
    return %c0_i32, %arg0, %c0_i32_0 : i32, i32, i32
  }
  func.func @transform_1(%arg0: i32) -> (i32, i32) {
    %c0_i32 = arith.constant 0 : i32
    %c0_i32_0 = arith.constant 0 : i32
    return %arg0, %c0_i32 : i32, i32
  }
  func.func @transform_2(%arg0: i32) -> (i32, i32) {
    %c0_i32 = arith.constant 0 : i32
    %c0_i32_0 = arith.constant 0 : i32
    return %arg0, %c0_i32 : i32, i32
  }
  func.func @transform_3(%arg0: i32) -> i32 {
    %c0_i32 = arith.constant 0 : i32
    %c0_i32_0 = arith.constant 0 : i32
    return %c0_i32 : i32
  }
  func.func @transform_4(%arg0: i32) -> i32 {
    %c0_i32 = arith.constant 0 : i32
    %c0_i32_0 = arith.constant 0 : i32
    return %c0_i32 : i32
  }
  func.func @transform_5(%arg0: i32) -> (i32, i32) {
    %c0_i32 = arith.constant 0 : i32
    %c0_i32_0 = arith.constant 0 : i32
    %c0_i32_1 = arith.constant 0 : i32
    return %c0_i32, %c0_i32_0 : i32, i32
  }
  func.func @transform_6(%arg0: i32) -> (i32, i32) {
    %c0_i32 = arith.constant 0 : i32
    %c0_i32_0 = arith.constant 0 : i32
    return %arg0, %c0_i32 : i32, i32
  }
}

module attributes {stable_mosaic.version = 14 : i64} {
  func.func @_k6_body(%arg0: i32, %arg1: memref<1024x16xf32, #tpu.memory_space<vmem>>, %arg2: memref<1024x16xf32, #tpu.memory_space<vmem>>, %arg3: memref<1024x16xf32, #tpu.memory_space<vmem>>, %arg4: memref<10240xf32, #tpu.memory_space<vmem>>, %arg5: memref<2xf32, #tpu.memory_space<vmem>>, %arg6: memref<1024x2xf32, #tpu.memory_space<vmem>>) attributes {dimension_semantics = [#tpu.dimension_semantics<arbitrary>], iteration_bounds = array<i64: 10>, scalar_prefetch = 0 : i64, scratch_operands = 0 : i64, tpu.core_type = #tpu.core_type<tc>, window_params = [{transform_indices = @transform_0, window_bounds = array<i64: 1024, 16>}, {transform_indices = @transform_1, window_bounds = array<i64: 1024, 16>}, {transform_indices = @transform_2, window_bounds = array<i64: 1024, 16>}, {pipeline_mode = #tpu.pipeline_mode<synchronous>, transform_indices = @transform_3, window_bounds = array<i64: 10240>}, {pipeline_mode = #tpu.pipeline_mode<synchronous>, transform_indices = @transform_4, window_bounds = array<i64: 2>}, {transform_indices = @transform_5, window_bounds = array<i64: 1024, 2>}]} {
    %mul3A = arith.constant 1024 : i32
    %mul3A_0 = arith.muli %arg0, %mul3A : i32
    %get3A = arith.index_cast %mul3A_0 : i32 to index
    %get3A_1 = vector.load %arg4[%get3A] : memref<10240xf32, #tpu.memory_space<vmem>>, vector<1024xf32>
    %get3A_2 = arith.constant 0 : index
    %get3A_3 = arith.constant 0 : index
    %get3A_4 = vector.load %arg1[%get3A_2, %get3A_3] : memref<1024x16xf32, #tpu.memory_space<vmem>>, vector<1024x16xf32>
    %get3A_5 = arith.constant 0 : index
    %get3A_6 = arith.constant 0 : index
    %get3A_7 = vector.load %arg2[%get3A_5, %get3A_6] : memref<1024x16xf32, #tpu.memory_space<vmem>>, vector<1024x16xf32>
    %add3A = arith.addf %get3A_4, %get3A_7 : vector<1024x16xf32>
    %get3A_8 = arith.constant 0 : index
    %get3A_9 = arith.constant 0 : index
    %get3A_10 = vector.load %arg3[%get3A_8, %get3A_9] : memref<1024x16xf32, #tpu.memory_space<vmem>>, vector<1024x16xf32>
    %add3A_11 = arith.addf %add3A, %get3A_10 : vector<1024x16xf32>
    %broadcast_in_dim3A = vector.shape_cast %get3A_1 : vector<1024xf32> to vector<1024x1xf32>
    %mul3A_12 = vector.broadcast %broadcast_in_dim3A : vector<1024x1xf32> to vector<1024x16xf32>
    %mul3A_13 = arith.mulf %add3A_11, %mul3A_12 : vector<1024x16xf32>
    %slice3A = vector.extract_strided_slice %mul3A_13 {offsets = [0, 0], sizes = [1024, 2], strides = [1, 1]} : vector<1024x16xf32> to vector<1024x2xf32>
    %get3A_14 = arith.constant 0 : index
    %get3A_15 = vector.load %arg5[%get3A_14] : memref<2xf32, #tpu.memory_space<vmem>>, vector<2xf32>
    %broadcast_in_dim3A_16 = vector.shape_cast %get3A_15 : vector<2xf32> to vector<1x2xf32>
    %add3A_17 = vector.broadcast %broadcast_in_dim3A_16 : vector<1x2xf32> to vector<1024x2xf32>
    %add3A_18 = arith.addf %slice3A, %add3A_17 : vector<1024x2xf32>
    %reduce_max3A = arith.constant dense<0xFF800000> : vector<1024xf32>
    %reduce_max3A_19 = vector.multi_reduction <maximumf>, %add3A_18, %reduce_max3A [1] : vector<1024x2xf32> to vector<1024xf32>
    %broadcast_in_dim3A_20 = vector.shape_cast %reduce_max3A_19 : vector<1024xf32> to vector<1024x1xf32>
    %sub3A = vector.broadcast %broadcast_in_dim3A_20 : vector<1024x1xf32> to vector<1024x2xf32>
    %sub3A_21 = arith.subf %add3A_18, %sub3A : vector<1024x2xf32>
    %exp3A = math.exp %sub3A_21 : vector<1024x2xf32>
    %reduce_sum3A = arith.constant dense<0.000000e+00> : vector<1024xf32>
    %reduce_sum3A_22 = vector.multi_reduction <add>, %exp3A, %reduce_sum3A [1] : vector<1024x2xf32> to vector<1024xf32>
    %broadcast_in_dim3A_23 = vector.shape_cast %reduce_sum3A_22 : vector<1024xf32> to vector<1024x1xf32>
    %log3A = math.log %broadcast_in_dim3A_23 : vector<1024x1xf32>
    %add3A_24 = arith.addf %broadcast_in_dim3A_20, %log3A : vector<1024x1xf32>
    %sub3A_25 = vector.broadcast %add3A_24 : vector<1024x1xf32> to vector<1024x2xf32>
    %sub3A_26 = arith.subf %add3A_18, %sub3A_25 : vector<1024x2xf32>
    %swap3A = arith.constant 0 : index
    %swap3A_27 = arith.constant 0 : index
    %swap3A_28 = vector.load %arg6[%swap3A, %swap3A_27] : memref<1024x2xf32, #tpu.memory_space<vmem>>, vector<1024x2xf32>
    tpu.vector_store %arg6[%swap3A, %swap3A_27], %sub3A_26 {strides = array<i32>} : memref<1024x2xf32, #tpu.memory_space<vmem>>, vector<1024x2xf32>,
    return
  }
  func.func @transform_0(%arg0: i32) -> (i32, i32) {
    %c0_i32 = arith.constant 0 : i32
    %c0_i32_0 = arith.constant 0 : i32
    return %arg0, %c0_i32 : i32, i32
  }
  func.func @transform_1(%arg0: i32) -> (i32, i32) {
    %c0_i32 = arith.constant 0 : i32
    %c0_i32_0 = arith.constant 0 : i32
    return %arg0, %c0_i32 : i32, i32
  }
  func.func @transform_2(%arg0: i32) -> (i32, i32) {
    %c0_i32 = arith.constant 0 : i32
    %c0_i32_0 = arith.constant 0 : i32
    return %arg0, %c0_i32 : i32, i32
  }
  func.func @transform_3(%arg0: i32) -> i32 {
    %c0_i32 = arith.constant 0 : i32
    %c0_i32_0 = arith.constant 0 : i32
    return %c0_i32 : i32
  }
  func.func @transform_4(%arg0: i32) -> i32 {
    %c0_i32 = arith.constant 0 : i32
    %c0_i32_0 = arith.constant 0 : i32
    return %c0_i32 : i32
  }
  func.func @transform_5(%arg0: i32) -> (i32, i32) {
    %c0_i32 = arith.constant 0 : i32
    %c0_i32_0 = arith.constant 0 : i32
    return %arg0, %c0_i32 : i32, i32
  }
}

</mosaic_0001>

<sc_bundles>
// kernel: kernel.11.cloned.1.call-start
scs
__scs_entry_jumppad:
0x0: {  	(pc) =	sbr.rel $0x88, $3  }
0x1: {  	(tag) =	ssettag $0x0;
	lr =	simm.s32 $0x1  }
0x2: {  	[smem:$0x3F9B] =	sst lr;
	_ =	strace $0xD0000000  }
0x3: {  	_ = 	snop  }
0x4: {  	_ = 	snop  }
0x5: {  	_ = 	snop  }
0x6: {  	_ = 	snop  }
0x7: {  	_ = 	snop  }
__scs_overlays_trampoline_lowered:
0x8: {  	[smem:$0x3FAA] =	sst s0  }
0x9: {  	[smem:$0x3FAB] =	sst s1  }
0xa: {  	[smem:$0x3FAC] =	sst s2  }
0xb: {  	[smem:$0x3FAD] =	sst s3  }
0xc: {  	[smem:$0x3FAE] =	sst s4  }
0xd: {  	[smem:$0x3FAF] =	sst s5  }
0xe: {  	[smem:$0x3FB0] =	sst s6  }
0xf: {  	[smem:$0x3FB1] =	sst s7  }
0x10: {  	[smem:$0x3FB2] =	sst s8  }
0x11: {  	[smem:$0x3FB3] =	sst s9;
	s0 =	simm.s32 @!p0 $0x0  }
0x12: {  	s1 =	sld [smem:$0x3F99];
	s0 =	simm.s32 @p0 $0x1  }
0x13: {  	[smem:$0x3FB4] =	sst s0;
	s0 =	simm.s32 @!p1 $0x0  }
0x14: {  	s2 =	sld [smem:$0x3F98];
	s0 =	simm.s32 @p1 $0x1  }
0x15: {  	[smem:$0x3FB5] =	sst s0;
	s0 =	simm.s32 @!p2 $0x0  }
0x16: {  	s3 =	sld [smem:$0x3FDB];
	s0 =	simm.s32 @p2 $0x1  }
0x17: {  	s4 =	simm.s32 $0x1BF5;
	[smem:$0x3FB7] =	sst s0  }
0x18: {  	s0 =	sld [smem:$0x3F9A];
	_ =	swait.ge [sflag:s4], $0x0  }
0x19: {  	s7 =	sld [smem:$0x3F9B]  }
0x1a: {  	s8 =	sadd.s32 $0xFFFFE003, lr  }
0x1b: {  	s9 =	sadd.s32 $0xFFFFFEF7, lr;
	s5 =	simm.s32 $0xFFFFFFFF;
	p2 =	slt.u32 s8, $0xFFFFF086  }
0x1c: {  	p1 =	slt.u32 s9, $0xF7A;
	s5 =	simm.s32 @!p2 $0x0  }
0x1d: {  	s5 =	simm.s32 @p1 $0x1;
	p0 =	seq.s32 s7, s2  }
0x1e: {  	s7 =	smul.u32 @!p0 $0xF7A, s2;
	p2 =	seq.s32 @!p0 s5, $0x0  }
0x1f: {  	s9 =	smul.u32 $0xF7A, s1;
	s8 =	simm.s32 @!p0 $0x1BF5;
	p2 =	por !p2, p0  }
0x20: {  	[sflag:s8] =	ssyncset.s32 @!p0 $0xFFFFF086;
	s6 =	sadd.s32 @!p0 s3, s7;
	s7 =	simm.s32 @!p0 $0x108  }
0x21: {  	s3 =	sadd.s32 s3, s9;
	s6 =	sadd.s32 @!p0 $0x88, s6;
	s7 =	simm.s32 @p2 $0x1082  }
0x22: {  	[simem:s7], [sflag:s8] =	dma.local @!p0 [hbm:s6], $0xF7A  }
0x23: {  	s9 =	sor.u32 $0xD0000000, s2;
	s6 =	simm.s32 $0x108;
	_ =	swait.ge @!p0 [sflag:s8], $0x0  }
0x24: {  	s3 =	sadd.s32 $0x88, s3;
	s6 =	simm.s32 @!p1 $0x1082;
	[sflag:s4] =	ssyncset.s32 $0xFFFFF086  }
0x25: {  	[simem:s6], [sflag:s4] =	dma.local [hbm:s3], $0xF7A  }
0x26: {  	[smem:$0x3F9B] =	sst s1;
	(tag) =	ssettag s2;
	_ =	strace s9  }
0x27: {  	s1 =	sld [smem:$0x3FAB]  }
0x28: {  	s2 =	sld [smem:$0x3FAC]  }
0x29: {  	s4 =	sld [smem:$0x3FAE]  }
0x2a: {  	p0 =	seq.s32 s5, $0x0;
	s5 =	sld [smem:$0x3FAF]  }
0x2b: {  	s6 =	sld [smem:$0x3FB0]  }
0x2c: {  	s7 =	sld [smem:$0x3FB1]  }
0x2d: {  	s3 =	simm.s32 $0x108;
	s8 =	sld [smem:$0x3FB2]  }
0x2e: {  	s3 =	simm.s32 @!p0 $0x1082;
	s9 =	sld [smem:$0x3FB3]  }
0x2f: {  	lr =	sadd.s32 s0, s3;
	s0 =	sld [smem:$0x3FAA]  }
0x30: {  	s3 =	sld [smem:$0x3FAD]  }
0x31: {  	[smem:$0x3FB6] =	sst s10  }
0x32: {  	s10 =	sld [smem:$0x3FB4];
	_ =	sdelay $0x3  }
0x33: {  	p0 =	seq.s32 s10, $0x1;
	s10 =	sld [smem:$0x3FB6];
	_ =	sdelay $0x3  }
0x34: {  	[smem:$0x3FB6] =	sst s10  }
0x35: {  	s10 =	sld [smem:$0x3FB5];
	_ =	sdelay $0x3  }
0x36: {  	p1 =	seq.s32 s10, $0x1;
	s10 =	sld [smem:$0x3FB6];
	_ =	sdelay $0x3  }
0x37: {  	[smem:$0x3FB6] =	sst s10  }
0x38: {  	s10 =	sld [smem:$0x3FB7]  }
0x39: {  	_ = 	snop;
	(pc) =	sbr.ind lr, $3  }
0x3a: {  	_ = 	snop  }
0x3b: {  	_ = 	snop  }
0x3c: {  	p2 =	seq.s32 s10, $0x1;
	s10 =	sld [smem:$0x3FB6]  }
0x3d: {  	_ =	shalt  }
0x3e: {  	_ =	shalt  }
0x3f: {  	_ =	shalt  }
0x40: {  	_ =	shalt  }
0x41: {  	_ =	shalt  }
0x42: {  	_ =	shalt  }
0x43: {  	_ =	shalt  }
0x44: {  	_ =	shalt  }
0x45: {  	_ =	shalt  }
0x46: {  	_ =	shalt  }
0x47: {  	_ =	shalt  }
0x48: {  	_ =	shalt  }
0x49: {  	_ =	shalt  }
0x4a: {  	_ =	shalt  }
0x4b: {  	_ =	shalt  }
0x4c: {  	_ =	shalt  }
0x4d: {  	_ =	shalt  }
0x4e: {  	_ =	shalt  }
0x4f: {  	_ =	shalt  }
0x50: {  	_ =	shalt  }
0x51: {  	_ =	shalt  }
0x52: {  	_ =	shalt  }
0x53: {  	_ =	shalt  }
0x54: {  	_ =	shalt  }
0x55: {  	_ =	shalt  }
0x56: {  	_ =	shalt  }
0x57: {  	_ =	shalt  }
0x58: {  	_ =	shalt  }
0x59: {  	_ =	shalt  }
0x5a: {  	_ =	shalt  }
0x5b: {  	_ =	shalt  }
0x5c: {  	_ =	shalt  }
0x5d: {  	_ =	shalt  }
0x5e: {  	_ =	shalt  }
0x5f: {  	_ =	shalt  }
0x60: {  	_ =	shalt  }
0x61: {  	_ =	shalt  }
0x62: {  	_ =	shalt  }
0x63: {  	_ =	shalt  }
0x64: {  	_ =	shalt  }
0x65: {  	_ =	shalt  }
0x66: {  	_ =	shalt  }
0x67: {  	_ =	shalt  }
0x68: {  	_ =	shalt  }
0x69: {  	_ =	shalt  }
0x6a: {  	_ =	shalt  }
0x6b: {  	_ =	shalt  }
0x6c: {  	_ =	shalt  }
0x6d: {  	_ =	shalt  }
0x6e: {  	_ =	shalt  }
0x6f: {  	_ =	shalt  }
0x70: {  	_ =	shalt  }
0x71: {  	_ =	shalt  }
0x72: {  	_ =	shalt  }
0x73: {  	_ =	shalt  }
0x74: {  	_ =	shalt  }
0x75: {  	_ =	shalt  }
0x76: {  	_ =	shalt  }
0x77: {  	_ =	shalt  }
0x78: {  	_ =	shalt  }
0x79: {  	_ =	shalt  }
0x7a: {  	_ =	shalt  }
0x7b: {  	_ =	shalt  }
0x7c: {  	_ =	shalt  }
0x7d: {  	_ =	shalt  }
0x7e: {  	_ =	shalt  }
0x7f: {  	_ =	shalt  }
0x80: {  	_ =	shalt  }
0x81: {  	_ =	shalt  }
0x82: {  	_ =	shalt  }
0x83: {  	_ =	shalt  }
0x84: {  	_ =	shalt  }
0x85: {  	_ =	shalt  }
0x86: {  	_ =	shalt  }
0x87: {  	_ =	shalt  }
.Lfunc_end0:
.L_simem_size_0:
called_computation.1_lowered:
.L_overlay_start_0:
0x88: {  	s2 =	sld [smem:$0x3FD9]  }
0x89: {  	s3 =	sld [smem:$0x3FFE];
	_ =	sdelay $0x1  }
0x8a: {  	s1 =	srdreg.scid  }
0x8b: {  	s0 =	sand.u32 $0x1, s1  }
0x8c: {  	s17 =	sshll.u32 s0, $0xA;
	s2 =	sadd.s32 s3, s2  }
0x8d: {  	s2 =	sadd.s32 s2, s17  }
0x8e: {  	[smem:$0x3FC2] =	sst s2  }
0x8f: {  	_ = 	snop  }
0x90: {  	s2 =	sld [smem:$0x3FD0];
	(tm) =	ssettm $0x1  }
0x91: {  	s18 =	sld [smem:$0x3FFB];
	_ =	sdelay $0x3  }
0x92: {  	_ =	strace s18  }
0x93: {  	s3 =	sld [smem:$0x3FFC];
	_ =	sdelay $0x3  }
0x94: {  	_ =	strace s3  }
0x95: {  	s3 =	sld [smem:$0x3FFD];
	_ =	sdelay $0x3  }
0x96: {  	_ =	strace s3  }
0x97: {  	_ =	strace $0x8FFFFFFF  }
0x98: {  	s19 =	sld [smem:$0x3FDB];
	_ =	sdelay $0x1  }
0x99: {  	s4 =	simm.s32 $_scs_section_size  }
0x9a: {  	s5 =	simm.s32 $_size__tile_overlayer_lowered;
	s6 =	simm.s32 $_tile_overlayer_lowered  }
0x9b: {  	s22 =	simm.s32 $0x1BFF;
	s21 =	sshll.u32 s6, $0x1;
	s3 =	sadd.s32 s4, s19  }
0x9c: {  	s7 =	simm.s32 $0x0;
	s20 =	sshll.u32 s5, $0x1;
	s5 =	sadd.s32 s21, s3  }
0x9d: {  	[timem:s7], [sflag:s22] =	dma.local [hbm:s5], s20  }
0x9e: {  	_ =	swait.ge [sflag:s22], s20  }
0x9f: {  	s4 =	ssub.s32 $0x0, s20;
	[sflag:s22] =	ssyncset.done $0x0  }
0xa0: {  	[sflag:s22] =	ssyncadd.s32 s4;
	_ =	sdelay $0x1  }
0xa1: {  	s23 =	simm.s32 $0x1B8B  }
0xa2: {  	_ =	swait.ge [sflag:s23], $0x1  }
0xa3: {  	[sflag:s23] =	ssyncset.done $0x0  }
0xa4: {  	s25 =	simm.s32 $0x1B8E;
	s24 =	sld [smem:$0x3FFE];
	[sflag:s23] =	ssyncadd.s32 $0xFFFFFFFF  }
0xa5: {  	s26 =	simm.s32 $execute0_lowered;
	[smem:$0x3FD2] =	sst s25  }
0xa6: {  	s5 =	sshll.u32 s26, $0x1;
	_ =	strace $0x80000049;
	[dreg:$0x1] =	wrdreg $0xFFFFFFFF  }
0xa7: {  	s28 =	simm.s32 $_size_execute0_lowered;
	s3 =	sadd.s32 s3, s5;
	[dreg:$0x0] =	wrdreg $0x0  }
0xa8: {  	s5 =	sshll.u32 s28, $0x1;
	[dreg:$0x2] =	wrdreg s3  }
0xa9: {  	[dreg:$0x3] =	wrdreg s5  }
0xaa: {  	[dreg:$0x4] =	wrdreg $0xC0  }
0xab: {  	_ =	task [dreg:s7], $0x5FFFF  }
0xac: {  	[dreg:$0x1] =	wrdreg $0xFFFFFFFF  }
0xad: {  	[dreg:$0x0] =	wrdreg $0x60  }
0xae: {  	[dreg:$0x2] =	wrdreg s24  }
0xaf: {  	[dreg:$0x3] =	wrdreg s2  }
0xb0: {  	[dreg:$0x4] =	wrdreg $0x6FD00  }
0xb1: {  	[dreg:$0x5] =	wrdreg $0x9  }
0xb2: {  	_ =	task.clear_ibuf [dreg:s7], $0x6FFFF;
	_ =	strace $0x90000049  }
0xb3: {  	s29 =	simm.s32 $0x9;
	_ =	strace $0x8000004B  }
0xb4: {  	_ =	swait.ge [sflag:s29], $0x1  }
0xb5: {  	[sflag:s29] =	ssyncadd.s32 $0xFFFFFFFF  }
0xb6: {  	_ =	strace $0x9000004B  }
0xb7: {  	_ =	sfence  }
0xb8: {  	s30 =	sld [smem:$0x0];
	_ =	sdelay $0x2  }
0xb9: {  	s31 =	sshll.u32 s1, $0xD;
	s1 =	sshrl.u32 s1, $0x2  }
0xba: {  	s3 =	sand.u32 $0x4000, s31;
	s1 =	sadd.s32 s1, s30  }
0xbb: {  	s0 =	sor.u32 s3, s0;
	s1 =	sshll.u32 s1, $0x11  }
0xbc: {  	s0 =	sor.u32 s1, s0  }
0xbd: {  	s0 =	sadd.s32 $0x8F2B, s0  }
0xbe: {  	[sflag:s0] =	ssyncadd.remote.s32 $0x1  }
0xbf: {  	_ =	sfence.sel $0xFFFF  }
0xc0: {  	[dreg:$0x0] =	wrdreg $0xFFFFFFFF;
	(pc) =	sbr.abs _section_cstart, $3  }
0xc1: {  	[dreg:$0x1] =	wrdreg $0xFFFFFFFF  }
0xc2: {  	_ =	task.clear_ibuf [dreg:s7], $0x2FFFF;
	_ =	strace $0x9FFFFFFF  }
0xc3: {  	(tm) =	ssettm $0x7FFFFFFF  }
tec
execute0_lowered:
.L_overlay_start_1:
0x0: {  	(tag) =	ssettag $0x1  }
0x1: {  	s6 =	stileid.u32  }
0x2: {  	s2 =	srdreg.scid;
	s9 =	smul.u32 $0x14000, s6  }
0x3: {  	s1 =	rddreg [dreg:$0x0];
	s8 =	sand.u32 $0x1, s2;
	s7 =	smul.u32 $0x50000, s6  }
0x4: {  	s3 =	rddreg [dreg:$0x2];
	s4 =	simm.s32 $0x0;
	s2 =	smul.u32 $0x140000, s8  }
0x5: {  	[smem:$0x7FF] =	sst s4;
	s7 =	sshrl.u32 s7, $0x2  }
0x6: {  	s2 =	sadd.s32 s9, s2;
	s7 =	sadd.s32 s7, s3;
	s9 =	sadd.s32 s9, s3  }
0x7: {  	_ =	strace $0x8000004A;
	s20 =	sadd.s32 $0x400, s7;
	[dreg:$0x4] =	wrdreg s9  }
0x8: {  	s21 =	sadd.s32 $0x800, s7;
	[dreg:$0x5] =	wrdreg s20  }
0x9: {  	s22 =	sadd.s32 $0xC00, s7;
	[dreg:$0x6] =	wrdreg s21  }
0xa: {  	s23 =	sadd.s32 $0x1000, s7;
	[dreg:$0x7] =	wrdreg s22  }
0xb: {  	s24 =	sadd.s32 $0x1400, s7;
	[dreg:$0x8] =	wrdreg s23  }
0xc: {  	s25 =	sadd.s32 $0x1800, s7;
	[dreg:$0x9] =	wrdreg s24  }
0xd: {  	s26 =	sadd.s32 $0x1C00, s7;
	[dreg:$0xa] =	wrdreg s25  }
0xe: {  	s30 =	sadd.s32 $0x2000, s7;
	[dreg:$0xb] =	wrdreg s26  }
0xf: {  	s0 =	smul.u32 $0x4E2, s6;
	s11 =	sadd.s32 $0x2400, s7;
	[dreg:$0xc] =	wrdreg s30  }
0x10: {  	s5 =	sadd.s32 $0x11800, s1;
	s12 =	sadd.s32 $0x2800, s7;
	[dreg:$0xd] =	wrdreg s11  }
0x11: {  	s6 =	sadd.s32 $0x38A00, s1;
	s13 =	sadd.s32 $0x2C00, s7;
	[dreg:$0xe] =	wrdreg s12  }
0x12: {  	s10 =	ssub.s32 $0x2, s8;
	s14 =	sadd.s32 $0x3000, s7;
	[dreg:$0xf] =	wrdreg s13  }
0x13: {  	s0 =	sadd.s32 s0, s1;
	s15 =	sadd.s32 $0x3400, s7;
	[dreg:$0x10] =	wrdreg s14  }
0x14: {  	s19 =	sshrl.u32 s10, $0x1;
	s16 =	sadd.s32 $0x3800, s7;
	[dreg:$0x11] =	wrdreg s15  }
0x15: {  	s2 =	sshrl.u32 s2, $0x3;
	s17 =	sadd.s32 $0x3C00, s7;
	[dreg:$0x12] =	wrdreg s16  }
0x16: {  	s18 =	sadd.s32 $0x4000, s7;
	s1 =	sadd.s32 s2, s1;
	[dreg:$0x13] =	wrdreg s17  }
0x17: {  	s2 =	ssub.s32 s10, s19;
	[dreg:$0x14] =	wrdreg s18;
	s19 =	sadd.s32 $0x4400, s7  }
0x18: {  	s20 =	sadd.s32 $0x4800, s7;
	[dreg:$0x15] =	wrdreg s19  }
0x19: {  	s21 =	sadd.s32 $0x4C00, s7;
	[dreg:$0x16] =	wrdreg s20  }
0x1a: {  	s22 =	sadd.s32 $0x5000, s7;
	[dreg:$0x17] =	wrdreg s21  }
0x1b: {  	s23 =	sadd.s32 $0x5400, s7;
	[dreg:$0x18] =	wrdreg s22  }
0x1c: {  	s24 =	sadd.s32 $0x5800, s7;
	[dreg:$0x19] =	wrdreg s23  }
0x1d: {  	s25 =	sadd.s32 $0x5C00, s7;
	[dreg:$0x1a] =	wrdreg s24  }
0x1e: {  	s26 =	sadd.s32 $0x6000, s7;
	[dreg:$0x1b] =	wrdreg s25  }
0x1f: {  	s30 =	sadd.s32 $0x6400, s7;
	[dreg:$0x1c] =	wrdreg s26  }
0x20: {  	s10 =	sadd.s32 $0x6800, s7;
	[dreg:$0x1d] =	wrdreg s30  }
0x21: {  	s11 =	sadd.s32 $0x6C00, s7;
	[dreg:$0x1e] =	wrdreg s10  }
0x22: {  	s12 =	sadd.s32 $0x7000, s7;
	[dreg:$0x1f] =	wrdreg s11  }
0x23: {  	s13 =	sadd.s32 $0x7400, s7;
	[smem:$0x7C8] =	sst s12  }
0x24: {  	s14 =	sadd.s32 $0x7800, s7;
	[smem:$0x7C9] =	sst s13  }
0x25: {  	s15 =	sadd.s32 $0x7C00, s7;
	[smem:$0x7CA] =	sst s14  }
0x26: {  	s16 =	sadd.s32 $0x8000, s7;
	[smem:$0x7CB] =	sst s15  }
0x27: {  	s17 =	sadd.s32 $0x8400, s7;
	[smem:$0x7CC] =	sst s16  }
0x28: {  	s18 =	sadd.s32 $0x8800, s7;
	[smem:$0x7CD] =	sst s17  }
0x29: {  	[smem:$0x7CE] =	sst s18;
	s19 =	sadd.s32 $0x8C00, s7  }
0x2a: {  	s20 =	sadd.s32 $0x9000, s7;
	[smem:$0x7CF] =	sst s19  }
0x2b: {  	s21 =	sadd.s32 $0x9400, s7;
	[smem:$0x7D0] =	sst s20  }
0x2c: {  	s22 =	sadd.s32 $0x9800, s7;
	[smem:$0x7D1] =	sst s21  }
0x2d: {  	s23 =	sadd.s32 $0x9C00, s7;
	[smem:$0x7D2] =	sst s22  }
0x2e: {  	s24 =	sadd.s32 $0xA000, s7;
	[smem:$0x7D3] =	sst s23  }
0x2f: {  	s25 =	sadd.s32 $0xA400, s7;
	[smem:$0x7D4] =	sst s24  }
0x30: {  	s26 =	sadd.s32 $0xA800, s7;
	[smem:$0x7D5] =	sst s25  }
0x31: {  	s30 =	sadd.s32 $0xAC00, s7;
	[smem:$0x7D6] =	sst s26  }
0x32: {  	s10 =	sadd.s32 $0xB000, s7;
	[smem:$0x7D7] =	sst s30  }
0x33: {  	s11 =	sadd.s32 $0xB400, s7;
	[smem:$0x7D8] =	sst s10  }
0x34: {  	s12 =	sadd.s32 $0xB800, s7;
	[smem:$0x7D9] =	sst s11  }
0x35: {  	s13 =	sadd.s32 $0xBC00, s7;
	[smem:$0x7DA] =	sst s12  }
0x36: {  	s14 =	sadd.s32 $0xC000, s7;
	[smem:$0x7DB] =	sst s13  }
0x37: {  	s15 =	sadd.s32 $0xC400, s7;
	[smem:$0x7DC] =	sst s14  }
0x38: {  	s16 =	sadd.s32 $0xC800, s7;
	[smem:$0x7DD] =	sst s15  }
0x39: {  	s17 =	sadd.s32 $0xCC00, s7;
	[smem:$0x7DE] =	sst s16  }
0x3a: {  	s18 =	sadd.s32 $0xD000, s7;
	[smem:$0x7DF] =	sst s17  }
0x3b: {  	s1 =	sadd.s32 $0x5FC00, s1;
	[smem:$0x7E0] =	sst s18  }
0x3c: {  	s19 =	sadd.s32 $0xD400, s7;
	[smem:$0x7FC] =	sst s1  }
0x3d: {  	s20 =	sadd.s32 $0xD800, s7;
	[smem:$0x7E1] =	sst s19  }
0x3e: {  	s21 =	sadd.s32 $0xDC00, s7;
	[smem:$0x7E2] =	sst s20  }
0x3f: {  	s22 =	sadd.s32 $0xE000, s7;
	[smem:$0x7E3] =	sst s21  }
0x40: {  	s23 =	sadd.s32 $0xE400, s7;
	[smem:$0x7E4] =	sst s22  }
0x41: {  	s24 =	sadd.s32 $0xE800, s7;
	[smem:$0x7E5] =	sst s23  }
0x42: {  	s25 =	sadd.s32 $0xEC00, s7;
	[smem:$0x7E6] =	sst s24  }
0x43: {  	s26 =	sadd.s32 $0xF000, s7;
	[smem:$0x7E7] =	sst s25  }
0x44: {  	s30 =	sadd.s32 $0xF400, s7;
	[smem:$0x7E8] =	sst s26  }
0x45: {  	s10 =	sadd.s32 $0xF800, s7;
	[smem:$0x7E9] =	sst s30  }
0x46: {  	s11 =	sadd.s32 $0xFC00, s7;
	[smem:$0x7EA] =	sst s10  }
0x47: {  	s12 =	sadd.s32 $0x10000, s7;
	[smem:$0x7EB] =	sst s11  }
0x48: {  	s13 =	sadd.s32 $0x10400, s7;
	[smem:$0x7EC] =	sst s12  }
0x49: {  	s14 =	sadd.s32 $0x10800, s7;
	[smem:$0x7ED] =	sst s13  }
0x4a: {  	s29 =	simm.s32 $0x3;
	s15 =	sadd.s32 $0x10C00, s7;
	[smem:$0x7EE] =	sst s14  }
0x4b: {  	s31 =	simm.s32 $0x4;
	s16 =	sadd.s32 $0x11000, s7;
	[smem:$0x7EF] =	sst s15  }
0x4c: {  	s28 =	simm.s32 $0xA;
	s17 =	sadd.s32 $0x11400, s7;
	[smem:$0x7F0] =	sst s16  }
0x4d: {  	p0 =	seq.s32 s8, $0x1;
	s18 =	sadd.s32 $0x11800, s7;
	[smem:$0x7F1] =	sst s17  }
0x4e: {  	s8 =	simm.s32 $0x6;
	[smem:$0x7F2] =	sst s18;
	s19 =	sadd.s32 $0x11C00, s7  }
0x4f: {  	s20 =	sadd.s32 $0x12000, s7;
	s21 =	sadd.s32 $0x12400, s7;
	[smem:$0x7F3] =	sst s19  }
0x50: {  	s22 =	sadd.s32 $0x12800, s7;
	s23 =	sadd.s32 $0x12C00, s7;
	[smem:$0x7F4] =	sst s20  }
0x51: {  	s24 =	sadd.s32 $0x13000, s7;
	s25 =	sadd.s32 $0x13400, s7;
	[smem:$0x7F5] =	sst s21  }
0x52: {  	s26 =	sadd.s32 $0x13800, s7;
	s7 =	sadd.s32 $0x13C00, s7;
	[smem:$0x7F6] =	sst s22  }
0x53: {  	s30 =	smax.u32 s2, $0x1;
	s11 =	sadd.s32 $0x7800, s0;
	[smem:$0x7F7] =	sst s23  }
0x54: {  	s12 =	sadd.s32 $0x2800, s0;
	s14 =	simm.s32 $0xB;
	[smem:$0x7F8] =	sst s24  }
0x55: {  	s15 =	simm.s32 $0x3E8;
	s16 =	simm.s32 $0x28;
	[smem:$0x7F9] =	sst s25  }
0x56: {  	s17 =	simm.s32 $0x7D0;
	s18 =	simm.s32 $0x1BD0;
	[smem:$0x7FA] =	sst s26  }
.Ltmp0:
0x57: {  	s2 =	simm.s32 $0x5;
	[smem:$0x7FB] =	sst s7;
	(pc) =	sbr.rel .LBB2_1-.Ltmp0, $4  }
0x58: {  	s10 =	simm.s32 $0x7;
	s13 =	simm.s32 $0x8;
	[smem:$0x7FD] =	sst s30  }
0x59: {  	s19 =	simm.s32 $0x50;
	s20 =	simm.s32 $0x2FD0;
	s7 =	simm.s32 $0x78  }
0x5a: {  	s22 =	simm.s32 $0x43D0;
	s24 =	simm.s32 $0x57D0;
	s25 =	simm.s32 $0x1  }
0x5b: {  	s26 =	simm.s32 $0x2;
	s21 =	simm.s32 $0x9;
	s23 =	simm.s32 $0x0  }
.LBB2_7:
0x5c: {  	s1 =	sadd.s32 s0, s12;
	[sflag:s28] =	ssyncadd.s32 $0xFFFFEC00  }
0x5d: {  	[tilespmem:s4], [sflag:$0xB] =	stream.linear.gather [hbm4b:s1+s4], $0x3E8, $0x38;
	[tilespmem:$0x1AFD0] =	vst v63  }
0x5e: {  	_ =	swait.ge [sflag:s14], $0x3E8  }
0x5f: {  	[sflag:s14] =	ssyncset.done $0x0  }
0x60: {  	s1 =	sadd.s32 s0, s11;
	[sflag:s14] =	ssyncadd.s32 $0xFFFFFC18  }
0x61: {  	[tilespmem:s15], [sflag:$0xB] =	stream.linear.gather [hbm4b:s1+s4], $0x3E8, $0x38;
	[tilespmem:$0x1AFD0] =	vst v63  }
0x62: {  	_ =	swait.ge [sflag:s14], $0x3E8  }
0x63: {  	[sflag:s14] =	ssyncset.done $0x0  }
0x64: {  	[sflag:s14] =	ssyncadd.s32 $0xFFFFFC18  }
0x65: {  	[tilespmem:s17], [sflag:$0x1] =	stream.indirect.gather [hbm4b:s6+s16], $0x80, s4, s16, $0xb8;
	[tilespmem:$0x1AFD0] =	vst v63  }
0x66: {  	_ = 	snop  }
0x67: {  	[tilespmem:s18], [sflag:$0x2] =	stream.indirect.gather [hbm4b:s6+s16], $0x80, s16, s16, $0xb8;
	[tilespmem:$0x1AFD0] =	vst v63  }
0x68: {  	_ = 	snop  }
0x69: {  	[tilespmem:s20], [sflag:$0x3] =	stream.indirect.gather [hbm4b:s6+s16], $0x80, s19, s16, $0xb8;
	[tilespmem:$0x1AFD0] =	vst v63  }
0x6a: {  	_ = 	snop  }
0x6b: {  	[tilespmem:s22], [sflag:$0x4] =	stream.indirect.gather [hbm4b:s6+s16], $0x80, s7, s16, $0xb8;
	[tilespmem:$0x1AFD0] =	vst v63  }
0x6c: {  	_ = 	snop  }
0x6d: {  	[tilespmem:s24], [sflag:$0x5] =	stream.indirect.gather [hbm4b:s6+s16], $0x80, s23, s16, $0xb8;
	[tilespmem:$0x1AFD0] =	vst v63  }
0x6e: {  	_ =	swait.ge [sflag:s25], $0x1400  }
0x6f: {  	[sflag:s25] =	ssyncset.done $0x0  }
0x70: {  	[sflag:s25] =	ssyncadd.s32 $0xFFFFEC00  }
0x71: {  	[spmem:s3] =	stream.indirect.scatter.add.f32 [tilespmem:s17], [sflag:$0x6], $0x80, s15, s16, $0xb8;
	[tilespmem:$0x1AFD0] =	vst v63  }
0x72: {  	_ =	swait.ge [sflag:s26], $0x1400  }
0x73: {  	[sflag:s26] =	ssyncset.done $0x0  }
0x74: {  	[sflag:s26] =	ssyncadd.s32 $0xFFFFEC00  }
0x75: {  	[spmem:s3] =	stream.indirect.scatter.add.f32 [tilespmem:s18], [sflag:$0x7], $0x80, s30, s16, $0xb8;
	[tilespmem:$0x1AFD0] =	vst v63  }
0x76: {  	_ =	swait.ge [sflag:s29], $0x1400  }
0x77: {  	[sflag:s29] =	ssyncset.done $0x0  }
0x78: {  	s9 =	simm.s32 $0x438;
	[sflag:s29] =	ssyncadd.s32 $0xFFFFEC00  }
0x79: {  	[spmem:s3] =	stream.indirect.scatter.add.f32 [tilespmem:s20], [sflag:$0x8], $0x80, s9, s16, $0xb8;
	[tilespmem:$0x1AFD0] =	vst v63  }
0x7a: {  	_ =	swait.ge [sflag:s31], $0x1400  }
0x7b: {  	[sflag:s31] =	ssyncset.done $0x0  }
0x7c: {  	s23 =	simm.s32 $0x460;
	[sflag:s31] =	ssyncadd.s32 $0xFFFFEC00  }
0x7d: {  	[spmem:s3] =	stream.indirect.scatter.add.f32 [tilespmem:s22], [sflag:$0x9], $0x80, s23, s16, $0xb8;
	[tilespmem:$0x1AFD0] =	vst v63  }
0x7e: {  	_ =	swait.ge [sflag:s2], $0x1400  }
0x7f: {  	[sflag:s2] =	ssyncset.done $0x0  }
0x80: {  	s30 =	simm.s32 $0x488;
	[sflag:s2] =	ssyncadd.s32 $0xFFFFEC00  }
0x81: {  	[spmem:s3] =	stream.indirect.scatter.add.f32 [tilespmem:s24], [sflag:$0xA], $0x80, s30, s16, $0xb8;
	[tilespmem:$0x1AFD0] =	vst v63  }
0x82: {  	_ =	swait.ge [sflag:s8], $0x1400  }
0x83: {  	[sflag:s8] =	ssyncset.done $0x0  }
0x84: {  	s1 =	simm.s32 $0xC8;
	[sflag:s8] =	ssyncadd.s32 $0xFFFFEC00  }
0x85: {  	[tilespmem:s17], [sflag:$0x1] =	stream.indirect.gather [hbm4b:s6+s16], $0x80, s1, s16, $0xb8;
	[tilespmem:$0x1AFD0] =	vst v63  }
0x86: {  	_ =	swait.ge [sflag:s10], $0x1400  }
0x87: {  	[sflag:s10] =	ssyncset.done $0x0  }
0x88: {  	s7 =	simm.s32 $0xF0;
	[sflag:s10] =	ssyncadd.s32 $0xFFFFEC00  }
0x89: {  	[tilespmem:s18], [sflag:$0x2] =	stream.indirect.gather [hbm4b:s6+s16], $0x80, s7, s16, $0xb8;
	[tilespmem:$0x1AFD0] =	vst v63  }
0x8a: {  	_ =	swait.ge [sflag:s13], $0x1400  }
0x8b: {  	[sflag:s13] =	ssyncset.done $0x0  }
0x8c: {  	s9 =	simm.s32 $0x118;
	[sflag:s13] =	ssyncadd.s32 $0xFFFFEC00  }
0x8d: {  	[tilespmem:s20], [sflag:$0x3] =	stream.indirect.gather [hbm4b:s6+s16], $0x80, s9, s16, $0xb8;
	[tilespmem:$0x1AFD0] =	vst v63  }
0x8e: {  	_ =	swait.ge [sflag:s21], $0x1400  }
0x8f: {  	[sflag:s21] =	ssyncset.done $0x0  }
0x90: {  	s23 =	simm.s32 $0x140;
	[sflag:s21] =	ssyncadd.s32 $0xFFFFEC00  }
0x91: {  	[tilespmem:s22], [sflag:$0x4] =	stream.indirect.gather [hbm4b:s6+s16], $0x80, s23, s16, $0xb8;
	[tilespmem:$0x1AFD0] =	vst v63  }
0x92: {  	_ =	swait.ge [sflag:s28], $0x1400  }
0x93: {  	[sflag:s28] =	ssyncset.done $0x0  }
0x94: {  	s30 =	simm.s32 $0x168;
	[sflag:s28] =	ssyncadd.s32 $0xFFFFEC00  }
0x95: {  	[tilespmem:s24], [sflag:$0x5] =	stream.indirect.gather [hbm4b:s6+s16], $0x80, s30, s16, $0xb8;
	[tilespmem:$0x1AFD0] =	vst v63  }
0x96: {  	_ =	swait.ge [sflag:s25], $0x1400  }
0x97: {  	[sflag:s25] =	ssyncset.done $0x0  }
0x98: {  	s1 =	simm.s32 $0x4B0;
	[sflag:s25] =	ssyncadd.s32 $0xFFFFEC00  }
0x99: {  	[spmem:s3] =	stream.indirect.scatter.add.f32 [tilespmem:s17], [sflag:$0x6], $0x80, s1, s16, $0xb8;
	[tilespmem:$0x1AFD0] =	vst v63  }
0x9a: {  	_ =	swait.ge [sflag:s26], $0x1400  }
0x9b: {  	[sflag:s26] =	ssyncset.done $0x0  }
0x9c: {  	s7 =	simm.s32 $0x4D8;
	[sflag:s26] =	ssyncadd.s32 $0xFFFFEC00  }
0x9d: {  	[spmem:s3] =	stream.indirect.scatter.add.f32 [tilespmem:s18], [sflag:$0x7], $0x80, s7, s16, $0xb8;
	[tilespmem:$0x1AFD0] =	vst v63  }
0x9e: {  	_ =	swait.ge [sflag:s29], $0x1400  }
0x9f: {  	[sflag:s29] =	ssyncset.done $0x0  }
0xa0: {  	s9 =	simm.s32 $0x500;
	[sflag:s29] =	ssyncadd.s32 $0xFFFFEC00  }
0xa1: {  	[spmem:s3] =	stream.indirect.scatter.add.f32 [tilespmem:s20], [sflag:$0x8], $0x80, s9, s16, $0xb8;
	[tilespmem:$0x1AFD0] =	vst v63  }
0xa2: {  	_ =	swait.ge [sflag:s31], $0x1400  }
0xa3: {  	[sflag:s31] =	ssyncset.done $0x0  }
0xa4: {  	s23 =	simm.s32 $0x528;
	[sflag:s31] =	ssyncadd.s32 $0xFFFFEC00  }
0xa5: {  	[spmem:s3] =	stream.indirect.scatter.add.f32 [tilespmem:s22], [sflag:$0x9], $0x80, s23, s16, $0xb8;
	[tilespmem:$0x1AFD0] =	vst v63  }
0xa6: {  	_ =	swait.ge [sflag:s2], $0x1400  }
0xa7: {  	[sflag:s2] =	ssyncset.done $0x0  }
0xa8: {  	s30 =	simm.s32 $0x550;
	[sflag:s2] =	ssyncadd.s32 $0xFFFFEC00  }
0xa9: {  	[spmem:s3] =	stream.indirect.scatter.add.f32 [tilespmem:s24], [sflag:$0xA], $0x80, s30, s16, $0xb8;
	[tilespmem:$0x1AFD0] =	vst v63  }
0xaa: {  	_ =	swait.ge [sflag:s8], $0x1400  }
0xab: {  	[sflag:s8] =	ssyncset.done $0x0  }
0xac: {  	s1 =	simm.s32 $0x190;
	[sflag:s8] =	ssyncadd.s32 $0xFFFFEC00  }
0xad: {  	[tilespmem:s17], [sflag:$0x1] =	stream.indirect.gather [hbm4b:s6+s16], $0x80, s1, s16, $0xb8;
	[tilespmem:$0x1AFD0] =	vst v63  }
0xae: {  	_ =	swait.ge [sflag:s10], $0x1400  }
0xaf: {  	[sflag:s10] =	ssyncset.done $0x0  }
0xb0: {  	s7 =	simm.s32 $0x1B8;
	[sflag:s10] =	ssyncadd.s32 $0xFFFFEC00  }
0xb1: {  	[tilespmem:s18], [sflag:$0x2] =	stream.indirect.gather [hbm4b:s6+s16], $0x80, s7, s16, $0xb8;
	[tilespmem:$0x1AFD0] =	vst v63  }
0xb2: {  	_ =	swait.ge [sflag:s13], $0x1400  }
0xb3: {  	[sflag:s13] =	ssyncset.done $0x0  }
0xb4: {  	s9 =	simm.s32 $0x1E0;
	[sflag:s13] =	ssyncadd.s32 $0xFFFFEC00  }
0xb5: {  	[tilespmem:s20], [sflag:$0x3] =	stream.indirect.gather [hbm4b:s6+s16], $0x80, s9, s16, $0xb8;
	[tilespmem:$0x1AFD0] =	vst v63  }
0xb6: {  	_ =	swait.ge [sflag:s21], $0x1400  }
0xb7: {  	[sflag:s21] =	ssyncset.done $0x0  }
0xb8: {  	s23 =	simm.s32 $0x208;
	[sflag:s21] =	ssyncadd.s32 $0xFFFFEC00  }
0xb9: {  	[tilespmem:s22], [sflag:$0x4] =	stream.indirect.gather [hbm4b:s6+s16], $0x80, s23, s16, $0xb8;
	[tilespmem:$0x1AFD0] =	vst v63  }
0xba: {  	_ =	swait.ge [sflag:s28], $0x1400  }
0xbb: {  	[sflag:s28] =	ssyncset.done $0x0  }
0xbc: {  	s30 =	simm.s32 $0x230;
	[sflag:s28] =	ssyncadd.s32 $0xFFFFEC00  }
0xbd: {  	[tilespmem:s24], [sflag:$0x5] =	stream.indirect.gather [hbm4b:s6+s16], $0x80, s30, s16, $0xb8;
	[tilespmem:$0x1AFD0] =	vst v63  }
0xbe: {  	_ =	swait.ge [sflag:s25], $0x1400  }
0xbf: {  	[sflag:s25] =	ssyncset.done $0x0  }
0xc0: {  	s1 =	simm.s32 $0x578;
	[sflag:s25] =	ssyncadd.s32 $0xFFFFEC00  }
0xc1: {  	[spmem:s3] =	stream.indirect.scatter.add.f32 [tilespmem:s17], [sflag:$0x6], $0x80, s1, s16, $0xb8;
	[tilespmem:$0x1AFD0] =	vst v63  }
0xc2: {  	_ =	swait.ge [sflag:s26], $0x1400  }
0xc3: {  	[sflag:s26] =	ssyncset.done $0x0  }
0xc4: {  	s7 =	simm.s32 $0x5A0;
	[sflag:s26] =	ssyncadd.s32 $0xFFFFEC00  }
0xc5: {  	[spmem:s3] =	stream.indirect.scatter.add.f32 [tilespmem:s18], [sflag:$0x7], $0x80, s7, s16, $0xb8;
	[tilespmem:$0x1AFD0] =	vst v63  }
0xc6: {  	_ =	swait.ge [sflag:s29], $0x1400  }
0xc7: {  	[sflag:s29] =	ssyncset.done $0x0  }
0xc8: {  	s9 =	simm.s32 $0x5C8;
	[sflag:s29] =	ssyncadd.s32 $0xFFFFEC00  }
0xc9: {  	[spmem:s3] =	stream.indirect.scatter.add.f32 [tilespmem:s20], [sflag:$0x8], $0x80, s9, s16, $0xb8;
	[tilespmem:$0x1AFD0] =	vst v63  }
0xca: {  	_ =	swait.ge [sflag:s31], $0x1400  }
0xcb: {  	[sflag:s31] =	ssyncset.done $0x0  }
0xcc: {  	s23 =	simm.s32 $0x5F0;
	[sflag:s31] =	ssyncadd.s32 $0xFFFFEC00  }
0xcd: {  	[spmem:s3] =	stream.indirect.scatter.add.f32 [tilespmem:s22], [sflag:$0x9], $0x80, s23, s16, $0xb8;
	[tilespmem:$0x1AFD0] =	vst v63  }
0xce: {  	_ =	swait.ge [sflag:s2], $0x1400  }
0xcf: {  	[sflag:s2] =	ssyncset.done $0x0  }
0xd0: {  	s30 =	simm.s32 $0x618;
	[sflag:s2] =	ssyncadd.s32 $0xFFFFEC00  }
0xd1: {  	[spmem:s3] =	stream.indirect.scatter.add.f32 [tilespmem:s24], [sflag:$0xA], $0x80, s30, s16, $0xb8;
	[tilespmem:$0x1AFD0] =	vst v63  }
0xd2: {  	_ =	swait.ge [sflag:s8], $0x1400  }
0xd3: {  	[sflag:s8] =	ssyncset.done $0x0  }
0xd4: {  	s1 =	simm.s32 $0x258;
	[sflag:s8] =	ssyncadd.s32 $0xFFFFEC00  }
0xd5: {  	[tilespmem:s17], [sflag:$0x1] =	stream.indirect.gather [hbm4b:s6+s16], $0x80, s1, s16, $0xb8;
	[tilespmem:$0x1AFD0] =	vst v63  }
0xd6: {  	_ =	swait.ge [sflag:s10], $0x1400  }
0xd7: {  	[sflag:s10] =	ssyncset.done $0x0  }
0xd8: {  	s7 =	simm.s32 $0x280;
	[sflag:s10] =	ssyncadd.s32 $0xFFFFEC00  }
0xd9: {  	[tilespmem:s18], [sflag:$0x2] =	stream.indirect.gather [hbm4b:s6+s16], $0x80, s7, s16, $0xb8;
	[tilespmem:$0x1AFD0] =	vst v63  }
0xda: {  	_ =	swait.ge [sflag:s13], $0x1400  }
0xdb: {  	[sflag:s13] =	ssyncset.done $0x0  }
0xdc: {  	s9 =	simm.s32 $0x2A8;
	[sflag:s13] =	ssyncadd.s32 $0xFFFFEC00  }
0xdd: {  	[tilespmem:s20], [sflag:$0x3] =	stream.indirect.gather [hbm4b:s6+s16], $0x80, s9, s16, $0xb8;
	[tilespmem:$0x1AFD0] =	vst v63  }
0xde: {  	_ =	swait.ge [sflag:s21], $0x1400  }
0xdf: {  	[sflag:s21] =	ssyncset.done $0x0  }
0xe0: {  	s23 =	simm.s32 $0x2D0;
	[sflag:s21] =	ssyncadd.s32 $0xFFFFEC00  }
0xe1: {  	[tilespmem:s22], [sflag:$0x4] =	stream.indirect.gather [hbm4b:s6+s16], $0x80, s23, s16, $0xb8;
	[tilespmem:$0x1AFD0] =	vst v63  }
0xe2: {  	_ =	swait.ge [sflag:s28], $0x1400  }
0xe3: {  	[sflag:s28] =	ssyncset.done $0x0  }
0xe4: {  	s30 =	simm.s32 $0x2F8;
	[sflag:s28] =	ssyncadd.s32 $0xFFFFEC00  }
0xe5: {  	[tilespmem:s24], [sflag:$0x5] =	stream.indirect.gather [hbm4b:s6+s16], $0x80, s30, s16, $0xb8;
	[tilespmem:$0x1AFD0] =	vst v63  }
0xe6: {  	_ =	swait.ge [sflag:s25], $0x1400  }
0xe7: {  	[sflag:s25] =	ssyncset.done $0x0  }
0xe8: {  	s1 =	simm.s32 $0x640;
	[sflag:s25] =	ssyncadd.s32 $0xFFFFEC00  }
0xe9: {  	[spmem:s3] =	stream.indirect.scatter.add.f32 [tilespmem:s17], [sflag:$0x6], $0x80, s1, s16, $0xb8;
	[tilespmem:$0x1AFD0] =	vst v63  }
0xea: {  	_ =	swait.ge [sflag:s26], $0x1400  }
0xeb: {  	[sflag:s26] =	ssyncset.done $0x0  }
0xec: {  	s7 =	simm.s32 $0x668;
	[sflag:s26] =	ssyncadd.s32 $0xFFFFEC00  }
0xed: {  	[spmem:s3] =	stream.indirect.scatter.add.f32 [tilespmem:s18], [sflag:$0x7], $0x80, s7, s16, $0xb8;
	[tilespmem:$0x1AFD0] =	vst v63  }
0xee: {  	_ =	swait.ge [sflag:s29], $0x1400  }
0xef: {  	[sflag:s29] =	ssyncset.done $0x0  }
0xf0: {  	s9 =	simm.s32 $0x690;
	[sflag:s29] =	ssyncadd.s32 $0xFFFFEC00  }
0xf1: {  	[spmem:s3] =	stream.indirect.scatter.add.f32 [tilespmem:s20], [sflag:$0x8], $0x80, s9, s16, $0xb8;
	[tilespmem:$0x1AFD0] =	vst v63  }
0xf2: {  	_ =	swait.ge [sflag:s31], $0x1400  }
0xf3: {  	[sflag:s31] =	ssyncset.done $0x0  }
0xf4: {  	s23 =	simm.s32 $0x6B8;
	[sflag:s31] =	ssyncadd.s32 $0xFFFFEC00  }
0xf5: {  	[spmem:s3] =	stream.indirect.scatter.add.f32 [tilespmem:s22], [sflag:$0x9], $0x80, s23, s16, $0xb8;
	[tilespmem:$0x1AFD0] =	vst v63  }
0xf6: {  	_ =	swait.ge [sflag:s2], $0x1400  }
0xf7: {  	[sflag:s2] =	ssyncset.done $0x0  }
0xf8: {  	s30 =	simm.s32 $0x6E0;
	[sflag:s2] =	ssyncadd.s32 $0xFFFFEC00  }
0xf9: {  	[spmem:s3] =	stream.indirect.scatter.add.f32 [tilespmem:s24], [sflag:$0xA], $0x80, s30, s16, $0xb8;
	[tilespmem:$0x1AFD0] =	vst v63  }
0xfa: {  	_ =	swait.ge [sflag:s8], $0x1400  }
0xfb: {  	[sflag:s8] =	ssyncset.done $0x0  }
0xfc: {  	s1 =	simm.s32 $0x320;
	[sflag:s8] =	ssyncadd.s32 $0xFFFFEC00  }
0xfd: {  	[tilespmem:s17], [sflag:$0x1] =	stream.indirect.gather [hbm4b:s6+s16], $0x80, s1, s16, $0xb8;
	[tilespmem:$0x1AFD0] =	vst v63  }
0xfe: {  	_ =	swait.ge [sflag:s10], $0x1400  }
0xff: {  	[sflag:s10] =	ssyncset.done $0x0  }
0x100: {  	s7 =	simm.s32 $0x348;
	[sflag:s10] =	ssyncadd.s32 $0xFFFFEC00  }
0x101: {  	[tilespmem:s18], [sflag:$0x2] =	stream.indirect.gather [hbm4b:s6+s16], $0x80, s7, s16, $0xb8;
	[tilespmem:$0x1AFD0] =	vst v63  }
0x102: {  	_ =	swait.ge [sflag:s13], $0x1400  }
0x103: {  	[sflag:s13] =	ssyncset.done $0x0  }
0x104: {  	s9 =	simm.s32 $0x370;
	[sflag:s13] =	ssyncadd.s32 $0xFFFFEC00  }
0x105: {  	[tilespmem:s20], [sflag:$0x3] =	stream.indirect.gather [hbm4b:s6+s16], $0x80, s9, s16, $0xb8;
	[tilespmem:$0x1AFD0] =	vst v63  }
0x106: {  	_ =	swait.ge [sflag:s21], $0x1400  }
0x107: {  	[sflag:s21] =	ssyncset.done $0x0  }
0x108: {  	s23 =	simm.s32 $0x398;
	[sflag:s21] =	ssyncadd.s32 $0xFFFFEC00  }
0x109: {  	[tilespmem:s22], [sflag:$0x4] =	stream.indirect.gather [hbm4b:s6+s16], $0x80, s23, s16, $0xb8;
	[tilespmem:$0x1AFD0] =	vst v63  }
0x10a: {  	_ =	swait.ge [sflag:s28], $0x1400  }
0x10b: {  	[sflag:s28] =	ssyncset.done $0x0  }
0x10c: {  	s30 =	simm.s32 $0x3C0;
	[sflag:s28] =	ssyncadd.s32 $0xFFFFEC00  }
0x10d: {  	[tilespmem:s24], [sflag:$0x5] =	stream.indirect.gather [hbm4b:s6+s16], $0x80, s30, s16, $0xb8;
	[tilespmem:$0x1AFD0] =	vst v63  }
0x10e: {  	_ =	swait.ge [sflag:s25], $0x1400  }
0x10f: {  	[sflag:s25] =	ssyncset.done $0x0  }
0x110: {  	s1 =	simm.s32 $0x708;
	[sflag:s25] =	ssyncadd.s32 $0xFFFFEC00  }
0x111: {  	[spmem:s3] =	stream.indirect.scatter.add.f32 [tilespmem:s17], [sflag:$0x6], $0x80, s1, s16, $0xb8;
	[tilespmem:$0x1AFD0] =	vst v63  }
0x112: {  	_ =	swait.ge [sflag:s26], $0x1400  }
0x113: {  	[sflag:s26] =	ssyncset.done $0x0  }
0x114: {  	s7 =	simm.s32 $0x730;
	[sflag:s26] =	ssyncadd.s32 $0xFFFFEC00  }
0x115: {  	[spmem:s3] =	stream.indirect.scatter.add.f32 [tilespmem:s18], [sflag:$0x7], $0x80, s7, s16, $0xb8;
	[tilespmem:$0x1AFD0] =	vst v63  }
0x116: {  	_ =	swait.ge [sflag:s29], $0x1400  }
0x117: {  	[sflag:s29] =	ssyncset.done $0x0  }
0x118: {  	s9 =	simm.s32 $0x758;
	[sflag:s29] =	ssyncadd.s32 $0xFFFFEC00  }
0x119: {  	[spmem:s3] =	stream.indirect.scatter.add.f32 [tilespmem:s20], [sflag:$0x8], $0x80, s9, s16, $0xb8;
	[tilespmem:$0x1AFD0] =	vst v63  }
0x11a: {  	_ =	swait.ge [sflag:s31], $0x1400  }
0x11b: {  	[sflag:s31] =	ssyncset.done $0x0  }
0x11c: {  	s23 =	simm.s32 $0x780;
	[sflag:s31] =	ssyncadd.s32 $0xFFFFEC00  }
0x11d: {  	[spmem:s3] =	stream.indirect.scatter.add.f32 [tilespmem:s22], [sflag:$0x9], $0x80, s23, s16, $0xb8;
	[tilespmem:$0x1AFD0] =	vst v63  }
0x11e: {  	_ =	swait.ge [sflag:s2], $0x1400  }
0x11f: {  	[sflag:s2] =	ssyncset.done $0x0  }
0x120: {  	s30 =	simm.s32 $0x7A8;
	[sflag:s2] =	ssyncadd.s32 $0xFFFFEC00  }
0x121: {  	[spmem:s3] =	stream.indirect.scatter.add.f32 [tilespmem:s24], [sflag:$0xA], $0x80, s30, s16, $0xb8;
	[tilespmem:$0x1AFD0] =	vst v63  }
0x122: {  	_ =	swait.ge [sflag:s8], $0x1400  }
0x123: {  	[sflag:s8] =	ssyncset.done $0x0  }
0x124: {  	[sflag:s8] =	ssyncadd.s32 $0xFFFFEC00  }
0x125: {  	_ =	swait.ge [sflag:s10], $0x1400  }
0x126: {  	[sflag:s10] =	ssyncset.done $0x0  }
0x127: {  	[sflag:s10] =	ssyncadd.s32 $0xFFFFEC00  }
0x128: {  	_ =	swait.ge [sflag:s13], $0x1400  }
0x129: {  	[sflag:s13] =	ssyncset.done $0x0  }
0x12a: {  	[sflag:s13] =	ssyncadd.s32 $0xFFFFEC00  }
0x12b: {  	_ =	swait.ge [sflag:s21], $0x1400  }
0x12c: {  	[sflag:s21] =	ssyncset.done $0x0  }
0x12d: {  	[sflag:s21] =	ssyncadd.s32 $0xFFFFEC00  }
0x12e: {  	_ =	swait.ge [sflag:s28], $0x1400  }
0x12f: {  	[sflag:s28] =	ssyncset.done $0x0  }
0x130: {  	s23 =	sld [smem:$0x7C7];
	[sflag:s28] =	ssyncadd.s32 $0xFFFFEC00  }
.LBB2_8:
0x131: {  	[bflag:$0x0] =	sbarrier.arrive $0xFFFF  }
0x132: {  	s0 =	stileid.u32;
	s7 =	sld [smem:$0x7FC]  }
0x133: {  	s0 =	sshll.u32 s0, $0x6;
	s9 =	rddreg [dreg:$0x4]  }
0x134: {  	s0 =	sor.u32 $0x1C0B, s0;
	s1 =	sshrl.u32 s9, $0x3  }
0x135: {  	[hbm:s7], [sflag:s0] =	dma.local [spmem:s1], $0x2800  }
0x136: {  	_ =	swait.ge [sflag:s14], $0x2800  }
0x137: {  	s30 =	sld [smem:$0x7FD];
	_ =	sdelay $0x1  }
0x138: {  	s23 =	sadd.s32 $0x1, s23  }
0x139: {  	p1 =	sne.s32 s23, s30  }
.Ltmp1:
0x13a: {  	_ = 	snop;
	(pc) =	sbr.rel @!p1 .LBB2_9-.Ltmp1, $3  }
0x13b: {  	_ =	sdelay $0x1  }
0x13c: {  	[sflag:s14] =	ssyncset.done $0x0  }
0x13d: {  	s7 =	simm.s32 $0x78;
	[sflag:s14] =	ssyncadd.s32 $0xFFFFD800  }
.LBB2_1:
0x13e: {  	[smem:$0x7C7] =	sst s23  }
0x13f: {  	s0 =	rddreg [dreg:$0x1];
	s1 =	simm.s32 $0x6BD0  }
0x140: {  	[tilespmem:s1], [sflag:$0xB] =	stream.linear.gather [hbm4b:s0+s4], $0x400, $0x38;
	[tilespmem:$0x1AFD0] =	vst v63  }
0x141: {  	_ =	swait.ge [sflag:s14], $0x400  }
0x142: {  	[sflag:s14] =	ssyncset.done $0x0  }
0x143: {  	[sflag:s14] =	ssyncadd.s32 $0xFFFFFC00  }
0x144: {  	[spmem:s9] =	stream.linear.scatter [tilespmem:s1], [sflag:$0xB], $0x400, $0x38;
	[tilespmem:$0x1AFD0] =	vst v63  }
0x145: {  	_ =	swait.ge [sflag:s14], $0x400  }
0x146: {  	[sflag:s14] =	ssyncset.done $0x0  }
0x147: {  	s30 =	rddreg [dreg:$0x5];
	[sflag:s14] =	ssyncadd.s32 $0xFFFFFC00  }
0x148: {  	[spmem:s30] =	stream.linear.scatter [tilespmem:s1], [sflag:$0xB], $0x400, $0x38;
	[tilespmem:$0x1AFD0] =	vst v63  }
0x149: {  	_ =	swait.ge [sflag:s14], $0x400  }
0x14a: {  	[sflag:s14] =	ssyncset.done $0x0  }
0x14b: {  	s9 =	rddreg [dreg:$0x6];
	[sflag:s14] =	ssyncadd.s32 $0xFFFFFC00  }
0x14c: {  	[spmem:s9] =	stream.linear.scatter [tilespmem:s1], [sflag:$0xB], $0x400, $0x38;
	[tilespmem:$0x1AFD0] =	vst v63  }
0x14d: {  	_ =	swait.ge [sflag:s14], $0x400  }
0x14e: {  	[sflag:s14] =	ssyncset.done $0x0  }
0x14f: {  	s23 =	rddreg [dreg:$0x7];
	[sflag:s14] =	ssyncadd.s32 $0xFFFFFC00  }
0x150: {  	[spmem:s23] =	stream.linear.scatter [tilespmem:s1], [sflag:$0xB], $0x400, $0x38;
	[tilespmem:$0x1AFD0] =	vst v63  }
0x151: {  	_ =	swait.ge [sflag:s14], $0x400  }
0x152: {  	[sflag:s14] =	ssyncset.done $0x0  }
0x153: {  	s30 =	rddreg [dreg:$0x8];
	[sflag:s14] =	ssyncadd.s32 $0xFFFFFC00  }
0x154: {  	[spmem:s30] =	stream.linear.scatter [tilespmem:s1], [sflag:$0xB], $0x400, $0x38;
	[tilespmem:$0x1AFD0] =	vst v63  }
0x155: {  	_ =	swait.ge [sflag:s14], $0x400  }
0x156: {  	[sflag:s14] =	ssyncset.done $0x0  }
0x157: {  	s9 =	rddreg [dreg:$0x9];
	[sflag:s14] =	ssyncadd.s32 $0xFFFFFC00  }
0x158: {  	[spmem:s9] =	stream.linear.scatter [tilespmem:s1], [sflag:$0xB], $0x400, $0x38;
	[tilespmem:$0x1AFD0] =	vst v63  }
0x159: {  	_ =	swait.ge [sflag:s14], $0x400  }
0x15a: {  	[sflag:s14] =	ssyncset.done $0x0  }
0x15b: {  	s23 =	rddreg [dreg:$0xa];
	[sflag:s14] =	ssyncadd.s32 $0xFFFFFC00  }
0x15c: {  	[spmem:s23] =	stream.linear.scatter [tilespmem:s1], [sflag:$0xB], $0x400, $0x38;
	[tilespmem:$0x1AFD0] =	vst v63  }
0x15d: {  	_ =	swait.ge [sflag:s14], $0x400  }
0x15e: {  	[sflag:s14] =	ssyncset.done $0x0  }
0x15f: {  	s30 =	rddreg [dreg:$0xb];
	[sflag:s14] =	ssyncadd.s32 $0xFFFFFC00  }
0x160: {  	[spmem:s30] =	stream.linear.scatter [tilespmem:s1], [sflag:$0xB], $0x400, $0x38;
	[tilespmem:$0x1AFD0] =	vst v63  }
0x161: {  	_ =	swait.ge [sflag:s14], $0x400  }
0x162: {  	[sflag:s14] =	ssyncset.done $0x0  }
0x163: {  	s9 =	rddreg [dreg:$0xc];
	[sflag:s14] =	ssyncadd.s32 $0xFFFFFC00  }
0x164: {  	[spmem:s9] =	stream.linear.scatter [tilespmem:s1], [sflag:$0xB], $0x400, $0x38;
	[tilespmem:$0x1AFD0] =	vst v63  }
0x165: {  	_ =	swait.ge [sflag:s14], $0x400  }
0x166: {  	[sflag:s14] =	ssyncset.done $0x0  }
0x167: {  	s23 =	rddreg [dreg:$0xd];
	[sflag:s14] =	ssyncadd.s32 $0xFFFFFC00  }
0x168: {  	[spmem:s23] =	stream.linear.scatter [tilespmem:s1], [sflag:$0xB], $0x400, $0x38;
	[tilespmem:$0x1AFD0] =	vst v63  }
0x169: {  	_ =	swait.ge [sflag:s14], $0x400  }
0x16a: {  	[sflag:s14] =	ssyncset.done $0x0  }
0x16b: {  	s30 =	rddreg [dreg:$0xe];
	[sflag:s14] =	ssyncadd.s32 $0xFFFFFC00  }
0x16c: {  	[spmem:s30] =	stream.linear.scatter [tilespmem:s1], [sflag:$0xB], $0x400, $0x38;
	[tilespmem:$0x1AFD0] =	vst v63  }
0x16d: {  	_ =	swait.ge [sflag:s14], $0x400  }
0x16e: {  	[sflag:s14] =	ssyncset.done $0x0  }
0x16f: {  	s9 =	rddreg [dreg:$0xf];
	[sflag:s14] =	ssyncadd.s32 $0xFFFFFC00  }
0x170: {  	[spmem:s9] =	stream.linear.scatter [tilespmem:s1], [sflag:$0xB], $0x400, $0x38;
	[tilespmem:$0x1AFD0] =	vst v63  }
0x171: {  	_ =	swait.ge [sflag:s14], $0x400  }
0x172: {  	[sflag:s14] =	ssyncset.done $0x0  }
0x173: {  	s23 =	rddreg [dreg:$0x10];
	[sflag:s14] =	ssyncadd.s32 $0xFFFFFC00  }
0x174: {  	[spmem:s23] =	stream.linear.scatter [tilespmem:s1], [sflag:$0xB], $0x400, $0x38;
	[tilespmem:$0x1AFD0] =	vst v63  }
0x175: {  	_ =	swait.ge [sflag:s14], $0x400  }
0x176: {  	[sflag:s14] =	ssyncset.done $0x0  }
0x177: {  	s30 =	rddreg [dreg:$0x11];
	[sflag:s14] =	ssyncadd.s32 $0xFFFFFC00  }
0x178: {  	[spmem:s30] =	stream.linear.scatter [tilespmem:s1], [sflag:$0xB], $0x400, $0x38;
	[tilespmem:$0x1AFD0] =	vst v63  }
0x179: {  	_ =	swait.ge [sflag:s14], $0x400  }
0x17a: {  	[sflag:s14] =	ssyncset.done $0x0  }
0x17b: {  	s9 =	rddreg [dreg:$0x12];
	[sflag:s14] =	ssyncadd.s32 $0xFFFFFC00  }
0x17c: {  	[spmem:s9] =	stream.linear.scatter [tilespmem:s1], [sflag:$0xB], $0x400, $0x38;
	[tilespmem:$0x1AFD0] =	vst v63  }
0x17d: {  	_ =	swait.ge [sflag:s14], $0x400  }
0x17e: {  	[sflag:s14] =	ssyncset.done $0x0  }
0x17f: {  	s23 =	rddreg [dreg:$0x13];
	[sflag:s14] =	ssyncadd.s32 $0xFFFFFC00  }
0x180: {  	[spmem:s23] =	stream.linear.scatter [tilespmem:s1], [sflag:$0xB], $0x400, $0x38;
	[tilespmem:$0x1AFD0] =	vst v63  }
0x181: {  	_ =	swait.ge [sflag:s14], $0x400  }
0x182: {  	[sflag:s14] =	ssyncset.done $0x0  }
0x183: {  	s30 =	rddreg [dreg:$0x14];
	[sflag:s14] =	ssyncadd.s32 $0xFFFFFC00  }
0x184: {  	[spmem:s30] =	stream.linear.scatter [tilespmem:s1], [sflag:$0xB], $0x400, $0x38;
	[tilespmem:$0x1AFD0] =	vst v63  }
0x185: {  	_ =	swait.ge [sflag:s14], $0x400  }
0x186: {  	[sflag:s14] =	ssyncset.done $0x0  }
0x187: {  	s9 =	rddreg [dreg:$0x15];
	[sflag:s14] =	ssyncadd.s32 $0xFFFFFC00  }
0x188: {  	[spmem:s9] =	stream.linear.scatter [tilespmem:s1], [sflag:$0xB], $0x400, $0x38;
	[tilespmem:$0x1AFD0] =	vst v63  }
0x189: {  	_ =	swait.ge [sflag:s14], $0x400  }
0x18a: {  	[sflag:s14] =	ssyncset.done $0x0  }
0x18b: {  	s23 =	rddreg [dreg:$0x16];
	[sflag:s14] =	ssyncadd.s32 $0xFFFFFC00  }
0x18c: {  	[spmem:s23] =	stream.linear.scatter [tilespmem:s1], [sflag:$0xB], $0x400, $0x38;
	[tilespmem:$0x1AFD0] =	vst v63  }
0x18d: {  	_ =	swait.ge [sflag:s14], $0x400  }
0x18e: {  	[sflag:s14] =	ssyncset.done $0x0  }
0x18f: {  	s30 =	rddreg [dreg:$0x17];
	[sflag:s14] =	ssyncadd.s32 $0xFFFFFC00  }
0x190: {  	[spmem:s30] =	stream.linear.scatter [tilespmem:s1], [sflag:$0xB], $0x400, $0x38;
	[tilespmem:$0x1AFD0] =	vst v63  }
0x191: {  	_ =	swait.ge [sflag:s14], $0x400  }
0x192: {  	[sflag:s14] =	ssyncset.done $0x0  }
0x193: {  	s9 =	rddreg [dreg:$0x18];
	[sflag:s14] =	ssyncadd.s32 $0xFFFFFC00  }
0x194: {  	[spmem:s9] =	stream.linear.scatter [tilespmem:s1], [sflag:$0xB], $0x400, $0x38;
	[tilespmem:$0x1AFD0] =	vst v63  }
0x195: {  	_ =	swait.ge [sflag:s14], $0x400  }
0x196: {  	[sflag:s14] =	ssyncset.done $0x0  }
0x197: {  	s23 =	rddreg [dreg:$0x19];
	[sflag:s14] =	ssyncadd.s32 $0xFFFFFC00  }
0x198: {  	[spmem:s23] =	stream.linear.scatter [tilespmem:s1], [sflag:$0xB], $0x400, $0x38;
	[tilespmem:$0x1AFD0] =	vst v63  }
0x199: {  	_ =	swait.ge [sflag:s14], $0x400  }
0x19a: {  	[sflag:s14] =	ssyncset.done $0x0  }
0x19b: {  	s30 =	rddreg [dreg:$0x1a];
	[sflag:s14] =	ssyncadd.s32 $0xFFFFFC00  }
0x19c: {  	[spmem:s30] =	stream.linear.scatter [tilespmem:s1], [sflag:$0xB], $0x400, $0x38;
	[tilespmem:$0x1AFD0] =	vst v63  }
0x19d: {  	_ =	swait.ge [sflag:s14], $0x400  }
0x19e: {  	[sflag:s14] =	ssyncset.done $0x0  }
0x19f: {  	s9 =	rddreg [dreg:$0x1b];
	[sflag:s14] =	ssyncadd.s32 $0xFFFFFC00  }
0x1a0: {  	[spmem:s9] =	stream.linear.scatter [tilespmem:s1], [sflag:$0xB], $0x400, $0x38;
	[tilespmem:$0x1AFD0] =	vst v63  }
0x1a1: {  	_ =	swait.ge [sflag:s14], $0x400  }
0x1a2: {  	[sflag:s14] =	ssyncset.done $0x0  }
0x1a3: {  	s23 =	rddreg [dreg:$0x1c];
	[sflag:s14] =	ssyncadd.s32 $0xFFFFFC00  }
0x1a4: {  	[spmem:s23] =	stream.linear.scatter [tilespmem:s1], [sflag:$0xB], $0x400, $0x38;
	[tilespmem:$0x1AFD0] =	vst v63  }
0x1a5: {  	_ =	swait.ge [sflag:s14], $0x400  }
0x1a6: {  	[sflag:s14] =	ssyncset.done $0x0  }
0x1a7: {  	s30 =	rddreg [dreg:$0x1d];
	[sflag:s14] =	ssyncadd.s32 $0xFFFFFC00  }
0x1a8: {  	[spmem:s30] =	stream.linear.scatter [tilespmem:s1], [sflag:$0xB], $0x400, $0x38;
	[tilespmem:$0x1AFD0] =	vst v63  }
0x1a9: {  	_ =	swait.ge [sflag:s14], $0x400  }
0x1aa: {  	[sflag:s14] =	ssyncset.done $0x0  }
0x1ab: {  	s9 =	rddreg [dreg:$0x1e];
	[sflag:s14] =	ssyncadd.s32 $0xFFFFFC00  }
0x1ac: {  	[spmem:s9] =	stream.linear.scatter [tilespmem:s1], [sflag:$0xB], $0x400, $0x38;
	[tilespmem:$0x1AFD0] =	vst v63  }
0x1ad: {  	_ =	swait.ge [sflag:s14], $0x400  }
0x1ae: {  	[sflag:s14] =	ssyncset.done $0x0  }
0x1af: {  	s23 =	rddreg [dreg:$0x1f];
	[sflag:s14] =	ssyncadd.s32 $0xFFFFFC00  }
0x1b0: {  	[spmem:s23] =	stream.linear.scatter [tilespmem:s1], [sflag:$0xB], $0x400, $0x38;
	[tilespmem:$0x1AFD0] =	vst v63  }
0x1b1: {  	_ =	swait.ge [sflag:s14], $0x400  }
0x1b2: {  	s30 =	sld [smem:$0x7C8]  }
0x1b3: {  	[sflag:s14] =	ssyncset.done $0x0  }
0x1b4: {  	[sflag:s14] =	ssyncadd.s32 $0xFFFFFC00  }
0x1b5: {  	[spmem:s30] =	stream.linear.scatter [tilespmem:s1], [sflag:$0xB], $0x400, $0x38;
	[tilespmem:$0x1AFD0] =	vst v63  }
0x1b6: {  	_ =	swait.ge [sflag:s14], $0x400  }
0x1b7: {  	s9 =	sld [smem:$0x7C9]  }
0x1b8: {  	[sflag:s14] =	ssyncset.done $0x0  }
0x1b9: {  	[sflag:s14] =	ssyncadd.s32 $0xFFFFFC00  }
0x1ba: {  	[spmem:s9] =	stream.linear.scatter [tilespmem:s1], [sflag:$0xB], $0x400, $0x38;
	[tilespmem:$0x1AFD0] =	vst v63  }
0x1bb: {  	_ =	swait.ge [sflag:s14], $0x400  }
0x1bc: {  	s23 =	sld [smem:$0x7CA]  }
0x1bd: {  	[sflag:s14] =	ssyncset.done $0x0  }
0x1be: {  	[sflag:s14] =	ssyncadd.s32 $0xFFFFFC00  }
0x1bf: {  	[spmem:s23] =	stream.linear.scatter [tilespmem:s1], [sflag:$0xB], $0x400, $0x38;
	[tilespmem:$0x1AFD0] =	vst v63  }
0x1c0: {  	_ =	swait.ge [sflag:s14], $0x400  }
0x1c1: {  	s30 =	sld [smem:$0x7CB]  }
0x1c2: {  	[sflag:s14] =	ssyncset.done $0x0  }
0x1c3: {  	[sflag:s14] =	ssyncadd.s32 $0xFFFFFC00  }
0x1c4: {  	[spmem:s30] =	stream.linear.scatter [tilespmem:s1], [sflag:$0xB], $0x400, $0x38;
	[tilespmem:$0x1AFD0] =	vst v63  }
0x1c5: {  	_ =	swait.ge [sflag:s14], $0x400  }
0x1c6: {  	s9 =	sld [smem:$0x7CC]  }
0x1c7: {  	[sflag:s14] =	ssyncset.done $0x0  }
0x1c8: {  	[sflag:s14] =	ssyncadd.s32 $0xFFFFFC00  }
0x1c9: {  	[spmem:s9] =	stream.linear.scatter [tilespmem:s1], [sflag:$0xB], $0x400, $0x38;
	[tilespmem:$0x1AFD0] =	vst v63  }
0x1ca: {  	_ =	swait.ge [sflag:s14], $0x400  }
0x1cb: {  	s23 =	sld [smem:$0x7CD]  }
0x1cc: {  	[sflag:s14] =	ssyncset.done $0x0  }
0x1cd: {  	[sflag:s14] =	ssyncadd.s32 $0xFFFFFC00  }
0x1ce: {  	[spmem:s23] =	stream.linear.scatter [tilespmem:s1], [sflag:$0xB], $0x400, $0x38;
	[tilespmem:$0x1AFD0] =	vst v63  }
0x1cf: {  	_ =	swait.ge [sflag:s14], $0x400  }
0x1d0: {  	s30 =	sld [smem:$0x7CE]  }
0x1d1: {  	[sflag:s14] =	ssyncset.done $0x0  }
0x1d2: {  	[sflag:s14] =	ssyncadd.s32 $0xFFFFFC00  }
0x1d3: {  	[spmem:s30] =	stream.linear.scatter [tilespmem:s1], [sflag:$0xB], $0x400, $0x38;
	[tilespmem:$0x1AFD0] =	vst v63  }
0x1d4: {  	_ =	swait.ge [sflag:s14], $0x400  }
0x1d5: {  	s9 =	sld [smem:$0x7CF]  }
0x1d6: {  	[sflag:s14] =	ssyncset.done $0x0  }
0x1d7: {  	[sflag:s14] =	ssyncadd.s32 $0xFFFFFC00  }
0x1d8: {  	[spmem:s9] =	stream.linear.scatter [tilespmem:s1], [sflag:$0xB], $0x400, $0x38;
	[tilespmem:$0x1AFD0] =	vst v63  }
0x1d9: {  	_ =	swait.ge [sflag:s14], $0x400  }
0x1da: {  	s23 =	sld [smem:$0x7D0]  }
0x1db: {  	[sflag:s14] =	ssyncset.done $0x0  }
0x1dc: {  	[sflag:s14] =	ssyncadd.s32 $0xFFFFFC00  }
0x1dd: {  	[spmem:s23] =	stream.linear.scatter [tilespmem:s1], [sflag:$0xB], $0x400, $0x38;
	[tilespmem:$0x1AFD0] =	vst v63  }
0x1de: {  	_ =	swait.ge [sflag:s14], $0x400  }
0x1df: {  	s30 =	sld [smem:$0x7D1]  }
0x1e0: {  	[sflag:s14] =	ssyncset.done $0x0  }
0x1e1: {  	[sflag:s14] =	ssyncadd.s32 $0xFFFFFC00  }
0x1e2: {  	[spmem:s30] =	stream.linear.scatter [tilespmem:s1], [sflag:$0xB], $0x400, $0x38;
	[tilespmem:$0x1AFD0] =	vst v63  }
0x1e3: {  	_ =	swait.ge [sflag:s14], $0x400  }
0x1e4: {  	s9 =	sld [smem:$0x7D2]  }
0x1e5: {  	[sflag:s14] =	ssyncset.done $0x0  }
0x1e6: {  	[sflag:s14] =	ssyncadd.s32 $0xFFFFFC00  }
0x1e7: {  	[spmem:s9] =	stream.linear.scatter [tilespmem:s1], [sflag:$0xB], $0x400, $0x38;
	[tilespmem:$0x1AFD0] =	vst v63  }
0x1e8: {  	_ =	swait.ge [sflag:s14], $0x400  }
0x1e9: {  	s23 =	sld [smem:$0x7D3]  }
0x1ea: {  	[sflag:s14] =	ssyncset.done $0x0  }
0x1eb: {  	[sflag:s14] =	ssyncadd.s32 $0xFFFFFC00  }
0x1ec: {  	[spmem:s23] =	stream.linear.scatter [tilespmem:s1], [sflag:$0xB], $0x400, $0x38;
	[tilespmem:$0x1AFD0] =	vst v63  }
0x1ed: {  	_ =	swait.ge [sflag:s14], $0x400  }
0x1ee: {  	s30 =	sld [smem:$0x7D4]  }
0x1ef: {  	[sflag:s14] =	ssyncset.done $0x0  }
0x1f0: {  	[sflag:s14] =	ssyncadd.s32 $0xFFFFFC00  }
0x1f1: {  	[spmem:s30] =	stream.linear.scatter [tilespmem:s1], [sflag:$0xB], $0x400, $0x38;
	[tilespmem:$0x1AFD0] =	vst v63  }
0x1f2: {  	_ =	swait.ge [sflag:s14], $0x400  }
0x1f3: {  	s9 =	sld [smem:$0x7D5]  }
0x1f4: {  	[sflag:s14] =	ssyncset.done $0x0  }
0x1f5: {  	[sflag:s14] =	ssyncadd.s32 $0xFFFFFC00  }
0x1f6: {  	[spmem:s9] =	stream.linear.scatter [tilespmem:s1], [sflag:$0xB], $0x400, $0x38;
	[tilespmem:$0x1AFD0] =	vst v63  }
0x1f7: {  	_ =	swait.ge [sflag:s14], $0x400  }
0x1f8: {  	s23 =	sld [smem:$0x7D6]  }
0x1f9: {  	[sflag:s14] =	ssyncset.done $0x0  }
0x1fa: {  	[sflag:s14] =	ssyncadd.s32 $0xFFFFFC00  }
0x1fb: {  	[spmem:s23] =	stream.linear.scatter [tilespmem:s1], [sflag:$0xB], $0x400, $0x38;
	[tilespmem:$0x1AFD0] =	vst v63  }
0x1fc: {  	_ =	swait.ge [sflag:s14], $0x400  }
0x1fd: {  	s30 =	sld [smem:$0x7D7]  }
0x1fe: {  	[sflag:s14] =	ssyncset.done $0x0  }
0x1ff: {  	[sflag:s14] =	ssyncadd.s32 $0xFFFFFC00  }
0x200: {  	[spmem:s30] =	stream.linear.scatter [tilespmem:s1], [sflag:$0xB], $0x400, $0x38;
	[tilespmem:$0x1AFD0] =	vst v63  }
0x201: {  	_ =	swait.ge [sflag:s14], $0x400  }
0x202: {  	s9 =	sld [smem:$0x7D8]  }
0x203: {  	[sflag:s14] =	ssyncset.done $0x0  }
0x204: {  	[sflag:s14] =	ssyncadd.s32 $0xFFFFFC00  }
0x205: {  	[spmem:s9] =	stream.linear.scatter [tilespmem:s1], [sflag:$0xB], $0x400, $0x38;
	[tilespmem:$0x1AFD0] =	vst v63  }
0x206: {  	_ =	swait.ge [sflag:s14], $0x400  }
0x207: {  	s23 =	sld [smem:$0x7D9]  }
0x208: {  	[sflag:s14] =	ssyncset.done $0x0  }
0x209: {  	[sflag:s14] =	ssyncadd.s32 $0xFFFFFC00  }
0x20a: {  	[spmem:s23] =	stream.linear.scatter [tilespmem:s1], [sflag:$0xB], $0x400, $0x38;
	[tilespmem:$0x1AFD0] =	vst v63  }
0x20b: {  	_ =	swait.ge [sflag:s14], $0x400  }
0x20c: {  	s30 =	sld [smem:$0x7DA]  }
0x20d: {  	[sflag:s14] =	ssyncset.done $0x0  }
0x20e: {  	[sflag:s14] =	ssyncadd.s32 $0xFFFFFC00  }
0x20f: {  	[spmem:s30] =	stream.linear.scatter [tilespmem:s1], [sflag:$0xB], $0x400, $0x38;
	[tilespmem:$0x1AFD0] =	vst v63  }
0x210: {  	_ =	swait.ge [sflag:s14], $0x400  }
0x211: {  	s9 =	sld [smem:$0x7DB]  }
0x212: {  	[sflag:s14] =	ssyncset.done $0x0  }
0x213: {  	[sflag:s14] =	ssyncadd.s32 $0xFFFFFC00  }
0x214: {  	[spmem:s9] =	stream.linear.scatter [tilespmem:s1], [sflag:$0xB], $0x400, $0x38;
	[tilespmem:$0x1AFD0] =	vst v63  }
0x215: {  	_ =	swait.ge [sflag:s14], $0x400  }
0x216: {  	s23 =	sld [smem:$0x7DC]  }
0x217: {  	[sflag:s14] =	ssyncset.done $0x0  }
0x218: {  	[sflag:s14] =	ssyncadd.s32 $0xFFFFFC00  }
0x219: {  	[spmem:s23] =	stream.linear.scatter [tilespmem:s1], [sflag:$0xB], $0x400, $0x38;
	[tilespmem:$0x1AFD0] =	vst v63  }
0x21a: {  	_ =	swait.ge [sflag:s14], $0x400  }
0x21b: {  	s30 =	sld [smem:$0x7DD]  }
0x21c: {  	[sflag:s14] =	ssyncset.done $0x0  }
0x21d: {  	[sflag:s14] =	ssyncadd.s32 $0xFFFFFC00  }
0x21e: {  	[spmem:s30] =	stream.linear.scatter [tilespmem:s1], [sflag:$0xB], $0x400, $0x38;
	[tilespmem:$0x1AFD0] =	vst v63  }
0x21f: {  	_ =	swait.ge [sflag:s14], $0x400  }
0x220: {  	s9 =	sld [smem:$0x7DE]  }
0x221: {  	[sflag:s14] =	ssyncset.done $0x0  }
0x222: {  	[sflag:s14] =	ssyncadd.s32 $0xFFFFFC00  }
0x223: {  	[spmem:s9] =	stream.linear.scatter [tilespmem:s1], [sflag:$0xB], $0x400, $0x38;
	[tilespmem:$0x1AFD0] =	vst v63  }
0x224: {  	_ =	swait.ge [sflag:s14], $0x400  }
0x225: {  	s23 =	sld [smem:$0x7DF]  }
0x226: {  	[sflag:s14] =	ssyncset.done $0x0  }
0x227: {  	[sflag:s14] =	ssyncadd.s32 $0xFFFFFC00  }
0x228: {  	[spmem:s23] =	stream.linear.scatter [tilespmem:s1], [sflag:$0xB], $0x400, $0x38;
	[tilespmem:$0x1AFD0] =	vst v63  }
0x229: {  	_ =	swait.ge [sflag:s14], $0x400  }
0x22a: {  	s30 =	sld [smem:$0x7E0]  }
0x22b: {  	[sflag:s14] =	ssyncset.done $0x0  }
0x22c: {  	[sflag:s14] =	ssyncadd.s32 $0xFFFFFC00  }
0x22d: {  	[spmem:s30] =	stream.linear.scatter [tilespmem:s1], [sflag:$0xB], $0x400, $0x38;
	[tilespmem:$0x1AFD0] =	vst v63  }
0x22e: {  	_ =	swait.ge [sflag:s14], $0x400  }
0x22f: {  	s9 =	sld [smem:$0x7E1]  }
0x230: {  	[sflag:s14] =	ssyncset.done $0x0  }
0x231: {  	[sflag:s14] =	ssyncadd.s32 $0xFFFFFC00  }
0x232: {  	[spmem:s9] =	stream.linear.scatter [tilespmem:s1], [sflag:$0xB], $0x400, $0x38;
	[tilespmem:$0x1AFD0] =	vst v63  }
0x233: {  	_ =	swait.ge [sflag:s14], $0x400  }
0x234: {  	s23 =	sld [smem:$0x7E2]  }
0x235: {  	[sflag:s14] =	ssyncset.done $0x0  }
0x236: {  	[sflag:s14] =	ssyncadd.s32 $0xFFFFFC00  }
0x237: {  	[spmem:s23] =	stream.linear.scatter [tilespmem:s1], [sflag:$0xB], $0x400, $0x38;
	[tilespmem:$0x1AFD0] =	vst v63  }
0x238: {  	_ =	swait.ge [sflag:s14], $0x400  }
0x239: {  	s30 =	sld [smem:$0x7E3]  }
0x23a: {  	[sflag:s14] =	ssyncset.done $0x0  }
0x23b: {  	[sflag:s14] =	ssyncadd.s32 $0xFFFFFC00  }
0x23c: {  	[spmem:s30] =	stream.linear.scatter [tilespmem:s1], [sflag:$0xB], $0x400, $0x38;
	[tilespmem:$0x1AFD0] =	vst v63  }
0x23d: {  	_ =	swait.ge [sflag:s14], $0x400  }
0x23e: {  	s9 =	sld [smem:$0x7E4]  }
0x23f: {  	[sflag:s14] =	ssyncset.done $0x0  }
0x240: {  	[sflag:s14] =	ssyncadd.s32 $0xFFFFFC00  }
0x241: {  	[spmem:s9] =	stream.linear.scatter [tilespmem:s1], [sflag:$0xB], $0x400, $0x38;
	[tilespmem:$0x1AFD0] =	vst v63  }
0x242: {  	_ =	swait.ge [sflag:s14], $0x400  }
0x243: {  	s23 =	sld [smem:$0x7E5]  }
0x244: {  	[sflag:s14] =	ssyncset.done $0x0  }
0x245: {  	[sflag:s14] =	ssyncadd.s32 $0xFFFFFC00  }
0x246: {  	[spmem:s23] =	stream.linear.scatter [tilespmem:s1], [sflag:$0xB], $0x400, $0x38;
	[tilespmem:$0x1AFD0] =	vst v63  }
0x247: {  	_ =	swait.ge [sflag:s14], $0x400  }
0x248: {  	s30 =	sld [smem:$0x7E6]  }
0x249: {  	[sflag:s14] =	ssyncset.done $0x0  }
0x24a: {  	[sflag:s14] =	ssyncadd.s32 $0xFFFFFC00  }
0x24b: {  	[spmem:s30] =	stream.linear.scatter [tilespmem:s1], [sflag:$0xB], $0x400, $0x38;
	[tilespmem:$0x1AFD0] =	vst v63  }
0x24c: {  	_ =	swait.ge [sflag:s14], $0x400  }
0x24d: {  	s9 =	sld [smem:$0x7E7]  }
0x24e: {  	[sflag:s14] =	ssyncset.done $0x0  }
0x24f: {  	[sflag:s14] =	ssyncadd.s32 $0xFFFFFC00  }
0x250: {  	[spmem:s9] =	stream.linear.scatter [tilespmem:s1], [sflag:$0xB], $0x400, $0x38;
	[tilespmem:$0x1AFD0] =	vst v63  }
0x251: {  	_ =	swait.ge [sflag:s14], $0x400  }
0x252: {  	s23 =	sld [smem:$0x7E8]  }
0x253: {  	[sflag:s14] =	ssyncset.done $0x0  }
0x254: {  	[sflag:s14] =	ssyncadd.s32 $0xFFFFFC00  }
0x255: {  	[spmem:s23] =	stream.linear.scatter [tilespmem:s1], [sflag:$0xB], $0x400, $0x38;
	[tilespmem:$0x1AFD0] =	vst v63  }
0x256: {  	_ =	swait.ge [sflag:s14], $0x400  }
0x257: {  	s30 =	sld [smem:$0x7E9]  }
0x258: {  	[sflag:s14] =	ssyncset.done $0x0  }
0x259: {  	[sflag:s14] =	ssyncadd.s32 $0xFFFFFC00  }
0x25a: {  	[spmem:s30] =	stream.linear.scatter [tilespmem:s1], [sflag:$0xB], $0x400, $0x38;
	[tilespmem:$0x1AFD0] =	vst v63  }
0x25b: {  	_ =	swait.ge [sflag:s14], $0x400  }
0x25c: {  	s9 =	sld [smem:$0x7EA]  }
0x25d: {  	[sflag:s14] =	ssyncset.done $0x0  }
0x25e: {  	[sflag:s14] =	ssyncadd.s32 $0xFFFFFC00  }
0x25f: {  	[spmem:s9] =	stream.linear.scatter [tilespmem:s1], [sflag:$0xB], $0x400, $0x38;
	[tilespmem:$0x1AFD0] =	vst v63  }
0x260: {  	_ =	swait.ge [sflag:s14], $0x400  }
0x261: {  	s23 =	sld [smem:$0x7EB]  }
0x262: {  	[sflag:s14] =	ssyncset.done $0x0  }
0x263: {  	[sflag:s14] =	ssyncadd.s32 $0xFFFFFC00  }
0x264: {  	[spmem:s23] =	stream.linear.scatter [tilespmem:s1], [sflag:$0xB], $0x400, $0x38;
	[tilespmem:$0x1AFD0] =	vst v63  }
0x265: {  	_ =	swait.ge [sflag:s14], $0x400  }
0x266: {  	s30 =	sld [smem:$0x7EC]  }
0x267: {  	[sflag:s14] =	ssyncset.done $0x0  }
0x268: {  	[sflag:s14] =	ssyncadd.s32 $0xFFFFFC00  }
0x269: {  	[spmem:s30] =	stream.linear.scatter [tilespmem:s1], [sflag:$0xB], $0x400, $0x38;
	[tilespmem:$0x1AFD0] =	vst v63  }
0x26a: {  	_ =	swait.ge [sflag:s14], $0x400  }
0x26b: {  	s9 =	sld [smem:$0x7ED]  }
0x26c: {  	[sflag:s14] =	ssyncset.done $0x0  }
0x26d: {  	[sflag:s14] =	ssyncadd.s32 $0xFFFFFC00  }
0x26e: {  	[spmem:s9] =	stream.linear.scatter [tilespmem:s1], [sflag:$0xB], $0x400, $0x38;
	[tilespmem:$0x1AFD0] =	vst v63  }
0x26f: {  	_ =	swait.ge [sflag:s14], $0x400  }
0x270: {  	s23 =	sld [smem:$0x7EE]  }
0x271: {  	[sflag:s14] =	ssyncset.done $0x0  }
0x272: {  	[sflag:s14] =	ssyncadd.s32 $0xFFFFFC00  }
0x273: {  	[spmem:s23] =	stream.linear.scatter [tilespmem:s1], [sflag:$0xB], $0x400, $0x38;
	[tilespmem:$0x1AFD0] =	vst v63  }
0x274: {  	_ =	swait.ge [sflag:s14], $0x400  }
0x275: {  	s30 =	sld [smem:$0x7EF]  }
0x276: {  	[sflag:s14] =	ssyncset.done $0x0  }
0x277: {  	[sflag:s14] =	ssyncadd.s32 $0xFFFFFC00  }
0x278: {  	[spmem:s30] =	stream.linear.scatter [tilespmem:s1], [sflag:$0xB], $0x400, $0x38;
	[tilespmem:$0x1AFD0] =	vst v63  }
0x279: {  	_ =	swait.ge [sflag:s14], $0x400  }
0x27a: {  	s9 =	sld [smem:$0x7F0]  }
0x27b: {  	[sflag:s14] =	ssyncset.done $0x0  }
0x27c: {  	[sflag:s14] =	ssyncadd.s32 $0xFFFFFC00  }
0x27d: {  	[spmem:s9] =	stream.linear.scatter [tilespmem:s1], [sflag:$0xB], $0x400, $0x38;
	[tilespmem:$0x1AFD0] =	vst v63  }
0x27e: {  	_ =	swait.ge [sflag:s14], $0x400  }
0x27f: {  	s23 =	sld [smem:$0x7F1]  }
0x280: {  	[sflag:s14] =	ssyncset.done $0x0  }
0x281: {  	[sflag:s14] =	ssyncadd.s32 $0xFFFFFC00  }
0x282: {  	[spmem:s23] =	stream.linear.scatter [tilespmem:s1], [sflag:$0xB], $0x400, $0x38;
	[tilespmem:$0x1AFD0] =	vst v63  }
0x283: {  	_ =	swait.ge [sflag:s14], $0x400  }
0x284: {  	s30 =	sld [smem:$0x7F2]  }
0x285: {  	[sflag:s14] =	ssyncset.done $0x0  }
0x286: {  	[sflag:s14] =	ssyncadd.s32 $0xFFFFFC00  }
0x287: {  	[spmem:s30] =	stream.linear.scatter [tilespmem:s1], [sflag:$0xB], $0x400, $0x38;
	[tilespmem:$0x1AFD0] =	vst v63  }
0x288: {  	_ =	swait.ge [sflag:s14], $0x400  }
0x289: {  	s9 =	sld [smem:$0x7F3]  }
0x28a: {  	[sflag:s14] =	ssyncset.done $0x0  }
0x28b: {  	[sflag:s14] =	ssyncadd.s32 $0xFFFFFC00  }
0x28c: {  	[spmem:s9] =	stream.linear.scatter [tilespmem:s1], [sflag:$0xB], $0x400, $0x38;
	[tilespmem:$0x1AFD0] =	vst v63  }
0x28d: {  	_ =	swait.ge [sflag:s14], $0x400  }
0x28e: {  	s23 =	sld [smem:$0x7F4]  }
0x28f: {  	[sflag:s14] =	ssyncset.done $0x0  }
0x290: {  	[sflag:s14] =	ssyncadd.s32 $0xFFFFFC00  }
0x291: {  	[spmem:s23] =	stream.linear.scatter [tilespmem:s1], [sflag:$0xB], $0x400, $0x38;
	[tilespmem:$0x1AFD0] =	vst v63  }
0x292: {  	_ =	swait.ge [sflag:s14], $0x400  }
0x293: {  	s30 =	sld [smem:$0x7F5]  }
0x294: {  	[sflag:s14] =	ssyncset.done $0x0  }
0x295: {  	[sflag:s14] =	ssyncadd.s32 $0xFFFFFC00  }
0x296: {  	[spmem:s30] =	stream.linear.scatter [tilespmem:s1], [sflag:$0xB], $0x400, $0x38;
	[tilespmem:$0x1AFD0] =	vst v63  }
0x297: {  	_ =	swait.ge [sflag:s14], $0x400  }
0x298: {  	s9 =	sld [smem:$0x7F6]  }
0x299: {  	[sflag:s14] =	ssyncset.done $0x0  }
0x29a: {  	[sflag:s14] =	ssyncadd.s32 $0xFFFFFC00  }
0x29b: {  	[spmem:s9] =	stream.linear.scatter [tilespmem:s1], [sflag:$0xB], $0x400, $0x38;
	[tilespmem:$0x1AFD0] =	vst v63  }
0x29c: {  	_ =	swait.ge [sflag:s14], $0x400  }
0x29d: {  	s23 =	sld [smem:$0x7F7]  }
0x29e: {  	[sflag:s14] =	ssyncset.done $0x0  }
0x29f: {  	[sflag:s14] =	ssyncadd.s32 $0xFFFFFC00  }
0x2a0: {  	[spmem:s23] =	stream.linear.scatter [tilespmem:s1], [sflag:$0xB], $0x400, $0x38;
	[tilespmem:$0x1AFD0] =	vst v63  }
0x2a1: {  	_ =	swait.ge [sflag:s14], $0x400  }
0x2a2: {  	s30 =	sld [smem:$0x7F8]  }
0x2a3: {  	[sflag:s14] =	ssyncset.done $0x0  }
0x2a4: {  	[sflag:s14] =	ssyncadd.s32 $0xFFFFFC00  }
0x2a5: {  	[spmem:s30] =	stream.linear.scatter [tilespmem:s1], [sflag:$0xB], $0x400, $0x38;
	[tilespmem:$0x1AFD0] =	vst v63  }
0x2a6: {  	_ =	swait.ge [sflag:s14], $0x400  }
0x2a7: {  	s9 =	sld [smem:$0x7F9]  }
0x2a8: {  	[sflag:s14] =	ssyncset.done $0x0  }
0x2a9: {  	[sflag:s14] =	ssyncadd.s32 $0xFFFFFC00  }
0x2aa: {  	[spmem:s9] =	stream.linear.scatter [tilespmem:s1], [sflag:$0xB], $0x400, $0x38;
	[tilespmem:$0x1AFD0] =	vst v63  }
0x2ab: {  	_ =	swait.ge [sflag:s14], $0x400  }
0x2ac: {  	s23 =	sld [smem:$0x7FA]  }
0x2ad: {  	[sflag:s14] =	ssyncset.done $0x0  }
0x2ae: {  	[sflag:s14] =	ssyncadd.s32 $0xFFFFFC00  }
0x2af: {  	[spmem:s23] =	stream.linear.scatter [tilespmem:s1], [sflag:$0xB], $0x400, $0x38;
	[tilespmem:$0x1AFD0] =	vst v63  }
0x2b0: {  	_ =	swait.ge [sflag:s14], $0x400  }
0x2b1: {  	s30 =	sld [smem:$0x7FB]  }
0x2b2: {  	[sflag:s14] =	ssyncset.done $0x0  }
0x2b3: {  	[sflag:s14] =	ssyncadd.s32 $0xFFFFFC00  }
0x2b4: {  	[spmem:s30] =	stream.linear.scatter [tilespmem:s1], [sflag:$0xB], $0x400, $0x38;
	[tilespmem:$0x1AFD0] =	vst v63  }
.Ltmp2:
0x2b5: {  	_ =	swait.ge [sflag:s14], $0x400;
	(pc) =	sbr.rel @!p0 .LBB2_2-.Ltmp2, $4  }
0x2b6: {  	[sflag:s14] =	ssyncset.done $0x0  }
0x2b7: {  	[sflag:s14] =	ssyncadd.s32 $0xFFFFFC00  }
0x2b8: {  	[bflag:$0x0] =	sbarrier.arrive $0xFFFF  }
0x2b9: {  	s0 =	sadd.s32 $0x0, s12  }
0x2ba: {  	[tilespmem:s4], [sflag:$0xB] =	stream.linear.gather [hbm4b:s0+s4], $0x3E8, $0x38;
	[tilespmem:$0x1AFD0] =	vst v63  }
0x2bb: {  	_ =	swait.ge [sflag:s14], $0x3E8  }
0x2bc: {  	[sflag:s14] =	ssyncset.done $0x0  }
0x2bd: {  	s9 =	sadd.s32 $0x0, s11;
	[sflag:s14] =	ssyncadd.s32 $0xFFFFFC18  }
0x2be: {  	[tilespmem:s15], [sflag:$0xB] =	stream.linear.gather [hbm4b:s9+s4], $0x3E8, $0x38;
	[tilespmem:$0x1AFD0] =	vst v63  }
0x2bf: {  	_ =	swait.ge [sflag:s14], $0x3E8  }
0x2c0: {  	[sflag:s14] =	ssyncset.done $0x0  }
0x2c1: {  	[sflag:s14] =	ssyncadd.s32 $0xFFFFFC18  }
0x2c2: {  	[tilespmem:s17], [sflag:$0x1] =	stream.indirect.gather [hbm4b:s6+s16], $0x80, s4, s16, $0xb8;
	[tilespmem:$0x1AFD0] =	vst v63  }
0x2c3: {  	_ = 	snop  }
0x2c4: {  	[tilespmem:s18], [sflag:$0x2] =	stream.indirect.gather [hbm4b:s6+s16], $0x80, s16, s16, $0xb8;
	[tilespmem:$0x1AFD0] =	vst v63  }
0x2c5: {  	_ = 	snop  }
0x2c6: {  	[tilespmem:s20], [sflag:$0x3] =	stream.indirect.gather [hbm4b:s6+s16], $0x80, s19, s16, $0xb8;
	[tilespmem:$0x1AFD0] =	vst v63  }
0x2c7: {  	_ = 	snop  }
0x2c8: {  	[tilespmem:s22], [sflag:$0x4] =	stream.indirect.gather [hbm4b:s6+s16], $0x80, s7, s16, $0xb8;
	[tilespmem:$0x1AFD0] =	vst v63  }
0x2c9: {  	s19 =	simm.s32 $0xA0  }
0x2ca: {  	[tilespmem:s24], [sflag:$0x5] =	stream.indirect.gather [hbm4b:s6+s16], $0x80, s19, s16, $0xb8;
	[tilespmem:$0x1AFD0] =	vst v63  }
0x2cb: {  	_ =	swait.ge [sflag:s25], $0x1400  }
0x2cc: {  	[sflag:s25] =	ssyncset.done $0x0  }
0x2cd: {  	[sflag:s25] =	ssyncadd.s32 $0xFFFFEC00  }
0x2ce: {  	[spmem:s3] =	stream.indirect.scatter.add.f32 [tilespmem:s17], [sflag:$0x6], $0x80, s15, s16, $0xb8;
	[tilespmem:$0x1AFD0] =	vst v63  }
0x2cf: {  	_ =	swait.ge [sflag:s26], $0x1400  }
0x2d0: {  	[sflag:s26] =	ssyncset.done $0x0  }
0x2d1: {  	s1 =	simm.s32 $0x410;
	[sflag:s26] =	ssyncadd.s32 $0xFFFFEC00  }
0x2d2: {  	[spmem:s3] =	stream.indirect.scatter.add.f32 [tilespmem:s18], [sflag:$0x7], $0x80, s1, s16, $0xb8;
	[tilespmem:$0x1AFD0] =	vst v63  }
0x2d3: {  	_ =	swait.ge [sflag:s29], $0x1400  }
0x2d4: {  	[sflag:s29] =	ssyncset.done $0x0  }
0x2d5: {  	s7 =	simm.s32 $0x438;
	[sflag:s29] =	ssyncadd.s32 $0xFFFFEC00  }
0x2d6: {  	[spmem:s3] =	stream.indirect.scatter.add.f32 [tilespmem:s20], [sflag:$0x8], $0x80, s7, s16, $0xb8;
	[tilespmem:$0x1AFD0] =	vst v63  }
0x2d7: {  	_ =	swait.ge [sflag:s31], $0x1400  }
0x2d8: {  	[sflag:s31] =	ssyncset.done $0x0  }
0x2d9: {  	s9 =	simm.s32 $0x460;
	[sflag:s31] =	ssyncadd.s32 $0xFFFFEC00  }
0x2da: {  	[spmem:s3] =	stream.indirect.scatter.add.f32 [tilespmem:s22], [sflag:$0x9], $0x80, s9, s16, $0xb8;
	[tilespmem:$0x1AFD0] =	vst v63  }
0x2db: {  	_ =	swait.ge [sflag:s2], $0x1400  }
0x2dc: {  	[sflag:s2] =	ssyncset.done $0x0  }
0x2dd: {  	s19 =	simm.s32 $0x488;
	[sflag:s2] =	ssyncadd.s32 $0xFFFFEC00  }
0x2de: {  	[spmem:s3] =	stream.indirect.scatter.add.f32 [tilespmem:s24], [sflag:$0xA], $0x80, s19, s16, $0xb8;
	[tilespmem:$0x1AFD0] =	vst v63  }
0x2df: {  	_ =	swait.ge [sflag:s8], $0x1400  }
0x2e0: {  	[sflag:s8] =	ssyncset.done $0x0  }
0x2e1: {  	s1 =	simm.s32 $0xC8;
	[sflag:s8] =	ssyncadd.s32 $0xFFFFEC00  }
0x2e2: {  	[tilespmem:s17], [sflag:$0x1] =	stream.indirect.gather [hbm4b:s6+s16], $0x80, s1, s16, $0xb8;
	[tilespmem:$0x1AFD0] =	vst v63  }
0x2e3: {  	_ =	swait.ge [sflag:s10], $0x1400  }
0x2e4: {  	[sflag:s10] =	ssyncset.done $0x0  }
0x2e5: {  	s7 =	simm.s32 $0xF0;
	[sflag:s10] =	ssyncadd.s32 $0xFFFFEC00  }
0x2e6: {  	[tilespmem:s18], [sflag:$0x2] =	stream.indirect.gather [hbm4b:s6+s16], $0x80, s7, s16, $0xb8;
	[tilespmem:$0x1AFD0] =	vst v63  }
0x2e7: {  	_ =	swait.ge [sflag:s13], $0x1400  }
0x2e8: {  	[sflag:s13] =	ssyncset.done $0x0  }
0x2e9: {  	s9 =	simm.s32 $0x118;
	[sflag:s13] =	ssyncadd.s32 $0xFFFFEC00  }
0x2ea: {  	[tilespmem:s20], [sflag:$0x3] =	stream.indirect.gather [hbm4b:s6+s16], $0x80, s9, s16, $0xb8;
	[tilespmem:$0x1AFD0] =	vst v63  }
0x2eb: {  	_ =	swait.ge [sflag:s21], $0x1400  }
0x2ec: {  	[sflag:s21] =	ssyncset.done $0x0  }
0x2ed: {  	s19 =	simm.s32 $0x140;
	[sflag:s21] =	ssyncadd.s32 $0xFFFFEC00  }
0x2ee: {  	[tilespmem:s22], [sflag:$0x4] =	stream.indirect.gather [hbm4b:s6+s16], $0x80, s19, s16, $0xb8;
	[tilespmem:$0x1AFD0] =	vst v63  }
0x2ef: {  	_ =	swait.ge [sflag:s28], $0x1400  }
0x2f0: {  	[sflag:s28] =	ssyncset.done $0x0  }
0x2f1: {  	s1 =	simm.s32 $0x168;
	[sflag:s28] =	ssyncadd.s32 $0xFFFFEC00  }
0x2f2: {  	[tilespmem:s24], [sflag:$0x5] =	stream.indirect.gather [hbm4b:s6+s16], $0x80, s1, s16, $0xb8;
	[tilespmem:$0x1AFD0] =	vst v63  }
0x2f3: {  	_ =	swait.ge [sflag:s25], $0x1400  }
0x2f4: {  	[sflag:s25] =	ssyncset.done $0x0  }
0x2f5: {  	s7 =	simm.s32 $0x4B0;
	[sflag:s25] =	ssyncadd.s32 $0xFFFFEC00  }
0x2f6: {  	[spmem:s3] =	stream.indirect.scatter.add.f32 [tilespmem:s17], [sflag:$0x6], $0x80, s7, s16, $0xb8;
	[tilespmem:$0x1AFD0] =	vst v63  }
0x2f7: {  	_ =	swait.ge [sflag:s26], $0x1400  }
0x2f8: {  	[sflag:s26] =	ssyncset.done $0x0  }
0x2f9: {  	s9 =	simm.s32 $0x4D8;
	[sflag:s26] =	ssyncadd.s32 $0xFFFFEC00  }
0x2fa: {  	[spmem:s3] =	stream.indirect.scatter.add.f32 [tilespmem:s18], [sflag:$0x7], $0x80, s9, s16, $0xb8;
	[tilespmem:$0x1AFD0] =	vst v63  }
0x2fb: {  	_ =	swait.ge [sflag:s29], $0x1400  }
0x2fc: {  	[sflag:s29] =	ssyncset.done $0x0  }
0x2fd: {  	s19 =	simm.s32 $0x500;
	[sflag:s29] =	ssyncadd.s32 $0xFFFFEC00  }
0x2fe: {  	[spmem:s3] =	stream.indirect.scatter.add.f32 [tilespmem:s20], [sflag:$0x8], $0x80, s19, s16, $0xb8;
	[tilespmem:$0x1AFD0] =	vst v63  }
0x2ff: {  	_ =	swait.ge [sflag:s31], $0x1400  }
0x300: {  	[sflag:s31] =	ssyncset.done $0x0  }
0x301: {  	s1 =	simm.s32 $0x528;
	[sflag:s31] =	ssyncadd.s32 $0xFFFFEC00  }
0x302: {  	[spmem:s3] =	stream.indirect.scatter.add.f32 [tilespmem:s22], [sflag:$0x9], $0x80, s1, s16, $0xb8;
	[tilespmem:$0x1AFD0] =	vst v63  }
0x303: {  	_ =	swait.ge [sflag:s2], $0x1400  }
0x304: {  	[sflag:s2] =	ssyncset.done $0x0  }
0x305: {  	s7 =	simm.s32 $0x550;
	[sflag:s2] =	ssyncadd.s32 $0xFFFFEC00  }
0x306: {  	[spmem:s3] =	stream.indirect.scatter.add.f32 [tilespmem:s24], [sflag:$0xA], $0x80, s7, s16, $0xb8;
	[tilespmem:$0x1AFD0] =	vst v63  }
0x307: {  	_ =	swait.ge [sflag:s8], $0x1400  }
0x308: {  	[sflag:s8] =	ssyncset.done $0x0  }
0x309: {  	s9 =	simm.s32 $0x190;
	[sflag:s8] =	ssyncadd.s32 $0xFFFFEC00  }
0x30a: {  	[tilespmem:s17], [sflag:$0x1] =	stream.indirect.gather [hbm4b:s6+s16], $0x80, s9, s16, $0xb8;
	[tilespmem:$0x1AFD0] =	vst v63  }
0x30b: {  	_ =	swait.ge [sflag:s10], $0x1400  }
0x30c: {  	[sflag:s10] =	ssyncset.done $0x0  }
0x30d: {  	s19 =	simm.s32 $0x1B8;
	[sflag:s10] =	ssyncadd.s32 $0xFFFFEC00  }
0x30e: {  	[tilespmem:s18], [sflag:$0x2] =	stream.indirect.gather [hbm4b:s6+s16], $0x80, s19, s16, $0xb8;
	[tilespmem:$0x1AFD0] =	vst v63  }
0x30f: {  	_ =	swait.ge [sflag:s13], $0x1400  }
0x310: {  	[sflag:s13] =	ssyncset.done $0x0  }
0x311: {  	s1 =	simm.s32 $0x1E0;
	[sflag:s13] =	ssyncadd.s32 $0xFFFFEC00  }
0x312: {  	[tilespmem:s20], [sflag:$0x3] =	stream.indirect.gather [hbm4b:s6+s16], $0x80, s1, s16, $0xb8;
	[tilespmem:$0x1AFD0] =	vst v63  }
0x313: {  	_ =	swait.ge [sflag:s21], $0x1400  }
0x314: {  	[sflag:s21] =	ssyncset.done $0x0  }
0x315: {  	s7 =	simm.s32 $0x208;
	[sflag:s21] =	ssyncadd.s32 $0xFFFFEC00  }
0x316: {  	[tilespmem:s22], [sflag:$0x4] =	stream.indirect.gather [hbm4b:s6+s16], $0x80, s7, s16, $0xb8;
	[tilespmem:$0x1AFD0] =	vst v63  }
0x317: {  	_ =	swait.ge [sflag:s28], $0x1400  }
0x318: {  	[sflag:s28] =	ssyncset.done $0x0  }
0x319: {  	s9 =	simm.s32 $0x230;
	[sflag:s28] =	ssyncadd.s32 $0xFFFFEC00  }
0x31a: {  	[tilespmem:s24], [sflag:$0x5] =	stream.indirect.gather [hbm4b:s6+s16], $0x80, s9, s16, $0xb8;
	[tilespmem:$0x1AFD0] =	vst v63  }
0x31b: {  	_ =	swait.ge [sflag:s25], $0x1400  }
0x31c: {  	[sflag:s25] =	ssyncset.done $0x0  }
0x31d: {  	s19 =	simm.s32 $0x578;
	[sflag:s25] =	ssyncadd.s32 $0xFFFFEC00  }
0x31e: {  	[spmem:s3] =	stream.indirect.scatter.add.f32 [tilespmem:s17], [sflag:$0x6], $0x80, s19, s16, $0xb8;
	[tilespmem:$0x1AFD0] =	vst v63  }
0x31f: {  	_ =	swait.ge [sflag:s26], $0x1400  }
0x320: {  	[sflag:s26] =	ssyncset.done $0x0  }
0x321: {  	s1 =	simm.s32 $0x5A0;
	[sflag:s26] =	ssyncadd.s32 $0xFFFFEC00  }
0x322: {  	[spmem:s3] =	stream.indirect.scatter.add.f32 [tilespmem:s18], [sflag:$0x7], $0x80, s1, s16, $0xb8;
	[tilespmem:$0x1AFD0] =	vst v63  }
0x323: {  	_ =	swait.ge [sflag:s29], $0x1400  }
0x324: {  	[sflag:s29] =	ssyncset.done $0x0  }
0x325: {  	s7 =	simm.s32 $0x5C8;
	[sflag:s29] =	ssyncadd.s32 $0xFFFFEC00  }
0x326: {  	[spmem:s3] =	stream.indirect.scatter.add.f32 [tilespmem:s20], [sflag:$0x8], $0x80, s7, s16, $0xb8;
	[tilespmem:$0x1AFD0] =	vst v63  }
0x327: {  	_ =	swait.ge [sflag:s31], $0x1400  }
0x328: {  	[sflag:s31] =	ssyncset.done $0x0  }
0x329: {  	s9 =	simm.s32 $0x5F0;
	[sflag:s31] =	ssyncadd.s32 $0xFFFFEC00  }
0x32a: {  	[spmem:s3] =	stream.indirect.scatter.add.f32 [tilespmem:s22], [sflag:$0x9], $0x80, s9, s16, $0xb8;
	[tilespmem:$0x1AFD0] =	vst v63  }
0x32b: {  	_ =	swait.ge [sflag:s2], $0x1400  }
0x32c: {  	[sflag:s2] =	ssyncset.done $0x0  }
0x32d: {  	s19 =	simm.s32 $0x618;
	[sflag:s2] =	ssyncadd.s32 $0xFFFFEC00  }
0x32e: {  	[spmem:s3] =	stream.indirect.scatter.add.f32 [tilespmem:s24], [sflag:$0xA], $0x80, s19, s16, $0xb8;
	[tilespmem:$0x1AFD0] =	vst v63  }
0x32f: {  	_ =	swait.ge [sflag:s8], $0x1400  }
0x330: {  	[sflag:s8] =	ssyncset.done $0x0  }
0x331: {  	s1 =	simm.s32 $0x258;
	[sflag:s8] =	ssyncadd.s32 $0xFFFFEC00  }
0x332: {  	[tilespmem:s17], [sflag:$0x1] =	stream.indirect.gather [hbm4b:s6+s16], $0x80, s1, s16, $0xb8;
	[tilespmem:$0x1AFD0] =	vst v63  }
0x333: {  	_ =	swait.ge [sflag:s10], $0x1400  }
0x334: {  	[sflag:s10] =	ssyncset.done $0x0  }
0x335: {  	s7 =	simm.s32 $0x280;
	[sflag:s10] =	ssyncadd.s32 $0xFFFFEC00  }
0x336: {  	[tilespmem:s18], [sflag:$0x2] =	stream.indirect.gather [hbm4b:s6+s16], $0x80, s7, s16, $0xb8;
	[tilespmem:$0x1AFD0] =	vst v63  }
0x337: {  	_ =	swait.ge [sflag:s13], $0x1400  }
0x338: {  	[sflag:s13] =	ssyncset.done $0x0  }
0x339: {  	s9 =	simm.s32 $0x2A8;
	[sflag:s13] =	ssyncadd.s32 $0xFFFFEC00  }
0x33a: {  	[tilespmem:s20], [sflag:$0x3] =	stream.indirect.gather [hbm4b:s6+s16], $0x80, s9, s16, $0xb8;
	[tilespmem:$0x1AFD0] =	vst v63  }
0x33b: {  	_ =	swait.ge [sflag:s21], $0x1400  }
0x33c: {  	[sflag:s21] =	ssyncset.done $0x0  }
0x33d: {  	s19 =	simm.s32 $0x2D0;
	[sflag:s21] =	ssyncadd.s32 $0xFFFFEC00  }
0x33e: {  	[tilespmem:s22], [sflag:$0x4] =	stream.indirect.gather [hbm4b:s6+s16], $0x80, s19, s16, $0xb8;
	[tilespmem:$0x1AFD0] =	vst v63  }
0x33f: {  	_ =	swait.ge [sflag:s28], $0x1400  }
0x340: {  	[sflag:s28] =	ssyncset.done $0x0  }
0x341: {  	s1 =	simm.s32 $0x2F8;
	[sflag:s28] =	ssyncadd.s32 $0xFFFFEC00  }
0x342: {  	[tilespmem:s24], [sflag:$0x5] =	stream.indirect.gather [hbm4b:s6+s16], $0x80, s1, s16, $0xb8;
	[tilespmem:$0x1AFD0] =	vst v63  }
0x343: {  	_ =	swait.ge [sflag:s25], $0x1400  }
0x344: {  	[sflag:s25] =	ssyncset.done $0x0  }
0x345: {  	s7 =	simm.s32 $0x640;
	[sflag:s25] =	ssyncadd.s32 $0xFFFFEC00  }
0x346: {  	[spmem:s3] =	stream.indirect.scatter.add.f32 [tilespmem:s17], [sflag:$0x6], $0x80, s7, s16, $0xb8;
	[tilespmem:$0x1AFD0] =	vst v63  }
0x347: {  	_ =	swait.ge [sflag:s26], $0x1400  }
0x348: {  	[sflag:s26] =	ssyncset.done $0x0  }
0x349: {  	s9 =	simm.s32 $0x668;
	[sflag:s26] =	ssyncadd.s32 $0xFFFFEC00  }
0x34a: {  	[spmem:s3] =	stream.indirect.scatter.add.f32 [tilespmem:s18], [sflag:$0x7], $0x80, s9, s16, $0xb8;
	[tilespmem:$0x1AFD0] =	vst v63  }
0x34b: {  	_ =	swait.ge [sflag:s29], $0x1400  }
0x34c: {  	[sflag:s29] =	ssyncset.done $0x0  }
0x34d: {  	s19 =	simm.s32 $0x690;
	[sflag:s29] =	ssyncadd.s32 $0xFFFFEC00  }
0x34e: {  	[spmem:s3] =	stream.indirect.scatter.add.f32 [tilespmem:s20], [sflag:$0x8], $0x80, s19, s16, $0xb8;
	[tilespmem:$0x1AFD0] =	vst v63  }
0x34f: {  	_ =	swait.ge [sflag:s31], $0x1400  }
0x350: {  	[sflag:s31] =	ssyncset.done $0x0  }
0x351: {  	s1 =	simm.s32 $0x6B8;
	[sflag:s31] =	ssyncadd.s32 $0xFFFFEC00  }
0x352: {  	[spmem:s3] =	stream.indirect.scatter.add.f32 [tilespmem:s22], [sflag:$0x9], $0x80, s1, s16, $0xb8;
	[tilespmem:$0x1AFD0] =	vst v63  }
0x353: {  	_ =	swait.ge [sflag:s2], $0x1400  }
0x354: {  	[sflag:s2] =	ssyncset.done $0x0  }
0x355: {  	s7 =	simm.s32 $0x6E0;
	[sflag:s2] =	ssyncadd.s32 $0xFFFFEC00  }
0x356: {  	[spmem:s3] =	stream.indirect.scatter.add.f32 [tilespmem:s24], [sflag:$0xA], $0x80, s7, s16, $0xb8;
	[tilespmem:$0x1AFD0] =	vst v63  }
0x357: {  	_ =	swait.ge [sflag:s8], $0x1400  }
0x358: {  	[sflag:s8] =	ssyncset.done $0x0  }
0x359: {  	s9 =	simm.s32 $0x320;
	[sflag:s8] =	ssyncadd.s32 $0xFFFFEC00  }
0x35a: {  	[tilespmem:s17], [sflag:$0x1] =	stream.indirect.gather [hbm4b:s6+s16], $0x80, s9, s16, $0xb8;
	[tilespmem:$0x1AFD0] =	vst v63  }
0x35b: {  	_ =	swait.ge [sflag:s10], $0x1400  }
0x35c: {  	[sflag:s10] =	ssyncset.done $0x0  }
0x35d: {  	s19 =	simm.s32 $0x348;
	[sflag:s10] =	ssyncadd.s32 $0xFFFFEC00  }
0x35e: {  	[tilespmem:s18], [sflag:$0x2] =	stream.indirect.gather [hbm4b:s6+s16], $0x80, s19, s16, $0xb8;
	[tilespmem:$0x1AFD0] =	vst v63  }
0x35f: {  	_ =	swait.ge [sflag:s13], $0x1400  }
0x360: {  	[sflag:s13] =	ssyncset.done $0x0  }
0x361: {  	s1 =	simm.s32 $0x370;
	[sflag:s13] =	ssyncadd.s32 $0xFFFFEC00  }
0x362: {  	[tilespmem:s20], [sflag:$0x3] =	stream.indirect.gather [hbm4b:s6+s16], $0x80, s1, s16, $0xb8;
	[tilespmem:$0x1AFD0] =	vst v63  }
0x363: {  	_ =	swait.ge [sflag:s21], $0x1400  }
0x364: {  	[sflag:s21] =	ssyncset.done $0x0  }
0x365: {  	s7 =	simm.s32 $0x398;
	[sflag:s21] =	ssyncadd.s32 $0xFFFFEC00  }
0x366: {  	[tilespmem:s22], [sflag:$0x4] =	stream.indirect.gather [hbm4b:s6+s16], $0x80, s7, s16, $0xb8;
	[tilespmem:$0x1AFD0] =	vst v63  }
0x367: {  	_ =	swait.ge [sflag:s28], $0x1400  }
0x368: {  	[sflag:s28] =	ssyncset.done $0x0  }
0x369: {  	s9 =	simm.s32 $0x3C0;
	[sflag:s28] =	ssyncadd.s32 $0xFFFFEC00  }
0x36a: {  	[tilespmem:s24], [sflag:$0x5] =	stream.indirect.gather [hbm4b:s6+s16], $0x80, s9, s16, $0xb8;
	[tilespmem:$0x1AFD0] =	vst v63  }
0x36b: {  	_ =	swait.ge [sflag:s25], $0x1400  }
0x36c: {  	[sflag:s25] =	ssyncset.done $0x0  }
0x36d: {  	s19 =	simm.s32 $0x708;
	[sflag:s25] =	ssyncadd.s32 $0xFFFFEC00  }
0x36e: {  	[spmem:s3] =	stream.indirect.scatter.add.f32 [tilespmem:s17], [sflag:$0x6], $0x80, s19, s16, $0xb8;
	[tilespmem:$0x1AFD0] =	vst v63  }
0x36f: {  	_ =	swait.ge [sflag:s26], $0x1400  }
0x370: {  	[sflag:s26] =	ssyncset.done $0x0  }
0x371: {  	s1 =	simm.s32 $0x730;
	[sflag:s26] =	ssyncadd.s32 $0xFFFFEC00  }
0x372: {  	[spmem:s3] =	stream.indirect.scatter.add.f32 [tilespmem:s18], [sflag:$0x7], $0x80, s1, s16, $0xb8;
	[tilespmem:$0x1AFD0] =	vst v63  }
0x373: {  	_ =	swait.ge [sflag:s29], $0x1400  }
0x374: {  	[sflag:s29] =	ssyncset.done $0x0  }
0x375: {  	s7 =	simm.s32 $0x758;
	[sflag:s29] =	ssyncadd.s32 $0xFFFFEC00  }
0x376: {  	[spmem:s3] =	stream.indirect.scatter.add.f32 [tilespmem:s20], [sflag:$0x8], $0x80, s7, s16, $0xb8;
	[tilespmem:$0x1AFD0] =	vst v63  }
0x377: {  	_ =	swait.ge [sflag:s31], $0x1400  }
0x378: {  	[sflag:s31] =	ssyncset.done $0x0  }
0x379: {  	s9 =	simm.s32 $0x780;
	[sflag:s31] =	ssyncadd.s32 $0xFFFFEC00  }
0x37a: {  	[spmem:s3] =	stream.indirect.scatter.add.f32 [tilespmem:s22], [sflag:$0x9], $0x80, s9, s16, $0xb8;
	[tilespmem:$0x1AFD0] =	vst v63  }
0x37b: {  	_ =	swait.ge [sflag:s2], $0x1400  }
0x37c: {  	[sflag:s2] =	ssyncset.done $0x0  }
0x37d: {  	s19 =	simm.s32 $0x7A8;
	[sflag:s2] =	ssyncadd.s32 $0xFFFFEC00  }
0x37e: {  	[spmem:s3] =	stream.indirect.scatter.add.f32 [tilespmem:s24], [sflag:$0xA], $0x80, s19, s16, $0xb8;
	[tilespmem:$0x1AFD0] =	vst v63  }
0x37f: {  	_ =	swait.ge [sflag:s8], $0x1400  }
0x380: {  	[sflag:s8] =	ssyncset.done $0x0  }
0x381: {  	[sflag:s8] =	ssyncadd.s32 $0xFFFFEC00  }
0x382: {  	_ =	swait.ge [sflag:s10], $0x1400  }
0x383: {  	[sflag:s10] =	ssyncset.done $0x0  }
0x384: {  	[sflag:s10] =	ssyncadd.s32 $0xFFFFEC00  }
0x385: {  	_ =	swait.ge [sflag:s13], $0x1400  }
0x386: {  	[sflag:s13] =	ssyncset.done $0x0  }
0x387: {  	[sflag:s13] =	ssyncadd.s32 $0xFFFFEC00  }
0x388: {  	_ =	swait.ge [sflag:s21], $0x1400  }
0x389: {  	[sflag:s21] =	ssyncset.done $0x0  }
0x38a: {  	[sflag:s21] =	ssyncadd.s32 $0xFFFFEC00  }
0x38b: {  	s23 =	simm.s32 $0xA0;
	s30 =	simm.s32 $0x410;
	_ =	swait.ge [sflag:s28], $0x1400  }
0x38c: {  	s0 =	simm.s32 $0x7D;
	s9 =	simm.s32 $0xFA;
	[sflag:s28] =	ssyncset.done $0x0  }
.LBB2_6:
0x38d: {  	s7 =	sadd.s32 s0, s12  }
0x38e: {  	[sflag:s28] =	ssyncadd.s32 $0xFFFFEC00;
	s19 =	smov.u32 s9;
	s1 =	sadd.s32 $0x7D, s9  }
0x38f: {  	[tilespmem:s4], [sflag:$0xB] =	stream.linear.gather [hbm4b:s7+s4], $0x3E8, $0x38;
	[tilespmem:$0x1AFD0] =	vst v63  }
0x390: {  	p1 =	sne.s32 s9, $0x465;
	_ =	swait.ge [sflag:s14], $0x3E8  }
0x391: {  	s7 =	sadd.s32 s0, s11;
	[sflag:s14] =	ssyncset.done $0x0  }
0x392: {  	s0 =	smov.u32 s19;
	s19 =	simm.s32 $0x50;
	[sflag:s14] =	ssyncadd.s32 $0xFFFFFC18  }
0x393: {  	[tilespmem:s15], [sflag:$0xB] =	stream.linear.gather [hbm4b:s7+s4], $0x3E8, $0x38;
	[tilespmem:$0x1AFD0] =	vst v63  }
0x394: {  	s7 =	simm.s32 $0x78  }
0x395: {  	_ =	swait.ge [sflag:s14], $0x3E8  }
0x396: {  	[sflag:s14] =	ssyncset.done $0x0  }
0x397: {  	[sflag:s14] =	ssyncadd.s32 $0xFFFFFC18  }
0x398: {  	[tilespmem:s17], [sflag:$0x1] =	stream.indirect.gather [hbm4b:s6+s16], $0x80, s4, s16, $0xb8;
	[tilespmem:$0x1AFD0] =	vst v63  }
0x399: {  	_ = 	snop  }
0x39a: {  	[tilespmem:s18], [sflag:$0x2] =	stream.indirect.gather [hbm4b:s6+s16], $0x80, s16, s16, $0xb8;
	[tilespmem:$0x1AFD0] =	vst v63  }
0x39b: {  	_ = 	snop  }
0x39c: {  	[tilespmem:s20], [sflag:$0x3] =	stream.indirect.gather [hbm4b:s6+s16], $0x80, s19, s16, $0xb8;
	[tilespmem:$0x1AFD0] =	vst v63  }
0x39d: {  	_ = 	snop  }
0x39e: {  	[tilespmem:s22], [sflag:$0x4] =	stream.indirect.gather [hbm4b:s6+s16], $0x80, s7, s16, $0xb8;
	[tilespmem:$0x1AFD0] =	vst v63  }
0x39f: {  	_ = 	snop  }
0x3a0: {  	[tilespmem:s24], [sflag:$0x5] =	stream.indirect.gather [hbm4b:s6+s16], $0x80, s23, s16, $0xb8;
	[tilespmem:$0x1AFD0] =	vst v63  }
0x3a1: {  	_ =	swait.ge [sflag:s25], $0x1400  }
0x3a2: {  	[sflag:s25] =	ssyncset.done $0x0  }
0x3a3: {  	[sflag:s25] =	ssyncadd.s32 $0xFFFFEC00  }
0x3a4: {  	[spmem:s3] =	stream.indirect.scatter.add.f32 [tilespmem:s17], [sflag:$0x6], $0x80, s15, s16, $0xb8;
	[tilespmem:$0x1AFD0] =	vst v63  }
0x3a5: {  	_ =	swait.ge [sflag:s26], $0x1400  }
0x3a6: {  	[sflag:s26] =	ssyncset.done $0x0  }
0x3a7: {  	[sflag:s26] =	ssyncadd.s32 $0xFFFFEC00  }
0x3a8: {  	[spmem:s3] =	stream.indirect.scatter.add.f32 [tilespmem:s18], [sflag:$0x7], $0x80, s30, s16, $0xb8;
	[tilespmem:$0x1AFD0] =	vst v63  }
0x3a9: {  	_ =	swait.ge [sflag:s29], $0x1400  }
0x3aa: {  	[sflag:s29] =	ssyncset.done $0x0  }
0x3ab: {  	s9 =	simm.s32 $0x438;
	[sflag:s29] =	ssyncadd.s32 $0xFFFFEC00  }
0x3ac: {  	[spmem:s3] =	stream.indirect.scatter.add.f32 [tilespmem:s20], [sflag:$0x8], $0x80, s9, s16, $0xb8;
	[tilespmem:$0x1AFD0] =	vst v63  }
0x3ad: {  	_ =	swait.ge [sflag:s31], $0x1400  }
0x3ae: {  	[sflag:s31] =	ssyncset.done $0x0  }
0x3af: {  	s9 =	simm.s32 $0x460;
	[sflag:s31] =	ssyncadd.s32 $0xFFFFEC00  }
0x3b0: {  	[spmem:s3] =	stream.indirect.scatter.add.f32 [tilespmem:s22], [sflag:$0x9], $0x80, s9, s16, $0xb8;
	[tilespmem:$0x1AFD0] =	vst v63  }
0x3b1: {  	_ =	swait.ge [sflag:s2], $0x1400  }
0x3b2: {  	[sflag:s2] =	ssyncset.done $0x0  }
0x3b3: {  	s9 =	simm.s32 $0x488;
	[sflag:s2] =	ssyncadd.s32 $0xFFFFEC00  }
0x3b4: {  	[spmem:s3] =	stream.indirect.scatter.add.f32 [tilespmem:s24], [sflag:$0xA], $0x80, s9, s16, $0xb8;
	[tilespmem:$0x1AFD0] =	vst v63  }
0x3b5: {  	_ =	swait.ge [sflag:s8], $0x1400  }
0x3b6: {  	[sflag:s8] =	ssyncset.done $0x0  }
0x3b7: {  	s9 =	simm.s32 $0xC8;
	[sflag:s8] =	ssyncadd.s32 $0xFFFFEC00  }
0x3b8: {  	[tilespmem:s17], [sflag:$0x1] =	stream.indirect.gather [hbm4b:s6+s16], $0x80, s9, s16, $0xb8;
	[tilespmem:$0x1AFD0] =	vst v63  }
0x3b9: {  	_ =	swait.ge [sflag:s10], $0x1400  }
0x3ba: {  	[sflag:s10] =	ssyncset.done $0x0  }
0x3bb: {  	s9 =	simm.s32 $0xF0;
	[sflag:s10] =	ssyncadd.s32 $0xFFFFEC00  }
0x3bc: {  	[tilespmem:s18], [sflag:$0x2] =	stream.indirect.gather [hbm4b:s6+s16], $0x80, s9, s16, $0xb8;
	[tilespmem:$0x1AFD0] =	vst v63  }
0x3bd: {  	_ =	swait.ge [sflag:s13], $0x1400  }
0x3be: {  	[sflag:s13] =	ssyncset.done $0x0  }
0x3bf: {  	s9 =	simm.s32 $0x118;
	[sflag:s13] =	ssyncadd.s32 $0xFFFFEC00  }
0x3c0: {  	[tilespmem:s20], [sflag:$0x3] =	stream.indirect.gather [hbm4b:s6+s16], $0x80, s9, s16, $0xb8;
	[tilespmem:$0x1AFD0] =	vst v63  }
0x3c1: {  	_ =	swait.ge [sflag:s21], $0x1400  }
0x3c2: {  	[sflag:s21] =	ssyncset.done $0x0  }
0x3c3: {  	s9 =	simm.s32 $0x140;
	[sflag:s21] =	ssyncadd.s32 $0xFFFFEC00  }
0x3c4: {  	[tilespmem:s22], [sflag:$0x4] =	stream.indirect.gather [hbm4b:s6+s16], $0x80, s9, s16, $0xb8;
	[tilespmem:$0x1AFD0] =	vst v63  }
0x3c5: {  	_ =	swait.ge [sflag:s28], $0x1400  }
0x3c6: {  	[sflag:s28] =	ssyncset.done $0x0  }
0x3c7: {  	s9 =	simm.s32 $0x168;
	[sflag:s28] =	ssyncadd.s32 $0xFFFFEC00  }
0x3c8: {  	[tilespmem:s24], [sflag:$0x5] =	stream.indirect.gather [hbm4b:s6+s16], $0x80, s9, s16, $0xb8;
	[tilespmem:$0x1AFD0] =	vst v63  }
0x3c9: {  	_ =	swait.ge [sflag:s25], $0x1400  }
0x3ca: {  	[sflag:s25] =	ssyncset.done $0x0  }
0x3cb: {  	s9 =	simm.s32 $0x4B0;
	[sflag:s25] =	ssyncadd.s32 $0xFFFFEC00  }
0x3cc: {  	[spmem:s3] =	stream.indirect.scatter.add.f32 [tilespmem:s17], [sflag:$0x6], $0x80, s9, s16, $0xb8;
	[tilespmem:$0x1AFD0] =	vst v63  }
0x3cd: {  	_ =	swait.ge [sflag:s26], $0x1400  }
0x3ce: {  	[sflag:s26] =	ssyncset.done $0x0  }
0x3cf: {  	s9 =	simm.s32 $0x4D8;
	[sflag:s26] =	ssyncadd.s32 $0xFFFFEC00  }
0x3d0: {  	[spmem:s3] =	stream.indirect.scatter.add.f32 [tilespmem:s18], [sflag:$0x7], $0x80, s9, s16, $0xb8;
	[tilespmem:$0x1AFD0] =	vst v63  }
0x3d1: {  	_ =	swait.ge [sflag:s29], $0x1400  }
0x3d2: {  	[sflag:s29] =	ssyncset.done $0x0  }
0x3d3: {  	s9 =	simm.s32 $0x500;
	[sflag:s29] =	ssyncadd.s32 $0xFFFFEC00  }
0x3d4: {  	[spmem:s3] =	stream.indirect.scatter.add.f32 [tilespmem:s20], [sflag:$0x8], $0x80, s9, s16, $0xb8;
	[tilespmem:$0x1AFD0] =	vst v63  }
0x3d5: {  	_ =	swait.ge [sflag:s31], $0x1400  }
0x3d6: {  	[sflag:s31] =	ssyncset.done $0x0  }
0x3d7: {  	s9 =	simm.s32 $0x528;
	[sflag:s31] =	ssyncadd.s32 $0xFFFFEC00  }
0x3d8: {  	[spmem:s3] =	stream.indirect.scatter.add.f32 [tilespmem:s22], [sflag:$0x9], $0x80, s9, s16, $0xb8;
	[tilespmem:$0x1AFD0] =	vst v63  }
0x3d9: {  	_ =	swait.ge [sflag:s2], $0x1400  }
0x3da: {  	[sflag:s2] =	ssyncset.done $0x0  }
0x3db: {  	s9 =	simm.s32 $0x550;
	[sflag:s2] =	ssyncadd.s32 $0xFFFFEC00  }
0x3dc: {  	[spmem:s3] =	stream.indirect.scatter.add.f32 [tilespmem:s24], [sflag:$0xA], $0x80, s9, s16, $0xb8;
	[tilespmem:$0x1AFD0] =	vst v63  }
0x3dd: {  	_ =	swait.ge [sflag:s8], $0x1400  }
0x3de: {  	[sflag:s8] =	ssyncset.done $0x0  }
0x3df: {  	s9 =	simm.s32 $0x190;
	[sflag:s8] =	ssyncadd.s32 $0xFFFFEC00  }
0x3e0: {  	[tilespmem:s17], [sflag:$0x1] =	stream.indirect.gather [hbm4b:s6+s16], $0x80, s9, s16, $0xb8;
	[tilespmem:$0x1AFD0] =	vst v63  }
0x3e1: {  	_ =	swait.ge [sflag:s10], $0x1400  }
0x3e2: {  	[sflag:s10] =	ssyncset.done $0x0  }
0x3e3: {  	s9 =	simm.s32 $0x1B8;
	[sflag:s10] =	ssyncadd.s32 $0xFFFFEC00  }
0x3e4: {  	[tilespmem:s18], [sflag:$0x2] =	stream.indirect.gather [hbm4b:s6+s16], $0x80, s9, s16, $0xb8;
	[tilespmem:$0x1AFD0] =	vst v63  }
0x3e5: {  	_ =	swait.ge [sflag:s13], $0x1400  }
0x3e6: {  	[sflag:s13] =	ssyncset.done $0x0  }
0x3e7: {  	s9 =	simm.s32 $0x1E0;
	[sflag:s13] =	ssyncadd.s32 $0xFFFFEC00  }
0x3e8: {  	[tilespmem:s20], [sflag:$0x3] =	stream.indirect.gather [hbm4b:s6+s16], $0x80, s9, s16, $0xb8;
	[tilespmem:$0x1AFD0] =	vst v63  }
0x3e9: {  	_ =	swait.ge [sflag:s21], $0x1400  }
0x3ea: {  	[sflag:s21] =	ssyncset.done $0x0  }
0x3eb: {  	s9 =	simm.s32 $0x208;
	[sflag:s21] =	ssyncadd.s32 $0xFFFFEC00  }
0x3ec: {  	[tilespmem:s22], [sflag:$0x4] =	stream.indirect.gather [hbm4b:s6+s16], $0x80, s9, s16, $0xb8;
	[tilespmem:$0x1AFD0] =	vst v63  }
0x3ed: {  	_ =	swait.ge [sflag:s28], $0x1400  }
0x3ee: {  	[sflag:s28] =	ssyncset.done $0x0  }
0x3ef: {  	s9 =	simm.s32 $0x230;
	[sflag:s28] =	ssyncadd.s32 $0xFFFFEC00  }
0x3f0: {  	[tilespmem:s24], [sflag:$0x5] =	stream.indirect.gather [hbm4b:s6+s16], $0x80, s9, s16, $0xb8;
	[tilespmem:$0x1AFD0] =	vst v63  }
0x3f1: {  	_ =	swait.ge [sflag:s25], $0x1400  }
0x3f2: {  	[sflag:s25] =	ssyncset.done $0x0  }
0x3f3: {  	s9 =	simm.s32 $0x578;
	[sflag:s25] =	ssyncadd.s32 $0xFFFFEC00  }
0x3f4: {  	[spmem:s3] =	stream.indirect.scatter.add.f32 [tilespmem:s17], [sflag:$0x6], $0x80, s9, s16, $0xb8;
	[tilespmem:$0x1AFD0] =	vst v63  }
0x3f5: {  	_ =	swait.ge [sflag:s26], $0x1400  }
0x3f6: {  	[sflag:s26] =	ssyncset.done $0x0  }
0x3f7: {  	s9 =	simm.s32 $0x5A0;
	[sflag:s26] =	ssyncadd.s32 $0xFFFFEC00  }
0x3f8: {  	[spmem:s3] =	stream.indirect.scatter.add.f32 [tilespmem:s18], [sflag:$0x7], $0x80, s9, s16, $0xb8;
	[tilespmem:$0x1AFD0] =	vst v63  }
0x3f9: {  	_ =	swait.ge [sflag:s29], $0x1400  }
0x3fa: {  	[sflag:s29] =	ssyncset.done $0x0  }
0x3fb: {  	s9 =	simm.s32 $0x5C8;
	[sflag:s29] =	ssyncadd.s32 $0xFFFFEC00  }
0x3fc: {  	[spmem:s3] =	stream.indirect.scatter.add.f32 [tilespmem:s20], [sflag:$0x8], $0x80, s9, s16, $0xb8;
	[tilespmem:$0x1AFD0] =	vst v63  }
0x3fd: {  	_ =	swait.ge [sflag:s31], $0x1400  }
0x3fe: {  	[sflag:s31] =	ssyncset.done $0x0  }
0x3ff: {  	s9 =	simm.s32 $0x5F0;
	[sflag:s31] =	ssyncadd.s32 $0xFFFFEC00  }
0x400: {  	[spmem:s3] =	stream.indirect.scatter.add.f32 [tilespmem:s22], [sflag:$0x9], $0x80, s9, s16, $0xb8;
	[tilespmem:$0x1AFD0] =	vst v63  }
0x401: {  	_ =	swait.ge [sflag:s2], $0x1400  }
0x402: {  	[sflag:s2] =	ssyncset.done $0x0  }
0x403: {  	s9 =	simm.s32 $0x618;
	[sflag:s2] =	ssyncadd.s32 $0xFFFFEC00  }
0x404: {  	[spmem:s3] =	stream.indirect.scatter.add.f32 [tilespmem:s24], [sflag:$0xA], $0x80, s9, s16, $0xb8;
	[tilespmem:$0x1AFD0] =	vst v63  }
0x405: {  	_ =	swait.ge [sflag:s8], $0x1400  }
0x406: {  	[sflag:s8] =	ssyncset.done $0x0  }
0x407: {  	s9 =	simm.s32 $0x258;
	[sflag:s8] =	ssyncadd.s32 $0xFFFFEC00  }
0x408: {  	[tilespmem:s17], [sflag:$0x1] =	stream.indirect.gather [hbm4b:s6+s16], $0x80, s9, s16, $0xb8;
	[tilespmem:$0x1AFD0] =	vst v63  }
0x409: {  	_ =	swait.ge [sflag:s10], $0x1400  }
0x40a: {  	[sflag:s10] =	ssyncset.done $0x0  }
0x40b: {  	s9 =	simm.s32 $0x280;
	[sflag:s10] =	ssyncadd.s32 $0xFFFFEC00  }
0x40c: {  	[tilespmem:s18], [sflag:$0x2] =	stream.indirect.gather [hbm4b:s6+s16], $0x80, s9, s16, $0xb8;
	[tilespmem:$0x1AFD0] =	vst v63  }
0x40d: {  	_ =	swait.ge [sflag:s13], $0x1400  }
0x40e: {  	[sflag:s13] =	ssyncset.done $0x0  }
0x40f: {  	s9 =	simm.s32 $0x2A8;
	[sflag:s13] =	ssyncadd.s32 $0xFFFFEC00  }
0x410: {  	[tilespmem:s20], [sflag:$0x3] =	stream.indirect.gather [hbm4b:s6+s16], $0x80, s9, s16, $0xb8;
	[tilespmem:$0x1AFD0] =	vst v63  }
0x411: {  	_ =	swait.ge [sflag:s21], $0x1400  }
0x412: {  	[sflag:s21] =	ssyncset.done $0x0  }
0x413: {  	s9 =	simm.s32 $0x2D0;
	[sflag:s21] =	ssyncadd.s32 $0xFFFFEC00  }
0x414: {  	[tilespmem:s22], [sflag:$0x4] =	stream.indirect.gather [hbm4b:s6+s16], $0x80, s9, s16, $0xb8;
	[tilespmem:$0x1AFD0] =	vst v63  }
0x415: {  	_ =	swait.ge [sflag:s28], $0x1400  }
0x416: {  	[sflag:s28] =	ssyncset.done $0x0  }
0x417: {  	s9 =	simm.s32 $0x2F8;
	[sflag:s28] =	ssyncadd.s32 $0xFFFFEC00  }
0x418: {  	[tilespmem:s24], [sflag:$0x5] =	stream.indirect.gather [hbm4b:s6+s16], $0x80, s9, s16, $0xb8;
	[tilespmem:$0x1AFD0] =	vst v63  }
0x419: {  	_ =	swait.ge [sflag:s25], $0x1400  }
0x41a: {  	[sflag:s25] =	ssyncset.done $0x0  }
0x41b: {  	s9 =	simm.s32 $0x640;
	[sflag:s25] =	ssyncadd.s32 $0xFFFFEC00  }
0x41c: {  	[spmem:s3] =	stream.indirect.scatter.add.f32 [tilespmem:s17], [sflag:$0x6], $0x80, s9, s16, $0xb8;
	[tilespmem:$0x1AFD0] =	vst v63  }
0x41d: {  	_ =	swait.ge [sflag:s26], $0x1400  }
0x41e: {  	[sflag:s26] =	ssyncset.done $0x0  }
0x41f: {  	s9 =	simm.s32 $0x668;
	[sflag:s26] =	ssyncadd.s32 $0xFFFFEC00  }
0x420: {  	[spmem:s3] =	stream.indirect.scatter.add.f32 [tilespmem:s18], [sflag:$0x7], $0x80, s9, s16, $0xb8;
	[tilespmem:$0x1AFD0] =	vst v63  }
0x421: {  	_ =	swait.ge [sflag:s29], $0x1400  }
0x422: {  	[sflag:s29] =	ssyncset.done $0x0  }
0x423: {  	s9 =	simm.s32 $0x690;
	[sflag:s29] =	ssyncadd.s32 $0xFFFFEC00  }
0x424: {  	[spmem:s3] =	stream.indirect.scatter.add.f32 [tilespmem:s20], [sflag:$0x8], $0x80, s9, s16, $0xb8;
	[tilespmem:$0x1AFD0] =	vst v63  }
0x425: {  	_ =	swait.ge [sflag:s31], $0x1400  }
0x426: {  	[sflag:s31] =	ssyncset.done $0x0  }
0x427: {  	s9 =	simm.s32 $0x6B8;
	[sflag:s31] =	ssyncadd.s32 $0xFFFFEC00  }
0x428: {  	[spmem:s3] =	stream.indirect.scatter.add.f32 [tilespmem:s22], [sflag:$0x9], $0x80, s9, s16, $0xb8;
	[tilespmem:$0x1AFD0] =	vst v63  }
0x429: {  	_ =	swait.ge [sflag:s2], $0x1400  }
0x42a: {  	[sflag:s2] =	ssyncset.done $0x0  }
0x42b: {  	s9 =	simm.s32 $0x6E0;
	[sflag:s2] =	ssyncadd.s32 $0xFFFFEC00  }
0x42c: {  	[spmem:s3] =	stream.indirect.scatter.add.f32 [tilespmem:s24], [sflag:$0xA], $0x80, s9, s16, $0xb8;
	[tilespmem:$0x1AFD0] =	vst v63  }
0x42d: {  	_ =	swait.ge [sflag:s8], $0x1400  }
0x42e: {  	[sflag:s8] =	ssyncset.done $0x0  }
0x42f: {  	s9 =	simm.s32 $0x320;
	[sflag:s8] =	ssyncadd.s32 $0xFFFFEC00  }
0x430: {  	[tilespmem:s17], [sflag:$0x1] =	stream.indirect.gather [hbm4b:s6+s16], $0x80, s9, s16, $0xb8;
	[tilespmem:$0x1AFD0] =	vst v63  }
0x431: {  	_ =	swait.ge [sflag:s10], $0x1400  }
0x432: {  	[sflag:s10] =	ssyncset.done $0x0  }
0x433: {  	s9 =	simm.s32 $0x348;
	[sflag:s10] =	ssyncadd.s32 $0xFFFFEC00  }
0x434: {  	[tilespmem:s18], [sflag:$0x2] =	stream.indirect.gather [hbm4b:s6+s16], $0x80, s9, s16, $0xb8;
	[tilespmem:$0x1AFD0] =	vst v63  }
0x435: {  	_ =	swait.ge [sflag:s13], $0x1400  }
0x436: {  	[sflag:s13] =	ssyncset.done $0x0  }
0x437: {  	s9 =	simm.s32 $0x370;
	[sflag:s13] =	ssyncadd.s32 $0xFFFFEC00  }
0x438: {  	[tilespmem:s20], [sflag:$0x3] =	stream.indirect.gather [hbm4b:s6+s16], $0x80, s9, s16, $0xb8;
	[tilespmem:$0x1AFD0] =	vst v63  }
0x439: {  	_ =	swait.ge [sflag:s21], $0x1400  }
0x43a: {  	[sflag:s21] =	ssyncset.done $0x0  }
0x43b: {  	s9 =	simm.s32 $0x398;
	[sflag:s21] =	ssyncadd.s32 $0xFFFFEC00  }
0x43c: {  	[tilespmem:s22], [sflag:$0x4] =	stream.indirect.gather [hbm4b:s6+s16], $0x80, s9, s16, $0xb8;
	[tilespmem:$0x1AFD0] =	vst v63  }
0x43d: {  	_ =	swait.ge [sflag:s28], $0x1400  }
0x43e: {  	[sflag:s28] =	ssyncset.done $0x0  }
0x43f: {  	s9 =	simm.s32 $0x3C0;
	[sflag:s28] =	ssyncadd.s32 $0xFFFFEC00  }
0x440: {  	[tilespmem:s24], [sflag:$0x5] =	stream.indirect.gather [hbm4b:s6+s16], $0x80, s9, s16, $0xb8;
	[tilespmem:$0x1AFD0] =	vst v63  }
0x441: {  	_ =	swait.ge [sflag:s25], $0x1400  }
0x442: {  	[sflag:s25] =	ssyncset.done $0x0  }
0x443: {  	s9 =	simm.s32 $0x708;
	[sflag:s25] =	ssyncadd.s32 $0xFFFFEC00  }
0x444: {  	[spmem:s3] =	stream.indirect.scatter.add.f32 [tilespmem:s17], [sflag:$0x6], $0x80, s9, s16, $0xb8;
	[tilespmem:$0x1AFD0] =	vst v63  }
0x445: {  	_ =	swait.ge [sflag:s26], $0x1400  }
0x446: {  	[sflag:s26] =	ssyncset.done $0x0  }
0x447: {  	s9 =	simm.s32 $0x730;
	[sflag:s26] =	ssyncadd.s32 $0xFFFFEC00  }
0x448: {  	[spmem:s3] =	stream.indirect.scatter.add.f32 [tilespmem:s18], [sflag:$0x7], $0x80, s9, s16, $0xb8;
	[tilespmem:$0x1AFD0] =	vst v63  }
0x449: {  	_ =	swait.ge [sflag:s29], $0x1400  }
0x44a: {  	[sflag:s29] =	ssyncset.done $0x0  }
0x44b: {  	s9 =	simm.s32 $0x758;
	[sflag:s29] =	ssyncadd.s32 $0xFFFFEC00  }
0x44c: {  	[spmem:s3] =	stream.indirect.scatter.add.f32 [tilespmem:s20], [sflag:$0x8], $0x80, s9, s16, $0xb8;
	[tilespmem:$0x1AFD0] =	vst v63  }
0x44d: {  	_ =	swait.ge [sflag:s31], $0x1400  }
0x44e: {  	[sflag:s31] =	ssyncset.done $0x0  }
0x44f: {  	s9 =	simm.s32 $0x780;
	[sflag:s31] =	ssyncadd.s32 $0xFFFFEC00  }
0x450: {  	[spmem:s3] =	stream.indirect.scatter.add.f32 [tilespmem:s22], [sflag:$0x9], $0x80, s9, s16, $0xb8;
	[tilespmem:$0x1AFD0] =	vst v63  }
0x451: {  	_ =	swait.ge [sflag:s2], $0x1400  }
0x452: {  	[sflag:s2] =	ssyncset.done $0x0  }
0x453: {  	s9 =	simm.s32 $0x7A8;
	[sflag:s2] =	ssyncadd.s32 $0xFFFFEC00  }
0x454: {  	[spmem:s3] =	stream.indirect.scatter.add.f32 [tilespmem:s24], [sflag:$0xA], $0x80, s9, s16, $0xb8;
	[tilespmem:$0x1AFD0] =	vst v63  }
0x455: {  	_ =	swait.ge [sflag:s8], $0x1400  }
0x456: {  	[sflag:s8] =	ssyncset.done $0x0  }
0x457: {  	[sflag:s8] =	ssyncadd.s32 $0xFFFFEC00  }
0x458: {  	_ =	swait.ge [sflag:s10], $0x1400  }
0x459: {  	[sflag:s10] =	ssyncset.done $0x0  }
0x45a: {  	[sflag:s10] =	ssyncadd.s32 $0xFFFFEC00  }
0x45b: {  	_ =	swait.ge [sflag:s13], $0x1400  }
0x45c: {  	[sflag:s13] =	ssyncset.done $0x0  }
0x45d: {  	[sflag:s13] =	ssyncadd.s32 $0xFFFFEC00  }
.Ltmp3:
0x45e: {  	_ =	swait.ge [sflag:s21], $0x1400;
	(pc) =	sbr.rel @p1 .LBB2_6-.Ltmp3, $4  }
0x45f: {  	[sflag:s21] =	ssyncset.done $0x0  }
0x460: {  	[sflag:s21] =	ssyncadd.s32 $0xFFFFEC00  }
0x461: {  	_ =	swait.ge [sflag:s28], $0x1400  }
0x462: {  	s9 =	smov.u32 s1;
	[sflag:s28] =	ssyncset.done $0x0  }
.Ltmp4:
0x463: {  	_ = 	snop;
	(pc) =	sbr.rel .LBB2_7-.Ltmp4, $1  }
0x464: {  	_ =	sdelay $0x3  }
.LBB2_2:
0x465: {  	[tilespmem:s4], [sflag:$0xB] =	stream.linear.gather [hbm4b:s0+s4], $0x3E8, $0x38;
	[tilespmem:$0x1AFD0] =	vst v63  }
0x466: {  	_ =	swait.ge [sflag:s14], $0x3E8  }
0x467: {  	[sflag:s14] =	ssyncset.done $0x0  }
0x468: {  	s1 =	sadd.s32 $0x0, s11;
	[sflag:s14] =	ssyncadd.s32 $0xFFFFFC18  }
0x469: {  	[tilespmem:s15], [sflag:$0xB] =	stream.linear.gather [hbm4b:s1+s4], $0x3E8, $0x38;
	[tilespmem:$0x1AFD0] =	vst v63  }
0x46a: {  	_ =	swait.ge [sflag:s14], $0x3E8  }
0x46b: {  	[sflag:s14] =	ssyncset.done $0x0  }
0x46c: {  	[sflag:s14] =	ssyncadd.s32 $0xFFFFFC18  }
0x46d: {  	[tilespmem:s17], [sflag:$0x1] =	stream.indirect.gather [hbm4b:s5+s16], $0x80, s4, s16, $0xb8;
	[tilespmem:$0x1AFD0] =	vst v63  }
0x46e: {  	_ = 	snop  }
0x46f: {  	[tilespmem:s18], [sflag:$0x2] =	stream.indirect.gather [hbm4b:s5+s16], $0x80, s16, s16, $0xb8;
	[tilespmem:$0x1AFD0] =	vst v63  }
0x470: {  	_ = 	snop  }
0x471: {  	[tilespmem:s20], [sflag:$0x3] =	stream.indirect.gather [hbm4b:s5+s16], $0x80, s19, s16, $0xb8;
	[tilespmem:$0x1AFD0] =	vst v63  }
0x472: {  	_ = 	snop  }
0x473: {  	[tilespmem:s22], [sflag:$0x4] =	stream.indirect.gather [hbm4b:s5+s16], $0x80, s7, s16, $0xb8;
	[tilespmem:$0x1AFD0] =	vst v63  }
0x474: {  	s23 =	simm.s32 $0xA0  }
0x475: {  	[tilespmem:s24], [sflag:$0x5] =	stream.indirect.gather [hbm4b:s5+s16], $0x80, s23, s16, $0xb8;
	[tilespmem:$0x1AFD0] =	vst v63  }
0x476: {  	_ =	swait.ge [sflag:s25], $0x1400  }
0x477: {  	[sflag:s25] =	ssyncset.done $0x0  }
0x478: {  	[sflag:s25] =	ssyncadd.s32 $0xFFFFEC00  }
0x479: {  	[spmem:s3] =	stream.indirect.scatter.add.f32 [tilespmem:s17], [sflag:$0x6], $0x80, s15, s16, $0xb8;
	[tilespmem:$0x1AFD0] =	vst v63  }
0x47a: {  	_ =	swait.ge [sflag:s26], $0x1400  }
0x47b: {  	[sflag:s26] =	ssyncset.done $0x0  }
0x47c: {  	s30 =	simm.s32 $0x410;
	[sflag:s26] =	ssyncadd.s32 $0xFFFFEC00  }
0x47d: {  	[spmem:s3] =	stream.indirect.scatter.add.f32 [tilespmem:s18], [sflag:$0x7], $0x80, s30, s16, $0xb8;
	[tilespmem:$0x1AFD0] =	vst v63  }
0x47e: {  	_ =	swait.ge [sflag:s29], $0x1400  }
0x47f: {  	[sflag:s29] =	ssyncset.done $0x0  }
0x480: {  	s7 =	simm.s32 $0x438;
	[sflag:s29] =	ssyncadd.s32 $0xFFFFEC00  }
0x481: {  	[spmem:s3] =	stream.indirect.scatter.add.f32 [tilespmem:s20], [sflag:$0x8], $0x80, s7, s16, $0xb8;
	[tilespmem:$0x1AFD0] =	vst v63  }
0x482: {  	_ =	swait.ge [sflag:s31], $0x1400  }
0x483: {  	[sflag:s31] =	ssyncset.done $0x0  }
0x484: {  	s9 =	simm.s32 $0x460;
	[sflag:s31] =	ssyncadd.s32 $0xFFFFEC00  }
0x485: {  	[spmem:s3] =	stream.indirect.scatter.add.f32 [tilespmem:s22], [sflag:$0x9], $0x80, s9, s16, $0xb8;
	[tilespmem:$0x1AFD0] =	vst v63  }
0x486: {  	_ =	swait.ge [sflag:s2], $0x1400  }
0x487: {  	[sflag:s2] =	ssyncset.done $0x0  }
0x488: {  	s19 =	simm.s32 $0x488;
	[sflag:s2] =	ssyncadd.s32 $0xFFFFEC00  }
0x489: {  	[spmem:s3] =	stream.indirect.scatter.add.f32 [tilespmem:s24], [sflag:$0xA], $0x80, s19, s16, $0xb8;
	[tilespmem:$0x1AFD0] =	vst v63  }
0x48a: {  	_ =	swait.ge [sflag:s8], $0x1400  }
0x48b: {  	[sflag:s8] =	ssyncset.done $0x0  }
0x48c: {  	s1 =	simm.s32 $0xC8;
	[sflag:s8] =	ssyncadd.s32 $0xFFFFEC00  }
0x48d: {  	[tilespmem:s17], [sflag:$0x1] =	stream.indirect.gather [hbm4b:s5+s16], $0x80, s1, s16, $0xb8;
	[tilespmem:$0x1AFD0] =	vst v63  }
0x48e: {  	_ =	swait.ge [sflag:s10], $0x1400  }
0x48f: {  	[sflag:s10] =	ssyncset.done $0x0  }
0x490: {  	s7 =	simm.s32 $0xF0;
	[sflag:s10] =	ssyncadd.s32 $0xFFFFEC00  }
0x491: {  	[tilespmem:s18], [sflag:$0x2] =	stream.indirect.gather [hbm4b:s5+s16], $0x80, s7, s16, $0xb8;
	[tilespmem:$0x1AFD0] =	vst v63  }
0x492: {  	_ =	swait.ge [sflag:s13], $0x1400  }
0x493: {  	[sflag:s13] =	ssyncset.done $0x0  }
0x494: {  	s9 =	simm.s32 $0x118;
	[sflag:s13] =	ssyncadd.s32 $0xFFFFEC00  }
0x495: {  	[tilespmem:s20], [sflag:$0x3] =	stream.indirect.gather [hbm4b:s5+s16], $0x80, s9, s16, $0xb8;
	[tilespmem:$0x1AFD0] =	vst v63  }
0x496: {  	_ =	swait.ge [sflag:s21], $0x1400  }
0x497: {  	[sflag:s21] =	ssyncset.done $0x0  }
0x498: {  	s19 =	simm.s32 $0x140;
	[sflag:s21] =	ssyncadd.s32 $0xFFFFEC00  }
0x499: {  	[tilespmem:s22], [sflag:$0x4] =	stream.indirect.gather [hbm4b:s5+s16], $0x80, s19, s16, $0xb8;
	[tilespmem:$0x1AFD0] =	vst v63  }
0x49a: {  	_ =	swait.ge [sflag:s28], $0x1400  }
0x49b: {  	[sflag:s28] =	ssyncset.done $0x0  }
0x49c: {  	s1 =	simm.s32 $0x168;
	[sflag:s28] =	ssyncadd.s32 $0xFFFFEC00  }
0x49d: {  	[tilespmem:s24], [sflag:$0x5] =	stream.indirect.gather [hbm4b:s5+s16], $0x80, s1, s16, $0xb8;
	[tilespmem:$0x1AFD0] =	vst v63  }
0x49e: {  	_ =	swait.ge [sflag:s25], $0x1400  }
0x49f: {  	[sflag:s25] =	ssyncset.done $0x0  }
0x4a0: {  	s7 =	simm.s32 $0x4B0;
	[sflag:s25] =	ssyncadd.s32 $0xFFFFEC00  }
0x4a1: {  	[spmem:s3] =	stream.indirect.scatter.add.f32 [tilespmem:s17], [sflag:$0x6], $0x80, s7, s16, $0xb8;
	[tilespmem:$0x1AFD0] =	vst v63  }
0x4a2: {  	_ =	swait.ge [sflag:s26], $0x1400  }
0x4a3: {  	[sflag:s26] =	ssyncset.done $0x0  }
0x4a4: {  	s9 =	simm.s32 $0x4D8;
	[sflag:s26] =	ssyncadd.s32 $0xFFFFEC00  }
0x4a5: {  	[spmem:s3] =	stream.indirect.scatter.add.f32 [tilespmem:s18], [sflag:$0x7], $0x80, s9, s16, $0xb8;
	[tilespmem:$0x1AFD0] =	vst v63  }
0x4a6: {  	_ =	swait.ge [sflag:s29], $0x1400  }
0x4a7: {  	[sflag:s29] =	ssyncset.done $0x0  }
0x4a8: {  	s19 =	simm.s32 $0x500;
	[sflag:s29] =	ssyncadd.s32 $0xFFFFEC00  }
0x4a9: {  	[spmem:s3] =	stream.indirect.scatter.add.f32 [tilespmem:s20], [sflag:$0x8], $0x80, s19, s16, $0xb8;
	[tilespmem:$0x1AFD0] =	vst v63  }
0x4aa: {  	_ =	swait.ge [sflag:s31], $0x1400  }
0x4ab: {  	[sflag:s31] =	ssyncset.done $0x0  }
0x4ac: {  	s1 =	simm.s32 $0x528;
	[sflag:s31] =	ssyncadd.s32 $0xFFFFEC00  }
0x4ad: {  	[spmem:s3] =	stream.indirect.scatter.add.f32 [tilespmem:s22], [sflag:$0x9], $0x80, s1, s16, $0xb8;
	[tilespmem:$0x1AFD0] =	vst v63  }
0x4ae: {  	_ =	swait.ge [sflag:s2], $0x1400  }
0x4af: {  	[sflag:s2] =	ssyncset.done $0x0  }
0x4b0: {  	s7 =	simm.s32 $0x550;
	[sflag:s2] =	ssyncadd.s32 $0xFFFFEC00  }
0x4b1: {  	[spmem:s3] =	stream.indirect.scatter.add.f32 [tilespmem:s24], [sflag:$0xA], $0x80, s7, s16, $0xb8;
	[tilespmem:$0x1AFD0] =	vst v63  }
0x4b2: {  	_ =	swait.ge [sflag:s8], $0x1400  }
0x4b3: {  	[sflag:s8] =	ssyncset.done $0x0  }
0x4b4: {  	s9 =	simm.s32 $0x190;
	[sflag:s8] =	ssyncadd.s32 $0xFFFFEC00  }
0x4b5: {  	[tilespmem:s17], [sflag:$0x1] =	stream.indirect.gather [hbm4b:s5+s16], $0x80, s9, s16, $0xb8;
	[tilespmem:$0x1AFD0] =	vst v63  }
0x4b6: {  	_ =	swait.ge [sflag:s10], $0x1400  }
0x4b7: {  	[sflag:s10] =	ssyncset.done $0x0  }
0x4b8: {  	s19 =	simm.s32 $0x1B8;
	[sflag:s10] =	ssyncadd.s32 $0xFFFFEC00  }
0x4b9: {  	[tilespmem:s18], [sflag:$0x2] =	stream.indirect.gather [hbm4b:s5+s16], $0x80, s19, s16, $0xb8;
	[tilespmem:$0x1AFD0] =	vst v63  }
0x4ba: {  	_ =	swait.ge [sflag:s13], $0x1400  }
0x4bb: {  	[sflag:s13] =	ssyncset.done $0x0  }
0x4bc: {  	s1 =	simm.s32 $0x1E0;
	[sflag:s13] =	ssyncadd.s32 $0xFFFFEC00  }
0x4bd: {  	[tilespmem:s20], [sflag:$0x3] =	stream.indirect.gather [hbm4b:s5+s16], $0x80, s1, s16, $0xb8;
	[tilespmem:$0x1AFD0] =	vst v63  }
0x4be: {  	_ =	swait.ge [sflag:s21], $0x1400  }
0x4bf: {  	[sflag:s21] =	ssyncset.done $0x0  }
0x4c0: {  	s7 =	simm.s32 $0x208;
	[sflag:s21] =	ssyncadd.s32 $0xFFFFEC00  }
0x4c1: {  	[tilespmem:s22], [sflag:$0x4] =	stream.indirect.gather [hbm4b:s5+s16], $0x80, s7, s16, $0xb8;
	[tilespmem:$0x1AFD0] =	vst v63  }
0x4c2: {  	_ =	swait.ge [sflag:s28], $0x1400  }
0x4c3: {  	[sflag:s28] =	ssyncset.done $0x0  }
0x4c4: {  	s9 =	simm.s32 $0x230;
	[sflag:s28] =	ssyncadd.s32 $0xFFFFEC00  }
0x4c5: {  	[tilespmem:s24], [sflag:$0x5] =	stream.indirect.gather [hbm4b:s5+s16], $0x80, s9, s16, $0xb8;
	[tilespmem:$0x1AFD0] =	vst v63  }
0x4c6: {  	_ =	swait.ge [sflag:s25], $0x1400  }
0x4c7: {  	[sflag:s25] =	ssyncset.done $0x0  }
0x4c8: {  	s19 =	simm.s32 $0x578;
	[sflag:s25] =	ssyncadd.s32 $0xFFFFEC00  }
0x4c9: {  	[spmem:s3] =	stream.indirect.scatter.add.f32 [tilespmem:s17], [sflag:$0x6], $0x80, s19, s16, $0xb8;
	[tilespmem:$0x1AFD0] =	vst v63  }
0x4ca: {  	_ =	swait.ge [sflag:s26], $0x1400  }
0x4cb: {  	[sflag:s26] =	ssyncset.done $0x0  }
0x4cc: {  	s1 =	simm.s32 $0x5A0;
	[sflag:s26] =	ssyncadd.s32 $0xFFFFEC00  }
0x4cd: {  	[spmem:s3] =	stream.indirect.scatter.add.f32 [tilespmem:s18], [sflag:$0x7], $0x80, s1, s16, $0xb8;
	[tilespmem:$0x1AFD0] =	vst v63  }
0x4ce: {  	_ =	swait.ge [sflag:s29], $0x1400  }
0x4cf: {  	[sflag:s29] =	ssyncset.done $0x0  }
0x4d0: {  	s7 =	simm.s32 $0x5C8;
	[sflag:s29] =	ssyncadd.s32 $0xFFFFEC00  }
0x4d1: {  	[spmem:s3] =	stream.indirect.scatter.add.f32 [tilespmem:s20], [sflag:$0x8], $0x80, s7, s16, $0xb8;
	[tilespmem:$0x1AFD0] =	vst v63  }
0x4d2: {  	_ =	swait.ge [sflag:s31], $0x1400  }
0x4d3: {  	[sflag:s31] =	ssyncset.done $0x0  }
0x4d4: {  	s9 =	simm.s32 $0x5F0;
	[sflag:s31] =	ssyncadd.s32 $0xFFFFEC00  }
0x4d5: {  	[spmem:s3] =	stream.indirect.scatter.add.f32 [tilespmem:s22], [sflag:$0x9], $0x80, s9, s16, $0xb8;
	[tilespmem:$0x1AFD0] =	vst v63  }
0x4d6: {  	_ =	swait.ge [sflag:s2], $0x1400  }
0x4d7: {  	[sflag:s2] =	ssyncset.done $0x0  }
0x4d8: {  	s19 =	simm.s32 $0x618;
	[sflag:s2] =	ssyncadd.s32 $0xFFFFEC00  }
0x4d9: {  	[spmem:s3] =	stream.indirect.scatter.add.f32 [tilespmem:s24], [sflag:$0xA], $0x80, s19, s16, $0xb8;
	[tilespmem:$0x1AFD0] =	vst v63  }
0x4da: {  	_ =	swait.ge [sflag:s8], $0x1400  }
0x4db: {  	[sflag:s8] =	ssyncset.done $0x0  }
0x4dc: {  	s1 =	simm.s32 $0x258;
	[sflag:s8] =	ssyncadd.s32 $0xFFFFEC00  }
0x4dd: {  	[tilespmem:s17], [sflag:$0x1] =	stream.indirect.gather [hbm4b:s5+s16], $0x80, s1, s16, $0xb8;
	[tilespmem:$0x1AFD0] =	vst v63  }
0x4de: {  	_ =	swait.ge [sflag:s10], $0x1400  }
0x4df: {  	[sflag:s10] =	ssyncset.done $0x0  }
0x4e0: {  	s7 =	simm.s32 $0x280;
	[sflag:s10] =	ssyncadd.s32 $0xFFFFEC00  }
0x4e1: {  	[tilespmem:s18], [sflag:$0x2] =	stream.indirect.gather [hbm4b:s5+s16], $0x80, s7, s16, $0xb8;
	[tilespmem:$0x1AFD0] =	vst v63  }
0x4e2: {  	_ =	swait.ge [sflag:s13], $0x1400  }
0x4e3: {  	[sflag:s13] =	ssyncset.done $0x0  }
0x4e4: {  	s9 =	simm.s32 $0x2A8;
	[sflag:s13] =	ssyncadd.s32 $0xFFFFEC00  }
0x4e5: {  	[tilespmem:s20], [sflag:$0x3] =	stream.indirect.gather [hbm4b:s5+s16], $0x80, s9, s16, $0xb8;
	[tilespmem:$0x1AFD0] =	vst v63  }
0x4e6: {  	_ =	swait.ge [sflag:s21], $0x1400  }
0x4e7: {  	[sflag:s21] =	ssyncset.done $0x0  }
0x4e8: {  	s19 =	simm.s32 $0x2D0;
	[sflag:s21] =	ssyncadd.s32 $0xFFFFEC00  }
0x4e9: {  	[tilespmem:s22], [sflag:$0x4] =	stream.indirect.gather [hbm4b:s5+s16], $0x80, s19, s16, $0xb8;
	[tilespmem:$0x1AFD0] =	vst v63  }
0x4ea: {  	_ =	swait.ge [sflag:s28], $0x1400  }
0x4eb: {  	[sflag:s28] =	ssyncset.done $0x0  }
0x4ec: {  	s1 =	simm.s32 $0x2F8;
	[sflag:s28] =	ssyncadd.s32 $0xFFFFEC00  }
0x4ed: {  	[tilespmem:s24], [sflag:$0x5] =	stream.indirect.gather [hbm4b:s5+s16], $0x80, s1, s16, $0xb8;
	[tilespmem:$0x1AFD0] =	vst v63  }
0x4ee: {  	_ =	swait.ge [sflag:s25], $0x1400  }
0x4ef: {  	[sflag:s25] =	ssyncset.done $0x0  }
0x4f0: {  	s7 =	simm.s32 $0x640;
	[sflag:s25] =	ssyncadd.s32 $0xFFFFEC00  }
0x4f1: {  	[spmem:s3] =	stream.indirect.scatter.add.f32 [tilespmem:s17], [sflag:$0x6], $0x80, s7, s16, $0xb8;
	[tilespmem:$0x1AFD0] =	vst v63  }
0x4f2: {  	_ =	swait.ge [sflag:s26], $0x1400  }
0x4f3: {  	[sflag:s26] =	ssyncset.done $0x0  }
0x4f4: {  	s9 =	simm.s32 $0x668;
	[sflag:s26] =	ssyncadd.s32 $0xFFFFEC00  }
0x4f5: {  	[spmem:s3] =	stream.indirect.scatter.add.f32 [tilespmem:s18], [sflag:$0x7], $0x80, s9, s16, $0xb8;
	[tilespmem:$0x1AFD0] =	vst v63  }
0x4f6: {  	_ =	swait.ge [sflag:s29], $0x1400  }
0x4f7: {  	[sflag:s29] =	ssyncset.done $0x0  }
0x4f8: {  	s19 =	simm.s32 $0x690;
	[sflag:s29] =	ssyncadd.s32 $0xFFFFEC00  }
0x4f9: {  	[spmem:s3] =	stream.indirect.scatter.add.f32 [tilespmem:s20], [sflag:$0x8], $0x80, s19, s16, $0xb8;
	[tilespmem:$0x1AFD0] =	vst v63  }
0x4fa: {  	_ =	swait.ge [sflag:s31], $0x1400  }
0x4fb: {  	[sflag:s31] =	ssyncset.done $0x0  }
0x4fc: {  	s1 =	simm.s32 $0x6B8;
	[sflag:s31] =	ssyncadd.s32 $0xFFFFEC00  }
0x4fd: {  	[spmem:s3] =	stream.indirect.scatter.add.f32 [tilespmem:s22], [sflag:$0x9], $0x80, s1, s16, $0xb8;
	[tilespmem:$0x1AFD0] =	vst v63  }
0x4fe: {  	_ =	swait.ge [sflag:s2], $0x1400  }
0x4ff: {  	[sflag:s2] =	ssyncset.done $0x0  }
0x500: {  	s7 =	simm.s32 $0x6E0;
	[sflag:s2] =	ssyncadd.s32 $0xFFFFEC00  }
0x501: {  	[spmem:s3] =	stream.indirect.scatter.add.f32 [tilespmem:s24], [sflag:$0xA], $0x80, s7, s16, $0xb8;
	[tilespmem:$0x1AFD0] =	vst v63  }
0x502: {  	_ =	swait.ge [sflag:s8], $0x1400  }
0x503: {  	[sflag:s8] =	ssyncset.done $0x0  }
0x504: {  	s9 =	simm.s32 $0x320;
	[sflag:s8] =	ssyncadd.s32 $0xFFFFEC00  }
0x505: {  	[tilespmem:s17], [sflag:$0x1] =	stream.indirect.gather [hbm4b:s5+s16], $0x80, s9, s16, $0xb8;
	[tilespmem:$0x1AFD0] =	vst v63  }
0x506: {  	_ =	swait.ge [sflag:s10], $0x1400  }
0x507: {  	[sflag:s10] =	ssyncset.done $0x0  }
0x508: {  	s19 =	simm.s32 $0x348;
	[sflag:s10] =	ssyncadd.s32 $0xFFFFEC00  }
0x509: {  	[tilespmem:s18], [sflag:$0x2] =	stream.indirect.gather [hbm4b:s5+s16], $0x80, s19, s16, $0xb8;
	[tilespmem:$0x1AFD0] =	vst v63  }
0x50a: {  	_ =	swait.ge [sflag:s13], $0x1400  }
0x50b: {  	[sflag:s13] =	ssyncset.done $0x0  }
0x50c: {  	s1 =	simm.s32 $0x370;
	[sflag:s13] =	ssyncadd.s32 $0xFFFFEC00  }
0x50d: {  	[tilespmem:s20], [sflag:$0x3] =	stream.indirect.gather [hbm4b:s5+s16], $0x80, s1, s16, $0xb8;
	[tilespmem:$0x1AFD0] =	vst v63  }
0x50e: {  	_ =	swait.ge [sflag:s21], $0x1400  }
0x50f: {  	[sflag:s21] =	ssyncset.done $0x0  }
0x510: {  	s7 =	simm.s32 $0x398;
	[sflag:s21] =	ssyncadd.s32 $0xFFFFEC00  }
0x511: {  	[tilespmem:s22], [sflag:$0x4] =	stream.indirect.gather [hbm4b:s5+s16], $0x80, s7, s16, $0xb8;
	[tilespmem:$0x1AFD0] =	vst v63  }
0x512: {  	_ =	swait.ge [sflag:s28], $0x1400  }
0x513: {  	[sflag:s28] =	ssyncset.done $0x0  }
0x514: {  	s9 =	simm.s32 $0x3C0;
	[sflag:s28] =	ssyncadd.s32 $0xFFFFEC00  }
0x515: {  	[tilespmem:s24], [sflag:$0x5] =	stream.indirect.gather [hbm4b:s5+s16], $0x80, s9, s16, $0xb8;
	[tilespmem:$0x1AFD0] =	vst v63  }
0x516: {  	_ =	swait.ge [sflag:s25], $0x1400  }
0x517: {  	[sflag:s25] =	ssyncset.done $0x0  }
0x518: {  	s19 =	simm.s32 $0x708;
	[sflag:s25] =	ssyncadd.s32 $0xFFFFEC00  }
0x519: {  	[spmem:s3] =	stream.indirect.scatter.add.f32 [tilespmem:s17], [sflag:$0x6], $0x80, s19, s16, $0xb8;
	[tilespmem:$0x1AFD0] =	vst v63  }
0x51a: {  	_ =	swait.ge [sflag:s26], $0x1400  }
0x51b: {  	[sflag:s26] =	ssyncset.done $0x0  }
0x51c: {  	s1 =	simm.s32 $0x730;
	[sflag:s26] =	ssyncadd.s32 $0xFFFFEC00  }
0x51d: {  	[spmem:s3] =	stream.indirect.scatter.add.f32 [tilespmem:s18], [sflag:$0x7], $0x80, s1, s16, $0xb8;
	[tilespmem:$0x1AFD0] =	vst v63  }
0x51e: {  	_ =	swait.ge [sflag:s29], $0x1400  }
0x51f: {  	[sflag:s29] =	ssyncset.done $0x0  }
0x520: {  	s7 =	simm.s32 $0x758;
	[sflag:s29] =	ssyncadd.s32 $0xFFFFEC00  }
0x521: {  	[spmem:s3] =	stream.indirect.scatter.add.f32 [tilespmem:s20], [sflag:$0x8], $0x80, s7, s16, $0xb8;
	[tilespmem:$0x1AFD0] =	vst v63  }
0x522: {  	_ =	swait.ge [sflag:s31], $0x1400  }
0x523: {  	[sflag:s31] =	ssyncset.done $0x0  }
0x524: {  	s9 =	simm.s32 $0x780;
	[sflag:s31] =	ssyncadd.s32 $0xFFFFEC00  }
0x525: {  	[spmem:s3] =	stream.indirect.scatter.add.f32 [tilespmem:s22], [sflag:$0x9], $0x80, s9, s16, $0xb8;
	[tilespmem:$0x1AFD0] =	vst v63  }
0x526: {  	_ =	swait.ge [sflag:s2], $0x1400  }
0x527: {  	[sflag:s2] =	ssyncset.done $0x0  }
0x528: {  	s19 =	simm.s32 $0x7A8;
	[sflag:s2] =	ssyncadd.s32 $0xFFFFEC00  }
0x529: {  	[spmem:s3] =	stream.indirect.scatter.add.f32 [tilespmem:s24], [sflag:$0xA], $0x80, s19, s16, $0xb8;
	[tilespmem:$0x1AFD0] =	vst v63  }
0x52a: {  	_ =	swait.ge [sflag:s8], $0x1400  }
0x52b: {  	[sflag:s8] =	ssyncset.done $0x0  }
0x52c: {  	[sflag:s8] =	ssyncadd.s32 $0xFFFFEC00  }
0x52d: {  	_ =	swait.ge [sflag:s10], $0x1400  }
0x52e: {  	[sflag:s10] =	ssyncset.done $0x0  }
0x52f: {  	[sflag:s10] =	ssyncadd.s32 $0xFFFFEC00  }
0x530: {  	_ =	swait.ge [sflag:s13], $0x1400  }
0x531: {  	[sflag:s13] =	ssyncset.done $0x0  }
0x532: {  	[sflag:s13] =	ssyncadd.s32 $0xFFFFEC00  }
0x533: {  	_ =	swait.ge [sflag:s21], $0x1400  }
0x534: {  	[sflag:s21] =	ssyncset.done $0x0  }
0x535: {  	[sflag:s21] =	ssyncadd.s32 $0xFFFFEC00  }
0x536: {  	_ =	swait.ge [sflag:s28], $0x1400  }
0x537: {  	s0 =	simm.s32 $0x7D;
	s1 =	simm.s32 $0xFA;
	[sflag:s28] =	ssyncset.done $0x0  }
.LBB2_3:
0x538: {  	s7 =	sadd.s32 s0, s12  }
0x539: {  	[sflag:s28] =	ssyncadd.s32 $0xFFFFEC00;
	s19 =	smov.u32 s1;
	s9 =	sadd.s32 $0x7D, s1  }
0x53a: {  	[tilespmem:s4], [sflag:$0xB] =	stream.linear.gather [hbm4b:s7+s4], $0x3E8, $0x38;
	[tilespmem:$0x1AFD0] =	vst v63  }
0x53b: {  	s7 =	simm.s32 $0x78  }
0x53c: {  	p1 =	seq.s32 s1, $0x465;
	_ =	swait.ge [sflag:s14], $0x3E8  }
0x53d: {  	s1 =	sadd.s32 s0, s11;
	[sflag:s14] =	ssyncset.done $0x0  }
0x53e: {  	s0 =	smov.u32 s19;
	s19 =	simm.s32 $0x50;
	[sflag:s14] =	ssyncadd.s32 $0xFFFFFC18  }
0x53f: {  	[tilespmem:s15], [sflag:$0xB] =	stream.linear.gather [hbm4b:s1+s4], $0x3E8, $0x38;
	[tilespmem:$0x1AFD0] =	vst v63  }
0x540: {  	_ =	swait.ge [sflag:s14], $0x3E8  }
0x541: {  	[sflag:s14] =	ssyncset.done $0x0  }
0x542: {  	[sflag:s14] =	ssyncadd.s32 $0xFFFFFC18  }
0x543: {  	[tilespmem:s17], [sflag:$0x1] =	stream.indirect.gather [hbm4b:s5+s16], $0x80, s4, s16, $0xb8;
	[tilespmem:$0x1AFD0] =	vst v63  }
0x544: {  	_ = 	snop  }
0x545: {  	[tilespmem:s18], [sflag:$0x2] =	stream.indirect.gather [hbm4b:s5+s16], $0x80, s16, s16, $0xb8;
	[tilespmem:$0x1AFD0] =	vst v63  }
0x546: {  	_ = 	snop  }
0x547: {  	[tilespmem:s20], [sflag:$0x3] =	stream.indirect.gather [hbm4b:s5+s16], $0x80, s19, s16, $0xb8;
	[tilespmem:$0x1AFD0] =	vst v63  }
0x548: {  	_ = 	snop  }
0x549: {  	[tilespmem:s22], [sflag:$0x4] =	stream.indirect.gather [hbm4b:s5+s16], $0x80, s7, s16, $0xb8;
	[tilespmem:$0x1AFD0] =	vst v63  }
0x54a: {  	_ = 	snop  }
0x54b: {  	[tilespmem:s24], [sflag:$0x5] =	stream.indirect.gather [hbm4b:s5+s16], $0x80, s23, s16, $0xb8;
	[tilespmem:$0x1AFD0] =	vst v63  }
0x54c: {  	_ =	swait.ge [sflag:s25], $0x1400  }
0x54d: {  	[sflag:s25] =	ssyncset.done $0x0  }
0x54e: {  	[sflag:s25] =	ssyncadd.s32 $0xFFFFEC00  }
0x54f: {  	[spmem:s3] =	stream.indirect.scatter.add.f32 [tilespmem:s17], [sflag:$0x6], $0x80, s15, s16, $0xb8;
	[tilespmem:$0x1AFD0] =	vst v63  }
0x550: {  	_ =	swait.ge [sflag:s26], $0x1400  }
0x551: {  	[sflag:s26] =	ssyncset.done $0x0  }
0x552: {  	[sflag:s26] =	ssyncadd.s32 $0xFFFFEC00  }
0x553: {  	[spmem:s3] =	stream.indirect.scatter.add.f32 [tilespmem:s18], [sflag:$0x7], $0x80, s30, s16, $0xb8;
	[tilespmem:$0x1AFD0] =	vst v63  }
0x554: {  	_ =	swait.ge [sflag:s29], $0x1400  }
0x555: {  	[sflag:s29] =	ssyncset.done $0x0  }
0x556: {  	s1 =	simm.s32 $0x438;
	[sflag:s29] =	ssyncadd.s32 $0xFFFFEC00  }
0x557: {  	[spmem:s3] =	stream.indirect.scatter.add.f32 [tilespmem:s20], [sflag:$0x8], $0x80, s1, s16, $0xb8;
	[tilespmem:$0x1AFD0] =	vst v63  }
0x558: {  	_ =	swait.ge [sflag:s31], $0x1400  }
0x559: {  	[sflag:s31] =	ssyncset.done $0x0  }
0x55a: {  	s1 =	simm.s32 $0x460;
	[sflag:s31] =	ssyncadd.s32 $0xFFFFEC00  }
0x55b: {  	[spmem:s3] =	stream.indirect.scatter.add.f32 [tilespmem:s22], [sflag:$0x9], $0x80, s1, s16, $0xb8;
	[tilespmem:$0x1AFD0] =	vst v63  }
0x55c: {  	_ =	swait.ge [sflag:s2], $0x1400  }
0x55d: {  	[sflag:s2] =	ssyncset.done $0x0  }
0x55e: {  	s1 =	simm.s32 $0x488;
	[sflag:s2] =	ssyncadd.s32 $0xFFFFEC00  }
0x55f: {  	[spmem:s3] =	stream.indirect.scatter.add.f32 [tilespmem:s24], [sflag:$0xA], $0x80, s1, s16, $0xb8;
	[tilespmem:$0x1AFD0] =	vst v63  }
0x560: {  	_ =	swait.ge [sflag:s8], $0x1400  }
0x561: {  	[sflag:s8] =	ssyncset.done $0x0  }
0x562: {  	s1 =	simm.s32 $0xC8;
	[sflag:s8] =	ssyncadd.s32 $0xFFFFEC00  }
0x563: {  	[tilespmem:s17], [sflag:$0x1] =	stream.indirect.gather [hbm4b:s5+s16], $0x80, s1, s16, $0xb8;
	[tilespmem:$0x1AFD0] =	vst v63  }
0x564: {  	_ =	swait.ge [sflag:s10], $0x1400  }
0x565: {  	[sflag:s10] =	ssyncset.done $0x0  }
0x566: {  	s1 =	simm.s32 $0xF0;
	[sflag:s10] =	ssyncadd.s32 $0xFFFFEC00  }
0x567: {  	[tilespmem:s18], [sflag:$0x2] =	stream.indirect.gather [hbm4b:s5+s16], $0x80, s1, s16, $0xb8;
	[tilespmem:$0x1AFD0] =	vst v63  }
0x568: {  	_ =	swait.ge [sflag:s13], $0x1400  }
0x569: {  	[sflag:s13] =	ssyncset.done $0x0  }
0x56a: {  	s1 =	simm.s32 $0x118;
	[sflag:s13] =	ssyncadd.s32 $0xFFFFEC00  }
0x56b: {  	[tilespmem:s20], [sflag:$0x3] =	stream.indirect.gather [hbm4b:s5+s16], $0x80, s1, s16, $0xb8;
	[tilespmem:$0x1AFD0] =	vst v63  }
0x56c: {  	_ =	swait.ge [sflag:s21], $0x1400  }
0x56d: {  	[sflag:s21] =	ssyncset.done $0x0  }
0x56e: {  	s1 =	simm.s32 $0x140;
	[sflag:s21] =	ssyncadd.s32 $0xFFFFEC00  }
0x56f: {  	[tilespmem:s22], [sflag:$0x4] =	stream.indirect.gather [hbm4b:s5+s16], $0x80, s1, s16, $0xb8;
	[tilespmem:$0x1AFD0] =	vst v63  }
0x570: {  	_ =	swait.ge [sflag:s28], $0x1400  }
0x571: {  	[sflag:s28] =	ssyncset.done $0x0  }
0x572: {  	s1 =	simm.s32 $0x168;
	[sflag:s28] =	ssyncadd.s32 $0xFFFFEC00  }
0x573: {  	[tilespmem:s24], [sflag:$0x5] =	stream.indirect.gather [hbm4b:s5+s16], $0x80, s1, s16, $0xb8;
	[tilespmem:$0x1AFD0] =	vst v63  }
0x574: {  	_ =	swait.ge [sflag:s25], $0x1400  }
0x575: {  	[sflag:s25] =	ssyncset.done $0x0  }
0x576: {  	s1 =	simm.s32 $0x4B0;
	[sflag:s25] =	ssyncadd.s32 $0xFFFFEC00  }
0x577: {  	[spmem:s3] =	stream.indirect.scatter.add.f32 [tilespmem:s17], [sflag:$0x6], $0x80, s1, s16, $0xb8;
	[tilespmem:$0x1AFD0] =	vst v63  }
0x578: {  	_ =	swait.ge [sflag:s26], $0x1400  }
0x579: {  	[sflag:s26] =	ssyncset.done $0x0  }
0x57a: {  	s1 =	simm.s32 $0x4D8;
	[sflag:s26] =	ssyncadd.s32 $0xFFFFEC00  }
0x57b: {  	[spmem:s3] =	stream.indirect.scatter.add.f32 [tilespmem:s18], [sflag:$0x7], $0x80, s1, s16, $0xb8;
	[tilespmem:$0x1AFD0] =	vst v63  }
0x57c: {  	_ =	swait.ge [sflag:s29], $0x1400  }
0x57d: {  	[sflag:s29] =	ssyncset.done $0x0  }
0x57e: {  	s1 =	simm.s32 $0x500;
	[sflag:s29] =	ssyncadd.s32 $0xFFFFEC00  }
0x57f: {  	[spmem:s3] =	stream.indirect.scatter.add.f32 [tilespmem:s20], [sflag:$0x8], $0x80, s1, s16, $0xb8;
	[tilespmem:$0x1AFD0] =	vst v63  }
0x580: {  	_ =	swait.ge [sflag:s31], $0x1400  }
0x581: {  	[sflag:s31] =	ssyncset.done $0x0  }
0x582: {  	s1 =	simm.s32 $0x528;
	[sflag:s31] =	ssyncadd.s32 $0xFFFFEC00  }
0x583: {  	[spmem:s3] =	stream.indirect.scatter.add.f32 [tilespmem:s22], [sflag:$0x9], $0x80, s1, s16, $0xb8;
	[tilespmem:$0x1AFD0] =	vst v63  }
0x584: {  	_ =	swait.ge [sflag:s2], $0x1400  }
0x585: {  	[sflag:s2] =	ssyncset.done $0x0  }
0x586: {  	s1 =	simm.s32 $0x550;
	[sflag:s2] =	ssyncadd.s32 $0xFFFFEC00  }
0x587: {  	[spmem:s3] =	stream.indirect.scatter.add.f32 [tilespmem:s24], [sflag:$0xA], $0x80, s1, s16, $0xb8;
	[tilespmem:$0x1AFD0] =	vst v63  }
0x588: {  	_ =	swait.ge [sflag:s8], $0x1400  }
0x589: {  	[sflag:s8] =	ssyncset.done $0x0  }
0x58a: {  	s1 =	simm.s32 $0x190;
	[sflag:s8] =	ssyncadd.s32 $0xFFFFEC00  }
0x58b: {  	[tilespmem:s17], [sflag:$0x1] =	stream.indirect.gather [hbm4b:s5+s16], $0x80, s1, s16, $0xb8;
	[tilespmem:$0x1AFD0] =	vst v63  }
0x58c: {  	_ =	swait.ge [sflag:s10], $0x1400  }
0x58d: {  	[sflag:s10] =	ssyncset.done $0x0  }
0x58e: {  	s1 =	simm.s32 $0x1B8;
	[sflag:s10] =	ssyncadd.s32 $0xFFFFEC00  }
0x58f: {  	[tilespmem:s18], [sflag:$0x2] =	stream.indirect.gather [hbm4b:s5+s16], $0x80, s1, s16, $0xb8;
	[tilespmem:$0x1AFD0] =	vst v63  }
0x590: {  	_ =	swait.ge [sflag:s13], $0x1400  }
0x591: {  	[sflag:s13] =	ssyncset.done $0x0  }
0x592: {  	s1 =	simm.s32 $0x1E0;
	[sflag:s13] =	ssyncadd.s32 $0xFFFFEC00  }
0x593: {  	[tilespmem:s20], [sflag:$0x3] =	stream.indirect.gather [hbm4b:s5+s16], $0x80, s1, s16, $0xb8;
	[tilespmem:$0x1AFD0] =	vst v63  }
0x594: {  	_ =	swait.ge [sflag:s21], $0x1400  }
0x595: {  	[sflag:s21] =	ssyncset.done $0x0  }
0x596: {  	s1 =	simm.s32 $0x208;
	[sflag:s21] =	ssyncadd.s32 $0xFFFFEC00  }
0x597: {  	[tilespmem:s22], [sflag:$0x4] =	stream.indirect.gather [hbm4b:s5+s16], $0x80, s1, s16, $0xb8;
	[tilespmem:$0x1AFD0] =	vst v63  }
0x598: {  	_ =	swait.ge [sflag:s28], $0x1400  }
0x599: {  	[sflag:s28] =	ssyncset.done $0x0  }
0x59a: {  	s1 =	simm.s32 $0x230;
	[sflag:s28] =	ssyncadd.s32 $0xFFFFEC00  }
0x59b: {  	[tilespmem:s24], [sflag:$0x5] =	stream.indirect.gather [hbm4b:s5+s16], $0x80, s1, s16, $0xb8;
	[tilespmem:$0x1AFD0] =	vst v63  }
0x59c: {  	_ =	swait.ge [sflag:s25], $0x1400  }
0x59d: {  	[sflag:s25] =	ssyncset.done $0x0  }
0x59e: {  	s1 =	simm.s32 $0x578;
	[sflag:s25] =	ssyncadd.s32 $0xFFFFEC00  }
0x59f: {  	[spmem:s3] =	stream.indirect.scatter.add.f32 [tilespmem:s17], [sflag:$0x6], $0x80, s1, s16, $0xb8;
	[tilespmem:$0x1AFD0] =	vst v63  }
0x5a0: {  	_ =	swait.ge [sflag:s26], $0x1400  }
0x5a1: {  	[sflag:s26] =	ssyncset.done $0x0  }
0x5a2: {  	s1 =	simm.s32 $0x5A0;
	[sflag:s26] =	ssyncadd.s32 $0xFFFFEC00  }
0x5a3: {  	[spmem:s3] =	stream.indirect.scatter.add.f32 [tilespmem:s18], [sflag:$0x7], $0x80, s1, s16, $0xb8;
	[tilespmem:$0x1AFD0] =	vst v63  }
0x5a4: {  	_ =	swait.ge [sflag:s29], $0x1400  }
0x5a5: {  	[sflag:s29] =	ssyncset.done $0x0  }
0x5a6: {  	s1 =	simm.s32 $0x5C8;
	[sflag:s29] =	ssyncadd.s32 $0xFFFFEC00  }
0x5a7: {  	[spmem:s3] =	stream.indirect.scatter.add.f32 [tilespmem:s20], [sflag:$0x8], $0x80, s1, s16, $0xb8;
	[tilespmem:$0x1AFD0] =	vst v63  }
0x5a8: {  	_ =	swait.ge [sflag:s31], $0x1400  }
0x5a9: {  	[sflag:s31] =	ssyncset.done $0x0  }
0x5aa: {  	s1 =	simm.s32 $0x5F0;
	[sflag:s31] =	ssyncadd.s32 $0xFFFFEC00  }
0x5ab: {  	[spmem:s3] =	stream.indirect.scatter.add.f32 [tilespmem:s22], [sflag:$0x9], $0x80, s1, s16, $0xb8;
	[tilespmem:$0x1AFD0] =	vst v63  }
0x5ac: {  	_ =	swait.ge [sflag:s2], $0x1400  }
0x5ad: {  	[sflag:s2] =	ssyncset.done $0x0  }
0x5ae: {  	s1 =	simm.s32 $0x618;
	[sflag:s2] =	ssyncadd.s32 $0xFFFFEC00  }
0x5af: {  	[spmem:s3] =	stream.indirect.scatter.add.f32 [tilespmem:s24], [sflag:$0xA], $0x80, s1, s16, $0xb8;
	[tilespmem:$0x1AFD0] =	vst v63  }
0x5b0: {  	_ =	swait.ge [sflag:s8], $0x1400  }
0x5b1: {  	[sflag:s8] =	ssyncset.done $0x0  }
0x5b2: {  	s1 =	simm.s32 $0x258;
	[sflag:s8] =	ssyncadd.s32 $0xFFFFEC00  }
0x5b3: {  	[tilespmem:s17], [sflag:$0x1] =	stream.indirect.gather [hbm4b:s5+s16], $0x80, s1, s16, $0xb8;
	[tilespmem:$0x1AFD0] =	vst v63  }
0x5b4: {  	_ =	swait.ge [sflag:s10], $0x1400  }
0x5b5: {  	[sflag:s10] =	ssyncset.done $0x0  }
0x5b6: {  	s1 =	simm.s32 $0x280;
	[sflag:s10] =	ssyncadd.s32 $0xFFFFEC00  }
0x5b7: {  	[tilespmem:s18], [sflag:$0x2] =	stream.indirect.gather [hbm4b:s5+s16], $0x80, s1, s16, $0xb8;
	[tilespmem:$0x1AFD0] =	vst v63  }
0x5b8: {  	_ =	swait.ge [sflag:s13], $0x1400  }
0x5b9: {  	[sflag:s13] =	ssyncset.done $0x0  }
0x5ba: {  	s1 =	simm.s32 $0x2A8;
	[sflag:s13] =	ssyncadd.s32 $0xFFFFEC00  }
0x5bb: {  	[tilespmem:s20], [sflag:$0x3] =	stream.indirect.gather [hbm4b:s5+s16], $0x80, s1, s16, $0xb8;
	[tilespmem:$0x1AFD0] =	vst v63  }
0x5bc: {  	_ =	swait.ge [sflag:s21], $0x1400  }
0x5bd: {  	[sflag:s21] =	ssyncset.done $0x0  }
0x5be: {  	s1 =	simm.s32 $0x2D0;
	[sflag:s21] =	ssyncadd.s32 $0xFFFFEC00  }
0x5bf: {  	[tilespmem:s22], [sflag:$0x4] =	stream.indirect.gather [hbm4b:s5+s16], $0x80, s1, s16, $0xb8;
	[tilespmem:$0x1AFD0] =	vst v63  }
0x5c0: {  	_ =	swait.ge [sflag:s28], $0x1400  }
0x5c1: {  	[sflag:s28] =	ssyncset.done $0x0  }
0x5c2: {  	s1 =	simm.s32 $0x2F8;
	[sflag:s28] =	ssyncadd.s32 $0xFFFFEC00  }
0x5c3: {  	[tilespmem:s24], [sflag:$0x5] =	stream.indirect.gather [hbm4b:s5+s16], $0x80, s1, s16, $0xb8;
	[tilespmem:$0x1AFD0] =	vst v63  }
0x5c4: {  	_ =	swait.ge [sflag:s25], $0x1400  }
0x5c5: {  	[sflag:s25] =	ssyncset.done $0x0  }
0x5c6: {  	s1 =	simm.s32 $0x640;
	[sflag:s25] =	ssyncadd.s32 $0xFFFFEC00  }
0x5c7: {  	[spmem:s3] =	stream.indirect.scatter.add.f32 [tilespmem:s17], [sflag:$0x6], $0x80, s1, s16, $0xb8;
	[tilespmem:$0x1AFD0] =	vst v63  }
0x5c8: {  	_ =	swait.ge [sflag:s26], $0x1400  }
0x5c9: {  	[sflag:s26] =	ssyncset.done $0x0  }
0x5ca: {  	s1 =	simm.s32 $0x668;
	[sflag:s26] =	ssyncadd.s32 $0xFFFFEC00  }
0x5cb: {  	[spmem:s3] =	stream.indirect.scatter.add.f32 [tilespmem:s18], [sflag:$0x7], $0x80, s1, s16, $0xb8;
	[tilespmem:$0x1AFD0] =	vst v63  }
0x5cc: {  	_ =	swait.ge [sflag:s29], $0x1400  }
0x5cd: {  	[sflag:s29] =	ssyncset.done $0x0  }
0x5ce: {  	s1 =	simm.s32 $0x690;
	[sflag:s29] =	ssyncadd.s32 $0xFFFFEC00  }
0x5cf: {  	[spmem:s3] =	stream.indirect.scatter.add.f32 [tilespmem:s20], [sflag:$0x8], $0x80, s1, s16, $0xb8;
	[tilespmem:$0x1AFD0] =	vst v63  }
0x5d0: {  	_ =	swait.ge [sflag:s31], $0x1400  }
0x5d1: {  	[sflag:s31] =	ssyncset.done $0x0  }
0x5d2: {  	s1 =	simm.s32 $0x6B8;
	[sflag:s31] =	ssyncadd.s32 $0xFFFFEC00  }
0x5d3: {  	[spmem:s3] =	stream.indirect.scatter.add.f32 [tilespmem:s22], [sflag:$0x9], $0x80, s1, s16, $0xb8;
	[tilespmem:$0x1AFD0] =	vst v63  }
0x5d4: {  	_ =	swait.ge [sflag:s2], $0x1400  }
0x5d5: {  	[sflag:s2] =	ssyncset.done $0x0  }
0x5d6: {  	s1 =	simm.s32 $0x6E0;
	[sflag:s2] =	ssyncadd.s32 $0xFFFFEC00  }
0x5d7: {  	[spmem:s3] =	stream.indirect.scatter.add.f32 [tilespmem:s24], [sflag:$0xA], $0x80, s1, s16, $0xb8;
	[tilespmem:$0x1AFD0] =	vst v63  }
0x5d8: {  	_ =	swait.ge [sflag:s8], $0x1400  }
0x5d9: {  	[sflag:s8] =	ssyncset.done $0x0  }
0x5da: {  	s1 =	simm.s32 $0x320;
	[sflag:s8] =	ssyncadd.s32 $0xFFFFEC00  }
0x5db: {  	[tilespmem:s17], [sflag:$0x1] =	stream.indirect.gather [hbm4b:s5+s16], $0x80, s1, s16, $0xb8;
	[tilespmem:$0x1AFD0] =	vst v63  }
0x5dc: {  	_ =	swait.ge [sflag:s10], $0x1400  }
0x5dd: {  	[sflag:s10] =	ssyncset.done $0x0  }
0x5de: {  	s1 =	simm.s32 $0x348;
	[sflag:s10] =	ssyncadd.s32 $0xFFFFEC00  }
0x5df: {  	[tilespmem:s18], [sflag:$0x2] =	stream.indirect.gather [hbm4b:s5+s16], $0x80, s1, s16, $0xb8;
	[tilespmem:$0x1AFD0] =	vst v63  }
0x5e0: {  	_ =	swait.ge [sflag:s13], $0x1400  }
0x5e1: {  	[sflag:s13] =	ssyncset.done $0x0  }
0x5e2: {  	s1 =	simm.s32 $0x370;
	[sflag:s13] =	ssyncadd.s32 $0xFFFFEC00  }
0x5e3: {  	[tilespmem:s20], [sflag:$0x3] =	stream.indirect.gather [hbm4b:s5+s16], $0x80, s1, s16, $0xb8;
	[tilespmem:$0x1AFD0] =	vst v63  }
0x5e4: {  	_ =	swait.ge [sflag:s21], $0x1400  }
0x5e5: {  	[sflag:s21] =	ssyncset.done $0x0  }
0x5e6: {  	s1 =	simm.s32 $0x398;
	[sflag:s21] =	ssyncadd.s32 $0xFFFFEC00  }
0x5e7: {  	[tilespmem:s22], [sflag:$0x4] =	stream.indirect.gather [hbm4b:s5+s16], $0x80, s1, s16, $0xb8;
	[tilespmem:$0x1AFD0] =	vst v63  }
0x5e8: {  	_ =	swait.ge [sflag:s28], $0x1400  }
0x5e9: {  	[sflag:s28] =	ssyncset.done $0x0  }
0x5ea: {  	s1 =	simm.s32 $0x3C0;
	[sflag:s28] =	ssyncadd.s32 $0xFFFFEC00  }
0x5eb: {  	[tilespmem:s24], [sflag:$0x5] =	stream.indirect.gather [hbm4b:s5+s16], $0x80, s1, s16, $0xb8;
	[tilespmem:$0x1AFD0] =	vst v63  }
0x5ec: {  	_ =	swait.ge [sflag:s25], $0x1400  }
0x5ed: {  	[sflag:s25] =	ssyncset.done $0x0  }
0x5ee: {  	s1 =	simm.s32 $0x708;
	[sflag:s25] =	ssyncadd.s32 $0xFFFFEC00  }
0x5ef: {  	[spmem:s3] =	stream.indirect.scatter.add.f32 [tilespmem:s17], [sflag:$0x6], $0x80, s1, s16, $0xb8;
	[tilespmem:$0x1AFD0] =	vst v63  }
0x5f0: {  	_ =	swait.ge [sflag:s26], $0x1400  }
0x5f1: {  	[sflag:s26] =	ssyncset.done $0x0  }
0x5f2: {  	s1 =	simm.s32 $0x730;
	[sflag:s26] =	ssyncadd.s32 $0xFFFFEC00  }
0x5f3: {  	[spmem:s3] =	stream.indirect.scatter.add.f32 [tilespmem:s18], [sflag:$0x7], $0x80, s1, s16, $0xb8;
	[tilespmem:$0x1AFD0] =	vst v63  }
0x5f4: {  	_ =	swait.ge [sflag:s29], $0x1400  }
0x5f5: {  	[sflag:s29] =	ssyncset.done $0x0  }
0x5f6: {  	s1 =	simm.s32 $0x758;
	[sflag:s29] =	ssyncadd.s32 $0xFFFFEC00  }
0x5f7: {  	[spmem:s3] =	stream.indirect.scatter.add.f32 [tilespmem:s20], [sflag:$0x8], $0x80, s1, s16, $0xb8;
	[tilespmem:$0x1AFD0] =	vst v63  }
0x5f8: {  	_ =	swait.ge [sflag:s31], $0x1400  }
0x5f9: {  	[sflag:s31] =	ssyncset.done $0x0  }
0x5fa: {  	s1 =	simm.s32 $0x780;
	[sflag:s31] =	ssyncadd.s32 $0xFFFFEC00  }
0x5fb: {  	[spmem:s3] =	stream.indirect.scatter.add.f32 [tilespmem:s22], [sflag:$0x9], $0x80, s1, s16, $0xb8;
	[tilespmem:$0x1AFD0] =	vst v63  }
0x5fc: {  	_ =	swait.ge [sflag:s2], $0x1400  }
0x5fd: {  	[sflag:s2] =	ssyncset.done $0x0  }
0x5fe: {  	s1 =	simm.s32 $0x7A8;
	[sflag:s2] =	ssyncadd.s32 $0xFFFFEC00  }
0x5ff: {  	[spmem:s3] =	stream.indirect.scatter.add.f32 [tilespmem:s24], [sflag:$0xA], $0x80, s1, s16, $0xb8;
	[tilespmem:$0x1AFD0] =	vst v63  }
0x600: {  	_ =	swait.ge [sflag:s8], $0x1400  }
0x601: {  	[sflag:s8] =	ssyncset.done $0x0  }
0x602: {  	[sflag:s8] =	ssyncadd.s32 $0xFFFFEC00  }
0x603: {  	_ =	swait.ge [sflag:s10], $0x1400  }
0x604: {  	[sflag:s10] =	ssyncset.done $0x0  }
0x605: {  	[sflag:s10] =	ssyncadd.s32 $0xFFFFEC00  }
0x606: {  	_ =	swait.ge [sflag:s13], $0x1400  }
0x607: {  	[sflag:s13] =	ssyncset.done $0x0  }
0x608: {  	[sflag:s13] =	ssyncadd.s32 $0xFFFFEC00  }
.Ltmp5:
0x609: {  	_ =	swait.ge [sflag:s21], $0x1400;
	(pc) =	sbr.rel @!p1 .LBB2_3-.Ltmp5, $4  }
0x60a: {  	[sflag:s21] =	ssyncset.done $0x0  }
0x60b: {  	[sflag:s21] =	ssyncadd.s32 $0xFFFFEC00  }
0x60c: {  	_ =	swait.ge [sflag:s28], $0x1400  }
0x60d: {  	s1 =	smov.u32 s9;
	[sflag:s28] =	ssyncset.done $0x0  }
0x60e: {  	s1 =	sadd.s32 s0, s12;
	[sflag:s28] =	ssyncadd.s32 $0xFFFFEC00  }
0x60f: {  	[tilespmem:s4], [sflag:$0xB] =	stream.linear.gather [hbm4b:s1+s4], $0x3E8, $0x38;
	[tilespmem:$0x1AFD0] =	vst v63  }
0x610: {  	_ =	swait.ge [sflag:s14], $0x3E8  }
0x611: {  	[sflag:s14] =	ssyncset.done $0x0  }
0x612: {  	s1 =	sadd.s32 s0, s11;
	[sflag:s14] =	ssyncadd.s32 $0xFFFFFC18  }
0x613: {  	[tilespmem:s15], [sflag:$0xB] =	stream.linear.gather [hbm4b:s1+s4], $0x3E8, $0x38;
	[tilespmem:$0x1AFD0] =	vst v63  }
0x614: {  	_ =	swait.ge [sflag:s14], $0x3E8  }
0x615: {  	[sflag:s14] =	ssyncset.done $0x0  }
0x616: {  	[sflag:s14] =	ssyncadd.s32 $0xFFFFFC18  }
0x617: {  	[tilespmem:s17], [sflag:$0x1] =	stream.indirect.gather [hbm4b:s5+s16], $0x80, s4, s16, $0xb8;
	[tilespmem:$0x1AFD0] =	vst v63  }
0x618: {  	_ = 	snop  }
0x619: {  	[tilespmem:s18], [sflag:$0x2] =	stream.indirect.gather [hbm4b:s5+s16], $0x80, s16, s16, $0xb8;
	[tilespmem:$0x1AFD0] =	vst v63  }
0x61a: {  	_ = 	snop  }
0x61b: {  	[tilespmem:s20], [sflag:$0x3] =	stream.indirect.gather [hbm4b:s5+s16], $0x80, s19, s16, $0xb8;
	[tilespmem:$0x1AFD0] =	vst v63  }
0x61c: {  	_ = 	snop  }
0x61d: {  	[tilespmem:s22], [sflag:$0x4] =	stream.indirect.gather [hbm4b:s5+s16], $0x80, s7, s16, $0xb8;
	[tilespmem:$0x1AFD0] =	vst v63  }
0x61e: {  	_ = 	snop  }
0x61f: {  	[tilespmem:s24], [sflag:$0x5] =	stream.indirect.gather [hbm4b:s5+s16], $0x80, s23, s16, $0xb8;
	[tilespmem:$0x1AFD0] =	vst v63  }
0x620: {  	_ =	swait.ge [sflag:s25], $0x1400  }
0x621: {  	[sflag:s25] =	ssyncset.done $0x0  }
0x622: {  	[sflag:s25] =	ssyncadd.s32 $0xFFFFEC00  }
0x623: {  	[spmem:s3] =	stream.indirect.scatter.add.f32 [tilespmem:s17], [sflag:$0x6], $0x80, s15, s16, $0xb8;
	[tilespmem:$0x1AFD0] =	vst v63  }
0x624: {  	_ =	swait.ge [sflag:s26], $0x1400  }
0x625: {  	[sflag:s26] =	ssyncset.done $0x0  }
0x626: {  	[sflag:s26] =	ssyncadd.s32 $0xFFFFEC00  }
0x627: {  	[spmem:s3] =	stream.indirect.scatter.add.f32 [tilespmem:s18], [sflag:$0x7], $0x80, s30, s16, $0xb8;
	[tilespmem:$0x1AFD0] =	vst v63  }
0x628: {  	_ =	swait.ge [sflag:s29], $0x1400  }
0x629: {  	[sflag:s29] =	ssyncset.done $0x0  }
0x62a: {  	s9 =	simm.s32 $0x438;
	[sflag:s29] =	ssyncadd.s32 $0xFFFFEC00  }
0x62b: {  	[spmem:s3] =	stream.indirect.scatter.add.f32 [tilespmem:s20], [sflag:$0x8], $0x80, s9, s16, $0xb8;
	[tilespmem:$0x1AFD0] =	vst v63  }
0x62c: {  	_ =	swait.ge [sflag:s31], $0x1400  }
0x62d: {  	[sflag:s31] =	ssyncset.done $0x0  }
0x62e: {  	s23 =	simm.s32 $0x460;
	[sflag:s31] =	ssyncadd.s32 $0xFFFFEC00  }
0x62f: {  	[spmem:s3] =	stream.indirect.scatter.add.f32 [tilespmem:s22], [sflag:$0x9], $0x80, s23, s16, $0xb8;
	[tilespmem:$0x1AFD0] =	vst v63  }
0x630: {  	_ =	swait.ge [sflag:s2], $0x1400  }
0x631: {  	[sflag:s2] =	ssyncset.done $0x0  }
0x632: {  	s30 =	simm.s32 $0x488;
	[sflag:s2] =	ssyncadd.s32 $0xFFFFEC00  }
0x633: {  	[spmem:s3] =	stream.indirect.scatter.add.f32 [tilespmem:s24], [sflag:$0xA], $0x80, s30, s16, $0xb8;
	[tilespmem:$0x1AFD0] =	vst v63  }
0x634: {  	_ =	swait.ge [sflag:s8], $0x1400  }
0x635: {  	[sflag:s8] =	ssyncset.done $0x0  }
0x636: {  	s1 =	simm.s32 $0xC8;
	[sflag:s8] =	ssyncadd.s32 $0xFFFFEC00  }
0x637: {  	[tilespmem:s17], [sflag:$0x1] =	stream.indirect.gather [hbm4b:s5+s16], $0x80, s1, s16, $0xb8;
	[tilespmem:$0x1AFD0] =	vst v63  }
0x638: {  	_ =	swait.ge [sflag:s10], $0x1400  }
0x639: {  	[sflag:s10] =	ssyncset.done $0x0  }
0x63a: {  	s7 =	simm.s32 $0xF0;
	[sflag:s10] =	ssyncadd.s32 $0xFFFFEC00  }
0x63b: {  	[tilespmem:s18], [sflag:$0x2] =	stream.indirect.gather [hbm4b:s5+s16], $0x80, s7, s16, $0xb8;
	[tilespmem:$0x1AFD0] =	vst v63  }
0x63c: {  	_ =	swait.ge [sflag:s13], $0x1400  }
0x63d: {  	[sflag:s13] =	ssyncset.done $0x0  }
0x63e: {  	s9 =	simm.s32 $0x118;
	[sflag:s13] =	ssyncadd.s32 $0xFFFFEC00  }
0x63f: {  	[tilespmem:s20], [sflag:$0x3] =	stream.indirect.gather [hbm4b:s5+s16], $0x80, s9, s16, $0xb8;
	[tilespmem:$0x1AFD0] =	vst v63  }
0x640: {  	_ =	swait.ge [sflag:s21], $0x1400  }
0x641: {  	[sflag:s21] =	ssyncset.done $0x0  }
0x642: {  	s23 =	simm.s32 $0x140;
	[sflag:s21] =	ssyncadd.s32 $0xFFFFEC00  }
0x643: {  	[tilespmem:s22], [sflag:$0x4] =	stream.indirect.gather [hbm4b:s5+s16], $0x80, s23, s16, $0xb8;
	[tilespmem:$0x1AFD0] =	vst v63  }
0x644: {  	_ =	swait.ge [sflag:s28], $0x1400  }
0x645: {  	[sflag:s28] =	ssyncset.done $0x0  }
0x646: {  	s30 =	simm.s32 $0x168;
	[sflag:s28] =	ssyncadd.s32 $0xFFFFEC00  }
0x647: {  	[tilespmem:s24], [sflag:$0x5] =	stream.indirect.gather [hbm4b:s5+s16], $0x80, s30, s16, $0xb8;
	[tilespmem:$0x1AFD0] =	vst v63  }
0x648: {  	_ =	swait.ge [sflag:s25], $0x1400  }
0x649: {  	[sflag:s25] =	ssyncset.done $0x0  }
0x64a: {  	s1 =	simm.s32 $0x4B0;
	[sflag:s25] =	ssyncadd.s32 $0xFFFFEC00  }
0x64b: {  	[spmem:s3] =	stream.indirect.scatter.add.f32 [tilespmem:s17], [sflag:$0x6], $0x80, s1, s16, $0xb8;
	[tilespmem:$0x1AFD0] =	vst v63  }
0x64c: {  	_ =	swait.ge [sflag:s26], $0x1400  }
0x64d: {  	[sflag:s26] =	ssyncset.done $0x0  }
0x64e: {  	s7 =	simm.s32 $0x4D8;
	[sflag:s26] =	ssyncadd.s32 $0xFFFFEC00  }
0x64f: {  	[spmem:s3] =	stream.indirect.scatter.add.f32 [tilespmem:s18], [sflag:$0x7], $0x80, s7, s16, $0xb8;
	[tilespmem:$0x1AFD0] =	vst v63  }
0x650: {  	_ =	swait.ge [sflag:s29], $0x1400  }
0x651: {  	[sflag:s29] =	ssyncset.done $0x0  }
0x652: {  	s9 =	simm.s32 $0x500;
	[sflag:s29] =	ssyncadd.s32 $0xFFFFEC00  }
0x653: {  	[spmem:s3] =	stream.indirect.scatter.add.f32 [tilespmem:s20], [sflag:$0x8], $0x80, s9, s16, $0xb8;
	[tilespmem:$0x1AFD0] =	vst v63  }
0x654: {  	_ =	swait.ge [sflag:s31], $0x1400  }
0x655: {  	[sflag:s31] =	ssyncset.done $0x0  }
0x656: {  	s23 =	simm.s32 $0x528;
	[sflag:s31] =	ssyncadd.s32 $0xFFFFEC00  }
0x657: {  	[spmem:s3] =	stream.indirect.scatter.add.f32 [tilespmem:s22], [sflag:$0x9], $0x80, s23, s16, $0xb8;
	[tilespmem:$0x1AFD0] =	vst v63  }
0x658: {  	_ =	swait.ge [sflag:s2], $0x1400  }
0x659: {  	[sflag:s2] =	ssyncset.done $0x0  }
0x65a: {  	s30 =	simm.s32 $0x550;
	[sflag:s2] =	ssyncadd.s32 $0xFFFFEC00  }
0x65b: {  	[spmem:s3] =	stream.indirect.scatter.add.f32 [tilespmem:s24], [sflag:$0xA], $0x80, s30, s16, $0xb8;
	[tilespmem:$0x1AFD0] =	vst v63  }
0x65c: {  	_ =	swait.ge [sflag:s8], $0x1400  }
0x65d: {  	[sflag:s8] =	ssyncset.done $0x0  }
0x65e: {  	s1 =	simm.s32 $0x190;
	[sflag:s8] =	ssyncadd.s32 $0xFFFFEC00  }
0x65f: {  	[tilespmem:s17], [sflag:$0x1] =	stream.indirect.gather [hbm4b:s5+s16], $0x80, s1, s16, $0xb8;
	[tilespmem:$0x1AFD0] =	vst v63  }
0x660: {  	_ =	swait.ge [sflag:s10], $0x1400  }
0x661: {  	[sflag:s10] =	ssyncset.done $0x0  }
0x662: {  	s7 =	simm.s32 $0x1B8;
	[sflag:s10] =	ssyncadd.s32 $0xFFFFEC00  }
0x663: {  	[tilespmem:s18], [sflag:$0x2] =	stream.indirect.gather [hbm4b:s5+s16], $0x80, s7, s16, $0xb8;
	[tilespmem:$0x1AFD0] =	vst v63  }
0x664: {  	_ =	swait.ge [sflag:s13], $0x1400  }
0x665: {  	[sflag:s13] =	ssyncset.done $0x0  }
0x666: {  	s9 =	simm.s32 $0x1E0;
	[sflag:s13] =	ssyncadd.s32 $0xFFFFEC00  }
0x667: {  	[tilespmem:s20], [sflag:$0x3] =	stream.indirect.gather [hbm4b:s5+s16], $0x80, s9, s16, $0xb8;
	[tilespmem:$0x1AFD0] =	vst v63  }
0x668: {  	_ =	swait.ge [sflag:s21], $0x1400  }
0x669: {  	[sflag:s21] =	ssyncset.done $0x0  }
0x66a: {  	s23 =	simm.s32 $0x208;
	[sflag:s21] =	ssyncadd.s32 $0xFFFFEC00  }
0x66b: {  	[tilespmem:s22], [sflag:$0x4] =	stream.indirect.gather [hbm4b:s5+s16], $0x80, s23, s16, $0xb8;
	[tilespmem:$0x1AFD0] =	vst v63  }
0x66c: {  	_ =	swait.ge [sflag:s28], $0x1400  }
0x66d: {  	[sflag:s28] =	ssyncset.done $0x0  }
0x66e: {  	s30 =	simm.s32 $0x230;
	[sflag:s28] =	ssyncadd.s32 $0xFFFFEC00  }
0x66f: {  	[tilespmem:s24], [sflag:$0x5] =	stream.indirect.gather [hbm4b:s5+s16], $0x80, s30, s16, $0xb8;
	[tilespmem:$0x1AFD0] =	vst v63  }
0x670: {  	_ =	swait.ge [sflag:s25], $0x1400  }
0x671: {  	[sflag:s25] =	ssyncset.done $0x0  }
0x672: {  	s1 =	simm.s32 $0x578;
	[sflag:s25] =	ssyncadd.s32 $0xFFFFEC00  }
0x673: {  	[spmem:s3] =	stream.indirect.scatter.add.f32 [tilespmem:s17], [sflag:$0x6], $0x80, s1, s16, $0xb8;
	[tilespmem:$0x1AFD0] =	vst v63  }
0x674: {  	_ =	swait.ge [sflag:s26], $0x1400  }
0x675: {  	[sflag:s26] =	ssyncset.done $0x0  }
0x676: {  	s7 =	simm.s32 $0x5A0;
	[sflag:s26] =	ssyncadd.s32 $0xFFFFEC00  }
0x677: {  	[spmem:s3] =	stream.indirect.scatter.add.f32 [tilespmem:s18], [sflag:$0x7], $0x80, s7, s16, $0xb8;
	[tilespmem:$0x1AFD0] =	vst v63  }
0x678: {  	_ =	swait.ge [sflag:s29], $0x1400  }
0x679: {  	[sflag:s29] =	ssyncset.done $0x0  }
0x67a: {  	s9 =	simm.s32 $0x5C8;
	[sflag:s29] =	ssyncadd.s32 $0xFFFFEC00  }
0x67b: {  	[spmem:s3] =	stream.indirect.scatter.add.f32 [tilespmem:s20], [sflag:$0x8], $0x80, s9, s16, $0xb8;
	[tilespmem:$0x1AFD0] =	vst v63  }
0x67c: {  	_ =	swait.ge [sflag:s31], $0x1400  }
0x67d: {  	[sflag:s31] =	ssyncset.done $0x0  }
0x67e: {  	s23 =	simm.s32 $0x5F0;
	[sflag:s31] =	ssyncadd.s32 $0xFFFFEC00  }
0x67f: {  	[spmem:s3] =	stream.indirect.scatter.add.f32 [tilespmem:s22], [sflag:$0x9], $0x80, s23, s16, $0xb8;
	[tilespmem:$0x1AFD0] =	vst v63  }
0x680: {  	_ =	swait.ge [sflag:s2], $0x1400  }
0x681: {  	[sflag:s2] =	ssyncset.done $0x0  }
0x682: {  	s30 =	simm.s32 $0x618;
	[sflag:s2] =	ssyncadd.s32 $0xFFFFEC00  }
0x683: {  	[spmem:s3] =	stream.indirect.scatter.add.f32 [tilespmem:s24], [sflag:$0xA], $0x80, s30, s16, $0xb8;
	[tilespmem:$0x1AFD0] =	vst v63  }
0x684: {  	_ =	swait.ge [sflag:s8], $0x1400  }
0x685: {  	[sflag:s8] =	ssyncset.done $0x0  }
0x686: {  	s1 =	simm.s32 $0x258;
	[sflag:s8] =	ssyncadd.s32 $0xFFFFEC00  }
0x687: {  	[tilespmem:s17], [sflag:$0x1] =	stream.indirect.gather [hbm4b:s5+s16], $0x80, s1, s16, $0xb8;
	[tilespmem:$0x1AFD0] =	vst v63  }
0x688: {  	_ =	swait.ge [sflag:s10], $0x1400  }
0x689: {  	[sflag:s10] =	ssyncset.done $0x0  }
0x68a: {  	s7 =	simm.s32 $0x280;
	[sflag:s10] =	ssyncadd.s32 $0xFFFFEC00  }
0x68b: {  	[tilespmem:s18], [sflag:$0x2] =	stream.indirect.gather [hbm4b:s5+s16], $0x80, s7, s16, $0xb8;
	[tilespmem:$0x1AFD0] =	vst v63  }
0x68c: {  	_ =	swait.ge [sflag:s13], $0x1400  }
0x68d: {  	[sflag:s13] =	ssyncset.done $0x0  }
0x68e: {  	s9 =	simm.s32 $0x2A8;
	[sflag:s13] =	ssyncadd.s32 $0xFFFFEC00  }
0x68f: {  	[tilespmem:s20], [sflag:$0x3] =	stream.indirect.gather [hbm4b:s5+s16], $0x80, s9, s16, $0xb8;
	[tilespmem:$0x1AFD0] =	vst v63  }
0x690: {  	_ =	swait.ge [sflag:s21], $0x1400  }
0x691: {  	[sflag:s21] =	ssyncset.done $0x0  }
0x692: {  	s23 =	simm.s32 $0x2D0;
	[sflag:s21] =	ssyncadd.s32 $0xFFFFEC00  }
0x693: {  	[tilespmem:s22], [sflag:$0x4] =	stream.indirect.gather [hbm4b:s5+s16], $0x80, s23, s16, $0xb8;
	[tilespmem:$0x1AFD0] =	vst v63  }
0x694: {  	_ =	swait.ge [sflag:s28], $0x1400  }
0x695: {  	[sflag:s28] =	ssyncset.done $0x0  }
0x696: {  	s30 =	simm.s32 $0x2F8;
	[sflag:s28] =	ssyncadd.s32 $0xFFFFEC00  }
0x697: {  	[tilespmem:s24], [sflag:$0x5] =	stream.indirect.gather [hbm4b:s5+s16], $0x80, s30, s16, $0xb8;
	[tilespmem:$0x1AFD0] =	vst v63  }
0x698: {  	_ =	swait.ge [sflag:s25], $0x1400  }
0x699: {  	[sflag:s25] =	ssyncset.done $0x0  }
0x69a: {  	s1 =	simm.s32 $0x640;
	[sflag:s25] =	ssyncadd.s32 $0xFFFFEC00  }
0x69b: {  	[spmem:s3] =	stream.indirect.scatter.add.f32 [tilespmem:s17], [sflag:$0x6], $0x80, s1, s16, $0xb8;
	[tilespmem:$0x1AFD0] =	vst v63  }
0x69c: {  	_ =	swait.ge [sflag:s26], $0x1400  }
0x69d: {  	[sflag:s26] =	ssyncset.done $0x0  }
0x69e: {  	s7 =	simm.s32 $0x668;
	[sflag:s26] =	ssyncadd.s32 $0xFFFFEC00  }
0x69f: {  	[spmem:s3] =	stream.indirect.scatter.add.f32 [tilespmem:s18], [sflag:$0x7], $0x80, s7, s16, $0xb8;
	[tilespmem:$0x1AFD0] =	vst v63  }
0x6a0: {  	_ =	swait.ge [sflag:s29], $0x1400  }
0x6a1: {  	[sflag:s29] =	ssyncset.done $0x0  }
0x6a2: {  	s9 =	simm.s32 $0x690;
	[sflag:s29] =	ssyncadd.s32 $0xFFFFEC00  }
0x6a3: {  	[spmem:s3] =	stream.indirect.scatter.add.f32 [tilespmem:s20], [sflag:$0x8], $0x80, s9, s16, $0xb8;
	[tilespmem:$0x1AFD0] =	vst v63  }
0x6a4: {  	_ =	swait.ge [sflag:s31], $0x1400  }
0x6a5: {  	[sflag:s31] =	ssyncset.done $0x0  }
0x6a6: {  	s23 =	simm.s32 $0x6B8;
	[sflag:s31] =	ssyncadd.s32 $0xFFFFEC00  }
0x6a7: {  	[spmem:s3] =	stream.indirect.scatter.add.f32 [tilespmem:s22], [sflag:$0x9], $0x80, s23, s16, $0xb8;
	[tilespmem:$0x1AFD0] =	vst v63  }
0x6a8: {  	_ =	swait.ge [sflag:s2], $0x1400  }
0x6a9: {  	[sflag:s2] =	ssyncset.done $0x0  }
0x6aa: {  	s30 =	simm.s32 $0x6E0;
	[sflag:s2] =	ssyncadd.s32 $0xFFFFEC00  }
0x6ab: {  	[spmem:s3] =	stream.indirect.scatter.add.f32 [tilespmem:s24], [sflag:$0xA], $0x80, s30, s16, $0xb8;
	[tilespmem:$0x1AFD0] =	vst v63  }
0x6ac: {  	_ =	swait.ge [sflag:s8], $0x1400  }
0x6ad: {  	[sflag:s8] =	ssyncset.done $0x0  }
0x6ae: {  	s1 =	simm.s32 $0x320;
	[sflag:s8] =	ssyncadd.s32 $0xFFFFEC00  }
0x6af: {  	[tilespmem:s17], [sflag:$0x1] =	stream.indirect.gather [hbm4b:s5+s16], $0x80, s1, s16, $0xb8;
	[tilespmem:$0x1AFD0] =	vst v63  }
0x6b0: {  	_ =	swait.ge [sflag:s10], $0x1400  }
0x6b1: {  	[sflag:s10] =	ssyncset.done $0x0  }
0x6b2: {  	s7 =	simm.s32 $0x348;
	[sflag:s10] =	ssyncadd.s32 $0xFFFFEC00  }
0x6b3: {  	[tilespmem:s18], [sflag:$0x2] =	stream.indirect.gather [hbm4b:s5+s16], $0x80, s7, s16, $0xb8;
	[tilespmem:$0x1AFD0] =	vst v63  }
0x6b4: {  	_ =	swait.ge [sflag:s13], $0x1400  }
0x6b5: {  	[sflag:s13] =	ssyncset.done $0x0  }
0x6b6: {  	s9 =	simm.s32 $0x370;
	[sflag:s13] =	ssyncadd.s32 $0xFFFFEC00  }
0x6b7: {  	[tilespmem:s20], [sflag:$0x3] =	stream.indirect.gather [hbm4b:s5+s16], $0x80, s9, s16, $0xb8;
	[tilespmem:$0x1AFD0] =	vst v63  }
0x6b8: {  	_ =	swait.ge [sflag:s21], $0x1400  }
0x6b9: {  	[sflag:s21] =	ssyncset.done $0x0  }
0x6ba: {  	s23 =	simm.s32 $0x398;
	[sflag:s21] =	ssyncadd.s32 $0xFFFFEC00  }
0x6bb: {  	[tilespmem:s22], [sflag:$0x4] =	stream.indirect.gather [hbm4b:s5+s16], $0x80, s23, s16, $0xb8;
	[tilespmem:$0x1AFD0] =	vst v63  }
0x6bc: {  	_ =	swait.ge [sflag:s28], $0x1400  }
0x6bd: {  	[sflag:s28] =	ssyncset.done $0x0  }
0x6be: {  	s30 =	simm.s32 $0x3C0;
	[sflag:s28] =	ssyncadd.s32 $0xFFFFEC00  }
0x6bf: {  	[tilespmem:s24], [sflag:$0x5] =	stream.indirect.gather [hbm4b:s5+s16], $0x80, s30, s16, $0xb8;
	[tilespmem:$0x1AFD0] =	vst v63  }
0x6c0: {  	_ =	swait.ge [sflag:s25], $0x1400  }
0x6c1: {  	[sflag:s25] =	ssyncset.done $0x0  }
0x6c2: {  	s1 =	simm.s32 $0x708;
	[sflag:s25] =	ssyncadd.s32 $0xFFFFEC00  }
0x6c3: {  	[spmem:s3] =	stream.indirect.scatter.add.f32 [tilespmem:s17], [sflag:$0x6], $0x80, s1, s16, $0xb8;
	[tilespmem:$0x1AFD0] =	vst v63  }
0x6c4: {  	_ =	swait.ge [sflag:s26], $0x1400  }
0x6c5: {  	[sflag:s26] =	ssyncset.done $0x0  }
0x6c6: {  	s7 =	simm.s32 $0x730;
	[sflag:s26] =	ssyncadd.s32 $0xFFFFEC00  }
0x6c7: {  	[spmem:s3] =	stream.indirect.scatter.add.f32 [tilespmem:s18], [sflag:$0x7], $0x80, s7, s16, $0xb8;
	[tilespmem:$0x1AFD0] =	vst v63  }
0x6c8: {  	_ =	swait.ge [sflag:s29], $0x1400  }
0x6c9: {  	[sflag:s29] =	ssyncset.done $0x0  }
0x6ca: {  	s9 =	simm.s32 $0x758;
	[sflag:s29] =	ssyncadd.s32 $0xFFFFEC00  }
0x6cb: {  	[spmem:s3] =	stream.indirect.scatter.add.f32 [tilespmem:s20], [sflag:$0x8], $0x80, s9, s16, $0xb8;
	[tilespmem:$0x1AFD0] =	vst v63  }
0x6cc: {  	_ =	swait.ge [sflag:s31], $0x1400  }
0x6cd: {  	[sflag:s31] =	ssyncset.done $0x0  }
0x6ce: {  	s23 =	simm.s32 $0x780;
	[sflag:s31] =	ssyncadd.s32 $0xFFFFEC00  }
0x6cf: {  	[spmem:s3] =	stream.indirect.scatter.add.f32 [tilespmem:s22], [sflag:$0x9], $0x80, s23, s16, $0xb8;
	[tilespmem:$0x1AFD0] =	vst v63  }
0x6d0: {  	_ =	swait.ge [sflag:s2], $0x1400  }
0x6d1: {  	[sflag:s2] =	ssyncset.done $0x0  }
0x6d2: {  	s30 =	simm.s32 $0x7A8;
	[sflag:s2] =	ssyncadd.s32 $0xFFFFEC00  }
0x6d3: {  	[spmem:s3] =	stream.indirect.scatter.add.f32 [tilespmem:s24], [sflag:$0xA], $0x80, s30, s16, $0xb8;
	[tilespmem:$0x1AFD0] =	vst v63  }
0x6d4: {  	_ =	swait.ge [sflag:s8], $0x1400  }
0x6d5: {  	[sflag:s8] =	ssyncset.done $0x0  }
0x6d6: {  	[sflag:s8] =	ssyncadd.s32 $0xFFFFEC00  }
0x6d7: {  	_ =	swait.ge [sflag:s10], $0x1400  }
0x6d8: {  	[sflag:s10] =	ssyncset.done $0x0  }
0x6d9: {  	[sflag:s10] =	ssyncadd.s32 $0xFFFFEC00  }
0x6da: {  	_ =	swait.ge [sflag:s13], $0x1400  }
0x6db: {  	[sflag:s13] =	ssyncset.done $0x0  }
0x6dc: {  	[sflag:s13] =	ssyncadd.s32 $0xFFFFEC00  }
0x6dd: {  	_ =	swait.ge [sflag:s21], $0x1400  }
.Ltmp6:
0x6de: {  	[sflag:s21] =	ssyncset.done $0x0;
	(pc) =	sbr.rel .LBB2_8-.Ltmp6, $4  }
0x6df: {  	[sflag:s21] =	ssyncadd.s32 $0xFFFFEC00  }
0x6e0: {  	_ =	swait.ge [sflag:s28], $0x1400  }
0x6e1: {  	[sflag:s28] =	ssyncset.done $0x0  }
0x6e2: {  	s23 =	sld [smem:$0x7C7];
	[sflag:s28] =	ssyncadd.s32 $0xFFFFEC00  }
.LBB2_9:
0x6e3: {  	_ =	sfence.sel $0x180000  }
0x6e4: {  	[bflag:$0x0] =	sbarrier.arrive $0xFFFF  }
0x6e5: {  	_ =	strace $0x9000004A  }
0x6e6: {  	s0 =	stileid.u32;
	[bflag:$0x2] =	sbarrier.arrive $0xFFFF  }
0x6e7: {  	p0 =	sne.s32 s0, $0x0;
	s0 =	rddreg [dreg:$0x3]  }
0x6e8: {  	s0 =	sadd.s32 @!p0 $0x100000, s0  }
0x6e9: {  	[sflag:s0] =	ssyncadd.tile.s32 @!p0 $0x1;
	_ =	shalt  }
.Lfunc_end2:
_tile_overlayer_lowered:
.L_overlay_start_2:
0x6ea: {  	(tag) =	ssettag $0x2  }
0x6eb: {  	s0 =	rddreg [dreg:$0x0];
	s2 =	stileid.u32  }
0x6ec: {  	s1 =	rddreg [dreg:$0x1];
	p0 =	sne.s32 s2, $0x0  }
0x6ed: {  	s3 =	rddreg [dreg:$0x2];
	[bflag:$0x3] =	sbarrier.arrive $0xFFFF;
	s2 =	simm.s32 @!p0 $0x1C0B  }
0x6ee: {  	[timem:s3], [sflag:s2] =	dma.local @!p0 [hbm:s0], s1  }
0x6ef: {  	s0 =	simm.s32 @!p0 $0xB  }
0x6f0: {  	_ =	swait.ge @!p0 [sflag:s0], s1  }
0x6f1: {  	s1 =	ssub.s32 @!p0 $0x0, s1;
	[sflag:s0] =	ssyncset.done @!p0 $0x0  }
0x6f2: {  	[sflag:s0] =	ssyncadd.s32 @!p0 s1  }
0x6f3: {  	[bflag:$0x3] =	sbarrier.arrive $0xFFFF  }
0x6f4: {  	_ =	shalt  }

// kernel: kernel.14.cloned.1.call-start
scs
__scs_entry_jumppad:
0x0: {  	(pc) =	sbr.rel $0x88, $3  }
0x1: {  	(tag) =	ssettag $0x0;
	lr =	simm.s32 $0x1  }
0x2: {  	[smem:$0x3F9B] =	sst lr;
	_ =	strace $0xD0000000  }
0x3: {  	_ = 	snop  }
0x4: {  	_ = 	snop  }
0x5: {  	_ = 	snop  }
0x6: {  	_ = 	snop  }
0x7: {  	_ = 	snop  }
__scs_overlays_trampoline_lowered:
0x8: {  	[smem:$0x3FAA] =	sst s0  }
0x9: {  	[smem:$0x3FAB] =	sst s1  }
0xa: {  	[smem:$0x3FAC] =	sst s2  }
0xb: {  	[smem:$0x3FAD] =	sst s3  }
0xc: {  	[smem:$0x3FAE] =	sst s4  }
0xd: {  	[smem:$0x3FAF] =	sst s5  }
0xe: {  	[smem:$0x3FB0] =	sst s6  }
0xf: {  	[smem:$0x3FB1] =	sst s7  }
0x10: {  	[smem:$0x3FB2] =	sst s8  }
0x11: {  	[smem:$0x3FB3] =	sst s9;
	s0 =	simm.s32 @!p0 $0x0  }
0x12: {  	s1 =	sld [smem:$0x3F99];
	s0 =	simm.s32 @p0 $0x1  }
0x13: {  	[smem:$0x3FB4] =	sst s0;
	s0 =	simm.s32 @!p1 $0x0  }
0x14: {  	s2 =	sld [smem:$0x3F98];
	s0 =	simm.s32 @p1 $0x1  }
0x15: {  	[smem:$0x3FB5] =	sst s0;
	s0 =	simm.s32 @!p2 $0x0  }
0x16: {  	s3 =	sld [smem:$0x3FDB];
	s0 =	simm.s32 @p2 $0x1  }
0x17: {  	s4 =	simm.s32 $0x1BF5;
	[smem:$0x3FB7] =	sst s0  }
0x18: {  	s0 =	sld [smem:$0x3F9A];
	_ =	swait.ge [sflag:s4], $0x0  }
0x19: {  	s7 =	sld [smem:$0x3F9B]  }
0x1a: {  	s8 =	sadd.s32 $0xFFFFE003, lr  }
0x1b: {  	s9 =	sadd.s32 $0xFFFFFEF7, lr;
	s5 =	simm.s32 $0xFFFFFFFF;
	p2 =	slt.u32 s8, $0xFFFFF086  }
0x1c: {  	p1 =	slt.u32 s9, $0xF7A;
	s5 =	simm.s32 @!p2 $0x0  }
0x1d: {  	s5 =	simm.s32 @p1 $0x1;
	p0 =	seq.s32 s7, s2  }
0x1e: {  	s7 =	smul.u32 @!p0 $0xF7A, s2;
	p2 =	seq.s32 @!p0 s5, $0x0  }
0x1f: {  	s9 =	smul.u32 $0xF7A, s1;
	s8 =	simm.s32 @!p0 $0x1BF5;
	p2 =	por !p2, p0  }
0x20: {  	[sflag:s8] =	ssyncset.s32 @!p0 $0xFFFFF086;
	s6 =	sadd.s32 @!p0 s3, s7;
	s7 =	simm.s32 @!p0 $0x108  }
0x21: {  	s3 =	sadd.s32 s3, s9;
	s6 =	sadd.s32 @!p0 $0x88, s6;
	s7 =	simm.s32 @p2 $0x1082  }
0x22: {  	[simem:s7], [sflag:s8] =	dma.local @!p0 [hbm:s6], $0xF7A  }
0x23: {  	s9 =	sor.u32 $0xD0000000, s2;
	s6 =	simm.s32 $0x108;
	_ =	swait.ge @!p0 [sflag:s8], $0x0  }
0x24: {  	s3 =	sadd.s32 $0x88, s3;
	s6 =	simm.s32 @!p1 $0x1082;
	[sflag:s4] =	ssyncset.s32 $0xFFFFF086  }
0x25: {  	[simem:s6], [sflag:s4] =	dma.local [hbm:s3], $0xF7A  }
0x26: {  	[smem:$0x3F9B] =	sst s1;
	(tag) =	ssettag s2;
	_ =	strace s9  }
0x27: {  	s1 =	sld [smem:$0x3FAB]  }
0x28: {  	s2 =	sld [smem:$0x3FAC]  }
0x29: {  	s4 =	sld [smem:$0x3FAE]  }
0x2a: {  	p0 =	seq.s32 s5, $0x0;
	s5 =	sld [smem:$0x3FAF]  }
0x2b: {  	s6 =	sld [smem:$0x3FB0]  }
0x2c: {  	s7 =	sld [smem:$0x3FB1]  }
0x2d: {  	s3 =	simm.s32 $0x108;
	s8 =	sld [smem:$0x3FB2]  }
0x2e: {  	s3 =	simm.s32 @!p0 $0x1082;
	s9 =	sld [smem:$0x3FB3]  }
0x2f: {  	lr =	sadd.s32 s0, s3;
	s0 =	sld [smem:$0x3FAA]  }
0x30: {  	s3 =	sld [smem:$0x3FAD]  }
0x31: {  	[smem:$0x3FB6] =	sst s10  }
0x32: {  	s10 =	sld [smem:$0x3FB4];
	_ =	sdelay $0x3  }
0x33: {  	p0 =	seq.s32 s10, $0x1;
	s10 =	sld [smem:$0x3FB6];
	_ =	sdelay $0x3  }
0x34: {  	[smem:$0x3FB6] =	sst s10  }
0x35: {  	s10 =	sld [smem:$0x3FB5];
	_ =	sdelay $0x3  }
0x36: {  	p1 =	seq.s32 s10, $0x1;
	s10 =	sld [smem:$0x3FB6];
	_ =	sdelay $0x3  }
0x37: {  	[smem:$0x3FB6] =	sst s10  }
0x38: {  	s10 =	sld [smem:$0x3FB7]  }
0x39: {  	_ = 	snop;
	(pc) =	sbr.ind lr, $3  }
0x3a: {  	_ = 	snop  }
0x3b: {  	_ = 	snop  }
0x3c: {  	p2 =	seq.s32 s10, $0x1;
	s10 =	sld [smem:$0x3FB6]  }
0x3d: {  	_ =	shalt  }
0x3e: {  	_ =	shalt  }
0x3f: {  	_ =	shalt  }
0x40: {  	_ =	shalt  }
0x41: {  	_ =	shalt  }
0x42: {  	_ =	shalt  }
0x43: {  	_ =	shalt  }
0x44: {  	_ =	shalt  }
0x45: {  	_ =	shalt  }
0x46: {  	_ =	shalt  }
0x47: {  	_ =	shalt  }
0x48: {  	_ =	shalt  }
0x49: {  	_ =	shalt  }
0x4a: {  	_ =	shalt  }
0x4b: {  	_ =	shalt  }
0x4c: {  	_ =	shalt  }
0x4d: {  	_ =	shalt  }
0x4e: {  	_ =	shalt  }
0x4f: {  	_ =	shalt  }
0x50: {  	_ =	shalt  }
0x51: {  	_ =	shalt  }
0x52: {  	_ =	shalt  }
0x53: {  	_ =	shalt  }
0x54: {  	_ =	shalt  }
0x55: {  	_ =	shalt  }
0x56: {  	_ =	shalt  }
0x57: {  	_ =	shalt  }
0x58: {  	_ =	shalt  }
0x59: {  	_ =	shalt  }
0x5a: {  	_ =	shalt  }
0x5b: {  	_ =	shalt  }
0x5c: {  	_ =	shalt  }
0x5d: {  	_ =	shalt  }
0x5e: {  	_ =	shalt  }
0x5f: {  	_ =	shalt  }
0x60: {  	_ =	shalt  }
0x61: {  	_ =	shalt  }
0x62: {  	_ =	shalt  }
0x63: {  	_ =	shalt  }
0x64: {  	_ =	shalt  }
0x65: {  	_ =	shalt  }
0x66: {  	_ =	shalt  }
0x67: {  	_ =	shalt  }
0x68: {  	_ =	shalt  }
0x69: {  	_ =	shalt  }
0x6a: {  	_ =	shalt  }
0x6b: {  	_ =	shalt  }
0x6c: {  	_ =	shalt  }
0x6d: {  	_ =	shalt  }
0x6e: {  	_ =	shalt  }
0x6f: {  	_ =	shalt  }
0x70: {  	_ =	shalt  }
0x71: {  	_ =	shalt  }
0x72: {  	_ =	shalt  }
0x73: {  	_ =	shalt  }
0x74: {  	_ =	shalt  }
0x75: {  	_ =	shalt  }
0x76: {  	_ =	shalt  }
0x77: {  	_ =	shalt  }
0x78: {  	_ =	shalt  }
0x79: {  	_ =	shalt  }
0x7a: {  	_ =	shalt  }
0x7b: {  	_ =	shalt  }
0x7c: {  	_ =	shalt  }
0x7d: {  	_ =	shalt  }
0x7e: {  	_ =	shalt  }
0x7f: {  	_ =	shalt  }
0x80: {  	_ =	shalt  }
0x81: {  	_ =	shalt  }
0x82: {  	_ =	shalt  }
0x83: {  	_ =	shalt  }
0x84: {  	_ =	shalt  }
0x85: {  	_ =	shalt  }
0x86: {  	_ =	shalt  }
0x87: {  	_ =	shalt  }
.Lfunc_end0:
.L_simem_size_0:
called_computation.2_lowered:
.L_overlay_start_0:
0x88: {  	s2 =	sld [smem:$0x3FD9]  }
0x89: {  	s3 =	sld [smem:$0x3FFE];
	_ =	sdelay $0x1  }
0x8a: {  	s1 =	srdreg.scid  }
0x8b: {  	s0 =	sand.u32 $0x1, s1  }
0x8c: {  	s17 =	sshll.u32 s0, $0xA;
	s2 =	sadd.s32 s3, s2  }
0x8d: {  	s2 =	sadd.s32 s2, s17  }
0x8e: {  	[smem:$0x3FC2] =	sst s2  }
0x8f: {  	_ = 	snop  }
0x90: {  	s2 =	sld [smem:$0x3FD0];
	(tm) =	ssettm $0x1  }
0x91: {  	s18 =	sld [smem:$0x3FFB];
	_ =	sdelay $0x3  }
0x92: {  	_ =	strace s18  }
0x93: {  	s3 =	sld [smem:$0x3FFC];
	_ =	sdelay $0x3  }
0x94: {  	_ =	strace s3  }
0x95: {  	s3 =	sld [smem:$0x3FFD];
	_ =	sdelay $0x3  }
0x96: {  	_ =	strace s3  }
0x97: {  	_ =	strace $0x8FFFFFFF  }
0x98: {  	s19 =	sld [smem:$0x3FDB];
	_ =	sdelay $0x1  }
0x99: {  	s4 =	simm.s32 $_scs_section_size  }
0x9a: {  	s5 =	simm.s32 $_size__tile_overlayer_lowered;
	s6 =	simm.s32 $_tile_overlayer_lowered  }
0x9b: {  	s22 =	simm.s32 $0x1BFF;
	s21 =	sshll.u32 s6, $0x1;
	s3 =	sadd.s32 s4, s19  }
0x9c: {  	s7 =	simm.s32 $0x0;
	s20 =	sshll.u32 s5, $0x1;
	s5 =	sadd.s32 s21, s3  }
0x9d: {  	[timem:s7], [sflag:s22] =	dma.local [hbm:s5], s20  }
0x9e: {  	_ =	swait.ge [sflag:s22], s20  }
0x9f: {  	s4 =	ssub.s32 $0x0, s20;
	[sflag:s22] =	ssyncset.done $0x0  }
0xa0: {  	[sflag:s22] =	ssyncadd.s32 s4;
	_ =	sdelay $0x1  }
0xa1: {  	s23 =	simm.s32 $0x1B8B  }
0xa2: {  	_ =	swait.ge [sflag:s23], $0x1  }
0xa3: {  	[sflag:s23] =	ssyncset.done $0x0  }
0xa4: {  	s25 =	simm.s32 $0x1B8E;
	s24 =	sld [smem:$0x3FFE];
	[sflag:s23] =	ssyncadd.s32 $0xFFFFFFFF  }
0xa5: {  	s26 =	simm.s32 $execute0_lowered;
	[smem:$0x3FD2] =	sst s25  }
0xa6: {  	s5 =	sshll.u32 s26, $0x1;
	_ =	strace $0x8000004C;
	[dreg:$0x1] =	wrdreg $0xFFFFFFFF  }
0xa7: {  	s28 =	simm.s32 $_size_execute0_lowered;
	s3 =	sadd.s32 s3, s5;
	[dreg:$0x0] =	wrdreg $0x0  }
0xa8: {  	s5 =	sshll.u32 s28, $0x1;
	[dreg:$0x2] =	wrdreg s3  }
0xa9: {  	[dreg:$0x3] =	wrdreg s5  }
0xaa: {  	[dreg:$0x4] =	wrdreg $0xC0  }
0xab: {  	_ =	task [dreg:s7], $0x5FFFF  }
0xac: {  	[dreg:$0x1] =	wrdreg $0xFFFFFFFF  }
0xad: {  	[dreg:$0x0] =	wrdreg $0x60  }
0xae: {  	[dreg:$0x2] =	wrdreg s24  }
0xaf: {  	[dreg:$0x3] =	wrdreg s2  }
0xb0: {  	[dreg:$0x4] =	wrdreg $0x6F400  }
0xb1: {  	[dreg:$0x5] =	wrdreg $0x9  }
0xb2: {  	_ =	task.clear_ibuf [dreg:s7], $0x6FFFF;
	_ =	strace $0x9000004C  }
0xb3: {  	s29 =	simm.s32 $0x9;
	_ =	strace $0x8000004E  }
0xb4: {  	_ =	swait.ge [sflag:s29], $0x1  }
0xb5: {  	[sflag:s29] =	ssyncadd.s32 $0xFFFFFFFF  }
0xb6: {  	_ =	strace $0x9000004E  }
0xb7: {  	_ =	sfence  }
0xb8: {  	s30 =	sld [smem:$0x0];
	_ =	sdelay $0x2  }
0xb9: {  	s31 =	sshll.u32 s1, $0xD;
	s1 =	sshrl.u32 s1, $0x2  }
0xba: {  	s3 =	sand.u32 $0x4000, s31;
	s1 =	sadd.s32 s1, s30  }
0xbb: {  	s0 =	sor.u32 s3, s0;
	s1 =	sshll.u32 s1, $0x11  }
0xbc: {  	s0 =	sor.u32 s1, s0  }
0xbd: {  	s0 =	sadd.s32 $0x8F2B, s0  }
0xbe: {  	[sflag:s0] =	ssyncadd.remote.s32 $0x1  }
0xbf: {  	_ =	sfence.sel $0xFFFF  }
0xc0: {  	[dreg:$0x0] =	wrdreg $0xFFFFFFFF;
	(pc) =	sbr.abs _section_cstart, $3  }
0xc1: {  	[dreg:$0x1] =	wrdreg $0xFFFFFFFF  }
0xc2: {  	_ =	task.clear_ibuf [dreg:s7], $0x2FFFF;
	_ =	strace $0x9FFFFFFF  }
0xc3: {  	(tm) =	ssettm $0x7FFFFFFF  }
tec
execute0_lowered:
.L_overlay_start_1:
0x0: {  	(tag) =	ssettag $0x1  }
0x1: {  	s0 =	rddreg [dreg:$0x0];
	s1 =	srdreg.scid  }
0x2: {  	s5 =	stileid.u32;
	s3 =	rddreg [dreg:$0x2];
	s4 =	simm.s32 $0x0  }
0x3: {  	s11 =	simm.s32 $0x9;
	s13 =	simm.s32 $0x4740;
	s14 =	simm.s32 $0x7D  }
0x4: {  	s15 =	simm.s32 $0x2800;
	s17 =	simm.s32 $0x2FD0;
	s19 =	simm.s32 $0x37A0  }
0x5: {  	s21 =	simm.s32 $0x3F70;
	s22 =	simm.s32 $0x1;
	s23 =	simm.s32 $0x2  }
0x6: {  	s24 =	simm.s32 $0x3;
	s28 =	simm.s32 $0x6;
	s6 =	smul.u32 $0x1400, s5  }
0x7: {  	s29 =	simm.s32 $0x7;
	s1 =	sand.u32 $0x1, s1;
	s8 =	smul.u32 $0x2800, s5  }
0x8: {  	s30 =	simm.s32 $0x8;
	s31 =	simm.s32 $0x2600;
	s2 =	smul.u32 $0x14000, s1  }
0x9: {  	s12 =	simm.s32 $0x0;
	[smem:$0x7FF] =	sst s4;
	s7 =	smul.u32 $0x28000, s1  }
0xa: {  	s5 =	sadd.s32 $0x2800, s0;
	_ =	strace $0x8000004D;
	s1 =	ssub.s32 $0x2, s1  }
0xb: {  	s26 =	sshrl.u32 s1, $0x1;
	s2 =	sadd.s32 s6, s2;
	s25 =	sadd.s32 s8, s7  }
0xc: {  	s1 =	ssub.s32 s1, s26;
	s8 =	sadd.s32 s8, s3;
	s26 =	simm.s32 $0x5  }
0xd: {  	s2 =	sshrl.u32 s2, $0x3;
	s6 =	sshrl.u32 s25, $0x3;
	s10 =	smax.u32 s1, $0x1  }
0xe: {  	s25 =	simm.s32 $0x4;
	s1 =	simm.s32 $0x2680;
	s2 =	sadd.s32 s2, s0  }
0xf: {  	s0 =	sadd.s32 s6, s0;
	s6 =	sadd.s32 $0xAFC00, s2;
	s7 =	sadd.s32 $0xC800, s2  }
0x10: {  	s9 =	sadd.s32 $0x11800, s0;
	s2 =	simm.s32 $0x2700;
	s0 =	simm.s32 $0x2780  }
.LBB2_1:
0x11: {  	[tilespmem:s4], [sflag:$0x9] =	stream.linear.gather [hbm4b:s6+s4], $0x1400, $0x38;
	[tilespmem:$0x9740] =	vst v63  }
0x12: {  	_ =	swait.ge [sflag:s11], $0x1400  }
0x13: {  	[sflag:s11] =	ssyncset.done $0x0  }
0x14: {  	s16 =	simm.s32 $0x1400;
	[sflag:s11] =	ssyncadd.s32 $0xFFFFEC00  }
0x15: {  	[tilespmem:s16], [sflag:$0x9] =	stream.linear.gather [hbm4b:s7+s4], $0x1400, $0x38;
	[tilespmem:$0x9740] =	vst v63  }
0x16: {  	_ =	swait.ge [sflag:s11], $0x1400  }
0x17: {  	[sflag:s11] =	ssyncset.done $0x0  }
0x18: {  	[sflag:s11] =	ssyncadd.s32 $0xFFFFEC00  }
0x19: {  	s20 =	rddreg [dreg:$0x1]  }
0x1a: {  	[tilespmem:s13], [sflag:$0x9] =	stream.linear.gather [hbm4b:s20+s4], $0x2800, $0x38;
	[tilespmem:$0x9740] =	vst v63  }
0x1b: {  	_ =	swait.ge [sflag:s11], $0x2800  }
0x1c: {  	[sflag:s11] =	ssyncset.done $0x0  }
0x1d: {  	[sflag:s11] =	ssyncadd.s32 $0xFFFFD800  }
0x1e: {  	[spmem:s8] =	stream.linear.scatter [tilespmem:s13], [sflag:$0x9], $0x2800, $0x38;
	[tilespmem:$0x9740] =	vst v63  }
0x1f: {  	_ =	swait.ge [sflag:s11], $0x2800  }
0x20: {  	[sflag:s11] =	ssyncset.done $0x0  }
0x21: {  	[sflag:s11] =	ssyncadd.s32 $0xFFFFD800  }
0x22: {  	[bflag:$0x0] =	sbarrier.arrive $0xFFFF  }
0x23: {  	[tilespmem:s15], [sflag:$0x1] =	stream.indirect.gather [hbm4b:s5+s14], $0x10, s4, s14, $0xb8;
	[tilespmem:$0x9740] =	vst v63  }
0x24: {  	s18 =	simm.s32 $0x80  }
0x25: {  	[tilespmem:s17], [sflag:$0x2] =	stream.indirect.gather [hbm4b:s5+s14], $0x10, s18, s14, $0xb8;
	[tilespmem:$0x9740] =	vst v63  }
0x26: {  	s20 =	simm.s32 $0x100  }
0x27: {  	[tilespmem:s19], [sflag:$0x3] =	stream.indirect.gather [hbm4b:s5+s14], $0x10, s20, s14, $0xb8;
	[tilespmem:$0x9740] =	vst v63  }
0x28: {  	s18 =	simm.s32 $0x180  }
0x29: {  	[tilespmem:s21], [sflag:$0x4] =	stream.indirect.gather [hbm4b:s5+s14], $0x10, s18, s14, $0xb8;
	[tilespmem:$0x9740] =	vst v63  }
0x2a: {  	_ =	swait.ge [sflag:s22], $0x7D0  }
0x2b: {  	[sflag:s22] =	ssyncset.done $0x0  }
0x2c: {  	s20 =	simm.s32 $0x1400;
	[sflag:s22] =	ssyncadd.s32 $0xFFFFF830  }
0x2d: {  	[spmem:s3] =	stream.indirect.scatter.add.f32 [tilespmem:s15], [sflag:$0x5], $0x10, s20, s14, $0xb8;
	[tilespmem:$0x9740] =	vst v63  }
0x2e: {  	_ =	swait.ge [sflag:s23], $0x7D0  }
0x2f: {  	[sflag:s23] =	ssyncset.done $0x0  }
0x30: {  	s18 =	simm.s32 $0x1480;
	[sflag:s23] =	ssyncadd.s32 $0xFFFFF830  }
0x31: {  	[spmem:s3] =	stream.indirect.scatter.add.f32 [tilespmem:s17], [sflag:$0x6], $0x10, s18, s14, $0xb8;
	[tilespmem:$0x9740] =	vst v63  }
0x32: {  	_ =	swait.ge [sflag:s24], $0x7D0  }
0x33: {  	[sflag:s24] =	ssyncset.done $0x0  }
0x34: {  	s20 =	simm.s32 $0x1500;
	[sflag:s24] =	ssyncadd.s32 $0xFFFFF830  }
0x35: {  	[spmem:s3] =	stream.indirect.scatter.add.f32 [tilespmem:s19], [sflag:$0x7], $0x10, s20, s14, $0xb8;
	[tilespmem:$0x9740] =	vst v63  }
0x36: {  	_ =	swait.ge [sflag:s25], $0x7D0  }
0x37: {  	[sflag:s25] =	ssyncset.done $0x0  }
0x38: {  	s18 =	simm.s32 $0x1580;
	[sflag:s25] =	ssyncadd.s32 $0xFFFFF830  }
0x39: {  	[spmem:s3] =	stream.indirect.scatter.add.f32 [tilespmem:s21], [sflag:$0x8], $0x10, s18, s14, $0xb8;
	[tilespmem:$0x9740] =	vst v63  }
0x3a: {  	_ =	swait.ge [sflag:s26], $0x7D0  }
0x3b: {  	[sflag:s26] =	ssyncset.done $0x0  }
0x3c: {  	s20 =	simm.s32 $0x200;
	[sflag:s26] =	ssyncadd.s32 $0xFFFFF830  }
0x3d: {  	[tilespmem:s15], [sflag:$0x1] =	stream.indirect.gather [hbm4b:s5+s14], $0x10, s20, s14, $0xb8;
	[tilespmem:$0x9740] =	vst v63  }
0x3e: {  	_ =	swait.ge [sflag:s28], $0x7D0  }
0x3f: {  	[sflag:s28] =	ssyncset.done $0x0  }
0x40: {  	s18 =	simm.s32 $0x280;
	[sflag:s28] =	ssyncadd.s32 $0xFFFFF830  }
0x41: {  	[tilespmem:s17], [sflag:$0x2] =	stream.indirect.gather [hbm4b:s5+s14], $0x10, s18, s14, $0xb8;
	[tilespmem:$0x9740] =	vst v63  }
0x42: {  	_ =	swait.ge [sflag:s29], $0x7D0  }
0x43: {  	[sflag:s29] =	ssyncset.done $0x0  }
0x44: {  	s20 =	simm.s32 $0x300;
	[sflag:s29] =	ssyncadd.s32 $0xFFFFF830  }
0x45: {  	[tilespmem:s19], [sflag:$0x3] =	stream.indirect.gather [hbm4b:s5+s14], $0x10, s20, s14, $0xb8;
	[tilespmem:$0x9740] =	vst v63  }
0x46: {  	_ =	swait.ge [sflag:s30], $0x7D0  }
0x47: {  	[sflag:s30] =	ssyncset.done $0x0  }
0x48: {  	s16 =	simm.s32 $0x800;
	s18 =	simm.s32 $0x380;
	[sflag:s30] =	ssyncadd.s32 $0xFFFFF830  }
.LBB2_2:
0x49: {  	[tilespmem:s21], [sflag:$0x4] =	stream.indirect.gather [hbm4b:s5+s14], $0x10, s18, s14, $0xb8;
	[tilespmem:$0x9740] =	vst v63  }
0x4a: {  	s18 =	smov.u32 s16  }
0x4b: {  	p0 =	sne.s32 s16, $0x4000;
	s16 =	sadd.s32 $0x800, s16;
	_ =	swait.ge [sflag:s22], $0x7D0  }
0x4c: {  	s18 =	sshra.s32 s18, $0x2;
	[sflag:s22] =	ssyncset.done $0x0  }
0x4d: {  	s20 =	sadd.s32 $0x1400, s18;
	[sflag:s22] =	ssyncadd.s32 $0xFFFFF830  }
0x4e: {  	[spmem:s3] =	stream.indirect.scatter.add.f32 [tilespmem:s15], [sflag:$0x5], $0x10, s20, s14, $0xb8;
	[tilespmem:$0x9740] =	vst v63  }
0x4f: {  	_ =	swait.ge [sflag:s23], $0x7D0  }
0x50: {  	[sflag:s23] =	ssyncset.done $0x0  }
0x51: {  	s20 =	sadd.s32 $0x1480, s18;
	[sflag:s23] =	ssyncadd.s32 $0xFFFFF830  }
0x52: {  	[spmem:s3] =	stream.indirect.scatter.add.f32 [tilespmem:s17], [sflag:$0x6], $0x10, s20, s14, $0xb8;
	[tilespmem:$0x9740] =	vst v63  }
0x53: {  	_ =	swait.ge [sflag:s24], $0x7D0  }
0x54: {  	[sflag:s24] =	ssyncset.done $0x0  }
0x55: {  	s20 =	sadd.s32 $0x1500, s18;
	[sflag:s24] =	ssyncadd.s32 $0xFFFFF830  }
0x56: {  	[spmem:s3] =	stream.indirect.scatter.add.f32 [tilespmem:s19], [sflag:$0x7], $0x10, s20, s14, $0xb8;
	[tilespmem:$0x9740] =	vst v63  }
0x57: {  	_ =	swait.ge [sflag:s25], $0x7D0  }
0x58: {  	[sflag:s25] =	ssyncset.done $0x0  }
0x59: {  	s20 =	sadd.s32 $0x1580, s18;
	[sflag:s25] =	ssyncadd.s32 $0xFFFFF830  }
0x5a: {  	[spmem:s3] =	stream.indirect.scatter.add.f32 [tilespmem:s21], [sflag:$0x8], $0x10, s20, s14, $0xb8;
	[tilespmem:$0x9740] =	vst v63  }
0x5b: {  	_ =	swait.ge [sflag:s26], $0x7D0  }
0x5c: {  	[sflag:s26] =	ssyncset.done $0x0  }
0x5d: {  	s20 =	sadd.s32 $0x200, s18;
	[sflag:s26] =	ssyncadd.s32 $0xFFFFF830  }
0x5e: {  	[tilespmem:s15], [sflag:$0x1] =	stream.indirect.gather [hbm4b:s5+s14], $0x10, s20, s14, $0xb8;
	[tilespmem:$0x9740] =	vst v63  }
0x5f: {  	_ =	swait.ge [sflag:s28], $0x7D0  }
0x60: {  	[sflag:s28] =	ssyncset.done $0x0  }
0x61: {  	s20 =	sadd.s32 $0x280, s18;
	[sflag:s28] =	ssyncadd.s32 $0xFFFFF830  }
0x62: {  	[tilespmem:s17], [sflag:$0x2] =	stream.indirect.gather [hbm4b:s5+s14], $0x10, s20, s14, $0xb8;
	[tilespmem:$0x9740] =	vst v63  }
0x63: {  	_ =	swait.ge [sflag:s29], $0x7D0  }
0x64: {  	[sflag:s29] =	ssyncset.done $0x0  }
.Ltmp0:
0x65: {  	s20 =	sadd.s32 $0x300, s18;
	[sflag:s29] =	ssyncadd.s32 $0xFFFFF830;
	(pc) =	sbr.rel @p0 .LBB2_2-.Ltmp0, $4  }
0x66: {  	[tilespmem:s19], [sflag:$0x3] =	stream.indirect.gather [hbm4b:s5+s14], $0x10, s20, s14, $0xb8;
	[tilespmem:$0x9740] =	vst v63  }
0x67: {  	_ =	swait.ge [sflag:s30], $0x7D0  }
0x68: {  	[sflag:s30] =	ssyncset.done $0x0  }
0x69: {  	s18 =	sadd.s32 $0x380, s18;
	[sflag:s30] =	ssyncadd.s32 $0xFFFFF830  }
0x6a: {  	[tilespmem:s21], [sflag:$0x4] =	stream.indirect.gather [hbm4b:s5+s14], $0x10, s18, s14, $0xb8;
	[tilespmem:$0x9740] =	vst v63  }
0x6b: {  	_ =	swait.ge [sflag:s22], $0x7D0  }
0x6c: {  	[sflag:s22] =	ssyncset.done $0x0  }
0x6d: {  	[sflag:s22] =	ssyncadd.s32 $0xFFFFF830  }
0x6e: {  	[spmem:s3] =	stream.indirect.scatter.add.f32 [tilespmem:s15], [sflag:$0x5], $0x10, s31, s14, $0xb8;
	[tilespmem:$0x9740] =	vst v63  }
0x6f: {  	_ =	swait.ge [sflag:s23], $0x7D0  }
0x70: {  	[sflag:s23] =	ssyncset.done $0x0  }
0x71: {  	[sflag:s23] =	ssyncadd.s32 $0xFFFFF830  }
0x72: {  	[spmem:s3] =	stream.indirect.scatter.add.f32 [tilespmem:s17], [sflag:$0x6], $0x10, s1, s14, $0xb8;
	[tilespmem:$0x9740] =	vst v63  }
0x73: {  	_ =	swait.ge [sflag:s24], $0x7D0  }
0x74: {  	[sflag:s24] =	ssyncset.done $0x0  }
0x75: {  	[sflag:s24] =	ssyncadd.s32 $0xFFFFF830  }
0x76: {  	[spmem:s3] =	stream.indirect.scatter.add.f32 [tilespmem:s19], [sflag:$0x7], $0x10, s2, s14, $0xb8;
	[tilespmem:$0x9740] =	vst v63  }
0x77: {  	_ =	swait.ge [sflag:s25], $0x7D0  }
0x78: {  	[sflag:s25] =	ssyncset.done $0x0  }
0x79: {  	[sflag:s25] =	ssyncadd.s32 $0xFFFFF830  }
0x7a: {  	[spmem:s3] =	stream.indirect.scatter.add.f32 [tilespmem:s21], [sflag:$0x8], $0x10, s0, s14, $0xb8;
	[tilespmem:$0x9740] =	vst v63  }
0x7b: {  	_ =	swait.ge [sflag:s26], $0x7D0  }
0x7c: {  	[sflag:s26] =	ssyncset.done $0x0  }
0x7d: {  	[sflag:s26] =	ssyncadd.s32 $0xFFFFF830  }
0x7e: {  	_ =	swait.ge [sflag:s28], $0x7D0  }
0x7f: {  	[sflag:s28] =	ssyncset.done $0x0  }
0x80: {  	[sflag:s28] =	ssyncadd.s32 $0xFFFFF830  }
0x81: {  	_ =	swait.ge [sflag:s29], $0x7D0  }
0x82: {  	[sflag:s29] =	ssyncset.done $0x0  }
0x83: {  	[sflag:s29] =	ssyncadd.s32 $0xFFFFF830  }
0x84: {  	s16 =	stileid.u32;
	_ =	swait.ge [sflag:s30], $0x7D0  }
0x85: {  	s20 =	sshrl.u32 s8, $0x3;
	s12 =	sadd.s32 $0x1, s12;
	[sflag:s30] =	ssyncset.done $0x0  }
0x86: {  	s16 =	sshll.u32 s16, $0x6;
	p0 =	sne.s32 s12, s10;
	[sflag:s30] =	ssyncadd.s32 $0xFFFFF830  }
.Ltmp1:
0x87: {  	s16 =	sor.u32 $0x1C09, s16;
	[bflag:$0x0] =	sbarrier.arrive $0xFFFF;
	(pc) =	sbr.rel @p0 .LBB2_1-.Ltmp1, $4  }
0x88: {  	[hbm:s9], [sflag:s16] =	dma.local [spmem:s20], $0x500  }
0x89: {  	_ =	swait.ge [sflag:s11], $0x500  }
0x8a: {  	[sflag:s11] =	ssyncset.done $0x0  }
0x8b: {  	[sflag:s11] =	ssyncadd.s32 $0xFFFFFB00  }
0x8c: {  	_ =	sfence.sel $0x180000  }
0x8d: {  	[bflag:$0x0] =	sbarrier.arrive $0xFFFF  }
0x8e: {  	_ =	strace $0x9000004D  }
0x8f: {  	s0 =	stileid.u32;
	[bflag:$0x2] =	sbarrier.arrive $0xFFFF  }
0x90: {  	p0 =	sne.s32 s0, $0x0;
	s0 =	rddreg [dreg:$0x3]  }
0x91: {  	s0 =	sadd.s32 @!p0 $0x100000, s0  }
0x92: {  	[sflag:s0] =	ssyncadd.tile.s32 @!p0 $0x1;
	_ =	shalt  }
.Lfunc_end2:
_tile_overlayer_lowered:
.L_overlay_start_2:
0x93: {  	(tag) =	ssettag $0x2  }
0x94: {  	s0 =	rddreg [dreg:$0x0];
	s2 =	stileid.u32  }
0x95: {  	s1 =	rddreg [dreg:$0x1];
	p0 =	sne.s32 s2, $0x0  }
0x96: {  	s3 =	rddreg [dreg:$0x2];
	[bflag:$0x3] =	sbarrier.arrive $0xFFFF;
	s2 =	simm.s32 @!p0 $0x1C09  }
0x97: {  	[timem:s3], [sflag:s2] =	dma.local @!p0 [hbm:s0], s1  }
0x98: {  	s0 =	simm.s32 @!p0 $0x9  }
0x99: {  	_ =	swait.ge @!p0 [sflag:s0], s1  }
0x9a: {  	s1 =	ssub.s32 @!p0 $0x0, s1;
	[sflag:s0] =	ssyncset.done @!p0 $0x0  }
0x9b: {  	[sflag:s0] =	ssyncadd.s32 @!p0 s1  }
0x9c: {  	[bflag:$0x3] =	sbarrier.arrive $0xFFFF  }
0x9d: {  	_ =	shalt  }

// kernel: kernel.8.cloned.1.call-start
scs
__scs_entry_jumppad:
0x0: {  	(pc) =	sbr.rel $0x88, $3  }
0x1: {  	(tag) =	ssettag $0x0;
	lr =	simm.s32 $0x1  }
0x2: {  	[smem:$0x3F9B] =	sst lr;
	_ =	strace $0xD0000000  }
0x3: {  	_ = 	snop  }
0x4: {  	_ = 	snop  }
0x5: {  	_ = 	snop  }
0x6: {  	_ = 	snop  }
0x7: {  	_ = 	snop  }
__scs_overlays_trampoline_lowered:
0x8: {  	[smem:$0x3FAA] =	sst s0  }
0x9: {  	[smem:$0x3FAB] =	sst s1  }
0xa: {  	[smem:$0x3FAC] =	sst s2  }
0xb: {  	[smem:$0x3FAD] =	sst s3  }
0xc: {  	[smem:$0x3FAE] =	sst s4  }
0xd: {  	[smem:$0x3FAF] =	sst s5  }
0xe: {  	[smem:$0x3FB0] =	sst s6  }
0xf: {  	[smem:$0x3FB1] =	sst s7  }
0x10: {  	[smem:$0x3FB2] =	sst s8  }
0x11: {  	[smem:$0x3FB3] =	sst s9;
	s0 =	simm.s32 @!p0 $0x0  }
0x12: {  	s1 =	sld [smem:$0x3F99];
	s0 =	simm.s32 @p0 $0x1  }
0x13: {  	[smem:$0x3FB4] =	sst s0;
	s0 =	simm.s32 @!p1 $0x0  }
0x14: {  	s2 =	sld [smem:$0x3F98];
	s0 =	simm.s32 @p1 $0x1  }
0x15: {  	[smem:$0x3FB5] =	sst s0;
	s0 =	simm.s32 @!p2 $0x0  }
0x16: {  	s3 =	sld [smem:$0x3FDB];
	s0 =	simm.s32 @p2 $0x1  }
0x17: {  	s4 =	simm.s32 $0x1BF5;
	[smem:$0x3FB7] =	sst s0  }
0x18: {  	s0 =	sld [smem:$0x3F9A];
	_ =	swait.ge [sflag:s4], $0x0  }
0x19: {  	s7 =	sld [smem:$0x3F9B]  }
0x1a: {  	s8 =	sadd.s32 $0xFFFFE003, lr  }
0x1b: {  	s9 =	sadd.s32 $0xFFFFFEF7, lr;
	s5 =	simm.s32 $0xFFFFFFFF;
	p2 =	slt.u32 s8, $0xFFFFF086  }
0x1c: {  	p1 =	slt.u32 s9, $0xF7A;
	s5 =	simm.s32 @!p2 $0x0  }
0x1d: {  	s5 =	simm.s32 @p1 $0x1;
	p0 =	seq.s32 s7, s2  }
0x1e: {  	s7 =	smul.u32 @!p0 $0xF7A, s2;
	p2 =	seq.s32 @!p0 s5, $0x0  }
0x1f: {  	s9 =	smul.u32 $0xF7A, s1;
	s8 =	simm.s32 @!p0 $0x1BF5;
	p2 =	por !p2, p0  }
0x20: {  	[sflag:s8] =	ssyncset.s32 @!p0 $0xFFFFF086;
	s6 =	sadd.s32 @!p0 s3, s7;
	s7 =	simm.s32 @!p0 $0x108  }
0x21: {  	s3 =	sadd.s32 s3, s9;
	s6 =	sadd.s32 @!p0 $0x88, s6;
	s7 =	simm.s32 @p2 $0x1082  }
0x22: {  	[simem:s7], [sflag:s8] =	dma.local @!p0 [hbm:s6], $0xF7A  }
0x23: {  	s9 =	sor.u32 $0xD0000000, s2;
	s6 =	simm.s32 $0x108;
	_ =	swait.ge @!p0 [sflag:s8], $0x0  }
0x24: {  	s3 =	sadd.s32 $0x88, s3;
	s6 =	simm.s32 @!p1 $0x1082;
	[sflag:s4] =	ssyncset.s32 $0xFFFFF086  }
0x25: {  	[simem:s6], [sflag:s4] =	dma.local [hbm:s3], $0xF7A  }
0x26: {  	[smem:$0x3F9B] =	sst s1;
	(tag) =	ssettag s2;
	_ =	strace s9  }
0x27: {  	s1 =	sld [smem:$0x3FAB]  }
0x28: {  	s2 =	sld [smem:$0x3FAC]  }
0x29: {  	s4 =	sld [smem:$0x3FAE]  }
0x2a: {  	p0 =	seq.s32 s5, $0x0;
	s5 =	sld [smem:$0x3FAF]  }
0x2b: {  	s6 =	sld [smem:$0x3FB0]  }
0x2c: {  	s7 =	sld [smem:$0x3FB1]  }
0x2d: {  	s3 =	simm.s32 $0x108;
	s8 =	sld [smem:$0x3FB2]  }
0x2e: {  	s3 =	simm.s32 @!p0 $0x1082;
	s9 =	sld [smem:$0x3FB3]  }
0x2f: {  	lr =	sadd.s32 s0, s3;
	s0 =	sld [smem:$0x3FAA]  }
0x30: {  	s3 =	sld [smem:$0x3FAD]  }
0x31: {  	[smem:$0x3FB6] =	sst s10  }
0x32: {  	s10 =	sld [smem:$0x3FB4];
	_ =	sdelay $0x3  }
0x33: {  	p0 =	seq.s32 s10, $0x1;
	s10 =	sld [smem:$0x3FB6];
	_ =	sdelay $0x3  }
0x34: {  	[smem:$0x3FB6] =	sst s10  }
0x35: {  	s10 =	sld [smem:$0x3FB5];
	_ =	sdelay $0x3  }
0x36: {  	p1 =	seq.s32 s10, $0x1;
	s10 =	sld [smem:$0x3FB6];
	_ =	sdelay $0x3  }
0x37: {  	[smem:$0x3FB6] =	sst s10  }
0x38: {  	s10 =	sld [smem:$0x3FB7]  }
0x39: {  	_ = 	snop;
	(pc) =	sbr.ind lr, $3  }
0x3a: {  	_ = 	snop  }
0x3b: {  	_ = 	snop  }
0x3c: {  	p2 =	seq.s32 s10, $0x1;
	s10 =	sld [smem:$0x3FB6]  }
0x3d: {  	_ =	shalt  }
0x3e: {  	_ =	shalt  }
0x3f: {  	_ =	shalt  }
0x40: {  	_ =	shalt  }
0x41: {  	_ =	shalt  }
0x42: {  	_ =	shalt  }
0x43: {  	_ =	shalt  }
0x44: {  	_ =	shalt  }
0x45: {  	_ =	shalt  }
0x46: {  	_ =	shalt  }
0x47: {  	_ =	shalt  }
0x48: {  	_ =	shalt  }
0x49: {  	_ =	shalt  }
0x4a: {  	_ =	shalt  }
0x4b: {  	_ =	shalt  }
0x4c: {  	_ =	shalt  }
0x4d: {  	_ =	shalt  }
0x4e: {  	_ =	shalt  }
0x4f: {  	_ =	shalt  }
0x50: {  	_ =	shalt  }
0x51: {  	_ =	shalt  }
0x52: {  	_ =	shalt  }
0x53: {  	_ =	shalt  }
0x54: {  	_ =	shalt  }
0x55: {  	_ =	shalt  }
0x56: {  	_ =	shalt  }
0x57: {  	_ =	shalt  }
0x58: {  	_ =	shalt  }
0x59: {  	_ =	shalt  }
0x5a: {  	_ =	shalt  }
0x5b: {  	_ =	shalt  }
0x5c: {  	_ =	shalt  }
0x5d: {  	_ =	shalt  }
0x5e: {  	_ =	shalt  }
0x5f: {  	_ =	shalt  }
0x60: {  	_ =	shalt  }
0x61: {  	_ =	shalt  }
0x62: {  	_ =	shalt  }
0x63: {  	_ =	shalt  }
0x64: {  	_ =	shalt  }
0x65: {  	_ =	shalt  }
0x66: {  	_ =	shalt  }
0x67: {  	_ =	shalt  }
0x68: {  	_ =	shalt  }
0x69: {  	_ =	shalt  }
0x6a: {  	_ =	shalt  }
0x6b: {  	_ =	shalt  }
0x6c: {  	_ =	shalt  }
0x6d: {  	_ =	shalt  }
0x6e: {  	_ =	shalt  }
0x6f: {  	_ =	shalt  }
0x70: {  	_ =	shalt  }
0x71: {  	_ =	shalt  }
0x72: {  	_ =	shalt  }
0x73: {  	_ =	shalt  }
0x74: {  	_ =	shalt  }
0x75: {  	_ =	shalt  }
0x76: {  	_ =	shalt  }
0x77: {  	_ =	shalt  }
0x78: {  	_ =	shalt  }
0x79: {  	_ =	shalt  }
0x7a: {  	_ =	shalt  }
0x7b: {  	_ =	shalt  }
0x7c: {  	_ =	shalt  }
0x7d: {  	_ =	shalt  }
0x7e: {  	_ =	shalt  }
0x7f: {  	_ =	shalt  }
0x80: {  	_ =	shalt  }
0x81: {  	_ =	shalt  }
0x82: {  	_ =	shalt  }
0x83: {  	_ =	shalt  }
0x84: {  	_ =	shalt  }
0x85: {  	_ =	shalt  }
0x86: {  	_ =	shalt  }
0x87: {  	_ =	shalt  }
.Lfunc_end0:
.L_simem_size_0:
called_computation_lowered:
.L_overlay_start_0:
0x88: {  	s2 =	sld [smem:$0x3FD9]  }
0x89: {  	s3 =	sld [smem:$0x3FFE];
	_ =	sdelay $0x1  }
0x8a: {  	s1 =	srdreg.scid  }
0x8b: {  	s0 =	sand.u32 $0x1, s1  }
0x8c: {  	s17 =	sshll.u32 s0, $0xA;
	s2 =	sadd.s32 s3, s2  }
0x8d: {  	s2 =	sadd.s32 s2, s17  }
0x8e: {  	[smem:$0x3FC2] =	sst s2  }
0x8f: {  	_ = 	snop  }
0x90: {  	s2 =	sld [smem:$0x3FD0];
	(tm) =	ssettm $0x1  }
0x91: {  	s18 =	sld [smem:$0x3FFB];
	_ =	sdelay $0x3  }
0x92: {  	_ =	strace s18  }
0x93: {  	s3 =	sld [smem:$0x3FFC];
	_ =	sdelay $0x3  }
0x94: {  	_ =	strace s3  }
0x95: {  	s3 =	sld [smem:$0x3FFD];
	_ =	sdelay $0x3  }
0x96: {  	_ =	strace s3  }
0x97: {  	_ =	strace $0x8FFFFFFF  }
0x98: {  	s19 =	sld [smem:$0x3FDB];
	_ =	sdelay $0x1  }
0x99: {  	s4 =	simm.s32 $_scs_section_size  }
0x9a: {  	s5 =	simm.s32 $_size__tile_overlayer_lowered;
	s6 =	simm.s32 $_tile_overlayer_lowered  }
0x9b: {  	s22 =	simm.s32 $0x1BFF;
	s21 =	sshll.u32 s6, $0x1;
	s3 =	sadd.s32 s4, s19  }
0x9c: {  	s7 =	simm.s32 $0x0;
	s20 =	sshll.u32 s5, $0x1;
	s5 =	sadd.s32 s21, s3  }
0x9d: {  	[timem:s7], [sflag:s22] =	dma.local [hbm:s5], s20  }
0x9e: {  	_ =	swait.ge [sflag:s22], s20  }
0x9f: {  	s4 =	ssub.s32 $0x0, s20;
	[sflag:s22] =	ssyncset.done $0x0  }
0xa0: {  	[sflag:s22] =	ssyncadd.s32 s4;
	_ =	sdelay $0x1  }
0xa1: {  	s23 =	simm.s32 $0x1B8B  }
0xa2: {  	_ =	swait.ge [sflag:s23], $0x1  }
0xa3: {  	[sflag:s23] =	ssyncset.done $0x0  }
0xa4: {  	s25 =	simm.s32 $0x1B8E;
	s24 =	sld [smem:$0x3FFE];
	[sflag:s23] =	ssyncadd.s32 $0xFFFFFFFF  }
0xa5: {  	s26 =	simm.s32 $execute0_lowered;
	[smem:$0x3FD2] =	sst s25  }
0xa6: {  	s5 =	sshll.u32 s26, $0x1;
	_ =	strace $0x80000046;
	[dreg:$0x1] =	wrdreg $0xFFFFFFFF  }
0xa7: {  	s28 =	simm.s32 $_size_execute0_lowered;
	s3 =	sadd.s32 s3, s5;
	[dreg:$0x0] =	wrdreg $0x0  }
0xa8: {  	s5 =	sshll.u32 s28, $0x1;
	[dreg:$0x2] =	wrdreg s3  }
0xa9: {  	[dreg:$0x3] =	wrdreg s5  }
0xaa: {  	[dreg:$0x4] =	wrdreg $0xC0  }
0xab: {  	_ =	task [dreg:s7], $0x5FFFF  }
0xac: {  	[dreg:$0x1] =	wrdreg $0xFFFFFFFF  }
0xad: {  	[dreg:$0x0] =	wrdreg $0x60  }
0xae: {  	[dreg:$0x2] =	wrdreg s24  }
0xaf: {  	[dreg:$0x3] =	wrdreg s2  }
0xb0: {  	[dreg:$0x4] =	wrdreg $0x17000  }
0xb1: {  	[dreg:$0x5] =	wrdreg $0x9  }
0xb2: {  	_ =	task.clear_ibuf [dreg:s7], $0x6FFFF;
	_ =	strace $0x90000046  }
0xb3: {  	s29 =	simm.s32 $0x9;
	_ =	strace $0x80000048  }
0xb4: {  	_ =	swait.ge [sflag:s29], $0x1  }
0xb5: {  	[sflag:s29] =	ssyncadd.s32 $0xFFFFFFFF  }
0xb6: {  	_ =	strace $0x90000048  }
0xb7: {  	_ =	sfence  }
0xb8: {  	s30 =	sld [smem:$0x0];
	_ =	sdelay $0x2  }
0xb9: {  	s31 =	sshll.u32 s1, $0xD;
	s1 =	sshrl.u32 s1, $0x2  }
0xba: {  	s3 =	sand.u32 $0x4000, s31;
	s1 =	sadd.s32 s1, s30  }
0xbb: {  	s0 =	sor.u32 s3, s0;
	s1 =	sshll.u32 s1, $0x11  }
0xbc: {  	s0 =	sor.u32 s1, s0  }
0xbd: {  	s0 =	sadd.s32 $0x8F2B, s0  }
0xbe: {  	[sflag:s0] =	ssyncadd.remote.s32 $0x1  }
0xbf: {  	_ =	sfence.sel $0xFFFF  }
0xc0: {  	[dreg:$0x0] =	wrdreg $0xFFFFFFFF;
	(pc) =	sbr.abs _section_cstart, $3  }
0xc1: {  	[dreg:$0x1] =	wrdreg $0xFFFFFFFF  }
0xc2: {  	_ =	task.clear_ibuf [dreg:s7], $0x2FFFF;
	_ =	strace $0x9FFFFFFF  }
0xc3: {  	(tm) =	ssettm $0x7FFFFFFF  }
tec
execute0_lowered:
.L_overlay_start_1:
0x0: {  	(tag) =	ssettag $0x1  }
0x1: {  	s6 =	rddreg [dreg:$0x0]  }
0x2: {  	s2 =	rddreg [dreg:$0x1]  }
0x3: {  	s0 =	srdreg.scid;
	s3 =	rddreg [dreg:$0x2]  }
0x4: {  	s1 =	rddreg [dreg:$0x3];
	s4 =	simm.s32 $0x0;
	s12 =	simm.s32 $0x1480  }
0x5: {  	s13 =	simm.s32 $0x7D;
	s16 =	simm.s32 $0x20;
	s7 =	sand.u32 $0x1, s0  }
0x6: {  	s17 =	simm.s32 $0x10;
	s0 =	stileid.u32;
	s5 =	smul.u32 $0x14000, s7  }
0x7: {  	s18 =	simm.s32 $0x0;
	[smem:$0x7FF] =	sst s4;
	s8 =	smul.u32 $0x1400, s0  }
0x8: {  	s29 =	smul.u32 $0x500, s0;
	_ =	strace $0x80000047;
	s9 =	sshll.u32 s7, $0x7  }
0x9: {  	s30 =	smul.u32 $0xA00, s0;
	s7 =	ssub.s32 $0x2, s7;
	s14 =	sshll.u32 s0, $0x6  }
0xa: {  	s31 =	sshrl.u32 s7, $0x1;
	s14 =	sor.u32 $0x1C01, s14;
	s5 =	sadd.s32 s8, s5  }
0xb: {  	s8 =	sor.u32 s9, s29;
	s9 =	sshrl.u32 s30, $0x2;
	s11 =	ssub.s32 s7, s31  }
0xc: {  	s5 =	sshrl.u32 s5, $0x3;
	s8 =	sshrl.u32 s8, $0x3;
	s7 =	sadd.s32 s9, s3  }
0xd: {  	s9 =	smax.u32 s11, $0x1;
	s11 =	simm.s32 $0x1400;
	s10 =	sadd.s32 s5, s6  }
0xe: {  	s5 =	sadd.s32 $0x11800, s6;
	s8 =	sadd.s32 s8, s6;
	s15 =	sshrl.u32 s7, $0x3  }
0xf: {  	s6 =	sadd.s32 $0xC800, s10;
	s8 =	sadd.s32 $0x11A00, s8;
	s10 =	simm.s32 $0x1  }
.LBB2_1:
0x10: {  	[tilespmem:s4], [sflag:$0x1] =	stream.linear.gather [hbm4b:s6+s4], $0x1400, $0x38;
	[tilespmem:$0x1980] =	vst v63  }
0x11: {  	_ =	swait.ge [sflag:s10], $0x1400  }
0x12: {  	[sflag:s10] =	ssyncset.done $0x0  }
0x13: {  	[sflag:s10] =	ssyncadd.s32 $0xFFFFEC00  }
0x14: {  	[tilespmem:s11], [sflag:$0x1] =	stream.linear.gather [hbm4b:s5+s4], $0x80, $0x38;
	[tilespmem:$0x1980] =	vst v63  }
0x15: {  	_ =	swait.ge [sflag:s10], $0x80  }
0x16: {  	[sflag:s10] =	ssyncset.done $0x0  }
0x17: {  	[sflag:s10] =	ssyncadd.s32 $0xFFFFFF80  }
0x18: {  	[tilespmem:s12], [sflag:$0x1] =	stream.linear.gather [hbm4b:s2+s4], $0x280, $0x38;
	[tilespmem:$0x1980] =	vst v63  }
0x19: {  	_ =	swait.ge [sflag:s10], $0x280  }
0x1a: {  	[sflag:s10] =	ssyncset.done $0x0  }
0x1b: {  	[sflag:s10] =	ssyncadd.s32 $0xFFFFFD80  }
0x1c: {  	[spmem:s7] =	stream.linear.scatter [tilespmem:s12], [sflag:$0x1], $0x280, $0x38;
	[tilespmem:$0x1980] =	vst v63  }
0x1d: {  	_ =	swait.ge [sflag:s10], $0x280  }
0x1e: {  	[sflag:s10] =	ssyncset.done $0x0  }
0x1f: {  	[sflag:s10] =	ssyncadd.s32 $0xFFFFFD80  }
0x20: {  	s19 =	simm.s32 $0x0;
	[bflag:$0x0] =	sbarrier.arrive $0xFFFF  }
0x21: {  	[spmem:s3] =	stream.indirect.scatter.add.f32 [tilespmem:s11], [sflag:$0x1], $0x1, s19, s13, $0xb8;
	[tilespmem:$0x1980] =	vst v63  }
0x22: {  	_ =	swait.ge [sflag:s10], $0x7D  }
0x23: {  	s19 =	simm.s32 $0x200;
	[sflag:s10] =	ssyncset.done $0x0  }
.LBB2_2:
0x24: {  	s20 =	sshra.s32 s19, $0x2;
	[sflag:s10] =	ssyncadd.s32 $0xFFFFFF83;
	p0 =	sne.s32 s19, $0x4E00  }
0x25: {  	[spmem:s3] =	stream.indirect.scatter.add.f32 [tilespmem:s11], [sflag:$0x1], $0x1, s20, s13, $0xb8;
	[tilespmem:$0x1980] =	vst v63  }
.Ltmp0:
0x26: {  	_ = 	snop;
	(pc) =	sbr.rel @p0 .LBB2_2-.Ltmp0, $4  }
0x27: {  	_ = 	snop  }
0x28: {  	s19 =	sadd.s32 $0x200, s19  }
0x29: {  	_ =	swait.ge [sflag:s10], $0x7D  }
0x2a: {  	[sflag:s10] =	ssyncset.done $0x0  }
0x2b: {  	s18 =	sadd.s32 $0x1, s18  }
0x2c: {  	[sflag:s10] =	ssyncadd.s32 $0xFFFFFF83;
	p0 =	sne.s32 s18, s9  }
.Ltmp1:
0x2d: {  	[bflag:$0x0] =	sbarrier.arrive $0xFFFF;
	(pc) =	sbr.rel @p0 .LBB2_1-.Ltmp1, $4  }
0x2e: {  	[hbm:s8@s16], [sflag:s14] =	dma.strided [spmem:s15@s17], $0x50, s10, $0x10   }
0x2f: {  	_ =	swait.ge [sflag:s10], $0x50  }
0x30: {  	[sflag:s10] =	ssyncset.done $0x0  }
0x31: {  	[sflag:s10] =	ssyncadd.s32 $0xFFFFFFB0  }
0x32: {  	_ =	sfence.sel $0x180000  }
0x33: {  	[bflag:$0x0] =	sbarrier.arrive $0xFFFF  }
0x34: {  	p0 =	sne.s32 s0, $0x0;
	_ =	strace $0x90000047  }
0x35: {  	s0 =	sadd.s32 @!p0 $0x100000, s1;
	[bflag:$0x2] =	sbarrier.arrive $0xFFFF  }
0x36: {  	[sflag:s0] =	ssyncadd.tile.s32 @!p0 $0x1;
	_ =	shalt  }
.Lfunc_end2:
_tile_overlayer_lowered:
.L_overlay_start_2:
0x37: {  	(tag) =	ssettag $0x2  }
0x38: {  	s0 =	rddreg [dreg:$0x0];
	s2 =	stileid.u32  }
0x39: {  	s1 =	rddreg [dreg:$0x1];
	p0 =	sne.s32 s2, $0x0  }
0x3a: {  	s3 =	rddreg [dreg:$0x2];
	[bflag:$0x3] =	sbarrier.arrive $0xFFFF;
	s2 =	simm.s32 @!p0 $0x1C01  }
0x3b: {  	[timem:s3], [sflag:s2] =	dma.local @!p0 [hbm:s0], s1  }
0x3c: {  	s0 =	simm.s32 @!p0 $0x1  }
0x3d: {  	_ =	swait.ge @!p0 [sflag:s0], s1  }
0x3e: {  	s1 =	ssub.s32 @!p0 $0x0, s1;
	[sflag:s0] =	ssyncset.done @!p0 $0x0  }
0x3f: {  	[sflag:s0] =	ssyncadd.s32 @!p0 s1  }
0x40: {  	[bflag:$0x3] =	sbarrier.arrive $0xFFFF  }
0x41: {  	_ =	shalt  }

</sc_bundles>
